<compile_context>
chip_gen: v7x
topology: tpu7x:2x2x1
jax: 0.10.2.dev20260603
libtpu: 0.0.44.dev20260713+nightly
codegen_flags: <defaults>
</compile_context>

<pallas_src>
import functools

import jax
import jax.numpy as jnp
from jax import lax
from jax.experimental import pallas as pl
from jax.experimental.pallas import tpu as pltpu
from jax.experimental.pallas import tpu_sc as plsc

VOCAB = 100000
HIDDEN = 64
K = 8
MASK_TOKEN_ID = 103
N_ROWS = 512
R = 32
NB = N_ROWS // R
BIG = 2**30


W = 512
NF = VOCAB // W
TAIL = VOCAB - NF * W
NCH = NF + 1


def _scan_kernel(s_ref, xt_ref, p_ref, tidx_ref, coef_ref):
    p = p_ref[...]
    ent = -jnp.sum(p * jnp.log(p + 1e-38), axis=1)

    pf = p[:, :NF * W].reshape(R, NF, W)
    mf = jnp.max(pf, axis=2)
    mt = jnp.max(p[:, NF * W:], axis=1, keepdims=True)
    m_all = jnp.concatenate([mf, mt], axis=1)

    ciota = lax.broadcasted_iota(jnp.int32, (R, NCH), 1)
    work_m = m_all
    sels = []
    for _ in range(K):
        m = jnp.max(work_m, axis=1, keepdims=True)
        cand = jnp.where(work_m == m, ciota, BIG)
        sel = jnp.min(cand, axis=1, keepdims=True)
        sels.append(sel)
        work_m = jnp.where(ciota == sel, -1.0, work_m)
    selv = jnp.concatenate(sels, axis=1)

    onehot = (ciota[:, None, :] == selv[..., None]).astype(jnp.float32)
    buf = jnp.stack(
        [jnp.dot(onehot[r, :, :NF], pf[r],
                 preferred_element_type=jnp.float32)
         for r in range(R)], axis=0)
    ptail = p[:, VOCAB - W:]
    buf = buf + onehot[:, :, NF:] * ptail[:, None, :]

    liota = lax.broadcasted_iota(jnp.int32, (R, K, W), 2)
    start = jnp.where(selv == NF, VOCAB - W, selv * W)
    start3 = start[..., None]
    gidx = start3 + liota
    dup = (start3 == VOCAB - W) & (liota < W - TAIL)
    buf = jnp.where(dup, -1.0, buf)
    gidx = jnp.where(dup, BIG, gidx)

    vals = []
    idxs = []
    for _ in range(K):
        m = jnp.max(buf, axis=(1, 2), keepdims=True)
        cand = jnp.where(buf == m, gidx, BIG)
        sel = jnp.min(cand, axis=(1, 2), keepdims=True)
        vals.append(m[:, :, 0])
        idxs.append(sel[:, :, 0])
        buf = jnp.where(gidx == sel, -1.0, buf)
    v = jnp.concatenate(vals, axis=1)
    ti = jnp.concatenate(idxs, axis=1)
    wn = v / (jnp.sum(v, axis=1, keepdims=True) + 1e-10)

    s = s_ref[0, 0]
    a = s_ref[0, 1]
    b = s_ref[0, 2]
    inner = a * (-ent - b)
    lam = s * (1.0 / (1.0 + jnp.exp(-inner)))
    xt = xt_ref[0, 0, :]
    lam_m = jnp.where(xt == MASK_TOKEN_ID, lam, 0.0)
    c0 = 1.0 - lam_m
    w = wn * lam_m[:, None]
    coefs = jnp.concatenate(
        [c0[:, None], w, jnp.zeros((R, 7), jnp.float32)], axis=1
    )
    coef_ref[...] = coefs
    tidx_ref[...] = ti


def _tc_scan(scal, xt3, probs2, interpret=False):
    return pl.pallas_call(
        _scan_kernel,
        grid=(NB,),
        in_specs=[
            pl.BlockSpec(memory_space=pltpu.SMEM),
            pl.BlockSpec((1, 1, R), lambda i: (i, 0, 0)),
            pl.BlockSpec((R, VOCAB), lambda i: (i, 0)),
        ],
        out_specs=[
            pl.BlockSpec((R, K), lambda i: (i, 0)),
            pl.BlockSpec((R, 16), lambda i: (i, 0)),
        ],
        out_shape=[
            jax.ShapeDtypeStruct((N_ROWS, K), jnp.int32),
            jax.ShapeDtypeStruct((N_ROWS, 16), jnp.float32),
        ],
        compiler_params=pltpu.CompilerParams(
            vmem_limit_bytes=128 * 1024 * 1024),
        interpret=interpret,
    )(scal, xt3, probs2)


def _combine_kernel(coef_hbm, tidx_hbm, xt_hbm, table_hbm, out_hbm,
                    tidx_v, xt_v, coef_v, rows8_v, rows1_v, out_v,
                    sem8, sem1):
    wid = lax.axis_index("s") * 2 + lax.axis_index("c")
    base = wid * 16
    pltpu.sync_copy(tidx_hbm.at[pl.ds(wid * 128, 128)], tidx_v)
    pltpu.sync_copy(xt_hbm.at[pl.ds(base, 16)], xt_v)
    pltpu.sync_copy(coef_hbm.at[pl.ds(wid * 256, 256)],
                    coef_v.at[pl.ds(16, 256)])
    cp8 = pltpu.async_copy(table_hbm.at[tidx_v], rows8_v, sem8)
    cp1 = pltpu.async_copy(table_hbm.at[xt_v], rows1_v, sem1)
    cp8.wait()
    cp1.wait()
    for p in range(16):
        c0 = plsc.load_gather(coef_v, [jnp.full((16,), 16 + p * 16, jnp.int32)])
        acc = [c0 * rows1_v[p, pl.ds(h * 16, 16)] for h in range(4)]
        for j in range(K):
            cj = plsc.load_gather(
                coef_v, [jnp.full((16,), 16 + p * 16 + j + 1, jnp.int32)])
            for h in range(4):
                acc[h] = acc[h] + cj * rows8_v[p * K + j, pl.ds(h * 16, 16)]
        for h in range(4):
            out_v[p, pl.ds(h * 16, 16)] = acc[h]
    pltpu.sync_copy(out_v, out_hbm.at[pl.ds(base, 16), :])


def _sc_combine(coef_flat, tidx_flat, xt_flat, table):
    mesh = plsc.VectorSubcoreMesh(core_axis_name="c", subcore_axis_name="s")
    return pl.kernel(
        _combine_kernel,
        out_type=jax.ShapeDtypeStruct((N_ROWS, HIDDEN), jnp.float32),
        mesh=mesh,
        compiler_params=pltpu.CompilerParams(
            needs_layout_passes=False, use_tc_tiling_on_sc=False),
        scratch_types=[
            pltpu.VMEM((128,), jnp.int32),
            pltpu.VMEM((16,), jnp.int32),
            pltpu.VMEM((272,), jnp.float32),
            pltpu.VMEM((128, HIDDEN), jnp.float32),
            pltpu.VMEM((16, HIDDEN), jnp.float32),
            pltpu.VMEM((16, HIDDEN), jnp.float32),
            pltpu.SemaphoreType.DMA,
            pltpu.SemaphoreType.DMA,
        ],
    )(coef_flat, tidx_flat, xt_flat, table)


def kernel(x_t, probs, emb_table, omega_s, omega_a, omega_b):
    batch, seq = x_t.shape
    probs2 = probs.reshape(N_ROWS, VOCAB)
    xt_flat = x_t.reshape(N_ROWS).astype(jnp.int32)
    xt3 = xt_flat.reshape(NB, 1, R)

    real_s = jax.nn.sigmoid(omega_s)
    real_a = jax.nn.softplus(omega_a)
    real_b = -jax.nn.softplus(omega_b)
    scal = jnp.stack([real_s, real_a, real_b, jnp.float32(0.0)]).reshape(1, 4)

    tidx, coef = _tc_scan(scal, xt3, probs2)
    coef_flat = coef.reshape(N_ROWS * 16)
    tidx_flat = tidx.reshape(N_ROWS * K)

    out = _sc_combine(coef_flat, tidx_flat, xt_flat, emb_table)
    return out.reshape(batch, seq, HIDDEN)

# --- scband reference (transcript-rebuilt; emitter-appended) ---
"""Pipeline reference for scband-soft-masking-module-25271587570014 (READ-ONLY COPY).

The authoritative reference and input builder live on the scoring server;
editing this copy changes nothing except your own understanding.
"""

import jax, jax.numpy as jnp
import numpy as np

VOCAB = 100000
HIDDEN = 64
BATCH = 32
SEQ = 16
K = 8
MASK_TOKEN_ID = 103
OMEGA_S_INIT = 0.5
OMEGA_A_INIT = 0.9
OMEGA_B_INIT = 0.3


def setup_inputs(seed: int = 0) -> dict:
    key = jax.random.key(seed)
    k1, k2, k3, k4 = jax.random.split(key, 4)
    x_t = jax.random.randint(k1, (BATCH, SEQ), 0, VOCAB)
    # force roughly half the positions to be [MASK] so the mask branch is exercised
    mask_pos = jax.random.bernoulli(k4, 0.5, (BATCH, SEQ))
    x_t = jnp.where(mask_pos, MASK_TOKEN_ID, x_t).astype(jnp.int32)
    logits = jax.random.normal(k2, (BATCH, SEQ, VOCAB), dtype=jnp.float32)
    probs = jax.nn.softmax(logits, axis=-1)
    emb_table = jax.random.normal(k3, (VOCAB, HIDDEN), dtype=jnp.float32) * 0.02
    omega_s = jnp.asarray(OMEGA_S_INIT, dtype=jnp.float32)
    omega_a = jnp.asarray(OMEGA_A_INIT, dtype=jnp.float32)
    omega_b = jnp.asarray(OMEGA_B_INIT, dtype=jnp.float32)
    return {"x_t": x_t, "probs": probs, "emb_table": emb_table,
            "omega_s": omega_s, "omega_a": omega_a, "omega_b": omega_b}


def _entr(p):
    # torch.special.entr: -p*log(p) for p>0, 0 at p==0
    return jnp.where(p > 0, -p * jnp.log(jnp.where(p > 0, p, 1.0)), 0.0)


def reference(x_t, probs, emb_table, omega_s, omega_a, omega_b):
    is_mask = (x_t == MASK_TOKEN_ID)[..., None]                       # (B,S,1)
    real_embeds = jnp.take(emb_table, x_t, axis=0)                    # (B,S,H)

    # top-k feedback embeddings
    topk_probs, topk_indices = jax.lax.top_k(probs, K)                # (B,S,K)
    topk_probs_norm = topk_probs / (jnp.sum(topk_probs, axis=-1, keepdims=True) + 1e-10)
    topk_embeds = jnp.take(emb_table, topk_indices, axis=0)           # (B,S,K,H)
    feedback_embeds = jnp.sum(topk_embeds * topk_probs_norm[..., None], axis=2)  # (B,S,H)

    # lambda mixing coefficient
    entropy = jnp.sum(_entr(probs), axis=-1)                          # (B,S)
    real_omega_s = jax.nn.sigmoid(omega_s)
    real_omega_a = jax.nn.softplus(omega_a)
    real_omega_b = -jax.nn.softplus(omega_b)
    inner = real_omega_a * (-entropy - real_omega_b)
    lam = (real_omega_s * jax.nn.sigmoid(inner))[..., None]           # (B,S,1)

    # linear interpolation (interp_mode='linear')
    soft_mask_embeds = (1.0 - lam) * real_embeds + lam * feedback_embeds
    final_embeds = jnp.where(is_mask, soft_mask_embeds, real_embeds)
    return final_embeds

if __name__ == "__main__":
    import jax
    _d = setup_inputs()
    print(jax.jit(kernel)(*tuple(_d.values())))

</pallas_src>

<mosaic_0001>
#map = affine_map<(d0, d1) -> (0)>
#map1 = affine_map<(d0, d1) -> (0, 0)>
module attributes {stable_mosaic.version = 14 : i64} {
  func.func @_combine_kernel(%arg0: i32, %arg1: i32, %arg2: memref<8192xf32, #tpu.memory_space<hbm>>, %arg3: memref<4096xi32, #tpu.memory_space<hbm>>, %arg4: memref<512xi32, #tpu.memory_space<hbm>>, %arg5: memref<100000x64xf32, #tpu.memory_space<hbm>>, %arg6: memref<512x64xf32, #tpu.memory_space<hbm>>, %arg7: memref<128xi32, #tpu.memory_space<vmem>>, %arg8: memref<16xi32, #tpu.memory_space<vmem>>, %arg9: memref<272xf32, #tpu.memory_space<vmem>>, %arg10: memref<128x64xf32, #tpu.memory_space<vmem>>, %arg11: memref<16x64xf32, #tpu.memory_space<vmem>>, %arg12: memref<16x64xf32, #tpu.memory_space<vmem>>, %arg13: memref<!tpu.dma_semaphore, #tpu.memory_space<semaphore_mem>>, %arg14: memref<!tpu.dma_semaphore, #tpu.memory_space<semaphore_mem>>) attributes {dimension_semantics = [#tpu.dimension_semantics<core_parallel>, #tpu.dimension_semantics<subcore_parallel>], iteration_bounds = array<i64: 2, 16>, scalar_prefetch = 0 : i64, scratch_operands = 8 : i64, tpu.core_type = #tpu.core_type<sc_vector_subcore>, window_params = [{transform_indices = #map}, {transform_indices = #map}, {transform_indices = #map}, {transform_indices = #map1}, {transform_indices = #map1}]} {
    %mul3A = arith.constant 2 : i32
    %mul3A_0 = arith.muli %arg1, %mul3A : i32
    %add3A = arith.addi %mul3A_0, %arg0 : i32
    %mul3A_1 = arith.constant 16 : i32
    %mul3A_2 = arith.muli %add3A, %mul3A_1 : i32
    %mul3A_3 = arith.constant 128 : i32
    %mul3A_4 = arith.muli %add3A, %mul3A_3 : i32
    "tpu.region"() ({
      %run_scoped3A = tpu.sem_alloc : memref<!tpu.dma_semaphore, #tpu.memory_space<semaphore_mem>>
      %dma_start3A_4093 = tpu.memref_slice %arg3[%mul3A_4] : memref<4096xi32, #tpu.memory_space<hbm>> -> memref<128xi32, #tpu.memory_space<hbm>>
      %dma_start3A_4094 = tpu.memref_slice %arg3[%mul3A_4] : memref<4096xi32, #tpu.memory_space<hbm>> -> memref<128xi32, #tpu.memory_space<hbm>>
      tpu.enqueue_dma source(%dma_start3A_4094 : memref<128xi32, #tpu.memory_space<hbm>>) target(%arg7 : memref<128xi32, #tpu.memory_space<vmem>>) target_semaphore(%run_scoped3A : memref<!tpu.dma_semaphore, #tpu.memory_space<semaphore_mem>>)
      %dma_wait3A_4095 = tpu.memref_slice %arg3[%mul3A_4] : memref<4096xi32, #tpu.memory_space<hbm>> -> memref<128xi32, #tpu.memory_space<hbm>>
      %dma_wait3A_4096 = tpu.memref_slice %arg3[%mul3A_4] : memref<4096xi32, #tpu.memory_space<hbm>> -> memref<128xi32, #tpu.memory_space<hbm>>
      tpu.wait_dma2 semaphore(%run_scoped3A : memref<!tpu.dma_semaphore, #tpu.memory_space<semaphore_mem>>) src(%dma_wait3A_4096 : memref<128xi32, #tpu.memory_space<hbm>>) dst(%arg7 : memref<128xi32, #tpu.memory_space<vmem>>)
      tpu.yield
    }) : () -> ()
    "tpu.region"() ({
      %run_scoped3A = tpu.sem_alloc : memref<!tpu.dma_semaphore, #tpu.memory_space<semaphore_mem>>
      %dma_start3A_4093 = tpu.memref_slice %arg4[%mul3A_2] : memref<512xi32, #tpu.memory_space<hbm>> -> memref<16xi32, #tpu.memory_space<hbm>>
      %dma_start3A_4094 = tpu.memref_slice %arg4[%mul3A_2] : memref<512xi32, #tpu.memory_space<hbm>> -> memref<16xi32, #tpu.memory_space<hbm>>
      tpu.enqueue_dma source(%dma_start3A_4094 : memref<16xi32, #tpu.memory_space<hbm>>) target(%arg8 : memref<16xi32, #tpu.memory_space<vmem>>) target_semaphore(%run_scoped3A : memref<!tpu.dma_semaphore, #tpu.memory_space<semaphore_mem>>)
      %dma_wait3A_4095 = tpu.memref_slice %arg4[%mul3A_2] : memref<512xi32, #tpu.memory_space<hbm>> -> memref<16xi32, #tpu.memory_space<hbm>>
      %dma_wait3A_4096 = tpu.memref_slice %arg4[%mul3A_2] : memref<512xi32, #tpu.memory_space<hbm>> -> memref<16xi32, #tpu.memory_space<hbm>>
      tpu.wait_dma2 semaphore(%run_scoped3A : memref<!tpu.dma_semaphore, #tpu.memory_space<semaphore_mem>>) src(%dma_wait3A_4096 : memref<16xi32, #tpu.memory_space<hbm>>) dst(%arg8 : memref<16xi32, #tpu.memory_space<vmem>>)
      tpu.yield
    }) : () -> ()
    %mul3A_5 = arith.constant 256 : i32
    %mul3A_6 = arith.muli %add3A, %mul3A_5 : i32
    "tpu.region"() ({
      %run_scoped3A = tpu.sem_alloc : memref<!tpu.dma_semaphore, #tpu.memory_space<semaphore_mem>>
      %dma_start3A_4093 = arith.constant 16 : i32
      %dma_start3A_4094 = tpu.memref_slice %arg9[%dma_start3A_4093] : memref<272xf32, #tpu.memory_space<vmem>> -> memref<256xf32, #tpu.memory_space<vmem>>
      %dma_start3A_4095 = tpu.memref_slice %arg2[%mul3A_6] : memref<8192xf32, #tpu.memory_space<hbm>> -> memref<256xf32, #tpu.memory_space<hbm>>
      %dma_start3A_4096 = arith.constant 16 : i32
      %dma_start3A_4097 = tpu.memref_slice %arg9[%dma_start3A_4096] : memref<272xf32, #tpu.memory_space<vmem>> -> memref<256xf32, #tpu.memory_space<vmem>>
      %dma_start3A_4098 = tpu.memref_slice %arg2[%mul3A_6] : memref<8192xf32, #tpu.memory_space<hbm>> -> memref<256xf32, #tpu.memory_space<hbm>>
      tpu.enqueue_dma source(%dma_start3A_4098 : memref<256xf32, #tpu.memory_space<hbm>>) target(%dma_start3A_4097 : memref<256xf32, #tpu.memory_space<vmem>>) target_semaphore(%run_scoped3A : memref<!tpu.dma_semaphore, #tpu.memory_space<semaphore_mem>>)
      %dma_wait3A_4099 = arith.constant 16 : i32
      %dma_wait3A_4100 = tpu.memref_slice %arg9[%dma_wait3A_4099] : memref<272xf32, #tpu.memory_space<vmem>> -> memref<256xf32, #tpu.memory_space<vmem>>
      %dma_wait3A_4101 = tpu.memref_slice %arg2[%mul3A_6] : memref<8192xf32, #tpu.memory_space<hbm>> -> memref<256xf32, #tpu.memory_space<hbm>>
      %dma_wait3A_4102 = arith.constant 16 : i32
      %dma_wait3A_4103 = tpu.memref_slice %arg9[%dma_wait3A_4102] : memref<272xf32, #tpu.memory_space<vmem>> -> memref<256xf32, #tpu.memory_space<vmem>>
      %dma_wait3A_4104 = tpu.memref_slice %arg2[%mul3A_6] : memref<8192xf32, #tpu.memory_space<hbm>> -> memref<256xf32, #tpu.memory_space<hbm>>
      tpu.wait_dma2 semaphore(%run_scoped3A : memref<!tpu.dma_semaphore, #tpu.memory_space<semaphore_mem>>) src(%dma_wait3A_4104 : memref<256xf32, #tpu.memory_space<hbm>>) dst(%dma_wait3A_4103 : memref<256xf32, #tpu.memory_space<vmem>>)
      tpu.yield
    }) : () -> ()
    %dma_start3A = arith.constant 0 : i32
    %dma_start3A_7 = arith.constant 0 : i32
    %dma_start3A_8 = tpu.memref_slice %arg5[%dma_start3A, %dma_start3A_7] : memref<100000x64xf32, #tpu.memory_space<hbm>> -> memref<100000x64xf32, #tpu.memory_space<hbm>>
    tpu.enqueue_indirect_dma source(%dma_start3A_8 : memref<100000x64xf32, #tpu.memory_space<hbm>>) target(%arg10 : memref<128x64xf32, #tpu.memory_space<vmem>>) offsets(%arg7 : memref<128xi32, #tpu.memory_space<vmem>>) semaphore(%arg13 : memref<!tpu.dma_semaphore, #tpu.memory_space<semaphore_mem>>)
    %dma_start3A_9 = arith.constant 0 : i32
    %dma_start3A_10 = arith.constant 0 : i32
    %dma_start3A_11 = tpu.memref_slice %arg5[%dma_start3A_9, %dma_start3A_10] : memref<100000x64xf32, #tpu.memory_space<hbm>> -> memref<100000x64xf32, #tpu.memory_space<hbm>>
    tpu.enqueue_indirect_dma source(%dma_start3A_11 : memref<100000x64xf32, #tpu.memory_space<hbm>>) target(%arg11 : memref<16x64xf32, #tpu.memory_space<vmem>>) offsets(%arg8 : memref<16xi32, #tpu.memory_space<vmem>>) semaphore(%arg14 : memref<!tpu.dma_semaphore, #tpu.memory_space<semaphore_mem>>)
    %dma_wait3A = arith.constant 0 : i32
    %dma_wait3A_12 = arith.constant 0 : i32
    %dma_wait3A_13 = tpu.memref_slice %arg5[%dma_wait3A, %dma_wait3A_12] : memref<100000x64xf32, #tpu.memory_space<hbm>> -> memref<100000x64xf32, #tpu.memory_space<hbm>>
    tpu.wait_indirect_dma semaphore(%arg13 : memref<!tpu.dma_semaphore, #tpu.memory_space<semaphore_mem>>) src(%dma_wait3A_13 : memref<100000x64xf32, #tpu.memory_space<hbm>>) dst(%arg10 : memref<128x64xf32, #tpu.memory_space<vmem>>)
    %dma_wait3A_14 = arith.constant 0 : i32
    %dma_wait3A_15 = arith.constant 0 : i32
    %dma_wait3A_16 = tpu.memref_slice %arg5[%dma_wait3A_14, %dma_wait3A_15] : memref<100000x64xf32, #tpu.memory_space<hbm>> -> memref<100000x64xf32, #tpu.memory_space<hbm>>
    tpu.wait_indirect_dma semaphore(%arg14 : memref<!tpu.dma_semaphore, #tpu.memory_space<semaphore_mem>>) src(%dma_wait3A_16 : memref<100000x64xf32, #tpu.memory_space<hbm>>) dst(%arg11 : memref<16x64xf32, #tpu.memory_space<vmem>>)
    %broadcast_in_dim3A = arith.constant 16 : i32
    %broadcast_in_dim3A_17 = vector.broadcast %broadcast_in_dim3A : i32 to vector<16xi32>
    %gather3A = tpu.vector_load_idx %arg9[%broadcast_in_dim3A_17] : memref<272xf32, #tpu.memory_space<vmem>>[vector<16xi32>], vector<16xf32>,
    %get3A = arith.constant 0 : i32
    %get3A_18 = arith.index_cast %get3A : i32 to index
    %get3A_19 = arith.constant 0 : index
    %get3A_20 = tpu.vector_load %arg11[%get3A_18, %get3A_19] {strides = array<i32>} : memref<16x64xf32, #tpu.memory_space<vmem>>, vector<16xf32>,
    %mul3A_21 = arith.mulf %gather3A, %get3A_20 : vector<16xf32>
    %get3A_22 = arith.constant 0 : i32
    %get3A_23 = arith.index_cast %get3A_22 : i32 to index
    %get3A_24 = arith.constant 16 : index
    %get3A_25 = tpu.vector_load %arg11[%get3A_23, %get3A_24] {strides = array<i32>} : memref<16x64xf32, #tpu.memory_space<vmem>>, vector<16xf32>,
    %mul3A_26 = arith.mulf %gather3A, %get3A_25 : vector<16xf32>
    %get3A_27 = arith.constant 0 : i32
    %get3A_28 = arith.index_cast %get3A_27 : i32 to index
    %get3A_29 = arith.constant 32 : index
    %get3A_30 = tpu.vector_load %arg11[%get3A_28, %get3A_29] {strides = array<i32>} : memref<16x64xf32, #tpu.memory_space<vmem>>, vector<16xf32>,
    %mul3A_31 = arith.mulf %gather3A, %get3A_30 : vector<16xf32>
    %get3A_32 = arith.constant 0 : i32
    %get3A_33 = arith.index_cast %get3A_32 : i32 to index
    %get3A_34 = arith.constant 48 : index
    %get3A_35 = tpu.vector_load %arg11[%get3A_33, %get3A_34] {strides = array<i32>} : memref<16x64xf32, #tpu.memory_space<vmem>>, vector<16xf32>,
    %mul3A_36 = arith.mulf %gather3A, %get3A_35 : vector<16xf32>
    %broadcast_in_dim3A_37 = arith.constant 17 : i32
    %broadcast_in_dim3A_38 = vector.broadcast %broadcast_in_dim3A_37 : i32 to vector<16xi32>
    %gather3A_39 = tpu.vector_load_idx %arg9[%broadcast_in_dim3A_38] : memref<272xf32, #tpu.memory_space<vmem>>[vector<16xi32>], vector<16xf32>,
    %get3A_40 = arith.constant 0 : i32
    %get3A_41 = arith.index_cast %get3A_40 : i32 to index
    %get3A_42 = arith.constant 0 : index
    %get3A_43 = tpu.vector_load %arg10[%get3A_41, %get3A_42] {strides = array<i32>} : memref<128x64xf32, #tpu.memory_space<vmem>>, vector<16xf32>,
    %mul3A_44 = arith.mulf %gather3A_39, %get3A_43 : vector<16xf32>
    %add3A_45 = arith.addf %mul3A_21, %mul3A_44 : vector<16xf32>
    %get3A_46 = arith.constant 0 : i32
    %get3A_47 = arith.index_cast %get3A_46 : i32 to index
    %get3A_48 = arith.constant 16 : index
    %get3A_49 = tpu.vector_load %arg10[%get3A_47, %get3A_48] {strides = array<i32>} : memref<128x64xf32, #tpu.memory_space<vmem>>, vector<16xf32>,
    %mul3A_50 = arith.mulf %gather3A_39, %get3A_49 : vector<16xf32>
    %add3A_51 = arith.addf %mul3A_26, %mul3A_50 : vector<16xf32>
    %get3A_52 = arith.constant 0 : i32
    %get3A_53 = arith.index_cast %get3A_52 : i32 to index
    %get3A_54 = arith.constant 32 : index
    %get3A_55 = tpu.vector_load %arg10[%get3A_53, %get3A_54] {strides = array<i32>} : memref<128x64xf32, #tpu.memory_space<vmem>>, vector<16xf32>,
    %mul3A_56 = arith.mulf %gather3A_39, %get3A_55 : vector<16xf32>
    %add3A_57 = arith.addf %mul3A_31, %mul3A_56 : vector<16xf32>
    %get3A_58 = arith.constant 0 : i32
    %get3A_59 = arith.index_cast %get3A_58 : i32 to index
    %get3A_60 = arith.constant 48 : index
    %get3A_61 = tpu.vector_load %arg10[%get3A_59, %get3A_60] {strides = array<i32>} : memref<128x64xf32, #tpu.memory_space<vmem>>, vector<16xf32>,
    %mul3A_62 = arith.mulf %gather3A_39, %get3A_61 : vector<16xf32>
    %add3A_63 = arith.addf %mul3A_36, %mul3A_62 : vector<16xf32>
    %broadcast_in_dim3A_64 = arith.constant 18 : i32
    %broadcast_in_dim3A_65 = vector.broadcast %broadcast_in_dim3A_64 : i32 to vector<16xi32>
    %gather3A_66 = tpu.vector_load_idx %arg9[%broadcast_in_dim3A_65] : memref<272xf32, #tpu.memory_space<vmem>>[vector<16xi32>], vector<16xf32>,
    %get3A_67 = arith.constant 1 : i32
    %get3A_68 = arith.index_cast %get3A_67 : i32 to index
    %get3A_69 = arith.constant 0 : index
    %get3A_70 = tpu.vector_load %arg10[%get3A_68, %get3A_69] {strides = array<i32>} : memref<128x64xf32, #tpu.memory_space<vmem>>, vector<16xf32>,
    %mul3A_71 = arith.mulf %gather3A_66, %get3A_70 : vector<16xf32>
    %add3A_72 = arith.addf %add3A_45, %mul3A_71 : vector<16xf32>
    %get3A_73 = arith.constant 1 : i32
    %get3A_74 = arith.index_cast %get3A_73 : i32 to index
    %get3A_75 = arith.constant 16 : index
    %get3A_76 = tpu.vector_load %arg10[%get3A_74, %get3A_75] {strides = array<i32>} : memref<128x64xf32, #tpu.memory_space<vmem>>, vector<16xf32>,
    %mul3A_77 = arith.mulf %gather3A_66, %get3A_76 : vector<16xf32>
    %add3A_78 = arith.addf %add3A_51, %mul3A_77 : vector<16xf32>
    %get3A_79 = arith.constant 1 : i32
    %get3A_80 = arith.index_cast %get3A_79 : i32 to index
    %get3A_81 = arith.constant 32 : index
    %get3A_82 = tpu.vector_load %arg10[%get3A_80, %get3A_81] {strides = array<i32>} : memref<128x64xf32, #tpu.memory_space<vmem>>, vector<16xf32>,
    %mul3A_83 = arith.mulf %gather3A_66, %get3A_82 : vector<16xf32>
    %add3A_84 = arith.addf %add3A_57, %mul3A_83 : vector<16xf32>
    %get3A_85 = arith.constant 1 : i32
    %get3A_86 = arith.index_cast %get3A_85 : i32 to index
    %get3A_87 = arith.constant 48 : index
    %get3A_88 = tpu.vector_load %arg10[%get3A_86, %get3A_87] {strides = array<i32>} : memref<128x64xf32, #tpu.memory_space<vmem>>, vector<16xf32>,
    %mul3A_89 = arith.mulf %gather3A_66, %get3A_88 : vector<16xf32>
    %add3A_90 = arith.addf %add3A_63, %mul3A_89 : vector<16xf32>
    %broadcast_in_dim3A_91 = arith.constant 19 : i32
    %broadcast_in_dim3A_92 = vector.broadcast %broadcast_in_dim3A_91 : i32 to vector<16xi32>
    %gather3A_93 = tpu.vector_load_idx %arg9[%broadcast_in_dim3A_92] : memref<272xf32, #tpu.memory_space<vmem>>[vector<16xi32>], vector<16xf32>,
    %get3A_94 = arith.constant 2 : i32
    %get3A_95 = arith.index_cast %get3A_94 : i32 to index
    %get3A_96 = arith.constant 0 : index
    %get3A_97 = tpu.vector_load %arg10[%get3A_95, %get3A_96] {strides = array<i32>} : memref<128x64xf32, #tpu.memory_space<vmem>>, vector<16xf32>,
    %mul3A_98 = arith.mulf %gather3A_93, %get3A_97 : vector<16xf32>
    %add3A_99 = arith.addf %add3A_72, %mul3A_98 : vector<16xf32>
    %get3A_100 = arith.constant 2 : i32
    %get3A_101 = arith.index_cast %get3A_100 : i32 to index
    %get3A_102 = arith.constant 16 : index
    %get3A_103 = tpu.vector_load %arg10[%get3A_101, %get3A_102] {strides = array<i32>} : memref<128x64xf32, #tpu.memory_space<vmem>>, vector<16xf32>,
    %mul3A_104 = arith.mulf %gather3A_93, %get3A_103 : vector<16xf32>
    %add3A_105 = arith.addf %add3A_78, %mul3A_104 : vector<16xf32>
    %get3A_106 = arith.constant 2 : i32
    %get3A_107 = arith.index_cast %get3A_106 : i32 to index
    %get3A_108 = arith.constant 32 : index
    %get3A_109 = tpu.vector_load %arg10[%get3A_107, %get3A_108] {strides = array<i32>} : memref<128x64xf32, #tpu.memory_space<vmem>>, vector<16xf32>,
    %mul3A_110 = arith.mulf %gather3A_93, %get3A_109 : vector<16xf32>
    %add3A_111 = arith.addf %add3A_84, %mul3A_110 : vector<16xf32>
    %get3A_112 = arith.constant 2 : i32
    %get3A_113 = arith.index_cast %get3A_112 : i32 to index
    %get3A_114 = arith.constant 48 : index
    %get3A_115 = tpu.vector_load %arg10[%get3A_113, %get3A_114] {strides = array<i32>} : memref<128x64xf32, #tpu.memory_space<vmem>>, vector<16xf32>,
    %mul3A_116 = arith.mulf %gather3A_93, %get3A_115 : vector<16xf32>
    %add3A_117 = arith.addf %add3A_90, %mul3A_116 : vector<16xf32>
    %broadcast_in_dim3A_118 = arith.constant 20 : i32
    %broadcast_in_dim3A_119 = vector.broadcast %broadcast_in_dim3A_118 : i32 to vector<16xi32>
    %gather3A_120 = tpu.vector_load_idx %arg9[%broadcast_in_dim3A_119] : memref<272xf32, #tpu.memory_space<vmem>>[vector<16xi32>], vector<16xf32>,
    %get3A_121 = arith.constant 3 : i32
    %get3A_122 = arith.index_cast %get3A_121 : i32 to index
    %get3A_123 = arith.constant 0 : index
    %get3A_124 = tpu.vector_load %arg10[%get3A_122, %get3A_123] {strides = array<i32>} : memref<128x64xf32, #tpu.memory_space<vmem>>, vector<16xf32>,
    %mul3A_125 = arith.mulf %gather3A_120, %get3A_124 : vector<16xf32>
    %add3A_126 = arith.addf %add3A_99, %mul3A_125 : vector<16xf32>
    %get3A_127 = arith.constant 3 : i32
    %get3A_128 = arith.index_cast %get3A_127 : i32 to index
    %get3A_129 = arith.constant 16 : index
    %get3A_130 = tpu.vector_load %arg10[%get3A_128, %get3A_129] {strides = array<i32>} : memref<128x64xf32, #tpu.memory_space<vmem>>, vector<16xf32>,
    %mul3A_131 = arith.mulf %gather3A_120, %get3A_130 : vector<16xf32>
    %add3A_132 = arith.addf %add3A_105, %mul3A_131 : vector<16xf32>
    %get3A_133 = arith.constant 3 : i32
    %get3A_134 = arith.index_cast %get3A_133 : i32 to index
    %get3A_135 = arith.constant 32 : index
    %get3A_136 = tpu.vector_load %arg10[%get3A_134, %get3A_135] {strides = array<i32>} : memref<128x64xf32, #tpu.memory_space<vmem>>, vector<16xf32>,
    %mul3A_137 = arith.mulf %gather3A_120, %get3A_136 : vector<16xf32>
    %add3A_138 = arith.addf %add3A_111, %mul3A_137 : vector<16xf32>
    %get3A_139 = arith.constant 3 : i32
    %get3A_140 = arith.index_cast %get3A_139 : i32 to index
    %get3A_141 = arith.constant 48 : index
    %get3A_142 = tpu.vector_load %arg10[%get3A_140, %get3A_141] {strides = array<i32>} : memref<128x64xf32, #tpu.memory_space<vmem>>, vector<16xf32>,
    %mul3A_143 = arith.mulf %gather3A_120, %get3A_142 : vector<16xf32>
    %add3A_144 = arith.addf %add3A_117, %mul3A_143 : vector<16xf32>
    %broadcast_in_dim3A_145 = arith.constant 21 : i32
    %broadcast_in_dim3A_146 = vector.broadcast %broadcast_in_dim3A_145 : i32 to vector<16xi32>
    %gather3A_147 = tpu.vector_load_idx %arg9[%broadcast_in_dim3A_146] : memref<272xf32, #tpu.memory_space<vmem>>[vector<16xi32>], vector<16xf32>,
    %get3A_148 = arith.constant 4 : i32
    %get3A_149 = arith.index_cast %get3A_148 : i32 to index
    %get3A_150 = arith.constant 0 : index
    %get3A_151 = tpu.vector_load %arg10[%get3A_149, %get3A_150] {strides = array<i32>} : memref<128x64xf32, #tpu.memory_space<vmem>>, vector<16xf32>,
    %mul3A_152 = arith.mulf %gather3A_147, %get3A_151 : vector<16xf32>
    %add3A_153 = arith.addf %add3A_126, %mul3A_152 : vector<16xf32>
    %get3A_154 = arith.constant 4 : i32
    %get3A_155 = arith.index_cast %get3A_154 : i32 to index
    %get3A_156 = arith.constant 16 : index
    %get3A_157 = tpu.vector_load %arg10[%get3A_155, %get3A_156] {strides = array<i32>} : memref<128x64xf32, #tpu.memory_space<vmem>>, vector<16xf32>,
    %mul3A_158 = arith.mulf %gather3A_147, %get3A_157 : vector<16xf32>
    %add3A_159 = arith.addf %add3A_132, %mul3A_158 : vector<16xf32>
    %get3A_160 = arith.constant 4 : i32
    %get3A_161 = arith.index_cast %get3A_160 : i32 to index
    %get3A_162 = arith.constant 32 : index
    %get3A_163 = tpu.vector_load %arg10[%get3A_161, %get3A_162] {strides = array<i32>} : memref<128x64xf32, #tpu.memory_space<vmem>>, vector<16xf32>,
    %mul3A_164 = arith.mulf %gather3A_147, %get3A_163 : vector<16xf32>
    %add3A_165 = arith.addf %add3A_138, %mul3A_164 : vector<16xf32>
    %get3A_166 = arith.constant 4 : i32
    %get3A_167 = arith.index_cast %get3A_166 : i32 to index
    %get3A_168 = arith.constant 48 : index
    %get3A_169 = tpu.vector_load %arg10[%get3A_167, %get3A_168] {strides = array<i32>} : memref<128x64xf32, #tpu.memory_space<vmem>>, vector<16xf32>,
    %mul3A_170 = arith.mulf %gather3A_147, %get3A_169 : vector<16xf32>
    %add3A_171 = arith.addf %add3A_144, %mul3A_170 : vector<16xf32>
    %broadcast_in_dim3A_172 = arith.constant 22 : i32
    %broadcast_in_dim3A_173 = vector.broadcast %broadcast_in_dim3A_172 : i32 to vector<16xi32>
    %gather3A_174 = tpu.vector_load_idx %arg9[%broadcast_in_dim3A_173] : memref<272xf32, #tpu.memory_space<vmem>>[vector<16xi32>], vector<16xf32>,
    %get3A_175 = arith.constant 5 : i32
    %get3A_176 = arith.index_cast %get3A_175 : i32 to index
    %get3A_177 = arith.constant 0 : index
    %get3A_178 = tpu.vector_load %arg10[%get3A_176, %get3A_177] {strides = array<i32>} : memref<128x64xf32, #tpu.memory_space<vmem>>, vector<16xf32>,
    %mul3A_179 = arith.mulf %gather3A_174, %get3A_178 : vector<16xf32>
    %add3A_180 = arith.addf %add3A_153, %mul3A_179 : vector<16xf32>
    %get3A_181 = arith.constant 5 : i32
    %get3A_182 = arith.index_cast %get3A_181 : i32 to index
    %get3A_183 = arith.constant 16 : index
    %get3A_184 = tpu.vector_load %arg10[%get3A_182, %get3A_183] {strides = array<i32>} : memref<128x64xf32, #tpu.memory_space<vmem>>, vector<16xf32>,
    %mul3A_185 = arith.mulf %gather3A_174, %get3A_184 : vector<16xf32>
    %add3A_186 = arith.addf %add3A_159, %mul3A_185 : vector<16xf32>
    %get3A_187 = arith.constant 5 : i32
    %get3A_188 = arith.index_cast %get3A_187 : i32 to index
    %get3A_189 = arith.constant 32 : index
    %get3A_190 = tpu.vector_load %arg10[%get3A_188, %get3A_189] {strides = array<i32>} : memref<128x64xf32, #tpu.memory_space<vmem>>, vector<16xf32>,
    %mul3A_191 = arith.mulf %gather3A_174, %get3A_190 : vector<16xf32>
    %add3A_192 = arith.addf %add3A_165, %mul3A_191 : vector<16xf32>
    %get3A_193 = arith.constant 5 : i32
    %get3A_194 = arith.index_cast %get3A_193 : i32 to index
    %get3A_195 = arith.constant 48 : index
    %get3A_196 = tpu.vector_load %arg10[%get3A_194, %get3A_195] {strides = array<i32>} : memref<128x64xf32, #tpu.memory_space<vmem>>, vector<16xf32>,
    %mul3A_197 = arith.mulf %gather3A_174, %get3A_196 : vector<16xf32>
    %add3A_198 = arith.addf %add3A_171, %mul3A_197 : vector<16xf32>
    %broadcast_in_dim3A_199 = arith.constant 23 : i32
    %broadcast_in_dim3A_200 = vector.broadcast %broadcast_in_dim3A_199 : i32 to vector<16xi32>
    %gather3A_201 = tpu.vector_load_idx %arg9[%broadcast_in_dim3A_200] : memref<272xf32, #tpu.memory_space<vmem>>[vector<16xi32>], vector<16xf32>,
    %get3A_202 = arith.constant 6 : i32
    %get3A_203 = arith.index_cast %get3A_202 : i32 to index
    %get3A_204 = arith.constant 0 : index
    %get3A_205 = tpu.vector_load %arg10[%get3A_203, %get3A_204] {strides = array<i32>} : memref<128x64xf32, #tpu.memory_space<vmem>>, vector<16xf32>,
    %mul3A_206 = arith.mulf %gather3A_201, %get3A_205 : vector<16xf32>
    %add3A_207 = arith.addf %add3A_180, %mul3A_206 : vector<16xf32>
    %get3A_208 = arith.constant 6 : i32
    %get3A_209 = arith.index_cast %get3A_208 : i32 to index
    %get3A_210 = arith.constant 16 : index
    %get3A_211 = tpu.vector_load %arg10[%get3A_209, %get3A_210] {strides = array<i32>} : memref<128x64xf32, #tpu.memory_space<vmem>>, vector<16xf32>,
    %mul3A_212 = arith.mulf %gather3A_201, %get3A_211 : vector<16xf32>
    %add3A_213 = arith.addf %add3A_186, %mul3A_212 : vector<16xf32>
    %get3A_214 = arith.constant 6 : i32
    %get3A_215 = arith.index_cast %get3A_214 : i32 to index
    %get3A_216 = arith.constant 32 : index
    %get3A_217 = tpu.vector_load %arg10[%get3A_215, %get3A_216] {strides = array<i32>} : memref<128x64xf32, #tpu.memory_space<vmem>>, vector<16xf32>,
    %mul3A_218 = arith.mulf %gather3A_201, %get3A_217 : vector<16xf32>
    %add3A_219 = arith.addf %add3A_192, %mul3A_218 : vector<16xf32>
    %get3A_220 = arith.constant 6 : i32
    %get3A_221 = arith.index_cast %get3A_220 : i32 to index
    %get3A_222 = arith.constant 48 : index
    %get3A_223 = tpu.vector_load %arg10[%get3A_221, %get3A_222] {strides = array<i32>} : memref<128x64xf32, #tpu.memory_space<vmem>>, vector<16xf32>,
    %mul3A_224 = arith.mulf %gather3A_201, %get3A_223 : vector<16xf32>
    %add3A_225 = arith.addf %add3A_198, %mul3A_224 : vector<16xf32>
    %broadcast_in_dim3A_226 = arith.constant 24 : i32
    %broadcast_in_dim3A_227 = vector.broadcast %broadcast_in_dim3A_226 : i32 to vector<16xi32>
    %gather3A_228 = tpu.vector_load_idx %arg9[%broadcast_in_dim3A_227] : memref<272xf32, #tpu.memory_space<vmem>>[vector<16xi32>], vector<16xf32>,
    %get3A_229 = arith.constant 7 : i32
    %get3A_230 = arith.index_cast %get3A_229 : i32 to index
    %get3A_231 = arith.constant 0 : index
    %get3A_232 = tpu.vector_load %arg10[%get3A_230, %get3A_231] {strides = array<i32>} : memref<128x64xf32, #tpu.memory_space<vmem>>, vector<16xf32>,
    %mul3A_233 = arith.mulf %gather3A_228, %get3A_232 : vector<16xf32>
    %add3A_234 = arith.addf %add3A_207, %mul3A_233 : vector<16xf32>
    %get3A_235 = arith.constant 7 : i32
    %get3A_236 = arith.index_cast %get3A_235 : i32 to index
    %get3A_237 = arith.constant 16 : index
    %get3A_238 = tpu.vector_load %arg10[%get3A_236, %get3A_237] {strides = array<i32>} : memref<128x64xf32, #tpu.memory_space<vmem>>, vector<16xf32>,
    %mul3A_239 = arith.mulf %gather3A_228, %get3A_238 : vector<16xf32>
    %add3A_240 = arith.addf %add3A_213, %mul3A_239 : vector<16xf32>
    %get3A_241 = arith.constant 7 : i32
    %get3A_242 = arith.index_cast %get3A_241 : i32 to index
    %get3A_243 = arith.constant 32 : index
    %get3A_244 = tpu.vector_load %arg10[%get3A_242, %get3A_243] {strides = array<i32>} : memref<128x64xf32, #tpu.memory_space<vmem>>, vector<16xf32>,
    %mul3A_245 = arith.mulf %gather3A_228, %get3A_244 : vector<16xf32>
    %add3A_246 = arith.addf %add3A_219, %mul3A_245 : vector<16xf32>
    %get3A_247 = arith.constant 7 : i32
    %get3A_248 = arith.index_cast %get3A_247 : i32 to index
    %get3A_249 = arith.constant 48 : index
    %get3A_250 = tpu.vector_load %arg10[%get3A_248, %get3A_249] {strides = array<i32>} : memref<128x64xf32, #tpu.memory_space<vmem>>, vector<16xf32>,
    %mul3A_251 = arith.mulf %gather3A_228, %get3A_250 : vector<16xf32>
    %add3A_252 = arith.addf %add3A_225, %mul3A_251 : vector<16xf32>
    %swap3A = arith.constant 0 : i32
    %swap3A_253 = arith.index_cast %swap3A : i32 to index
    %swap3A_254 = arith.constant 0 : index
    %swap3A_255 = tpu.vector_load %arg12[%swap3A_253, %swap3A_254] {strides = array<i32>} : memref<16x64xf32, #tpu.memory_space<vmem>>, vector<16xf32>,
    tpu.vector_store %arg12[%swap3A_253, %swap3A_254], %add3A_234 {strides = array<i32>} : memref<16x64xf32, #tpu.memory_space<vmem>>, vector<16xf32>,
    %swap3A_256 = arith.constant 0 : i32
    %swap3A_257 = arith.index_cast %swap3A_256 : i32 to index
    %swap3A_258 = arith.constant 16 : index
    %swap3A_259 = tpu.vector_load %arg12[%swap3A_257, %swap3A_258] {strides = array<i32>} : memref<16x64xf32, #tpu.memory_space<vmem>>, vector<16xf32>,
    tpu.vector_store %arg12[%swap3A_257, %swap3A_258], %add3A_240 {strides = array<i32>} : memref<16x64xf32, #tpu.memory_space<vmem>>, vector<16xf32>,
    %swap3A_260 = arith.constant 0 : i32
    %swap3A_261 = arith.index_cast %swap3A_260 : i32 to index
    %swap3A_262 = arith.constant 32 : index
    %swap3A_263 = tpu.vector_load %arg12[%swap3A_261, %swap3A_262] {strides = array<i32>} : memref<16x64xf32, #tpu.memory_space<vmem>>, vector<16xf32>,
    tpu.vector_store %arg12[%swap3A_261, %swap3A_262], %add3A_246 {strides = array<i32>} : memref<16x64xf32, #tpu.memory_space<vmem>>, vector<16xf32>,
    %swap3A_264 = arith.constant 0 : i32
    %swap3A_265 = arith.index_cast %swap3A_264 : i32 to index
    %swap3A_266 = arith.constant 48 : index
    %swap3A_267 = tpu.vector_load %arg12[%swap3A_265, %swap3A_266] {strides = array<i32>} : memref<16x64xf32, #tpu.memory_space<vmem>>, vector<16xf32>,
    tpu.vector_store %arg12[%swap3A_265, %swap3A_266], %add3A_252 {strides = array<i32>} : memref<16x64xf32, #tpu.memory_space<vmem>>, vector<16xf32>,
    %broadcast_in_dim3A_268 = arith.constant 32 : i32
    %broadcast_in_dim3A_269 = vector.broadcast %broadcast_in_dim3A_268 : i32 to vector<16xi32>
    %gather3A_270 = tpu.vector_load_idx %arg9[%broadcast_in_dim3A_269] : memref<272xf32, #tpu.memory_space<vmem>>[vector<16xi32>], vector<16xf32>,
    %get3A_271 = arith.constant 1 : i32
    %get3A_272 = arith.index_cast %get3A_271 : i32 to index
    %get3A_273 = arith.constant 0 : index
    %get3A_274 = tpu.vector_load %arg11[%get3A_272, %get3A_273] {strides = array<i32>} : memref<16x64xf32, #tpu.memory_space<vmem>>, vector<16xf32>,
    %mul3A_275 = arith.mulf %gather3A_270, %get3A_274 : vector<16xf32>
    %get3A_276 = arith.constant 1 : i32
    %get3A_277 = arith.index_cast %get3A_276 : i32 to index
    %get3A_278 = arith.constant 16 : index
    %get3A_279 = tpu.vector_load %arg11[%get3A_277, %get3A_278] {strides = array<i32>} : memref<16x64xf32, #tpu.memory_space<vmem>>, vector<16xf32>,
    %mul3A_280 = arith.mulf %gather3A_270, %get3A_279 : vector<16xf32>
    %get3A_281 = arith.constant 1 : i32
    %get3A_282 = arith.index_cast %get3A_281 : i32 to index
    %get3A_283 = arith.constant 32 : index
    %get3A_284 = tpu.vector_load %arg11[%get3A_282, %get3A_283] {strides = array<i32>} : memref<16x64xf32, #tpu.memory_space<vmem>>, vector<16xf32>,
    %mul3A_285 = arith.mulf %gather3A_270, %get3A_284 : vector<16xf32>
    %get3A_286 = arith.constant 1 : i32
    %get3A_287 = arith.index_cast %get3A_286 : i32 to index
    %get3A_288 = arith.constant 48 : index
    %get3A_289 = tpu.vector_load %arg11[%get3A_287, %get3A_288] {strides = array<i32>} : memref<16x64xf32, #tpu.memory_space<vmem>>, vector<16xf32>,
    %mul3A_290 = arith.mulf %gather3A_270, %get3A_289 : vector<16xf32>
    %broadcast_in_dim3A_291 = arith.constant 33 : i32
    %broadcast_in_dim3A_292 = vector.broadcast %broadcast_in_dim3A_291 : i32 to vector<16xi32>
    %gather3A_293 = tpu.vector_load_idx %arg9[%broadcast_in_dim3A_292] : memref<272xf32, #tpu.memory_space<vmem>>[vector<16xi32>], vector<16xf32>,
    %get3A_294 = arith.constant 8 : i32
    %get3A_295 = arith.index_cast %get3A_294 : i32 to index
    %get3A_296 = arith.constant 0 : index
    %get3A_297 = tpu.vector_load %arg10[%get3A_295, %get3A_296] {strides = array<i32>} : memref<128x64xf32, #tpu.memory_space<vmem>>, vector<16xf32>,
    %mul3A_298 = arith.mulf %gather3A_293, %get3A_297 : vector<16xf32>
    %add3A_299 = arith.addf %mul3A_275, %mul3A_298 : vector<16xf32>
    %get3A_300 = arith.constant 8 : i32
    %get3A_301 = arith.index_cast %get3A_300 : i32 to index
    %get3A_302 = arith.constant 16 : index
    %get3A_303 = tpu.vector_load %arg10[%get3A_301, %get3A_302] {strides = array<i32>} : memref<128x64xf32, #tpu.memory_space<vmem>>, vector<16xf32>,
    %mul3A_304 = arith.mulf %gather3A_293, %get3A_303 : vector<16xf32>
    %add3A_305 = arith.addf %mul3A_280, %mul3A_304 : vector<16xf32>
    %get3A_306 = arith.constant 8 : i32
    %get3A_307 = arith.index_cast %get3A_306 : i32 to index
    %get3A_308 = arith.constant 32 : index
    %get3A_309 = tpu.vector_load %arg10[%get3A_307, %get3A_308] {strides = array<i32>} : memref<128x64xf32, #tpu.memory_space<vmem>>, vector<16xf32>,
    %mul3A_310 = arith.mulf %gather3A_293, %get3A_309 : vector<16xf32>
    %add3A_311 = arith.addf %mul3A_285, %mul3A_310 : vector<16xf32>
    %get3A_312 = arith.constant 8 : i32
    %get3A_313 = arith.index_cast %get3A_312 : i32 to index
    %get3A_314 = arith.constant 48 : index
    %get3A_315 = tpu.vector_load %arg10[%get3A_313, %get3A_314] {strides = array<i32>} : memref<128x64xf32, #tpu.memory_space<vmem>>, vector<16xf32>,
    %mul3A_316 = arith.mulf %gather3A_293, %get3A_315 : vector<16xf32>
    %add3A_317 = arith.addf %mul3A_290, %mul3A_316 : vector<16xf32>
    %broadcast_in_dim3A_318 = arith.constant 34 : i32
    %broadcast_in_dim3A_319 = vector.broadcast %broadcast_in_dim3A_318 : i32 to vector<16xi32>
    %gather3A_320 = tpu.vector_load_idx %arg9[%broadcast_in_dim3A_319] : memref<272xf32, #tpu.memory_space<vmem>>[vector<16xi32>], vector<16xf32>,
    %get3A_321 = arith.constant 9 : i32
    %get3A_322 = arith.index_cast %get3A_321 : i32 to index
    %get3A_323 = arith.constant 0 : index
    %get3A_324 = tpu.vector_load %arg10[%get3A_322, %get3A_323] {strides = array<i32>} : memref<128x64xf32, #tpu.memory_space<vmem>>, vector<16xf32>,
    %mul3A_325 = arith.mulf %gather3A_320, %get3A_324 : vector<16xf32>
    %add3A_326 = arith.addf %add3A_299, %mul3A_325 : vector<16xf32>
    %get3A_327 = arith.constant 9 : i32
    %get3A_328 = arith.index_cast %get3A_327 : i32 to index
    %get3A_329 = arith.constant 16 : index
    %get3A_330 = tpu.vector_load %arg10[%get3A_328, %get3A_329] {strides = array<i32>} : memref<128x64xf32, #tpu.memory_space<vmem>>, vector<16xf32>,
    %mul3A_331 = arith.mulf %gather3A_320, %get3A_330 : vector<16xf32>
    %add3A_332 = arith.addf %add3A_305, %mul3A_331 : vector<16xf32>
    %get3A_333 = arith.constant 9 : i32
    %get3A_334 = arith.index_cast %get3A_333 : i32 to index
    %get3A_335 = arith.constant 32 : index
    %get3A_336 = tpu.vector_load %arg10[%get3A_334, %get3A_335] {strides = array<i32>} : memref<128x64xf32, #tpu.memory_space<vmem>>, vector<16xf32>,
    %mul3A_337 = arith.mulf %gather3A_320, %get3A_336 : vector<16xf32>
    %add3A_338 = arith.addf %add3A_311, %mul3A_337 : vector<16xf32>
    %get3A_339 = arith.constant 9 : i32
    %get3A_340 = arith.index_cast %get3A_339 : i32 to index
    %get3A_341 = arith.constant 48 : index
    %get3A_342 = tpu.vector_load %arg10[%get3A_340, %get3A_341] {strides = array<i32>} : memref<128x64xf32, #tpu.memory_space<vmem>>, vector<16xf32>,
    %mul3A_343 = arith.mulf %gather3A_320, %get3A_342 : vector<16xf32>
    %add3A_344 = arith.addf %add3A_317, %mul3A_343 : vector<16xf32>
    %broadcast_in_dim3A_345 = arith.constant 35 : i32
    %broadcast_in_dim3A_346 = vector.broadcast %broadcast_in_dim3A_345 : i32 to vector<16xi32>
    %gather3A_347 = tpu.vector_load_idx %arg9[%broadcast_in_dim3A_346] : memref<272xf32, #tpu.memory_space<vmem>>[vector<16xi32>], vector<16xf32>,
    %get3A_348 = arith.constant 10 : i32
    %get3A_349 = arith.index_cast %get3A_348 : i32 to index
    %get3A_350 = arith.constant 0 : index
    %get3A_351 = tpu.vector_load %arg10[%get3A_349, %get3A_350] {strides = array<i32>} : memref<128x64xf32, #tpu.memory_space<vmem>>, vector<16xf32>,
    %mul3A_352 = arith.mulf %gather3A_347, %get3A_351 : vector<16xf32>
    %add3A_353 = arith.addf %add3A_326, %mul3A_352 : vector<16xf32>
    %get3A_354 = arith.constant 10 : i32
    %get3A_355 = arith.index_cast %get3A_354 : i32 to index
    %get3A_356 = arith.constant 16 : index
    %get3A_357 = tpu.vector_load %arg10[%get3A_355, %get3A_356] {strides = array<i32>} : memref<128x64xf32, #tpu.memory_space<vmem>>, vector<16xf32>,
    %mul3A_358 = arith.mulf %gather3A_347, %get3A_357 : vector<16xf32>
    %add3A_359 = arith.addf %add3A_332, %mul3A_358 : vector<16xf32>
    %get3A_360 = arith.constant 10 : i32
    %get3A_361 = arith.index_cast %get3A_360 : i32 to index
    %get3A_362 = arith.constant 32 : index
    %get3A_363 = tpu.vector_load %arg10[%get3A_361, %get3A_362] {strides = array<i32>} : memref<128x64xf32, #tpu.memory_space<vmem>>, vector<16xf32>,
    %mul3A_364 = arith.mulf %gather3A_347, %get3A_363 : vector<16xf32>
    %add3A_365 = arith.addf %add3A_338, %mul3A_364 : vector<16xf32>
    %get3A_366 = arith.constant 10 : i32
    %get3A_367 = arith.index_cast %get3A_366 : i32 to index
    %get3A_368 = arith.constant 48 : index
    %get3A_369 = tpu.vector_load %arg10[%get3A_367, %get3A_368] {strides = array<i32>} : memref<128x64xf32, #tpu.memory_space<vmem>>, vector<16xf32>,
    %mul3A_370 = arith.mulf %gather3A_347, %get3A_369 : vector<16xf32>
    %add3A_371 = arith.addf %add3A_344, %mul3A_370 : vector<16xf32>
    %broadcast_in_dim3A_372 = arith.constant 36 : i32
    %broadcast_in_dim3A_373 = vector.broadcast %broadcast_in_dim3A_372 : i32 to vector<16xi32>
    %gather3A_374 = tpu.vector_load_idx %arg9[%broadcast_in_dim3A_373] : memref<272xf32, #tpu.memory_space<vmem>>[vector<16xi32>], vector<16xf32>,
    %get3A_375 = arith.constant 11 : i32
    %get3A_376 = arith.index_cast %get3A_375 : i32 to index
    %get3A_377 = arith.constant 0 : index
    %get3A_378 = tpu.vector_load %arg10[%get3A_376, %get3A_377] {strides = array<i32>} : memref<128x64xf32, #tpu.memory_space<vmem>>, vector<16xf32>,
    %mul3A_379 = arith.mulf %gather3A_374, %get3A_378 : vector<16xf32>
    %add3A_380 = arith.addf %add3A_353, %mul3A_379 : vector<16xf32>
    %get3A_381 = arith.constant 11 : i32
    %get3A_382 = arith.index_cast %get3A_381 : i32 to index
    %get3A_383 = arith.constant 16 : index
    %get3A_384 = tpu.vector_load %arg10[%get3A_382, %get3A_383] {strides = array<i32>} : memref<128x64xf32, #tpu.memory_space<vmem>>, vector<16xf32>,
    %mul3A_385 = arith.mulf %gather3A_374, %get3A_384 : vector<16xf32>
    %add3A_386 = arith.addf %add3A_359, %mul3A_385 : vector<16xf32>
    %get3A_387 = arith.constant 11 : i32
    %get3A_388 = arith.index_cast %get3A_387 : i32 to index
    %get3A_389 = arith.constant 32 : index
    %get3A_390 = tpu.vector_load %arg10[%get3A_388, %get3A_389] {strides = array<i32>} : memref<128x64xf32, #tpu.memory_space<vmem>>, vector<16xf32>,
    %mul3A_391 = arith.mulf %gather3A_374, %get3A_390 : vector<16xf32>
    %add3A_392 = arith.addf %add3A_365, %mul3A_391 : vector<16xf32>
    %get3A_393 = arith.constant 11 : i32
    %get3A_394 = arith.index_cast %get3A_393 : i32 to index
    %get3A_395 = arith.constant 48 : index
    %get3A_396 = tpu.vector_load %arg10[%get3A_394, %get3A_395] {strides = array<i32>} : memref<128x64xf32, #tpu.memory_space<vmem>>, vector<16xf32>,
    %mul3A_397 = arith.mulf %gather3A_374, %get3A_396 : vector<16xf32>
    %add3A_398 = arith.addf %add3A_371, %mul3A_397 : vector<16xf32>
    %broadcast_in_dim3A_399 = arith.constant 37 : i32
    %broadcast_in_dim3A_400 = vector.broadcast %broadcast_in_dim3A_399 : i32 to vector<16xi32>
    %gather3A_401 = tpu.vector_load_idx %arg9[%broadcast_in_dim3A_400] : memref<272xf32, #tpu.memory_space<vmem>>[vector<16xi32>], vector<16xf32>,
    %get3A_402 = arith.constant 12 : i32
    %get3A_403 = arith.index_cast %get3A_402 : i32 to index
    %get3A_404 = arith.constant 0 : index
    %get3A_405 = tpu.vector_load %arg10[%get3A_403, %get3A_404] {strides = array<i32>} : memref<128x64xf32, #tpu.memory_space<vmem>>, vector<16xf32>,
    %mul3A_406 = arith.mulf %gather3A_401, %get3A_405 : vector<16xf32>
    %add3A_407 = arith.addf %add3A_380, %mul3A_406 : vector<16xf32>
    %get3A_408 = arith.constant 12 : i32
    %get3A_409 = arith.index_cast %get3A_408 : i32 to index
    %get3A_410 = arith.constant 16 : index
    %get3A_411 = tpu.vector_load %arg10[%get3A_409, %get3A_410] {strides = array<i32>} : memref<128x64xf32, #tpu.memory_space<vmem>>, vector<16xf32>,
    %mul3A_412 = arith.mulf %gather3A_401, %get3A_411 : vector<16xf32>
    %add3A_413 = arith.addf %add3A_386, %mul3A_412 : vector<16xf32>
    %get3A_414 = arith.constant 12 : i32
    %get3A_415 = arith.index_cast %get3A_414 : i32 to index
    %get3A_416 = arith.constant 32 : index
    %get3A_417 = tpu.vector_load %arg10[%get3A_415, %get3A_416] {strides = array<i32>} : memref<128x64xf32, #tpu.memory_space<vmem>>, vector<16xf32>,
    %mul3A_418 = arith.mulf %gather3A_401, %get3A_417 : vector<16xf32>
    %add3A_419 = arith.addf %add3A_392, %mul3A_418 : vector<16xf32>
    %get3A_420 = arith.constant 12 : i32
    %get3A_421 = arith.index_cast %get3A_420 : i32 to index
    %get3A_422 = arith.constant 48 : index
    %get3A_423 = tpu.vector_load %arg10[%get3A_421, %get3A_422] {strides = array<i32>} : memref<128x64xf32, #tpu.memory_space<vmem>>, vector<16xf32>,
    %mul3A_424 = arith.mulf %gather3A_401, %get3A_423 : vector<16xf32>
    %add3A_425 = arith.addf %add3A_398, %mul3A_424 : vector<16xf32>
    %broadcast_in_dim3A_426 = arith.constant 38 : i32
    %broadcast_in_dim3A_427 = vector.broadcast %broadcast_in_dim3A_426 : i32 to vector<16xi32>
    %gather3A_428 = tpu.vector_load_idx %arg9[%broadcast_in_dim3A_427] : memref<272xf32, #tpu.memory_space<vmem>>[vector<16xi32>], vector<16xf32>,
    %get3A_429 = arith.constant 13 : i32
    %get3A_430 = arith.index_cast %get3A_429 : i32 to index
    %get3A_431 = arith.constant 0 : index
    %get3A_432 = tpu.vector_load %arg10[%get3A_430, %get3A_431] {strides = array<i32>} : memref<128x64xf32, #tpu.memory_space<vmem>>, vector<16xf32>,
    %mul3A_433 = arith.mulf %gather3A_428, %get3A_432 : vector<16xf32>
    %add3A_434 = arith.addf %add3A_407, %mul3A_433 : vector<16xf32>
    %get3A_435 = arith.constant 13 : i32
    %get3A_436 = arith.index_cast %get3A_435 : i32 to index
    %get3A_437 = arith.constant 16 : index
    %get3A_438 = tpu.vector_load %arg10[%get3A_436, %get3A_437] {strides = array<i32>} : memref<128x64xf32, #tpu.memory_space<vmem>>, vector<16xf32>,
    %mul3A_439 = arith.mulf %gather3A_428, %get3A_438 : vector<16xf32>
    %add3A_440 = arith.addf %add3A_413, %mul3A_439 : vector<16xf32>
    %get3A_441 = arith.constant 13 : i32
    %get3A_442 = arith.index_cast %get3A_441 : i32 to index
    %get3A_443 = arith.constant 32 : index
    %get3A_444 = tpu.vector_load %arg10[%get3A_442, %get3A_443] {strides = array<i32>} : memref<128x64xf32, #tpu.memory_space<vmem>>, vector<16xf32>,
    %mul3A_445 = arith.mulf %gather3A_428, %get3A_444 : vector<16xf32>
    %add3A_446 = arith.addf %add3A_419, %mul3A_445 : vector<16xf32>
    %get3A_447 = arith.constant 13 : i32
    %get3A_448 = arith.index_cast %get3A_447 : i32 to index
    %get3A_449 = arith.constant 48 : index
    %get3A_450 = tpu.vector_load %arg10[%get3A_448, %get3A_449] {strides = array<i32>} : memref<128x64xf32, #tpu.memory_space<vmem>>, vector<16xf32>,
    %mul3A_451 = arith.mulf %gather3A_428, %get3A_450 : vector<16xf32>
    %add3A_452 = arith.addf %add3A_425, %mul3A_451 : vector<16xf32>
    %broadcast_in_dim3A_453 = arith.constant 39 : i32
    %broadcast_in_dim3A_454 = vector.broadcast %broadcast_in_dim3A_453 : i32 to vector<16xi32>
    %gather3A_455 = tpu.vector_load_idx %arg9[%broadcast_in_dim3A_454] : memref<272xf32, #tpu.memory_space<vmem>>[vector<16xi32>], vector<16xf32>,
    %get3A_456 = arith.constant 14 : i32
    %get3A_457 = arith.index_cast %get3A_456 : i32 to index
    %get3A_458 = arith.constant 0 : index
    %get3A_459 = tpu.vector_load %arg10[%get3A_457, %get3A_458] {strides = array<i32>} : memref<128x64xf32, #tpu.memory_space<vmem>>, vector<16xf32>,
    %mul3A_460 = arith.mulf %gather3A_455, %get3A_459 : vector<16xf32>
    %add3A_461 = arith.addf %add3A_434, %mul3A_460 : vector<16xf32>
    %get3A_462 = arith.constant 14 : i32
    %get3A_463 = arith.index_cast %get3A_462 : i32 to index
    %get3A_464 = arith.constant 16 : index
    %get3A_465 = tpu.vector_load %arg10[%get3A_463, %get3A_464] {strides = array<i32>} : memref<128x64xf32, #tpu.memory_space<vmem>>, vector<16xf32>,
    %mul3A_466 = arith.mulf %gather3A_455, %get3A_465 : vector<16xf32>
    %add3A_467 = arith.addf %add3A_440, %mul3A_466 : vector<16xf32>
    %get3A_468 = arith.constant 14 : i32
    %get3A_469 = arith.index_cast %get3A_468 : i32 to index
    %get3A_470 = arith.constant 32 : index
    %get3A_471 = tpu.vector_load %arg10[%get3A_469, %get3A_470] {strides = array<i32>} : memref<128x64xf32, #tpu.memory_space<vmem>>, vector<16xf32>,
    %mul3A_472 = arith.mulf %gather3A_455, %get3A_471 : vector<16xf32>
    %add3A_473 = arith.addf %add3A_446, %mul3A_472 : vector<16xf32>
    %get3A_474 = arith.constant 14 : i32
    %get3A_475 = arith.index_cast %get3A_474 : i32 to index
    %get3A_476 = arith.constant 48 : index
    %get3A_477 = tpu.vector_load %arg10[%get3A_475, %get3A_476] {strides = array<i32>} : memref<128x64xf32, #tpu.memory_space<vmem>>, vector<16xf32>,
    %mul3A_478 = arith.mulf %gather3A_455, %get3A_477 : vector<16xf32>
    %add3A_479 = arith.addf %add3A_452, %mul3A_478 : vector<16xf32>
    %broadcast_in_dim3A_480 = arith.constant 40 : i32
    %broadcast_in_dim3A_481 = vector.broadcast %broadcast_in_dim3A_480 : i32 to vector<16xi32>
    %gather3A_482 = tpu.vector_load_idx %arg9[%broadcast_in_dim3A_481] : memref<272xf32, #tpu.memory_space<vmem>>[vector<16xi32>], vector<16xf32>,
    %get3A_483 = arith.constant 15 : i32
    %get3A_484 = arith.index_cast %get3A_483 : i32 to index
    %get3A_485 = arith.constant 0 : index
    %get3A_486 = tpu.vector_load %arg10[%get3A_484, %get3A_485] {strides = array<i32>} : memref<128x64xf32, #tpu.memory_space<vmem>>, vector<16xf32>,
    %mul3A_487 = arith.mulf %gather3A_482, %get3A_486 : vector<16xf32>
    %add3A_488 = arith.addf %add3A_461, %mul3A_487 : vector<16xf32>
    %get3A_489 = arith.constant 15 : i32
    %get3A_490 = arith.index_cast %get3A_489 : i32 to index
    %get3A_491 = arith.constant 16 : index
    %get3A_492 = tpu.vector_load %arg10[%get3A_490, %get3A_491] {strides = array<i32>} : memref<128x64xf32, #tpu.memory_space<vmem>>, vector<16xf32>,
    %mul3A_493 = arith.mulf %gather3A_482, %get3A_492 : vector<16xf32>
    %add3A_494 = arith.addf %add3A_467, %mul3A_493 : vector<16xf32>
    %get3A_495 = arith.constant 15 : i32
    %get3A_496 = arith.index_cast %get3A_495 : i32 to index
    %get3A_497 = arith.constant 32 : index
    %get3A_498 = tpu.vector_load %arg10[%get3A_496, %get3A_497] {strides = array<i32>} : memref<128x64xf32, #tpu.memory_space<vmem>>, vector<16xf32>,
    %mul3A_499 = arith.mulf %gather3A_482, %get3A_498 : vector<16xf32>
    %add3A_500 = arith.addf %add3A_473, %mul3A_499 : vector<16xf32>
    %get3A_501 = arith.constant 15 : i32
    %get3A_502 = arith.index_cast %get3A_501 : i32 to index
    %get3A_503 = arith.constant 48 : index
    %get3A_504 = tpu.vector_load %arg10[%get3A_502, %get3A_503] {strides = array<i32>} : memref<128x64xf32, #tpu.memory_space<vmem>>, vector<16xf32>,
    %mul3A_505 = arith.mulf %gather3A_482, %get3A_504 : vector<16xf32>
    %add3A_506 = arith.addf %add3A_479, %mul3A_505 : vector<16xf32>
    %swap3A_507 = arith.constant 1 : i32
    %swap3A_508 = arith.index_cast %swap3A_507 : i32 to index
    %swap3A_509 = arith.constant 0 : index
    %swap3A_510 = tpu.vector_load %arg12[%swap3A_508, %swap3A_509] {strides = array<i32>} : memref<16x64xf32, #tpu.memory_space<vmem>>, vector<16xf32>,
    tpu.vector_store %arg12[%swap3A_508, %swap3A_509], %add3A_488 {strides = array<i32>} : memref<16x64xf32, #tpu.memory_space<vmem>>, vector<16xf32>,
    %swap3A_511 = arith.constant 1 : i32
    %swap3A_512 = arith.index_cast %swap3A_511 : i32 to index
    %swap3A_513 = arith.constant 16 : index
    %swap3A_514 = tpu.vector_load %arg12[%swap3A_512, %swap3A_513] {strides = array<i32>} : memref<16x64xf32, #tpu.memory_space<vmem>>, vector<16xf32>,
    tpu.vector_store %arg12[%swap3A_512, %swap3A_513], %add3A_494 {strides = array<i32>} : memref<16x64xf32, #tpu.memory_space<vmem>>, vector<16xf32>,
    %swap3A_515 = arith.constant 1 : i32
    %swap3A_516 = arith.index_cast %swap3A_515 : i32 to index
    %swap3A_517 = arith.constant 32 : index
    %swap3A_518 = tpu.vector_load %arg12[%swap3A_516, %swap3A_517] {strides = array<i32>} : memref<16x64xf32, #tpu.memory_space<vmem>>, vector<16xf32>,
    tpu.vector_store %arg12[%swap3A_516, %swap3A_517], %add3A_500 {strides = array<i32>} : memref<16x64xf32, #tpu.memory_space<vmem>>, vector<16xf32>,
    %swap3A_519 = arith.constant 1 : i32
    %swap3A_520 = arith.index_cast %swap3A_519 : i32 to index
    %swap3A_521 = arith.constant 48 : index
    %swap3A_522 = tpu.vector_load %arg12[%swap3A_520, %swap3A_521] {strides = array<i32>} : memref<16x64xf32, #tpu.memory_space<vmem>>, vector<16xf32>,
    tpu.vector_store %arg12[%swap3A_520, %swap3A_521], %add3A_506 {strides = array<i32>} : memref<16x64xf32, #tpu.memory_space<vmem>>, vector<16xf32>,
    %broadcast_in_dim3A_523 = arith.constant 48 : i32
    %broadcast_in_dim3A_524 = vector.broadcast %broadcast_in_dim3A_523 : i32 to vector<16xi32>
    %gather3A_525 = tpu.vector_load_idx %arg9[%broadcast_in_dim3A_524] : memref<272xf32, #tpu.memory_space<vmem>>[vector<16xi32>], vector<16xf32>,
    %get3A_526 = arith.constant 2 : i32
    %get3A_527 = arith.index_cast %get3A_526 : i32 to index
    %get3A_528 = arith.constant 0 : index
    %get3A_529 = tpu.vector_load %arg11[%get3A_527, %get3A_528] {strides = array<i32>} : memref<16x64xf32, #tpu.memory_space<vmem>>, vector<16xf32>,
    %mul3A_530 = arith.mulf %gather3A_525, %get3A_529 : vector<16xf32>
    %get3A_531 = arith.constant 2 : i32
    %get3A_532 = arith.index_cast %get3A_531 : i32 to index
    %get3A_533 = arith.constant 16 : index
    %get3A_534 = tpu.vector_load %arg11[%get3A_532, %get3A_533] {strides = array<i32>} : memref<16x64xf32, #tpu.memory_space<vmem>>, vector<16xf32>,
    %mul3A_535 = arith.mulf %gather3A_525, %get3A_534 : vector<16xf32>
    %get3A_536 = arith.constant 2 : i32
    %get3A_537 = arith.index_cast %get3A_536 : i32 to index
    %get3A_538 = arith.constant 32 : index
    %get3A_539 = tpu.vector_load %arg11[%get3A_537, %get3A_538] {strides = array<i32>} : memref<16x64xf32, #tpu.memory_space<vmem>>, vector<16xf32>,
    %mul3A_540 = arith.mulf %gather3A_525, %get3A_539 : vector<16xf32>
    %get3A_541 = arith.constant 2 : i32
    %get3A_542 = arith.index_cast %get3A_541 : i32 to index
    %get3A_543 = arith.constant 48 : index
    %get3A_544 = tpu.vector_load %arg11[%get3A_542, %get3A_543] {strides = array<i32>} : memref<16x64xf32, #tpu.memory_space<vmem>>, vector<16xf32>,
    %mul3A_545 = arith.mulf %gather3A_525, %get3A_544 : vector<16xf32>
    %broadcast_in_dim3A_546 = arith.constant 49 : i32
    %broadcast_in_dim3A_547 = vector.broadcast %broadcast_in_dim3A_546 : i32 to vector<16xi32>
    %gather3A_548 = tpu.vector_load_idx %arg9[%broadcast_in_dim3A_547] : memref<272xf32, #tpu.memory_space<vmem>>[vector<16xi32>], vector<16xf32>,
    %get3A_549 = arith.constant 16 : i32
    %get3A_550 = arith.index_cast %get3A_549 : i32 to index
    %get3A_551 = arith.constant 0 : index
    %get3A_552 = tpu.vector_load %arg10[%get3A_550, %get3A_551] {strides = array<i32>} : memref<128x64xf32, #tpu.memory_space<vmem>>, vector<16xf32>,
    %mul3A_553 = arith.mulf %gather3A_548, %get3A_552 : vector<16xf32>
    %add3A_554 = arith.addf %mul3A_530, %mul3A_553 : vector<16xf32>
    %get3A_555 = arith.constant 16 : i32
    %get3A_556 = arith.index_cast %get3A_555 : i32 to index
    %get3A_557 = arith.constant 16 : index
    %get3A_558 = tpu.vector_load %arg10[%get3A_556, %get3A_557] {strides = array<i32>} : memref<128x64xf32, #tpu.memory_space<vmem>>, vector<16xf32>,
    %mul3A_559 = arith.mulf %gather3A_548, %get3A_558 : vector<16xf32>
    %add3A_560 = arith.addf %mul3A_535, %mul3A_559 : vector<16xf32>
    %get3A_561 = arith.constant 16 : i32
    %get3A_562 = arith.index_cast %get3A_561 : i32 to index
    %get3A_563 = arith.constant 32 : index
    %get3A_564 = tpu.vector_load %arg10[%get3A_562, %get3A_563] {strides = array<i32>} : memref<128x64xf32, #tpu.memory_space<vmem>>, vector<16xf32>,
    %mul3A_565 = arith.mulf %gather3A_548, %get3A_564 : vector<16xf32>
    %add3A_566 = arith.addf %mul3A_540, %mul3A_565 : vector<16xf32>
    %get3A_567 = arith.constant 16 : i32
    %get3A_568 = arith.index_cast %get3A_567 : i32 to index
    %get3A_569 = arith.constant 48 : index
    %get3A_570 = tpu.vector_load %arg10[%get3A_568, %get3A_569] {strides = array<i32>} : memref<128x64xf32, #tpu.memory_space<vmem>>, vector<16xf32>,
    %mul3A_571 = arith.mulf %gather3A_548, %get3A_570 : vector<16xf32>
    %add3A_572 = arith.addf %mul3A_545, %mul3A_571 : vector<16xf32>
    %broadcast_in_dim3A_573 = arith.constant 50 : i32
    %broadcast_in_dim3A_574 = vector.broadcast %broadcast_in_dim3A_573 : i32 to vector<16xi32>
    %gather3A_575 = tpu.vector_load_idx %arg9[%broadcast_in_dim3A_574] : memref<272xf32, #tpu.memory_space<vmem>>[vector<16xi32>], vector<16xf32>,
    %get3A_576 = arith.constant 17 : i32
    %get3A_577 = arith.index_cast %get3A_576 : i32 to index
    %get3A_578 = arith.constant 0 : index
    %get3A_579 = tpu.vector_load %arg10[%get3A_577, %get3A_578] {strides = array<i32>} : memref<128x64xf32, #tpu.memory_space<vmem>>, vector<16xf32>,
    %mul3A_580 = arith.mulf %gather3A_575, %get3A_579 : vector<16xf32>
    %add3A_581 = arith.addf %add3A_554, %mul3A_580 : vector<16xf32>
    %get3A_582 = arith.constant 17 : i32
    %get3A_583 = arith.index_cast %get3A_582 : i32 to index
    %get3A_584 = arith.constant 16 : index
    %get3A_585 = tpu.vector_load %arg10[%get3A_583, %get3A_584] {strides = array<i32>} : memref<128x64xf32, #tpu.memory_space<vmem>>, vector<16xf32>,
    %mul3A_586 = arith.mulf %gather3A_575, %get3A_585 : vector<16xf32>
    %add3A_587 = arith.addf %add3A_560, %mul3A_586 : vector<16xf32>
    %get3A_588 = arith.constant 17 : i32
    %get3A_589 = arith.index_cast %get3A_588 : i32 to index
    %get3A_590 = arith.constant 32 : index
    %get3A_591 = tpu.vector_load %arg10[%get3A_589, %get3A_590] {strides = array<i32>} : memref<128x64xf32, #tpu.memory_space<vmem>>, vector<16xf32>,
    %mul3A_592 = arith.mulf %gather3A_575, %get3A_591 : vector<16xf32>
    %add3A_593 = arith.addf %add3A_566, %mul3A_592 : vector<16xf32>
    %get3A_594 = arith.constant 17 : i32
    %get3A_595 = arith.index_cast %get3A_594 : i32 to index
    %get3A_596 = arith.constant 48 : index
    %get3A_597 = tpu.vector_load %arg10[%get3A_595, %get3A_596] {strides = array<i32>} : memref<128x64xf32, #tpu.memory_space<vmem>>, vector<16xf32>,
    %mul3A_598 = arith.mulf %gather3A_575, %get3A_597 : vector<16xf32>
    %add3A_599 = arith.addf %add3A_572, %mul3A_598 : vector<16xf32>
    %broadcast_in_dim3A_600 = arith.constant 51 : i32
    %broadcast_in_dim3A_601 = vector.broadcast %broadcast_in_dim3A_600 : i32 to vector<16xi32>
    %gather3A_602 = tpu.vector_load_idx %arg9[%broadcast_in_dim3A_601] : memref<272xf32, #tpu.memory_space<vmem>>[vector<16xi32>], vector<16xf32>,
    %get3A_603 = arith.constant 18 : i32
    %get3A_604 = arith.index_cast %get3A_603 : i32 to index
    %get3A_605 = arith.constant 0 : index
    %get3A_606 = tpu.vector_load %arg10[%get3A_604, %get3A_605] {strides = array<i32>} : memref<128x64xf32, #tpu.memory_space<vmem>>, vector<16xf32>,
    %mul3A_607 = arith.mulf %gather3A_602, %get3A_606 : vector<16xf32>
    %add3A_608 = arith.addf %add3A_581, %mul3A_607 : vector<16xf32>
    %get3A_609 = arith.constant 18 : i32
    %get3A_610 = arith.index_cast %get3A_609 : i32 to index
    %get3A_611 = arith.constant 16 : index
    %get3A_612 = tpu.vector_load %arg10[%get3A_610, %get3A_611] {strides = array<i32>} : memref<128x64xf32, #tpu.memory_space<vmem>>, vector<16xf32>,
    %mul3A_613 = arith.mulf %gather3A_602, %get3A_612 : vector<16xf32>
    %add3A_614 = arith.addf %add3A_587, %mul3A_613 : vector<16xf32>
    %get3A_615 = arith.constant 18 : i32
    %get3A_616 = arith.index_cast %get3A_615 : i32 to index
    %get3A_617 = arith.constant 32 : index
    %get3A_618 = tpu.vector_load %arg10[%get3A_616, %get3A_617] {strides = array<i32>} : memref<128x64xf32, #tpu.memory_space<vmem>>, vector<16xf32>,
    %mul3A_619 = arith.mulf %gather3A_602, %get3A_618 : vector<16xf32>
    %add3A_620 = arith.addf %add3A_593, %mul3A_619 : vector<16xf32>
    %get3A_621 = arith.constant 18 : i32
    %get3A_622 = arith.index_cast %get3A_621 : i32 to index
    %get3A_623 = arith.constant 48 : index
    %get3A_624 = tpu.vector_load %arg10[%get3A_622, %get3A_623] {strides = array<i32>} : memref<128x64xf32, #tpu.memory_space<vmem>>, vector<16xf32>,
    %mul3A_625 = arith.mulf %gather3A_602, %get3A_624 : vector<16xf32>
    %add3A_626 = arith.addf %add3A_599, %mul3A_625 : vector<16xf32>
    %broadcast_in_dim3A_627 = arith.constant 52 : i32
    %broadcast_in_dim3A_628 = vector.broadcast %broadcast_in_dim3A_627 : i32 to vector<16xi32>
    %gather3A_629 = tpu.vector_load_idx %arg9[%broadcast_in_dim3A_628] : memref<272xf32, #tpu.memory_space<vmem>>[vector<16xi32>], vector<16xf32>,
    %get3A_630 = arith.constant 19 : i32
    %get3A_631 = arith.index_cast %get3A_630 : i32 to index
    %get3A_632 = arith.constant 0 : index
    %get3A_633 = tpu.vector_load %arg10[%get3A_631, %get3A_632] {strides = array<i32>} : memref<128x64xf32, #tpu.memory_space<vmem>>, vector<16xf32>,
    %mul3A_634 = arith.mulf %gather3A_629, %get3A_633 : vector<16xf32>
    %add3A_635 = arith.addf %add3A_608, %mul3A_634 : vector<16xf32>
    %get3A_636 = arith.constant 19 : i32
    %get3A_637 = arith.index_cast %get3A_636 : i32 to index
    %get3A_638 = arith.constant 16 : index
    %get3A_639 = tpu.vector_load %arg10[%get3A_637, %get3A_638] {strides = array<i32>} : memref<128x64xf32, #tpu.memory_space<vmem>>, vector<16xf32>,
    %mul3A_640 = arith.mulf %gather3A_629, %get3A_639 : vector<16xf32>
    %add3A_641 = arith.addf %add3A_614, %mul3A_640 : vector<16xf32>
    %get3A_642 = arith.constant 19 : i32
    %get3A_643 = arith.index_cast %get3A_642 : i32 to index
    %get3A_644 = arith.constant 32 : index
    %get3A_645 = tpu.vector_load %arg10[%get3A_643, %get3A_644] {strides = array<i32>} : memref<128x64xf32, #tpu.memory_space<vmem>>, vector<16xf32>,
    %mul3A_646 = arith.mulf %gather3A_629, %get3A_645 : vector<16xf32>
    %add3A_647 = arith.addf %add3A_620, %mul3A_646 : vector<16xf32>
    %get3A_648 = arith.constant 19 : i32
    %get3A_649 = arith.index_cast %get3A_648 : i32 to index
    %get3A_650 = arith.constant 48 : index
    %get3A_651 = tpu.vector_load %arg10[%get3A_649, %get3A_650] {strides = array<i32>} : memref<128x64xf32, #tpu.memory_space<vmem>>, vector<16xf32>,
    %mul3A_652 = arith.mulf %gather3A_629, %get3A_651 : vector<16xf32>
    %add3A_653 = arith.addf %add3A_626, %mul3A_652 : vector<16xf32>
    %broadcast_in_dim3A_654 = arith.constant 53 : i32
    %broadcast_in_dim3A_655 = vector.broadcast %broadcast_in_dim3A_654 : i32 to vector<16xi32>
    %gather3A_656 = tpu.vector_load_idx %arg9[%broadcast_in_dim3A_655] : memref<272xf32, #tpu.memory_space<vmem>>[vector<16xi32>], vector<16xf32>,
    %get3A_657 = arith.constant 20 : i32
    %get3A_658 = arith.index_cast %get3A_657 : i32 to index
    %get3A_659 = arith.constant 0 : index
    %get3A_660 = tpu.vector_load %arg10[%get3A_658, %get3A_659] {strides = array<i32>} : memref<128x64xf32, #tpu.memory_space<vmem>>, vector<16xf32>,
    %mul3A_661 = arith.mulf %gather3A_656, %get3A_660 : vector<16xf32>
    %add3A_662 = arith.addf %add3A_635, %mul3A_661 : vector<16xf32>
    %get3A_663 = arith.constant 20 : i32
    %get3A_664 = arith.index_cast %get3A_663 : i32 to index
    %get3A_665 = arith.constant 16 : index
    %get3A_666 = tpu.vector_load %arg10[%get3A_664, %get3A_665] {strides = array<i32>} : memref<128x64xf32, #tpu.memory_space<vmem>>, vector<16xf32>,
    %mul3A_667 = arith.mulf %gather3A_656, %get3A_666 : vector<16xf32>
    %add3A_668 = arith.addf %add3A_641, %mul3A_667 : vector<16xf32>
    %get3A_669 = arith.constant 20 : i32
    %get3A_670 = arith.index_cast %get3A_669 : i32 to index
    %get3A_671 = arith.constant 32 : index
    %get3A_672 = tpu.vector_load %arg10[%get3A_670, %get3A_671] {strides = array<i32>} : memref<128x64xf32, #tpu.memory_space<vmem>>, vector<16xf32>,
    %mul3A_673 = arith.mulf %gather3A_656, %get3A_672 : vector<16xf32>
    %add3A_674 = arith.addf %add3A_647, %mul3A_673 : vector<16xf32>
    %get3A_675 = arith.constant 20 : i32
    %get3A_676 = arith.index_cast %get3A_675 : i32 to index
    %get3A_677 = arith.constant 48 : index
    %get3A_678 = tpu.vector_load %arg10[%get3A_676, %get3A_677] {strides = array<i32>} : memref<128x64xf32, #tpu.memory_space<vmem>>, vector<16xf32>,
    %mul3A_679 = arith.mulf %gather3A_656, %get3A_678 : vector<16xf32>
    %add3A_680 = arith.addf %add3A_653, %mul3A_679 : vector<16xf32>
    %broadcast_in_dim3A_681 = arith.constant 54 : i32
    %broadcast_in_dim3A_682 = vector.broadcast %broadcast_in_dim3A_681 : i32 to vector<16xi32>
    %gather3A_683 = tpu.vector_load_idx %arg9[%broadcast_in_dim3A_682] : memref<272xf32, #tpu.memory_space<vmem>>[vector<16xi32>], vector<16xf32>,
    %get3A_684 = arith.constant 21 : i32
    %get3A_685 = arith.index_cast %get3A_684 : i32 to index
    %get3A_686 = arith.constant 0 : index
    %get3A_687 = tpu.vector_load %arg10[%get3A_685, %get3A_686] {strides = array<i32>} : memref<128x64xf32, #tpu.memory_space<vmem>>, vector<16xf32>,
    %mul3A_688 = arith.mulf %gather3A_683, %get3A_687 : vector<16xf32>
    %add3A_689 = arith.addf %add3A_662, %mul3A_688 : vector<16xf32>
    %get3A_690 = arith.constant 21 : i32
    %get3A_691 = arith.index_cast %get3A_690 : i32 to index
    %get3A_692 = arith.constant 16 : index
    %get3A_693 = tpu.vector_load %arg10[%get3A_691, %get3A_692] {strides = array<i32>} : memref<128x64xf32, #tpu.memory_space<vmem>>, vector<16xf32>,
    %mul3A_694 = arith.mulf %gather3A_683, %get3A_693 : vector<16xf32>
    %add3A_695 = arith.addf %add3A_668, %mul3A_694 : vector<16xf32>
    %get3A_696 = arith.constant 21 : i32
    %get3A_697 = arith.index_cast %get3A_696 : i32 to index
    %get3A_698 = arith.constant 32 : index
    %get3A_699 = tpu.vector_load %arg10[%get3A_697, %get3A_698] {strides = array<i32>} : memref<128x64xf32, #tpu.memory_space<vmem>>, vector<16xf32>,
    %mul3A_700 = arith.mulf %gather3A_683, %get3A_699 : vector<16xf32>
    %add3A_701 = arith.addf %add3A_674, %mul3A_700 : vector<16xf32>
    %get3A_702 = arith.constant 21 : i32
    %get3A_703 = arith.index_cast %get3A_702 : i32 to index
    %get3A_704 = arith.constant 48 : index
    %get3A_705 = tpu.vector_load %arg10[%get3A_703, %get3A_704] {strides = array<i32>} : memref<128x64xf32, #tpu.memory_space<vmem>>, vector<16xf32>,
    %mul3A_706 = arith.mulf %gather3A_683, %get3A_705 : vector<16xf32>
    %add3A_707 = arith.addf %add3A_680, %mul3A_706 : vector<16xf32>
    %broadcast_in_dim3A_708 = arith.constant 55 : i32
    %broadcast_in_dim3A_709 = vector.broadcast %broadcast_in_dim3A_708 : i32 to vector<16xi32>
    %gather3A_710 = tpu.vector_load_idx %arg9[%broadcast_in_dim3A_709] : memref<272xf32, #tpu.memory_space<vmem>>[vector<16xi32>], vector<16xf32>,
    %get3A_711 = arith.constant 22 : i32
    %get3A_712 = arith.index_cast %get3A_711 : i32 to index
    %get3A_713 = arith.constant 0 : index
    %get3A_714 = tpu.vector_load %arg10[%get3A_712, %get3A_713] {strides = array<i32>} : memref<128x64xf32, #tpu.memory_space<vmem>>, vector<16xf32>,
    %mul3A_715 = arith.mulf %gather3A_710, %get3A_714 : vector<16xf32>
    %add3A_716 = arith.addf %add3A_689, %mul3A_715 : vector<16xf32>
    %get3A_717 = arith.constant 22 : i32
    %get3A_718 = arith.index_cast %get3A_717 : i32 to index
    %get3A_719 = arith.constant 16 : index
    %get3A_720 = tpu.vector_load %arg10[%get3A_718, %get3A_719] {strides = array<i32>} : memref<128x64xf32, #tpu.memory_space<vmem>>, vector<16xf32>,
    %mul3A_721 = arith.mulf %gather3A_710, %get3A_720 : vector<16xf32>
    %add3A_722 = arith.addf %add3A_695, %mul3A_721 : vector<16xf32>
    %get3A_723 = arith.constant 22 : i32
    %get3A_724 = arith.index_cast %get3A_723 : i32 to index
    %get3A_725 = arith.constant 32 : index
    %get3A_726 = tpu.vector_load %arg10[%get3A_724, %get3A_725] {strides = array<i32>} : memref<128x64xf32, #tpu.memory_space<vmem>>, vector<16xf32>,
    %mul3A_727 = arith.mulf %gather3A_710, %get3A_726 : vector<16xf32>
    %add3A_728 = arith.addf %add3A_701, %mul3A_727 : vector<16xf32>
    %get3A_729 = arith.constant 22 : i32
    %get3A_730 = arith.index_cast %get3A_729 : i32 to index
    %get3A_731 = arith.constant 48 : index
    %get3A_732 = tpu.vector_load %arg10[%get3A_730, %get3A_731] {strides = array<i32>} : memref<128x64xf32, #tpu.memory_space<vmem>>, vector<16xf32>,
    %mul3A_733 = arith.mulf %gather3A_710, %get3A_732 : vector<16xf32>
    %add3A_734 = arith.addf %add3A_707, %mul3A_733 : vector<16xf32>
    %broadcast_in_dim3A_735 = arith.constant 56 : i32
    %broadcast_in_dim3A_736 = vector.broadcast %broadcast_in_dim3A_735 : i32 to vector<16xi32>
    %gather3A_737 = tpu.vector_load_idx %arg9[%broadcast_in_dim3A_736] : memref<272xf32, #tpu.memory_space<vmem>>[vector<16xi32>], vector<16xf32>,
    %get3A_738 = arith.constant 23 : i32
    %get3A_739 = arith.index_cast %get3A_738 : i32 to index
    %get3A_740 = arith.constant 0 : index
    %get3A_741 = tpu.vector_load %arg10[%get3A_739, %get3A_740] {strides = array<i32>} : memref<128x64xf32, #tpu.memory_space<vmem>>, vector<16xf32>,
    %mul3A_742 = arith.mulf %gather3A_737, %get3A_741 : vector<16xf32>
    %add3A_743 = arith.addf %add3A_716, %mul3A_742 : vector<16xf32>
    %get3A_744 = arith.constant 23 : i32
    %get3A_745 = arith.index_cast %get3A_744 : i32 to index
    %get3A_746 = arith.constant 16 : index
    %get3A_747 = tpu.vector_load %arg10[%get3A_745, %get3A_746] {strides = array<i32>} : memref<128x64xf32, #tpu.memory_space<vmem>>, vector<16xf32>,
    %mul3A_748 = arith.mulf %gather3A_737, %get3A_747 : vector<16xf32>
    %add3A_749 = arith.addf %add3A_722, %mul3A_748 : vector<16xf32>
    %get3A_750 = arith.constant 23 : i32
    %get3A_751 = arith.index_cast %get3A_750 : i32 to index
    %get3A_752 = arith.constant 32 : index
    %get3A_753 = tpu.vector_load %arg10[%get3A_751, %get3A_752] {strides = array<i32>} : memref<128x64xf32, #tpu.memory_space<vmem>>, vector<16xf32>,
    %mul3A_754 = arith.mulf %gather3A_737, %get3A_753 : vector<16xf32>
    %add3A_755 = arith.addf %add3A_728, %mul3A_754 : vector<16xf32>
    %get3A_756 = arith.constant 23 : i32
    %get3A_757 = arith.index_cast %get3A_756 : i32 to index
    %get3A_758 = arith.constant 48 : index
    %get3A_759 = tpu.vector_load %arg10[%get3A_757, %get3A_758] {strides = array<i32>} : memref<128x64xf32, #tpu.memory_space<vmem>>, vector<16xf32>,
    %mul3A_760 = arith.mulf %gather3A_737, %get3A_759 : vector<16xf32>
    %add3A_761 = arith.addf %add3A_734, %mul3A_760 : vector<16xf32>
    %swap3A_762 = arith.constant 2 : i32
    %swap3A_763 = arith.index_cast %swap3A_762 : i32 to index
    %swap3A_764 = arith.constant 0 : index
    %swap3A_765 = tpu.vector_load %arg12[%swap3A_763, %swap3A_764] {strides = array<i32>} : memref<16x64xf32, #tpu.memory_space<vmem>>, vector<16xf32>,
    tpu.vector_store %arg12[%swap3A_763, %swap3A_764], %add3A_743 {strides = array<i32>} : memref<16x64xf32, #tpu.memory_space<vmem>>, vector<16xf32>,
    %swap3A_766 = arith.constant 2 : i32
    %swap3A_767 = arith.index_cast %swap3A_766 : i32 to index
    %swap3A_768 = arith.constant 16 : index
    %swap3A_769 = tpu.vector_load %arg12[%swap3A_767, %swap3A_768] {strides = array<i32>} : memref<16x64xf32, #tpu.memory_space<vmem>>, vector<16xf32>,
    tpu.vector_store %arg12[%swap3A_767, %swap3A_768], %add3A_749 {strides = array<i32>} : memref<16x64xf32, #tpu.memory_space<vmem>>, vector<16xf32>,
    %swap3A_770 = arith.constant 2 : i32
    %swap3A_771 = arith.index_cast %swap3A_770 : i32 to index
    %swap3A_772 = arith.constant 32 : index
    %swap3A_773 = tpu.vector_load %arg12[%swap3A_771, %swap3A_772] {strides = array<i32>} : memref<16x64xf32, #tpu.memory_space<vmem>>, vector<16xf32>,
    tpu.vector_store %arg12[%swap3A_771, %swap3A_772], %add3A_755 {strides = array<i32>} : memref<16x64xf32, #tpu.memory_space<vmem>>, vector<16xf32>,
    %swap3A_774 = arith.constant 2 : i32
    %swap3A_775 = arith.index_cast %swap3A_774 : i32 to index
    %swap3A_776 = arith.constant 48 : index
    %swap3A_777 = tpu.vector_load %arg12[%swap3A_775, %swap3A_776] {strides = array<i32>} : memref<16x64xf32, #tpu.memory_space<vmem>>, vector<16xf32>,
    tpu.vector_store %arg12[%swap3A_775, %swap3A_776], %add3A_761 {strides = array<i32>} : memref<16x64xf32, #tpu.memory_space<vmem>>, vector<16xf32>,
    %broadcast_in_dim3A_778 = arith.constant 64 : i32
    %broadcast_in_dim3A_779 = vector.broadcast %broadcast_in_dim3A_778 : i32 to vector<16xi32>
    %gather3A_780 = tpu.vector_load_idx %arg9[%broadcast_in_dim3A_779] : memref<272xf32, #tpu.memory_space<vmem>>[vector<16xi32>], vector<16xf32>,
    %get3A_781 = arith.constant 3 : i32
    %get3A_782 = arith.index_cast %get3A_781 : i32 to index
    %get3A_783 = arith.constant 0 : index
    %get3A_784 = tpu.vector_load %arg11[%get3A_782, %get3A_783] {strides = array<i32>} : memref<16x64xf32, #tpu.memory_space<vmem>>, vector<16xf32>,
    %mul3A_785 = arith.mulf %gather3A_780, %get3A_784 : vector<16xf32>
    %get3A_786 = arith.constant 3 : i32
    %get3A_787 = arith.index_cast %get3A_786 : i32 to index
    %get3A_788 = arith.constant 16 : index
    %get3A_789 = tpu.vector_load %arg11[%get3A_787, %get3A_788] {strides = array<i32>} : memref<16x64xf32, #tpu.memory_space<vmem>>, vector<16xf32>,
    %mul3A_790 = arith.mulf %gather3A_780, %get3A_789 : vector<16xf32>
    %get3A_791 = arith.constant 3 : i32
    %get3A_792 = arith.index_cast %get3A_791 : i32 to index
    %get3A_793 = arith.constant 32 : index
    %get3A_794 = tpu.vector_load %arg11[%get3A_792, %get3A_793] {strides = array<i32>} : memref<16x64xf32, #tpu.memory_space<vmem>>, vector<16xf32>,
    %mul3A_795 = arith.mulf %gather3A_780, %get3A_794 : vector<16xf32>
    %get3A_796 = arith.constant 3 : i32
    %get3A_797 = arith.index_cast %get3A_796 : i32 to index
    %get3A_798 = arith.constant 48 : index
    %get3A_799 = tpu.vector_load %arg11[%get3A_797, %get3A_798] {strides = array<i32>} : memref<16x64xf32, #tpu.memory_space<vmem>>, vector<16xf32>,
    %mul3A_800 = arith.mulf %gather3A_780, %get3A_799 : vector<16xf32>
    %broadcast_in_dim3A_801 = arith.constant 65 : i32
    %broadcast_in_dim3A_802 = vector.broadcast %broadcast_in_dim3A_801 : i32 to vector<16xi32>
    %gather3A_803 = tpu.vector_load_idx %arg9[%broadcast_in_dim3A_802] : memref<272xf32, #tpu.memory_space<vmem>>[vector<16xi32>], vector<16xf32>,
    %get3A_804 = arith.constant 24 : i32
    %get3A_805 = arith.index_cast %get3A_804 : i32 to index
    %get3A_806 = arith.constant 0 : index
    %get3A_807 = tpu.vector_load %arg10[%get3A_805, %get3A_806] {strides = array<i32>} : memref<128x64xf32, #tpu.memory_space<vmem>>, vector<16xf32>,
    %mul3A_808 = arith.mulf %gather3A_803, %get3A_807 : vector<16xf32>
    %add3A_809 = arith.addf %mul3A_785, %mul3A_808 : vector<16xf32>
    %get3A_810 = arith.constant 24 : i32
    %get3A_811 = arith.index_cast %get3A_810 : i32 to index
    %get3A_812 = arith.constant 16 : index
    %get3A_813 = tpu.vector_load %arg10[%get3A_811, %get3A_812] {strides = array<i32>} : memref<128x64xf32, #tpu.memory_space<vmem>>, vector<16xf32>,
    %mul3A_814 = arith.mulf %gather3A_803, %get3A_813 : vector<16xf32>
    %add3A_815 = arith.addf %mul3A_790, %mul3A_814 : vector<16xf32>
    %get3A_816 = arith.constant 24 : i32
    %get3A_817 = arith.index_cast %get3A_816 : i32 to index
    %get3A_818 = arith.constant 32 : index
    %get3A_819 = tpu.vector_load %arg10[%get3A_817, %get3A_818] {strides = array<i32>} : memref<128x64xf32, #tpu.memory_space<vmem>>, vector<16xf32>,
    %mul3A_820 = arith.mulf %gather3A_803, %get3A_819 : vector<16xf32>
    %add3A_821 = arith.addf %mul3A_795, %mul3A_820 : vector<16xf32>
    %get3A_822 = arith.constant 24 : i32
    %get3A_823 = arith.index_cast %get3A_822 : i32 to index
    %get3A_824 = arith.constant 48 : index
    %get3A_825 = tpu.vector_load %arg10[%get3A_823, %get3A_824] {strides = array<i32>} : memref<128x64xf32, #tpu.memory_space<vmem>>, vector<16xf32>,
    %mul3A_826 = arith.mulf %gather3A_803, %get3A_825 : vector<16xf32>
    %add3A_827 = arith.addf %mul3A_800, %mul3A_826 : vector<16xf32>
    %broadcast_in_dim3A_828 = arith.constant 66 : i32
    %broadcast_in_dim3A_829 = vector.broadcast %broadcast_in_dim3A_828 : i32 to vector<16xi32>
    %gather3A_830 = tpu.vector_load_idx %arg9[%broadcast_in_dim3A_829] : memref<272xf32, #tpu.memory_space<vmem>>[vector<16xi32>], vector<16xf32>,
    %get3A_831 = arith.constant 25 : i32
    %get3A_832 = arith.index_cast %get3A_831 : i32 to index
    %get3A_833 = arith.constant 0 : index
    %get3A_834 = tpu.vector_load %arg10[%get3A_832, %get3A_833] {strides = array<i32>} : memref<128x64xf32, #tpu.memory_space<vmem>>, vector<16xf32>,
    %mul3A_835 = arith.mulf %gather3A_830, %get3A_834 : vector<16xf32>
    %add3A_836 = arith.addf %add3A_809, %mul3A_835 : vector<16xf32>
    %get3A_837 = arith.constant 25 : i32
    %get3A_838 = arith.index_cast %get3A_837 : i32 to index
    %get3A_839 = arith.constant 16 : index
    %get3A_840 = tpu.vector_load %arg10[%get3A_838, %get3A_839] {strides = array<i32>} : memref<128x64xf32, #tpu.memory_space<vmem>>, vector<16xf32>,
    %mul3A_841 = arith.mulf %gather3A_830, %get3A_840 : vector<16xf32>
    %add3A_842 = arith.addf %add3A_815, %mul3A_841 : vector<16xf32>
    %get3A_843 = arith.constant 25 : i32
    %get3A_844 = arith.index_cast %get3A_843 : i32 to index
    %get3A_845 = arith.constant 32 : index
    %get3A_846 = tpu.vector_load %arg10[%get3A_844, %get3A_845] {strides = array<i32>} : memref<128x64xf32, #tpu.memory_space<vmem>>, vector<16xf32>,
    %mul3A_847 = arith.mulf %gather3A_830, %get3A_846 : vector<16xf32>
    %add3A_848 = arith.addf %add3A_821, %mul3A_847 : vector<16xf32>
    %get3A_849 = arith.constant 25 : i32
    %get3A_850 = arith.index_cast %get3A_849 : i32 to index
    %get3A_851 = arith.constant 48 : index
    %get3A_852 = tpu.vector_load %arg10[%get3A_850, %get3A_851] {strides = array<i32>} : memref<128x64xf32, #tpu.memory_space<vmem>>, vector<16xf32>,
    %mul3A_853 = arith.mulf %gather3A_830, %get3A_852 : vector<16xf32>
    %add3A_854 = arith.addf %add3A_827, %mul3A_853 : vector<16xf32>
    %broadcast_in_dim3A_855 = arith.constant 67 : i32
    %broadcast_in_dim3A_856 = vector.broadcast %broadcast_in_dim3A_855 : i32 to vector<16xi32>
    %gather3A_857 = tpu.vector_load_idx %arg9[%broadcast_in_dim3A_856] : memref<272xf32, #tpu.memory_space<vmem>>[vector<16xi32>], vector<16xf32>,
    %get3A_858 = arith.constant 26 : i32
    %get3A_859 = arith.index_cast %get3A_858 : i32 to index
    %get3A_860 = arith.constant 0 : index
    %get3A_861 = tpu.vector_load %arg10[%get3A_859, %get3A_860] {strides = array<i32>} : memref<128x64xf32, #tpu.memory_space<vmem>>, vector<16xf32>,
    %mul3A_862 = arith.mulf %gather3A_857, %get3A_861 : vector<16xf32>
    %add3A_863 = arith.addf %add3A_836, %mul3A_862 : vector<16xf32>
    %get3A_864 = arith.constant 26 : i32
    %get3A_865 = arith.index_cast %get3A_864 : i32 to index
    %get3A_866 = arith.constant 16 : index
    %get3A_867 = tpu.vector_load %arg10[%get3A_865, %get3A_866] {strides = array<i32>} : memref<128x64xf32, #tpu.memory_space<vmem>>, vector<16xf32>,
    %mul3A_868 = arith.mulf %gather3A_857, %get3A_867 : vector<16xf32>
    %add3A_869 = arith.addf %add3A_842, %mul3A_868 : vector<16xf32>
    %get3A_870 = arith.constant 26 : i32
    %get3A_871 = arith.index_cast %get3A_870 : i32 to index
    %get3A_872 = arith.constant 32 : index
    %get3A_873 = tpu.vector_load %arg10[%get3A_871, %get3A_872] {strides = array<i32>} : memref<128x64xf32, #tpu.memory_space<vmem>>, vector<16xf32>,
    %mul3A_874 = arith.mulf %gather3A_857, %get3A_873 : vector<16xf32>
    %add3A_875 = arith.addf %add3A_848, %mul3A_874 : vector<16xf32>
    %get3A_876 = arith.constant 26 : i32
    %get3A_877 = arith.index_cast %get3A_876 : i32 to index
    %get3A_878 = arith.constant 48 : index
    %get3A_879 = tpu.vector_load %arg10[%get3A_877, %get3A_878] {strides = array<i32>} : memref<128x64xf32, #tpu.memory_space<vmem>>, vector<16xf32>,
    %mul3A_880 = arith.mulf %gather3A_857, %get3A_879 : vector<16xf32>
    %add3A_881 = arith.addf %add3A_854, %mul3A_880 : vector<16xf32>
    %broadcast_in_dim3A_882 = arith.constant 68 : i32
    %broadcast_in_dim3A_883 = vector.broadcast %broadcast_in_dim3A_882 : i32 to vector<16xi32>
    %gather3A_884 = tpu.vector_load_idx %arg9[%broadcast_in_dim3A_883] : memref<272xf32, #tpu.memory_space<vmem>>[vector<16xi32>], vector<16xf32>,
    %get3A_885 = arith.constant 27 : i32
    %get3A_886 = arith.index_cast %get3A_885 : i32 to index
    %get3A_887 = arith.constant 0 : index
    %get3A_888 = tpu.vector_load %arg10[%get3A_886, %get3A_887] {strides = array<i32>} : memref<128x64xf32, #tpu.memory_space<vmem>>, vector<16xf32>,
    %mul3A_889 = arith.mulf %gather3A_884, %get3A_888 : vector<16xf32>
    %add3A_890 = arith.addf %add3A_863, %mul3A_889 : vector<16xf32>
    %get3A_891 = arith.constant 27 : i32
    %get3A_892 = arith.index_cast %get3A_891 : i32 to index
    %get3A_893 = arith.constant 16 : index
    %get3A_894 = tpu.vector_load %arg10[%get3A_892, %get3A_893] {strides = array<i32>} : memref<128x64xf32, #tpu.memory_space<vmem>>, vector<16xf32>,
    %mul3A_895 = arith.mulf %gather3A_884, %get3A_894 : vector<16xf32>
    %add3A_896 = arith.addf %add3A_869, %mul3A_895 : vector<16xf32>
    %get3A_897 = arith.constant 27 : i32
    %get3A_898 = arith.index_cast %get3A_897 : i32 to index
    %get3A_899 = arith.constant 32 : index
    %get3A_900 = tpu.vector_load %arg10[%get3A_898, %get3A_899] {strides = array<i32>} : memref<128x64xf32, #tpu.memory_space<vmem>>, vector<16xf32>,
    %mul3A_901 = arith.mulf %gather3A_884, %get3A_900 : vector<16xf32>
    %add3A_902 = arith.addf %add3A_875, %mul3A_901 : vector<16xf32>
    %get3A_903 = arith.constant 27 : i32
    %get3A_904 = arith.index_cast %get3A_903 : i32 to index
    %get3A_905 = arith.constant 48 : index
    %get3A_906 = tpu.vector_load %arg10[%get3A_904, %get3A_905] {strides = array<i32>} : memref<128x64xf32, #tpu.memory_space<vmem>>, vector<16xf32>,
    %mul3A_907 = arith.mulf %gather3A_884, %get3A_906 : vector<16xf32>
    %add3A_908 = arith.addf %add3A_881, %mul3A_907 : vector<16xf32>
    %broadcast_in_dim3A_909 = arith.constant 69 : i32
    %broadcast_in_dim3A_910 = vector.broadcast %broadcast_in_dim3A_909 : i32 to vector<16xi32>
    %gather3A_911 = tpu.vector_load_idx %arg9[%broadcast_in_dim3A_910] : memref<272xf32, #tpu.memory_space<vmem>>[vector<16xi32>], vector<16xf32>,
    %get3A_912 = arith.constant 28 : i32
    %get3A_913 = arith.index_cast %get3A_912 : i32 to index
    %get3A_914 = arith.constant 0 : index
    %get3A_915 = tpu.vector_load %arg10[%get3A_913, %get3A_914] {strides = array<i32>} : memref<128x64xf32, #tpu.memory_space<vmem>>, vector<16xf32>,
    %mul3A_916 = arith.mulf %gather3A_911, %get3A_915 : vector<16xf32>
    %add3A_917 = arith.addf %add3A_890, %mul3A_916 : vector<16xf32>
    %get3A_918 = arith.constant 28 : i32
    %get3A_919 = arith.index_cast %get3A_918 : i32 to index
    %get3A_920 = arith.constant 16 : index
    %get3A_921 = tpu.vector_load %arg10[%get3A_919, %get3A_920] {strides = array<i32>} : memref<128x64xf32, #tpu.memory_space<vmem>>, vector<16xf32>,
    %mul3A_922 = arith.mulf %gather3A_911, %get3A_921 : vector<16xf32>
    %add3A_923 = arith.addf %add3A_896, %mul3A_922 : vector<16xf32>
    %get3A_924 = arith.constant 28 : i32
    %get3A_925 = arith.index_cast %get3A_924 : i32 to index
    %get3A_926 = arith.constant 32 : index
    %get3A_927 = tpu.vector_load %arg10[%get3A_925, %get3A_926] {strides = array<i32>} : memref<128x64xf32, #tpu.memory_space<vmem>>, vector<16xf32>,
    %mul3A_928 = arith.mulf %gather3A_911, %get3A_927 : vector<16xf32>
    %add3A_929 = arith.addf %add3A_902, %mul3A_928 : vector<16xf32>
    %get3A_930 = arith.constant 28 : i32
    %get3A_931 = arith.index_cast %get3A_930 : i32 to index
    %get3A_932 = arith.constant 48 : index
    %get3A_933 = tpu.vector_load %arg10[%get3A_931, %get3A_932] {strides = array<i32>} : memref<128x64xf32, #tpu.memory_space<vmem>>, vector<16xf32>,
    %mul3A_934 = arith.mulf %gather3A_911, %get3A_933 : vector<16xf32>
    %add3A_935 = arith.addf %add3A_908, %mul3A_934 : vector<16xf32>
    %broadcast_in_dim3A_936 = arith.constant 70 : i32
    %broadcast_in_dim3A_937 = vector.broadcast %broadcast_in_dim3A_936 : i32 to vector<16xi32>
    %gather3A_938 = tpu.vector_load_idx %arg9[%broadcast_in_dim3A_937] : memref<272xf32, #tpu.memory_space<vmem>>[vector<16xi32>], vector<16xf32>,
    %get3A_939 = arith.constant 29 : i32
    %get3A_940 = arith.index_cast %get3A_939 : i32 to index
    %get3A_941 = arith.constant 0 : index
    %get3A_942 = tpu.vector_load %arg10[%get3A_940, %get3A_941] {strides = array<i32>} : memref<128x64xf32, #tpu.memory_space<vmem>>, vector<16xf32>,
    %mul3A_943 = arith.mulf %gather3A_938, %get3A_942 : vector<16xf32>
    %add3A_944 = arith.addf %add3A_917, %mul3A_943 : vector<16xf32>
    %get3A_945 = arith.constant 29 : i32
    %get3A_946 = arith.index_cast %get3A_945 : i32 to index
    %get3A_947 = arith.constant 16 : index
    %get3A_948 = tpu.vector_load %arg10[%get3A_946, %get3A_947] {strides = array<i32>} : memref<128x64xf32, #tpu.memory_space<vmem>>, vector<16xf32>,
    %mul3A_949 = arith.mulf %gather3A_938, %get3A_948 : vector<16xf32>
    %add3A_950 = arith.addf %add3A_923, %mul3A_949 : vector<16xf32>
    %get3A_951 = arith.constant 29 : i32
    %get3A_952 = arith.index_cast %get3A_951 : i32 to index
    %get3A_953 = arith.constant 32 : index
    %get3A_954 = tpu.vector_load %arg10[%get3A_952, %get3A_953] {strides = array<i32>} : memref<128x64xf32, #tpu.memory_space<vmem>>, vector<16xf32>,
    %mul3A_955 = arith.mulf %gather3A_938, %get3A_954 : vector<16xf32>
    %add3A_956 = arith.addf %add3A_929, %mul3A_955 : vector<16xf32>
    %get3A_957 = arith.constant 29 : i32
    %get3A_958 = arith.index_cast %get3A_957 : i32 to index
    %get3A_959 = arith.constant 48 : index
    %get3A_960 = tpu.vector_load %arg10[%get3A_958, %get3A_959] {strides = array<i32>} : memref<128x64xf32, #tpu.memory_space<vmem>>, vector<16xf32>,
    %mul3A_961 = arith.mulf %gather3A_938, %get3A_960 : vector<16xf32>
    %add3A_962 = arith.addf %add3A_935, %mul3A_961 : vector<16xf32>
    %broadcast_in_dim3A_963 = arith.constant 71 : i32
    %broadcast_in_dim3A_964 = vector.broadcast %broadcast_in_dim3A_963 : i32 to vector<16xi32>
    %gather3A_965 = tpu.vector_load_idx %arg9[%broadcast_in_dim3A_964] : memref<272xf32, #tpu.memory_space<vmem>>[vector<16xi32>], vector<16xf32>,
    %get3A_966 = arith.constant 30 : i32
    %get3A_967 = arith.index_cast %get3A_966 : i32 to index
    %get3A_968 = arith.constant 0 : index
    %get3A_969 = tpu.vector_load %arg10[%get3A_967, %get3A_968] {strides = array<i32>} : memref<128x64xf32, #tpu.memory_space<vmem>>, vector<16xf32>,
    %mul3A_970 = arith.mulf %gather3A_965, %get3A_969 : vector<16xf32>
    %add3A_971 = arith.addf %add3A_944, %mul3A_970 : vector<16xf32>
    %get3A_972 = arith.constant 30 : i32
    %get3A_973 = arith.index_cast %get3A_972 : i32 to index
    %get3A_974 = arith.constant 16 : index
    %get3A_975 = tpu.vector_load %arg10[%get3A_973, %get3A_974] {strides = array<i32>} : memref<128x64xf32, #tpu.memory_space<vmem>>, vector<16xf32>,
    %mul3A_976 = arith.mulf %gather3A_965, %get3A_975 : vector<16xf32>
    %add3A_977 = arith.addf %add3A_950, %mul3A_976 : vector<16xf32>
    %get3A_978 = arith.constant 30 : i32
    %get3A_979 = arith.index_cast %get3A_978 : i32 to index
    %get3A_980 = arith.constant 32 : index
    %get3A_981 = tpu.vector_load %arg10[%get3A_979, %get3A_980] {strides = array<i32>} : memref<128x64xf32, #tpu.memory_space<vmem>>, vector<16xf32>,
    %mul3A_982 = arith.mulf %gather3A_965, %get3A_981 : vector<16xf32>
    %add3A_983 = arith.addf %add3A_956, %mul3A_982 : vector<16xf32>
    %get3A_984 = arith.constant 30 : i32
    %get3A_985 = arith.index_cast %get3A_984 : i32 to index
    %get3A_986 = arith.constant 48 : index
    %get3A_987 = tpu.vector_load %arg10[%get3A_985, %get3A_986] {strides = array<i32>} : memref<128x64xf32, #tpu.memory_space<vmem>>, vector<16xf32>,
    %mul3A_988 = arith.mulf %gather3A_965, %get3A_987 : vector<16xf32>
    %add3A_989 = arith.addf %add3A_962, %mul3A_988 : vector<16xf32>
    %broadcast_in_dim3A_990 = arith.constant 72 : i32
    %broadcast_in_dim3A_991 = vector.broadcast %broadcast_in_dim3A_990 : i32 to vector<16xi32>
    %gather3A_992 = tpu.vector_load_idx %arg9[%broadcast_in_dim3A_991] : memref<272xf32, #tpu.memory_space<vmem>>[vector<16xi32>], vector<16xf32>,
    %get3A_993 = arith.constant 31 : i32
    %get3A_994 = arith.index_cast %get3A_993 : i32 to index
    %get3A_995 = arith.constant 0 : index
    %get3A_996 = tpu.vector_load %arg10[%get3A_994, %get3A_995] {strides = array<i32>} : memref<128x64xf32, #tpu.memory_space<vmem>>, vector<16xf32>,
    %mul3A_997 = arith.mulf %gather3A_992, %get3A_996 : vector<16xf32>
    %add3A_998 = arith.addf %add3A_971, %mul3A_997 : vector<16xf32>
    %get3A_999 = arith.constant 31 : i32
    %get3A_1000 = arith.index_cast %get3A_999 : i32 to index
    %get3A_1001 = arith.constant 16 : index
    %get3A_1002 = tpu.vector_load %arg10[%get3A_1000, %get3A_1001] {strides = array<i32>} : memref<128x64xf32, #tpu.memory_space<vmem>>, vector<16xf32>,
    %mul3A_1003 = arith.mulf %gather3A_992, %get3A_1002 : vector<16xf32>
    %add3A_1004 = arith.addf %add3A_977, %mul3A_1003 : vector<16xf32>
    %get3A_1005 = arith.constant 31 : i32
    %get3A_1006 = arith.index_cast %get3A_1005 : i32 to index
    %get3A_1007 = arith.constant 32 : index
    %get3A_1008 = tpu.vector_load %arg10[%get3A_1006, %get3A_1007] {strides = array<i32>} : memref<128x64xf32, #tpu.memory_space<vmem>>, vector<16xf32>,
    %mul3A_1009 = arith.mulf %gather3A_992, %get3A_1008 : vector<16xf32>
    %add3A_1010 = arith.addf %add3A_983, %mul3A_1009 : vector<16xf32>
    %get3A_1011 = arith.constant 31 : i32
    %get3A_1012 = arith.index_cast %get3A_1011 : i32 to index
    %get3A_1013 = arith.constant 48 : index
    %get3A_1014 = tpu.vector_load %arg10[%get3A_1012, %get3A_1013] {strides = array<i32>} : memref<128x64xf32, #tpu.memory_space<vmem>>, vector<16xf32>,
    %mul3A_1015 = arith.mulf %gather3A_992, %get3A_1014 : vector<16xf32>
    %add3A_1016 = arith.addf %add3A_989, %mul3A_1015 : vector<16xf32>
    %swap3A_1017 = arith.constant 3 : i32
    %swap3A_1018 = arith.index_cast %swap3A_1017 : i32 to index
    %swap3A_1019 = arith.constant 0 : index
    %swap3A_1020 = tpu.vector_load %arg12[%swap3A_1018, %swap3A_1019] {strides = array<i32>} : memref<16x64xf32, #tpu.memory_space<vmem>>, vector<16xf32>,
    tpu.vector_store %arg12[%swap3A_1018, %swap3A_1019], %add3A_998 {strides = array<i32>} : memref<16x64xf32, #tpu.memory_space<vmem>>, vector<16xf32>,
    %swap3A_1021 = arith.constant 3 : i32
    %swap3A_1022 = arith.index_cast %swap3A_1021 : i32 to index
    %swap3A_1023 = arith.constant 16 : index
    %swap3A_1024 = tpu.vector_load %arg12[%swap3A_1022, %swap3A_1023] {strides = array<i32>} : memref<16x64xf32, #tpu.memory_space<vmem>>, vector<16xf32>,
    tpu.vector_store %arg12[%swap3A_1022, %swap3A_1023], %add3A_1004 {strides = array<i32>} : memref<16x64xf32, #tpu.memory_space<vmem>>, vector<16xf32>,
    %swap3A_1025 = arith.constant 3 : i32
    %swap3A_1026 = arith.index_cast %swap3A_1025 : i32 to index
    %swap3A_1027 = arith.constant 32 : index
    %swap3A_1028 = tpu.vector_load %arg12[%swap3A_1026, %swap3A_1027] {strides = array<i32>} : memref<16x64xf32, #tpu.memory_space<vmem>>, vector<16xf32>,
    tpu.vector_store %arg12[%swap3A_1026, %swap3A_1027], %add3A_1010 {strides = array<i32>} : memref<16x64xf32, #tpu.memory_space<vmem>>, vector<16xf32>,
    %swap3A_1029 = arith.constant 3 : i32
    %swap3A_1030 = arith.index_cast %swap3A_1029 : i32 to index
    %swap3A_1031 = arith.constant 48 : index
    %swap3A_1032 = tpu.vector_load %arg12[%swap3A_1030, %swap3A_1031] {strides = array<i32>} : memref<16x64xf32, #tpu.memory_space<vmem>>, vector<16xf32>,
    tpu.vector_store %arg12[%swap3A_1030, %swap3A_1031], %add3A_1016 {strides = array<i32>} : memref<16x64xf32, #tpu.memory_space<vmem>>, vector<16xf32>,
    %broadcast_in_dim3A_1033 = arith.constant 80 : i32
    %broadcast_in_dim3A_1034 = vector.broadcast %broadcast_in_dim3A_1033 : i32 to vector<16xi32>
    %gather3A_1035 = tpu.vector_load_idx %arg9[%broadcast_in_dim3A_1034] : memref<272xf32, #tpu.memory_space<vmem>>[vector<16xi32>], vector<16xf32>,
    %get3A_1036 = arith.constant 4 : i32
    %get3A_1037 = arith.index_cast %get3A_1036 : i32 to index
    %get3A_1038 = arith.constant 0 : index
    %get3A_1039 = tpu.vector_load %arg11[%get3A_1037, %get3A_1038] {strides = array<i32>} : memref<16x64xf32, #tpu.memory_space<vmem>>, vector<16xf32>,
    %mul3A_1040 = arith.mulf %gather3A_1035, %get3A_1039 : vector<16xf32>
    %get3A_1041 = arith.constant 4 : i32
    %get3A_1042 = arith.index_cast %get3A_1041 : i32 to index
    %get3A_1043 = arith.constant 16 : index
    %get3A_1044 = tpu.vector_load %arg11[%get3A_1042, %get3A_1043] {strides = array<i32>} : memref<16x64xf32, #tpu.memory_space<vmem>>, vector<16xf32>,
    %mul3A_1045 = arith.mulf %gather3A_1035, %get3A_1044 : vector<16xf32>
    %get3A_1046 = arith.constant 4 : i32
    %get3A_1047 = arith.index_cast %get3A_1046 : i32 to index
    %get3A_1048 = arith.constant 32 : index
    %get3A_1049 = tpu.vector_load %arg11[%get3A_1047, %get3A_1048] {strides = array<i32>} : memref<16x64xf32, #tpu.memory_space<vmem>>, vector<16xf32>,
    %mul3A_1050 = arith.mulf %gather3A_1035, %get3A_1049 : vector<16xf32>
    %get3A_1051 = arith.constant 4 : i32
    %get3A_1052 = arith.index_cast %get3A_1051 : i32 to index
    %get3A_1053 = arith.constant 48 : index
    %get3A_1054 = tpu.vector_load %arg11[%get3A_1052, %get3A_1053] {strides = array<i32>} : memref<16x64xf32, #tpu.memory_space<vmem>>, vector<16xf32>,
    %mul3A_1055 = arith.mulf %gather3A_1035, %get3A_1054 : vector<16xf32>
    %broadcast_in_dim3A_1056 = arith.constant 81 : i32
    %broadcast_in_dim3A_1057 = vector.broadcast %broadcast_in_dim3A_1056 : i32 to vector<16xi32>
    %gather3A_1058 = tpu.vector_load_idx %arg9[%broadcast_in_dim3A_1057] : memref<272xf32, #tpu.memory_space<vmem>>[vector<16xi32>], vector<16xf32>,
    %get3A_1059 = arith.constant 32 : i32
    %get3A_1060 = arith.index_cast %get3A_1059 : i32 to index
    %get3A_1061 = arith.constant 0 : index
    %get3A_1062 = tpu.vector_load %arg10[%get3A_1060, %get3A_1061] {strides = array<i32>} : memref<128x64xf32, #tpu.memory_space<vmem>>, vector<16xf32>,
    %mul3A_1063 = arith.mulf %gather3A_1058, %get3A_1062 : vector<16xf32>
    %add3A_1064 = arith.addf %mul3A_1040, %mul3A_1063 : vector<16xf32>
    %get3A_1065 = arith.constant 32 : i32
    %get3A_1066 = arith.index_cast %get3A_1065 : i32 to index
    %get3A_1067 = arith.constant 16 : index
    %get3A_1068 = tpu.vector_load %arg10[%get3A_1066, %get3A_1067] {strides = array<i32>} : memref<128x64xf32, #tpu.memory_space<vmem>>, vector<16xf32>,
    %mul3A_1069 = arith.mulf %gather3A_1058, %get3A_1068 : vector<16xf32>
    %add3A_1070 = arith.addf %mul3A_1045, %mul3A_1069 : vector<16xf32>
    %get3A_1071 = arith.constant 32 : i32
    %get3A_1072 = arith.index_cast %get3A_1071 : i32 to index
    %get3A_1073 = arith.constant 32 : index
    %get3A_1074 = tpu.vector_load %arg10[%get3A_1072, %get3A_1073] {strides = array<i32>} : memref<128x64xf32, #tpu.memory_space<vmem>>, vector<16xf32>,
    %mul3A_1075 = arith.mulf %gather3A_1058, %get3A_1074 : vector<16xf32>
    %add3A_1076 = arith.addf %mul3A_1050, %mul3A_1075 : vector<16xf32>
    %get3A_1077 = arith.constant 32 : i32
    %get3A_1078 = arith.index_cast %get3A_1077 : i32 to index
    %get3A_1079 = arith.constant 48 : index
    %get3A_1080 = tpu.vector_load %arg10[%get3A_1078, %get3A_1079] {strides = array<i32>} : memref<128x64xf32, #tpu.memory_space<vmem>>, vector<16xf32>,
    %mul3A_1081 = arith.mulf %gather3A_1058, %get3A_1080 : vector<16xf32>
    %add3A_1082 = arith.addf %mul3A_1055, %mul3A_1081 : vector<16xf32>
    %broadcast_in_dim3A_1083 = arith.constant 82 : i32
    %broadcast_in_dim3A_1084 = vector.broadcast %broadcast_in_dim3A_1083 : i32 to vector<16xi32>
    %gather3A_1085 = tpu.vector_load_idx %arg9[%broadcast_in_dim3A_1084] : memref<272xf32, #tpu.memory_space<vmem>>[vector<16xi32>], vector<16xf32>,
    %get3A_1086 = arith.constant 33 : i32
    %get3A_1087 = arith.index_cast %get3A_1086 : i32 to index
    %get3A_1088 = arith.constant 0 : index
    %get3A_1089 = tpu.vector_load %arg10[%get3A_1087, %get3A_1088] {strides = array<i32>} : memref<128x64xf32, #tpu.memory_space<vmem>>, vector<16xf32>,
    %mul3A_1090 = arith.mulf %gather3A_1085, %get3A_1089 : vector<16xf32>
    %add3A_1091 = arith.addf %add3A_1064, %mul3A_1090 : vector<16xf32>
    %get3A_1092 = arith.constant 33 : i32
    %get3A_1093 = arith.index_cast %get3A_1092 : i32 to index
    %get3A_1094 = arith.constant 16 : index
    %get3A_1095 = tpu.vector_load %arg10[%get3A_1093, %get3A_1094] {strides = array<i32>} : memref<128x64xf32, #tpu.memory_space<vmem>>, vector<16xf32>,
    %mul3A_1096 = arith.mulf %gather3A_1085, %get3A_1095 : vector<16xf32>
    %add3A_1097 = arith.addf %add3A_1070, %mul3A_1096 : vector<16xf32>
    %get3A_1098 = arith.constant 33 : i32
    %get3A_1099 = arith.index_cast %get3A_1098 : i32 to index
    %get3A_1100 = arith.constant 32 : index
    %get3A_1101 = tpu.vector_load %arg10[%get3A_1099, %get3A_1100] {strides = array<i32>} : memref<128x64xf32, #tpu.memory_space<vmem>>, vector<16xf32>,
    %mul3A_1102 = arith.mulf %gather3A_1085, %get3A_1101 : vector<16xf32>
    %add3A_1103 = arith.addf %add3A_1076, %mul3A_1102 : vector<16xf32>
    %get3A_1104 = arith.constant 33 : i32
    %get3A_1105 = arith.index_cast %get3A_1104 : i32 to index
    %get3A_1106 = arith.constant 48 : index
    %get3A_1107 = tpu.vector_load %arg10[%get3A_1105, %get3A_1106] {strides = array<i32>} : memref<128x64xf32, #tpu.memory_space<vmem>>, vector<16xf32>,
    %mul3A_1108 = arith.mulf %gather3A_1085, %get3A_1107 : vector<16xf32>
    %add3A_1109 = arith.addf %add3A_1082, %mul3A_1108 : vector<16xf32>
    %broadcast_in_dim3A_1110 = arith.constant 83 : i32
    %broadcast_in_dim3A_1111 = vector.broadcast %broadcast_in_dim3A_1110 : i32 to vector<16xi32>
    %gather3A_1112 = tpu.vector_load_idx %arg9[%broadcast_in_dim3A_1111] : memref<272xf32, #tpu.memory_space<vmem>>[vector<16xi32>], vector<16xf32>,
    %get3A_1113 = arith.constant 34 : i32
    %get3A_1114 = arith.index_cast %get3A_1113 : i32 to index
    %get3A_1115 = arith.constant 0 : index
    %get3A_1116 = tpu.vector_load %arg10[%get3A_1114, %get3A_1115] {strides = array<i32>} : memref<128x64xf32, #tpu.memory_space<vmem>>, vector<16xf32>,
    %mul3A_1117 = arith.mulf %gather3A_1112, %get3A_1116 : vector<16xf32>
    %add3A_1118 = arith.addf %add3A_1091, %mul3A_1117 : vector<16xf32>
    %get3A_1119 = arith.constant 34 : i32
    %get3A_1120 = arith.index_cast %get3A_1119 : i32 to index
    %get3A_1121 = arith.constant 16 : index
    %get3A_1122 = tpu.vector_load %arg10[%get3A_1120, %get3A_1121] {strides = array<i32>} : memref<128x64xf32, #tpu.memory_space<vmem>>, vector<16xf32>,
    %mul3A_1123 = arith.mulf %gather3A_1112, %get3A_1122 : vector<16xf32>
    %add3A_1124 = arith.addf %add3A_1097, %mul3A_1123 : vector<16xf32>
    %get3A_1125 = arith.constant 34 : i32
    %get3A_1126 = arith.index_cast %get3A_1125 : i32 to index
    %get3A_1127 = arith.constant 32 : index
    %get3A_1128 = tpu.vector_load %arg10[%get3A_1126, %get3A_1127] {strides = array<i32>} : memref<128x64xf32, #tpu.memory_space<vmem>>, vector<16xf32>,
    %mul3A_1129 = arith.mulf %gather3A_1112, %get3A_1128 : vector<16xf32>
    %add3A_1130 = arith.addf %add3A_1103, %mul3A_1129 : vector<16xf32>
    %get3A_1131 = arith.constant 34 : i32
    %get3A_1132 = arith.index_cast %get3A_1131 : i32 to index
    %get3A_1133 = arith.constant 48 : index
    %get3A_1134 = tpu.vector_load %arg10[%get3A_1132, %get3A_1133] {strides = array<i32>} : memref<128x64xf32, #tpu.memory_space<vmem>>, vector<16xf32>,
    %mul3A_1135 = arith.mulf %gather3A_1112, %get3A_1134 : vector<16xf32>
    %add3A_1136 = arith.addf %add3A_1109, %mul3A_1135 : vector<16xf32>
    %broadcast_in_dim3A_1137 = arith.constant 84 : i32
    %broadcast_in_dim3A_1138 = vector.broadcast %broadcast_in_dim3A_1137 : i32 to vector<16xi32>
    %gather3A_1139 = tpu.vector_load_idx %arg9[%broadcast_in_dim3A_1138] : memref<272xf32, #tpu.memory_space<vmem>>[vector<16xi32>], vector<16xf32>,
    %get3A_1140 = arith.constant 35 : i32
    %get3A_1141 = arith.index_cast %get3A_1140 : i32 to index
    %get3A_1142 = arith.constant 0 : index
    %get3A_1143 = tpu.vector_load %arg10[%get3A_1141, %get3A_1142] {strides = array<i32>} : memref<128x64xf32, #tpu.memory_space<vmem>>, vector<16xf32>,
    %mul3A_1144 = arith.mulf %gather3A_1139, %get3A_1143 : vector<16xf32>
    %add3A_1145 = arith.addf %add3A_1118, %mul3A_1144 : vector<16xf32>
    %get3A_1146 = arith.constant 35 : i32
    %get3A_1147 = arith.index_cast %get3A_1146 : i32 to index
    %get3A_1148 = arith.constant 16 : index
    %get3A_1149 = tpu.vector_load %arg10[%get3A_1147, %get3A_1148] {strides = array<i32>} : memref<128x64xf32, #tpu.memory_space<vmem>>, vector<16xf32>,
    %mul3A_1150 = arith.mulf %gather3A_1139, %get3A_1149 : vector<16xf32>
    %add3A_1151 = arith.addf %add3A_1124, %mul3A_1150 : vector<16xf32>
    %get3A_1152 = arith.constant 35 : i32
    %get3A_1153 = arith.index_cast %get3A_1152 : i32 to index
    %get3A_1154 = arith.constant 32 : index
    %get3A_1155 = tpu.vector_load %arg10[%get3A_1153, %get3A_1154] {strides = array<i32>} : memref<128x64xf32, #tpu.memory_space<vmem>>, vector<16xf32>,
    %mul3A_1156 = arith.mulf %gather3A_1139, %get3A_1155 : vector<16xf32>
    %add3A_1157 = arith.addf %add3A_1130, %mul3A_1156 : vector<16xf32>
    %get3A_1158 = arith.constant 35 : i32
    %get3A_1159 = arith.index_cast %get3A_1158 : i32 to index
    %get3A_1160 = arith.constant 48 : index
    %get3A_1161 = tpu.vector_load %arg10[%get3A_1159, %get3A_1160] {strides = array<i32>} : memref<128x64xf32, #tpu.memory_space<vmem>>, vector<16xf32>,
    %mul3A_1162 = arith.mulf %gather3A_1139, %get3A_1161 : vector<16xf32>
    %add3A_1163 = arith.addf %add3A_1136, %mul3A_1162 : vector<16xf32>
    %broadcast_in_dim3A_1164 = arith.constant 85 : i32
    %broadcast_in_dim3A_1165 = vector.broadcast %broadcast_in_dim3A_1164 : i32 to vector<16xi32>
    %gather3A_1166 = tpu.vector_load_idx %arg9[%broadcast_in_dim3A_1165] : memref<272xf32, #tpu.memory_space<vmem>>[vector<16xi32>], vector<16xf32>,
    %get3A_1167 = arith.constant 36 : i32
    %get3A_1168 = arith.index_cast %get3A_1167 : i32 to index
    %get3A_1169 = arith.constant 0 : index
    %get3A_1170 = tpu.vector_load %arg10[%get3A_1168, %get3A_1169] {strides = array<i32>} : memref<128x64xf32, #tpu.memory_space<vmem>>, vector<16xf32>,
    %mul3A_1171 = arith.mulf %gather3A_1166, %get3A_1170 : vector<16xf32>
    %add3A_1172 = arith.addf %add3A_1145, %mul3A_1171 : vector<16xf32>
    %get3A_1173 = arith.constant 36 : i32
    %get3A_1174 = arith.index_cast %get3A_1173 : i32 to index
    %get3A_1175 = arith.constant 16 : index
    %get3A_1176 = tpu.vector_load %arg10[%get3A_1174, %get3A_1175] {strides = array<i32>} : memref<128x64xf32, #tpu.memory_space<vmem>>, vector<16xf32>,
    %mul3A_1177 = arith.mulf %gather3A_1166, %get3A_1176 : vector<16xf32>
    %add3A_1178 = arith.addf %add3A_1151, %mul3A_1177 : vector<16xf32>
    %get3A_1179 = arith.constant 36 : i32
    %get3A_1180 = arith.index_cast %get3A_1179 : i32 to index
    %get3A_1181 = arith.constant 32 : index
    %get3A_1182 = tpu.vector_load %arg10[%get3A_1180, %get3A_1181] {strides = array<i32>} : memref<128x64xf32, #tpu.memory_space<vmem>>, vector<16xf32>,
    %mul3A_1183 = arith.mulf %gather3A_1166, %get3A_1182 : vector<16xf32>
    %add3A_1184 = arith.addf %add3A_1157, %mul3A_1183 : vector<16xf32>
    %get3A_1185 = arith.constant 36 : i32
    %get3A_1186 = arith.index_cast %get3A_1185 : i32 to index
    %get3A_1187 = arith.constant 48 : index
    %get3A_1188 = tpu.vector_load %arg10[%get3A_1186, %get3A_1187] {strides = array<i32>} : memref<128x64xf32, #tpu.memory_space<vmem>>, vector<16xf32>,
    %mul3A_1189 = arith.mulf %gather3A_1166, %get3A_1188 : vector<16xf32>
    %add3A_1190 = arith.addf %add3A_1163, %mul3A_1189 : vector<16xf32>
    %broadcast_in_dim3A_1191 = arith.constant 86 : i32
    %broadcast_in_dim3A_1192 = vector.broadcast %broadcast_in_dim3A_1191 : i32 to vector<16xi32>
    %gather3A_1193 = tpu.vector_load_idx %arg9[%broadcast_in_dim3A_1192] : memref<272xf32, #tpu.memory_space<vmem>>[vector<16xi32>], vector<16xf32>,
    %get3A_1194 = arith.constant 37 : i32
    %get3A_1195 = arith.index_cast %get3A_1194 : i32 to index
    %get3A_1196 = arith.constant 0 : index
    %get3A_1197 = tpu.vector_load %arg10[%get3A_1195, %get3A_1196] {strides = array<i32>} : memref<128x64xf32, #tpu.memory_space<vmem>>, vector<16xf32>,
    %mul3A_1198 = arith.mulf %gather3A_1193, %get3A_1197 : vector<16xf32>
    %add3A_1199 = arith.addf %add3A_1172, %mul3A_1198 : vector<16xf32>
    %get3A_1200 = arith.constant 37 : i32
    %get3A_1201 = arith.index_cast %get3A_1200 : i32 to index
    %get3A_1202 = arith.constant 16 : index
    %get3A_1203 = tpu.vector_load %arg10[%get3A_1201, %get3A_1202] {strides = array<i32>} : memref<128x64xf32, #tpu.memory_space<vmem>>, vector<16xf32>,
    %mul3A_1204 = arith.mulf %gather3A_1193, %get3A_1203 : vector<16xf32>
    %add3A_1205 = arith.addf %add3A_1178, %mul3A_1204 : vector<16xf32>
    %get3A_1206 = arith.constant 37 : i32
    %get3A_1207 = arith.index_cast %get3A_1206 : i32 to index
    %get3A_1208 = arith.constant 32 : index
    %get3A_1209 = tpu.vector_load %arg10[%get3A_1207, %get3A_1208] {strides = array<i32>} : memref<128x64xf32, #tpu.memory_space<vmem>>, vector<16xf32>,
    %mul3A_1210 = arith.mulf %gather3A_1193, %get3A_1209 : vector<16xf32>
    %add3A_1211 = arith.addf %add3A_1184, %mul3A_1210 : vector<16xf32>
    %get3A_1212 = arith.constant 37 : i32
    %get3A_1213 = arith.index_cast %get3A_1212 : i32 to index
    %get3A_1214 = arith.constant 48 : index
    %get3A_1215 = tpu.vector_load %arg10[%get3A_1213, %get3A_1214] {strides = array<i32>} : memref<128x64xf32, #tpu.memory_space<vmem>>, vector<16xf32>,
    %mul3A_1216 = arith.mulf %gather3A_1193, %get3A_1215 : vector<16xf32>
    %add3A_1217 = arith.addf %add3A_1190, %mul3A_1216 : vector<16xf32>
    %broadcast_in_dim3A_1218 = arith.constant 87 : i32
    %broadcast_in_dim3A_1219 = vector.broadcast %broadcast_in_dim3A_1218 : i32 to vector<16xi32>
    %gather3A_1220 = tpu.vector_load_idx %arg9[%broadcast_in_dim3A_1219] : memref<272xf32, #tpu.memory_space<vmem>>[vector<16xi32>], vector<16xf32>,
    %get3A_1221 = arith.constant 38 : i32
    %get3A_1222 = arith.index_cast %get3A_1221 : i32 to index
    %get3A_1223 = arith.constant 0 : index
    %get3A_1224 = tpu.vector_load %arg10[%get3A_1222, %get3A_1223] {strides = array<i32>} : memref<128x64xf32, #tpu.memory_space<vmem>>, vector<16xf32>,
    %mul3A_1225 = arith.mulf %gather3A_1220, %get3A_1224 : vector<16xf32>
    %add3A_1226 = arith.addf %add3A_1199, %mul3A_1225 : vector<16xf32>
    %get3A_1227 = arith.constant 38 : i32
    %get3A_1228 = arith.index_cast %get3A_1227 : i32 to index
    %get3A_1229 = arith.constant 16 : index
    %get3A_1230 = tpu.vector_load %arg10[%get3A_1228, %get3A_1229] {strides = array<i32>} : memref<128x64xf32, #tpu.memory_space<vmem>>, vector<16xf32>,
    %mul3A_1231 = arith.mulf %gather3A_1220, %get3A_1230 : vector<16xf32>
    %add3A_1232 = arith.addf %add3A_1205, %mul3A_1231 : vector<16xf32>
    %get3A_1233 = arith.constant 38 : i32
    %get3A_1234 = arith.index_cast %get3A_1233 : i32 to index
    %get3A_1235 = arith.constant 32 : index
    %get3A_1236 = tpu.vector_load %arg10[%get3A_1234, %get3A_1235] {strides = array<i32>} : memref<128x64xf32, #tpu.memory_space<vmem>>, vector<16xf32>,
    %mul3A_1237 = arith.mulf %gather3A_1220, %get3A_1236 : vector<16xf32>
    %add3A_1238 = arith.addf %add3A_1211, %mul3A_1237 : vector<16xf32>
    %get3A_1239 = arith.constant 38 : i32
    %get3A_1240 = arith.index_cast %get3A_1239 : i32 to index
    %get3A_1241 = arith.constant 48 : index
    %get3A_1242 = tpu.vector_load %arg10[%get3A_1240, %get3A_1241] {strides = array<i32>} : memref<128x64xf32, #tpu.memory_space<vmem>>, vector<16xf32>,
    %mul3A_1243 = arith.mulf %gather3A_1220, %get3A_1242 : vector<16xf32>
    %add3A_1244 = arith.addf %add3A_1217, %mul3A_1243 : vector<16xf32>
    %broadcast_in_dim3A_1245 = arith.constant 88 : i32
    %broadcast_in_dim3A_1246 = vector.broadcast %broadcast_in_dim3A_1245 : i32 to vector<16xi32>
    %gather3A_1247 = tpu.vector_load_idx %arg9[%broadcast_in_dim3A_1246] : memref<272xf32, #tpu.memory_space<vmem>>[vector<16xi32>], vector<16xf32>,
    %get3A_1248 = arith.constant 39 : i32
    %get3A_1249 = arith.index_cast %get3A_1248 : i32 to index
    %get3A_1250 = arith.constant 0 : index
    %get3A_1251 = tpu.vector_load %arg10[%get3A_1249, %get3A_1250] {strides = array<i32>} : memref<128x64xf32, #tpu.memory_space<vmem>>, vector<16xf32>,
    %mul3A_1252 = arith.mulf %gather3A_1247, %get3A_1251 : vector<16xf32>
    %add3A_1253 = arith.addf %add3A_1226, %mul3A_1252 : vector<16xf32>
    %get3A_1254 = arith.constant 39 : i32
    %get3A_1255 = arith.index_cast %get3A_1254 : i32 to index
    %get3A_1256 = arith.constant 16 : index
    %get3A_1257 = tpu.vector_load %arg10[%get3A_1255, %get3A_1256] {strides = array<i32>} : memref<128x64xf32, #tpu.memory_space<vmem>>, vector<16xf32>,
    %mul3A_1258 = arith.mulf %gather3A_1247, %get3A_1257 : vector<16xf32>
    %add3A_1259 = arith.addf %add3A_1232, %mul3A_1258 : vector<16xf32>
    %get3A_1260 = arith.constant 39 : i32
    %get3A_1261 = arith.index_cast %get3A_1260 : i32 to index
    %get3A_1262 = arith.constant 32 : index
    %get3A_1263 = tpu.vector_load %arg10[%get3A_1261, %get3A_1262] {strides = array<i32>} : memref<128x64xf32, #tpu.memory_space<vmem>>, vector<16xf32>,
    %mul3A_1264 = arith.mulf %gather3A_1247, %get3A_1263 : vector<16xf32>
    %add3A_1265 = arith.addf %add3A_1238, %mul3A_1264 : vector<16xf32>
    %get3A_1266 = arith.constant 39 : i32
    %get3A_1267 = arith.index_cast %get3A_1266 : i32 to index
    %get3A_1268 = arith.constant 48 : index
    %get3A_1269 = tpu.vector_load %arg10[%get3A_1267, %get3A_1268] {strides = array<i32>} : memref<128x64xf32, #tpu.memory_space<vmem>>, vector<16xf32>,
    %mul3A_1270 = arith.mulf %gather3A_1247, %get3A_1269 : vector<16xf32>
    %add3A_1271 = arith.addf %add3A_1244, %mul3A_1270 : vector<16xf32>
    %swap3A_1272 = arith.constant 4 : i32
    %swap3A_1273 = arith.index_cast %swap3A_1272 : i32 to index
    %swap3A_1274 = arith.constant 0 : index
    %swap3A_1275 = tpu.vector_load %arg12[%swap3A_1273, %swap3A_1274] {strides = array<i32>} : memref<16x64xf32, #tpu.memory_space<vmem>>, vector<16xf32>,
    tpu.vector_store %arg12[%swap3A_1273, %swap3A_1274], %add3A_1253 {strides = array<i32>} : memref<16x64xf32, #tpu.memory_space<vmem>>, vector<16xf32>,
    %swap3A_1276 = arith.constant 4 : i32
    %swap3A_1277 = arith.index_cast %swap3A_1276 : i32 to index
    %swap3A_1278 = arith.constant 16 : index
    %swap3A_1279 = tpu.vector_load %arg12[%swap3A_1277, %swap3A_1278] {strides = array<i32>} : memref<16x64xf32, #tpu.memory_space<vmem>>, vector<16xf32>,
    tpu.vector_store %arg12[%swap3A_1277, %swap3A_1278], %add3A_1259 {strides = array<i32>} : memref<16x64xf32, #tpu.memory_space<vmem>>, vector<16xf32>,
    %swap3A_1280 = arith.constant 4 : i32
    %swap3A_1281 = arith.index_cast %swap3A_1280 : i32 to index
    %swap3A_1282 = arith.constant 32 : index
    %swap3A_1283 = tpu.vector_load %arg12[%swap3A_1281, %swap3A_1282] {strides = array<i32>} : memref<16x64xf32, #tpu.memory_space<vmem>>, vector<16xf32>,
    tpu.vector_store %arg12[%swap3A_1281, %swap3A_1282], %add3A_1265 {strides = array<i32>} : memref<16x64xf32, #tpu.memory_space<vmem>>, vector<16xf32>,
    %swap3A_1284 = arith.constant 4 : i32
    %swap3A_1285 = arith.index_cast %swap3A_1284 : i32 to index
    %swap3A_1286 = arith.constant 48 : index
    %swap3A_1287 = tpu.vector_load %arg12[%swap3A_1285, %swap3A_1286] {strides = array<i32>} : memref<16x64xf32, #tpu.memory_space<vmem>>, vector<16xf32>,
    tpu.vector_store %arg12[%swap3A_1285, %swap3A_1286], %add3A_1271 {strides = array<i32>} : memref<16x64xf32, #tpu.memory_space<vmem>>, vector<16xf32>,
    %broadcast_in_dim3A_1288 = arith.constant 96 : i32
    %broadcast_in_dim3A_1289 = vector.broadcast %broadcast_in_dim3A_1288 : i32 to vector<16xi32>
    %gather3A_1290 = tpu.vector_load_idx %arg9[%broadcast_in_dim3A_1289] : memref<272xf32, #tpu.memory_space<vmem>>[vector<16xi32>], vector<16xf32>,
    %get3A_1291 = arith.constant 5 : i32
    %get3A_1292 = arith.index_cast %get3A_1291 : i32 to index
    %get3A_1293 = arith.constant 0 : index
    %get3A_1294 = tpu.vector_load %arg11[%get3A_1292, %get3A_1293] {strides = array<i32>} : memref<16x64xf32, #tpu.memory_space<vmem>>, vector<16xf32>,
    %mul3A_1295 = arith.mulf %gather3A_1290, %get3A_1294 : vector<16xf32>
    %get3A_1296 = arith.constant 5 : i32
    %get3A_1297 = arith.index_cast %get3A_1296 : i32 to index
    %get3A_1298 = arith.constant 16 : index
    %get3A_1299 = tpu.vector_load %arg11[%get3A_1297, %get3A_1298] {strides = array<i32>} : memref<16x64xf32, #tpu.memory_space<vmem>>, vector<16xf32>,
    %mul3A_1300 = arith.mulf %gather3A_1290, %get3A_1299 : vector<16xf32>
    %get3A_1301 = arith.constant 5 : i32
    %get3A_1302 = arith.index_cast %get3A_1301 : i32 to index
    %get3A_1303 = arith.constant 32 : index
    %get3A_1304 = tpu.vector_load %arg11[%get3A_1302, %get3A_1303] {strides = array<i32>} : memref<16x64xf32, #tpu.memory_space<vmem>>, vector<16xf32>,
    %mul3A_1305 = arith.mulf %gather3A_1290, %get3A_1304 : vector<16xf32>
    %get3A_1306 = arith.constant 5 : i32
    %get3A_1307 = arith.index_cast %get3A_1306 : i32 to index
    %get3A_1308 = arith.constant 48 : index
    %get3A_1309 = tpu.vector_load %arg11[%get3A_1307, %get3A_1308] {strides = array<i32>} : memref<16x64xf32, #tpu.memory_space<vmem>>, vector<16xf32>,
    %mul3A_1310 = arith.mulf %gather3A_1290, %get3A_1309 : vector<16xf32>
    %broadcast_in_dim3A_1311 = arith.constant 97 : i32
    %broadcast_in_dim3A_1312 = vector.broadcast %broadcast_in_dim3A_1311 : i32 to vector<16xi32>
    %gather3A_1313 = tpu.vector_load_idx %arg9[%broadcast_in_dim3A_1312] : memref<272xf32, #tpu.memory_space<vmem>>[vector<16xi32>], vector<16xf32>,
    %get3A_1314 = arith.constant 40 : i32
    %get3A_1315 = arith.index_cast %get3A_1314 : i32 to index
    %get3A_1316 = arith.constant 0 : index
    %get3A_1317 = tpu.vector_load %arg10[%get3A_1315, %get3A_1316] {strides = array<i32>} : memref<128x64xf32, #tpu.memory_space<vmem>>, vector<16xf32>,
    %mul3A_1318 = arith.mulf %gather3A_1313, %get3A_1317 : vector<16xf32>
    %add3A_1319 = arith.addf %mul3A_1295, %mul3A_1318 : vector<16xf32>
    %get3A_1320 = arith.constant 40 : i32
    %get3A_1321 = arith.index_cast %get3A_1320 : i32 to index
    %get3A_1322 = arith.constant 16 : index
    %get3A_1323 = tpu.vector_load %arg10[%get3A_1321, %get3A_1322] {strides = array<i32>} : memref<128x64xf32, #tpu.memory_space<vmem>>, vector<16xf32>,
    %mul3A_1324 = arith.mulf %gather3A_1313, %get3A_1323 : vector<16xf32>
    %add3A_1325 = arith.addf %mul3A_1300, %mul3A_1324 : vector<16xf32>
    %get3A_1326 = arith.constant 40 : i32
    %get3A_1327 = arith.index_cast %get3A_1326 : i32 to index
    %get3A_1328 = arith.constant 32 : index
    %get3A_1329 = tpu.vector_load %arg10[%get3A_1327, %get3A_1328] {strides = array<i32>} : memref<128x64xf32, #tpu.memory_space<vmem>>, vector<16xf32>,
    %mul3A_1330 = arith.mulf %gather3A_1313, %get3A_1329 : vector<16xf32>
    %add3A_1331 = arith.addf %mul3A_1305, %mul3A_1330 : vector<16xf32>
    %get3A_1332 = arith.constant 40 : i32
    %get3A_1333 = arith.index_cast %get3A_1332 : i32 to index
    %get3A_1334 = arith.constant 48 : index
    %get3A_1335 = tpu.vector_load %arg10[%get3A_1333, %get3A_1334] {strides = array<i32>} : memref<128x64xf32, #tpu.memory_space<vmem>>, vector<16xf32>,
    %mul3A_1336 = arith.mulf %gather3A_1313, %get3A_1335 : vector<16xf32>
    %add3A_1337 = arith.addf %mul3A_1310, %mul3A_1336 : vector<16xf32>
    %broadcast_in_dim3A_1338 = arith.constant 98 : i32
    %broadcast_in_dim3A_1339 = vector.broadcast %broadcast_in_dim3A_1338 : i32 to vector<16xi32>
    %gather3A_1340 = tpu.vector_load_idx %arg9[%broadcast_in_dim3A_1339] : memref<272xf32, #tpu.memory_space<vmem>>[vector<16xi32>], vector<16xf32>,
    %get3A_1341 = arith.constant 41 : i32
    %get3A_1342 = arith.index_cast %get3A_1341 : i32 to index
    %get3A_1343 = arith.constant 0 : index
    %get3A_1344 = tpu.vector_load %arg10[%get3A_1342, %get3A_1343] {strides = array<i32>} : memref<128x64xf32, #tpu.memory_space<vmem>>, vector<16xf32>,
    %mul3A_1345 = arith.mulf %gather3A_1340, %get3A_1344 : vector<16xf32>
    %add3A_1346 = arith.addf %add3A_1319, %mul3A_1345 : vector<16xf32>
    %get3A_1347 = arith.constant 41 : i32
    %get3A_1348 = arith.index_cast %get3A_1347 : i32 to index
    %get3A_1349 = arith.constant 16 : index
    %get3A_1350 = tpu.vector_load %arg10[%get3A_1348, %get3A_1349] {strides = array<i32>} : memref<128x64xf32, #tpu.memory_space<vmem>>, vector<16xf32>,
    %mul3A_1351 = arith.mulf %gather3A_1340, %get3A_1350 : vector<16xf32>
    %add3A_1352 = arith.addf %add3A_1325, %mul3A_1351 : vector<16xf32>
    %get3A_1353 = arith.constant 41 : i32
    %get3A_1354 = arith.index_cast %get3A_1353 : i32 to index
    %get3A_1355 = arith.constant 32 : index
    %get3A_1356 = tpu.vector_load %arg10[%get3A_1354, %get3A_1355] {strides = array<i32>} : memref<128x64xf32, #tpu.memory_space<vmem>>, vector<16xf32>,
    %mul3A_1357 = arith.mulf %gather3A_1340, %get3A_1356 : vector<16xf32>
    %add3A_1358 = arith.addf %add3A_1331, %mul3A_1357 : vector<16xf32>
    %get3A_1359 = arith.constant 41 : i32
    %get3A_1360 = arith.index_cast %get3A_1359 : i32 to index
    %get3A_1361 = arith.constant 48 : index
    %get3A_1362 = tpu.vector_load %arg10[%get3A_1360, %get3A_1361] {strides = array<i32>} : memref<128x64xf32, #tpu.memory_space<vmem>>, vector<16xf32>,
    %mul3A_1363 = arith.mulf %gather3A_1340, %get3A_1362 : vector<16xf32>
    %add3A_1364 = arith.addf %add3A_1337, %mul3A_1363 : vector<16xf32>
    %broadcast_in_dim3A_1365 = arith.constant 99 : i32
    %broadcast_in_dim3A_1366 = vector.broadcast %broadcast_in_dim3A_1365 : i32 to vector<16xi32>
    %gather3A_1367 = tpu.vector_load_idx %arg9[%broadcast_in_dim3A_1366] : memref<272xf32, #tpu.memory_space<vmem>>[vector<16xi32>], vector<16xf32>,
    %get3A_1368 = arith.constant 42 : i32
    %get3A_1369 = arith.index_cast %get3A_1368 : i32 to index
    %get3A_1370 = arith.constant 0 : index
    %get3A_1371 = tpu.vector_load %arg10[%get3A_1369, %get3A_1370] {strides = array<i32>} : memref<128x64xf32, #tpu.memory_space<vmem>>, vector<16xf32>,
    %mul3A_1372 = arith.mulf %gather3A_1367, %get3A_1371 : vector<16xf32>
    %add3A_1373 = arith.addf %add3A_1346, %mul3A_1372 : vector<16xf32>
    %get3A_1374 = arith.constant 42 : i32
    %get3A_1375 = arith.index_cast %get3A_1374 : i32 to index
    %get3A_1376 = arith.constant 16 : index
    %get3A_1377 = tpu.vector_load %arg10[%get3A_1375, %get3A_1376] {strides = array<i32>} : memref<128x64xf32, #tpu.memory_space<vmem>>, vector<16xf32>,
    %mul3A_1378 = arith.mulf %gather3A_1367, %get3A_1377 : vector<16xf32>
    %add3A_1379 = arith.addf %add3A_1352, %mul3A_1378 : vector<16xf32>
    %get3A_1380 = arith.constant 42 : i32
    %get3A_1381 = arith.index_cast %get3A_1380 : i32 to index
    %get3A_1382 = arith.constant 32 : index
    %get3A_1383 = tpu.vector_load %arg10[%get3A_1381, %get3A_1382] {strides = array<i32>} : memref<128x64xf32, #tpu.memory_space<vmem>>, vector<16xf32>,
    %mul3A_1384 = arith.mulf %gather3A_1367, %get3A_1383 : vector<16xf32>
    %add3A_1385 = arith.addf %add3A_1358, %mul3A_1384 : vector<16xf32>
    %get3A_1386 = arith.constant 42 : i32
    %get3A_1387 = arith.index_cast %get3A_1386 : i32 to index
    %get3A_1388 = arith.constant 48 : index
    %get3A_1389 = tpu.vector_load %arg10[%get3A_1387, %get3A_1388] {strides = array<i32>} : memref<128x64xf32, #tpu.memory_space<vmem>>, vector<16xf32>,
    %mul3A_1390 = arith.mulf %gather3A_1367, %get3A_1389 : vector<16xf32>
    %add3A_1391 = arith.addf %add3A_1364, %mul3A_1390 : vector<16xf32>
    %broadcast_in_dim3A_1392 = arith.constant 100 : i32
    %broadcast_in_dim3A_1393 = vector.broadcast %broadcast_in_dim3A_1392 : i32 to vector<16xi32>
    %gather3A_1394 = tpu.vector_load_idx %arg9[%broadcast_in_dim3A_1393] : memref<272xf32, #tpu.memory_space<vmem>>[vector<16xi32>], vector<16xf32>,
    %get3A_1395 = arith.constant 43 : i32
    %get3A_1396 = arith.index_cast %get3A_1395 : i32 to index
    %get3A_1397 = arith.constant 0 : index
    %get3A_1398 = tpu.vector_load %arg10[%get3A_1396, %get3A_1397] {strides = array<i32>} : memref<128x64xf32, #tpu.memory_space<vmem>>, vector<16xf32>,
    %mul3A_1399 = arith.mulf %gather3A_1394, %get3A_1398 : vector<16xf32>
    %add3A_1400 = arith.addf %add3A_1373, %mul3A_1399 : vector<16xf32>
    %get3A_1401 = arith.constant 43 : i32
    %get3A_1402 = arith.index_cast %get3A_1401 : i32 to index
    %get3A_1403 = arith.constant 16 : index
    %get3A_1404 = tpu.vector_load %arg10[%get3A_1402, %get3A_1403] {strides = array<i32>} : memref<128x64xf32, #tpu.memory_space<vmem>>, vector<16xf32>,
    %mul3A_1405 = arith.mulf %gather3A_1394, %get3A_1404 : vector<16xf32>
    %add3A_1406 = arith.addf %add3A_1379, %mul3A_1405 : vector<16xf32>
    %get3A_1407 = arith.constant 43 : i32
    %get3A_1408 = arith.index_cast %get3A_1407 : i32 to index
    %get3A_1409 = arith.constant 32 : index
    %get3A_1410 = tpu.vector_load %arg10[%get3A_1408, %get3A_1409] {strides = array<i32>} : memref<128x64xf32, #tpu.memory_space<vmem>>, vector<16xf32>,
    %mul3A_1411 = arith.mulf %gather3A_1394, %get3A_1410 : vector<16xf32>
    %add3A_1412 = arith.addf %add3A_1385, %mul3A_1411 : vector<16xf32>
    %get3A_1413 = arith.constant 43 : i32
    %get3A_1414 = arith.index_cast %get3A_1413 : i32 to index
    %get3A_1415 = arith.constant 48 : index
    %get3A_1416 = tpu.vector_load %arg10[%get3A_1414, %get3A_1415] {strides = array<i32>} : memref<128x64xf32, #tpu.memory_space<vmem>>, vector<16xf32>,
    %mul3A_1417 = arith.mulf %gather3A_1394, %get3A_1416 : vector<16xf32>
    %add3A_1418 = arith.addf %add3A_1391, %mul3A_1417 : vector<16xf32>
    %broadcast_in_dim3A_1419 = arith.constant 101 : i32
    %broadcast_in_dim3A_1420 = vector.broadcast %broadcast_in_dim3A_1419 : i32 to vector<16xi32>
    %gather3A_1421 = tpu.vector_load_idx %arg9[%broadcast_in_dim3A_1420] : memref<272xf32, #tpu.memory_space<vmem>>[vector<16xi32>], vector<16xf32>,
    %get3A_1422 = arith.constant 44 : i32
    %get3A_1423 = arith.index_cast %get3A_1422 : i32 to index
    %get3A_1424 = arith.constant 0 : index
    %get3A_1425 = tpu.vector_load %arg10[%get3A_1423, %get3A_1424] {strides = array<i32>} : memref<128x64xf32, #tpu.memory_space<vmem>>, vector<16xf32>,
    %mul3A_1426 = arith.mulf %gather3A_1421, %get3A_1425 : vector<16xf32>
    %add3A_1427 = arith.addf %add3A_1400, %mul3A_1426 : vector<16xf32>
    %get3A_1428 = arith.constant 44 : i32
    %get3A_1429 = arith.index_cast %get3A_1428 : i32 to index
    %get3A_1430 = arith.constant 16 : index
    %get3A_1431 = tpu.vector_load %arg10[%get3A_1429, %get3A_1430] {strides = array<i32>} : memref<128x64xf32, #tpu.memory_space<vmem>>, vector<16xf32>,
    %mul3A_1432 = arith.mulf %gather3A_1421, %get3A_1431 : vector<16xf32>
    %add3A_1433 = arith.addf %add3A_1406, %mul3A_1432 : vector<16xf32>
    %get3A_1434 = arith.constant 44 : i32
    %get3A_1435 = arith.index_cast %get3A_1434 : i32 to index
    %get3A_1436 = arith.constant 32 : index
    %get3A_1437 = tpu.vector_load %arg10[%get3A_1435, %get3A_1436] {strides = array<i32>} : memref<128x64xf32, #tpu.memory_space<vmem>>, vector<16xf32>,
    %mul3A_1438 = arith.mulf %gather3A_1421, %get3A_1437 : vector<16xf32>
    %add3A_1439 = arith.addf %add3A_1412, %mul3A_1438 : vector<16xf32>
    %get3A_1440 = arith.constant 44 : i32
    %get3A_1441 = arith.index_cast %get3A_1440 : i32 to index
    %get3A_1442 = arith.constant 48 : index
    %get3A_1443 = tpu.vector_load %arg10[%get3A_1441, %get3A_1442] {strides = array<i32>} : memref<128x64xf32, #tpu.memory_space<vmem>>, vector<16xf32>,
    %mul3A_1444 = arith.mulf %gather3A_1421, %get3A_1443 : vector<16xf32>
    %add3A_1445 = arith.addf %add3A_1418, %mul3A_1444 : vector<16xf32>
    %broadcast_in_dim3A_1446 = arith.constant 102 : i32
    %broadcast_in_dim3A_1447 = vector.broadcast %broadcast_in_dim3A_1446 : i32 to vector<16xi32>
    %gather3A_1448 = tpu.vector_load_idx %arg9[%broadcast_in_dim3A_1447] : memref<272xf32, #tpu.memory_space<vmem>>[vector<16xi32>], vector<16xf32>,
    %get3A_1449 = arith.constant 45 : i32
    %get3A_1450 = arith.index_cast %get3A_1449 : i32 to index
    %get3A_1451 = arith.constant 0 : index
    %get3A_1452 = tpu.vector_load %arg10[%get3A_1450, %get3A_1451] {strides = array<i32>} : memref<128x64xf32, #tpu.memory_space<vmem>>, vector<16xf32>,
    %mul3A_1453 = arith.mulf %gather3A_1448, %get3A_1452 : vector<16xf32>
    %add3A_1454 = arith.addf %add3A_1427, %mul3A_1453 : vector<16xf32>
    %get3A_1455 = arith.constant 45 : i32
    %get3A_1456 = arith.index_cast %get3A_1455 : i32 to index
    %get3A_1457 = arith.constant 16 : index
    %get3A_1458 = tpu.vector_load %arg10[%get3A_1456, %get3A_1457] {strides = array<i32>} : memref<128x64xf32, #tpu.memory_space<vmem>>, vector<16xf32>,
    %mul3A_1459 = arith.mulf %gather3A_1448, %get3A_1458 : vector<16xf32>
    %add3A_1460 = arith.addf %add3A_1433, %mul3A_1459 : vector<16xf32>
    %get3A_1461 = arith.constant 45 : i32
    %get3A_1462 = arith.index_cast %get3A_1461 : i32 to index
    %get3A_1463 = arith.constant 32 : index
    %get3A_1464 = tpu.vector_load %arg10[%get3A_1462, %get3A_1463] {strides = array<i32>} : memref<128x64xf32, #tpu.memory_space<vmem>>, vector<16xf32>,
    %mul3A_1465 = arith.mulf %gather3A_1448, %get3A_1464 : vector<16xf32>
    %add3A_1466 = arith.addf %add3A_1439, %mul3A_1465 : vector<16xf32>
    %get3A_1467 = arith.constant 45 : i32
    %get3A_1468 = arith.index_cast %get3A_1467 : i32 to index
    %get3A_1469 = arith.constant 48 : index
    %get3A_1470 = tpu.vector_load %arg10[%get3A_1468, %get3A_1469] {strides = array<i32>} : memref<128x64xf32, #tpu.memory_space<vmem>>, vector<16xf32>,
    %mul3A_1471 = arith.mulf %gather3A_1448, %get3A_1470 : vector<16xf32>
    %add3A_1472 = arith.addf %add3A_1445, %mul3A_1471 : vector<16xf32>
    %broadcast_in_dim3A_1473 = arith.constant 103 : i32
    %broadcast_in_dim3A_1474 = vector.broadcast %broadcast_in_dim3A_1473 : i32 to vector<16xi32>
    %gather3A_1475 = tpu.vector_load_idx %arg9[%broadcast_in_dim3A_1474] : memref<272xf32, #tpu.memory_space<vmem>>[vector<16xi32>], vector<16xf32>,
    %get3A_1476 = arith.constant 46 : i32
    %get3A_1477 = arith.index_cast %get3A_1476 : i32 to index
    %get3A_1478 = arith.constant 0 : index
    %get3A_1479 = tpu.vector_load %arg10[%get3A_1477, %get3A_1478] {strides = array<i32>} : memref<128x64xf32, #tpu.memory_space<vmem>>, vector<16xf32>,
    %mul3A_1480 = arith.mulf %gather3A_1475, %get3A_1479 : vector<16xf32>
    %add3A_1481 = arith.addf %add3A_1454, %mul3A_1480 : vector<16xf32>
    %get3A_1482 = arith.constant 46 : i32
    %get3A_1483 = arith.index_cast %get3A_1482 : i32 to index
    %get3A_1484 = arith.constant 16 : index
    %get3A_1485 = tpu.vector_load %arg10[%get3A_1483, %get3A_1484] {strides = array<i32>} : memref<128x64xf32, #tpu.memory_space<vmem>>, vector<16xf32>,
    %mul3A_1486 = arith.mulf %gather3A_1475, %get3A_1485 : vector<16xf32>
    %add3A_1487 = arith.addf %add3A_1460, %mul3A_1486 : vector<16xf32>
    %get3A_1488 = arith.constant 46 : i32
    %get3A_1489 = arith.index_cast %get3A_1488 : i32 to index
    %get3A_1490 = arith.constant 32 : index
    %get3A_1491 = tpu.vector_load %arg10[%get3A_1489, %get3A_1490] {strides = array<i32>} : memref<128x64xf32, #tpu.memory_space<vmem>>, vector<16xf32>,
    %mul3A_1492 = arith.mulf %gather3A_1475, %get3A_1491 : vector<16xf32>
    %add3A_1493 = arith.addf %add3A_1466, %mul3A_1492 : vector<16xf32>
    %get3A_1494 = arith.constant 46 : i32
    %get3A_1495 = arith.index_cast %get3A_1494 : i32 to index
    %get3A_1496 = arith.constant 48 : index
    %get3A_1497 = tpu.vector_load %arg10[%get3A_1495, %get3A_1496] {strides = array<i32>} : memref<128x64xf32, #tpu.memory_space<vmem>>, vector<16xf32>,
    %mul3A_1498 = arith.mulf %gather3A_1475, %get3A_1497 : vector<16xf32>
    %add3A_1499 = arith.addf %add3A_1472, %mul3A_1498 : vector<16xf32>
    %broadcast_in_dim3A_1500 = arith.constant 104 : i32
    %broadcast_in_dim3A_1501 = vector.broadcast %broadcast_in_dim3A_1500 : i32 to vector<16xi32>
    %gather3A_1502 = tpu.vector_load_idx %arg9[%broadcast_in_dim3A_1501] : memref<272xf32, #tpu.memory_space<vmem>>[vector<16xi32>], vector<16xf32>,
    %get3A_1503 = arith.constant 47 : i32
    %get3A_1504 = arith.index_cast %get3A_1503 : i32 to index
    %get3A_1505 = arith.constant 0 : index
    %get3A_1506 = tpu.vector_load %arg10[%get3A_1504, %get3A_1505] {strides = array<i32>} : memref<128x64xf32, #tpu.memory_space<vmem>>, vector<16xf32>,
    %mul3A_1507 = arith.mulf %gather3A_1502, %get3A_1506 : vector<16xf32>
    %add3A_1508 = arith.addf %add3A_1481, %mul3A_1507 : vector<16xf32>
    %get3A_1509 = arith.constant 47 : i32
    %get3A_1510 = arith.index_cast %get3A_1509 : i32 to index
    %get3A_1511 = arith.constant 16 : index
    %get3A_1512 = tpu.vector_load %arg10[%get3A_1510, %get3A_1511] {strides = array<i32>} : memref<128x64xf32, #tpu.memory_space<vmem>>, vector<16xf32>,
    %mul3A_1513 = arith.mulf %gather3A_1502, %get3A_1512 : vector<16xf32>
    %add3A_1514 = arith.addf %add3A_1487, %mul3A_1513 : vector<16xf32>
    %get3A_1515 = arith.constant 47 : i32
    %get3A_1516 = arith.index_cast %get3A_1515 : i32 to index
    %get3A_1517 = arith.constant 32 : index
    %get3A_1518 = tpu.vector_load %arg10[%get3A_1516, %get3A_1517] {strides = array<i32>} : memref<128x64xf32, #tpu.memory_space<vmem>>, vector<16xf32>,
    %mul3A_1519 = arith.mulf %gather3A_1502, %get3A_1518 : vector<16xf32>
    %add3A_1520 = arith.addf %add3A_1493, %mul3A_1519 : vector<16xf32>
    %get3A_1521 = arith.constant 47 : i32
    %get3A_1522 = arith.index_cast %get3A_1521 : i32 to index
    %get3A_1523 = arith.constant 48 : index
    %get3A_1524 = tpu.vector_load %arg10[%get3A_1522, %get3A_1523] {strides = array<i32>} : memref<128x64xf32, #tpu.memory_space<vmem>>, vector<16xf32>,
    %mul3A_1525 = arith.mulf %gather3A_1502, %get3A_1524 : vector<16xf32>
    %add3A_1526 = arith.addf %add3A_1499, %mul3A_1525 : vector<16xf32>
    %swap3A_1527 = arith.constant 5 : i32
    %swap3A_1528 = arith.index_cast %swap3A_1527 : i32 to index
    %swap3A_1529 = arith.constant 0 : index
    %swap3A_1530 = tpu.vector_load %arg12[%swap3A_1528, %swap3A_1529] {strides = array<i32>} : memref<16x64xf32, #tpu.memory_space<vmem>>, vector<16xf32>,
    tpu.vector_store %arg12[%swap3A_1528, %swap3A_1529], %add3A_1508 {strides = array<i32>} : memref<16x64xf32, #tpu.memory_space<vmem>>, vector<16xf32>,
    %swap3A_1531 = arith.constant 5 : i32
    %swap3A_1532 = arith.index_cast %swap3A_1531 : i32 to index
    %swap3A_1533 = arith.constant 16 : index
    %swap3A_1534 = tpu.vector_load %arg12[%swap3A_1532, %swap3A_1533] {strides = array<i32>} : memref<16x64xf32, #tpu.memory_space<vmem>>, vector<16xf32>,
    tpu.vector_store %arg12[%swap3A_1532, %swap3A_1533], %add3A_1514 {strides = array<i32>} : memref<16x64xf32, #tpu.memory_space<vmem>>, vector<16xf32>,
    %swap3A_1535 = arith.constant 5 : i32
    %swap3A_1536 = arith.index_cast %swap3A_1535 : i32 to index
    %swap3A_1537 = arith.constant 32 : index
    %swap3A_1538 = tpu.vector_load %arg12[%swap3A_1536, %swap3A_1537] {strides = array<i32>} : memref<16x64xf32, #tpu.memory_space<vmem>>, vector<16xf32>,
    tpu.vector_store %arg12[%swap3A_1536, %swap3A_1537], %add3A_1520 {strides = array<i32>} : memref<16x64xf32, #tpu.memory_space<vmem>>, vector<16xf32>,
    %swap3A_1539 = arith.constant 5 : i32
    %swap3A_1540 = arith.index_cast %swap3A_1539 : i32 to index
    %swap3A_1541 = arith.constant 48 : index
    %swap3A_1542 = tpu.vector_load %arg12[%swap3A_1540, %swap3A_1541] {strides = array<i32>} : memref<16x64xf32, #tpu.memory_space<vmem>>, vector<16xf32>,
    tpu.vector_store %arg12[%swap3A_1540, %swap3A_1541], %add3A_1526 {strides = array<i32>} : memref<16x64xf32, #tpu.memory_space<vmem>>, vector<16xf32>,
    %broadcast_in_dim3A_1543 = arith.constant 112 : i32
    %broadcast_in_dim3A_1544 = vector.broadcast %broadcast_in_dim3A_1543 : i32 to vector<16xi32>
    %gather3A_1545 = tpu.vector_load_idx %arg9[%broadcast_in_dim3A_1544] : memref<272xf32, #tpu.memory_space<vmem>>[vector<16xi32>], vector<16xf32>,
    %get3A_1546 = arith.constant 6 : i32
    %get3A_1547 = arith.index_cast %get3A_1546 : i32 to index
    %get3A_1548 = arith.constant 0 : index
    %get3A_1549 = tpu.vector_load %arg11[%get3A_1547, %get3A_1548] {strides = array<i32>} : memref<16x64xf32, #tpu.memory_space<vmem>>, vector<16xf32>,
    %mul3A_1550 = arith.mulf %gather3A_1545, %get3A_1549 : vector<16xf32>
    %get3A_1551 = arith.constant 6 : i32
    %get3A_1552 = arith.index_cast %get3A_1551 : i32 to index
    %get3A_1553 = arith.constant 16 : index
    %get3A_1554 = tpu.vector_load %arg11[%get3A_1552, %get3A_1553] {strides = array<i32>} : memref<16x64xf32, #tpu.memory_space<vmem>>, vector<16xf32>,
    %mul3A_1555 = arith.mulf %gather3A_1545, %get3A_1554 : vector<16xf32>
    %get3A_1556 = arith.constant 6 : i32
    %get3A_1557 = arith.index_cast %get3A_1556 : i32 to index
    %get3A_1558 = arith.constant 32 : index
    %get3A_1559 = tpu.vector_load %arg11[%get3A_1557, %get3A_1558] {strides = array<i32>} : memref<16x64xf32, #tpu.memory_space<vmem>>, vector<16xf32>,
    %mul3A_1560 = arith.mulf %gather3A_1545, %get3A_1559 : vector<16xf32>
    %get3A_1561 = arith.constant 6 : i32
    %get3A_1562 = arith.index_cast %get3A_1561 : i32 to index
    %get3A_1563 = arith.constant 48 : index
    %get3A_1564 = tpu.vector_load %arg11[%get3A_1562, %get3A_1563] {strides = array<i32>} : memref<16x64xf32, #tpu.memory_space<vmem>>, vector<16xf32>,
    %mul3A_1565 = arith.mulf %gather3A_1545, %get3A_1564 : vector<16xf32>
    %broadcast_in_dim3A_1566 = arith.constant 113 : i32
    %broadcast_in_dim3A_1567 = vector.broadcast %broadcast_in_dim3A_1566 : i32 to vector<16xi32>
    %gather3A_1568 = tpu.vector_load_idx %arg9[%broadcast_in_dim3A_1567] : memref<272xf32, #tpu.memory_space<vmem>>[vector<16xi32>], vector<16xf32>,
    %get3A_1569 = arith.constant 48 : i32
    %get3A_1570 = arith.index_cast %get3A_1569 : i32 to index
    %get3A_1571 = arith.constant 0 : index
    %get3A_1572 = tpu.vector_load %arg10[%get3A_1570, %get3A_1571] {strides = array<i32>} : memref<128x64xf32, #tpu.memory_space<vmem>>, vector<16xf32>,
    %mul3A_1573 = arith.mulf %gather3A_1568, %get3A_1572 : vector<16xf32>
    %add3A_1574 = arith.addf %mul3A_1550, %mul3A_1573 : vector<16xf32>
    %get3A_1575 = arith.constant 48 : i32
    %get3A_1576 = arith.index_cast %get3A_1575 : i32 to index
    %get3A_1577 = arith.constant 16 : index
    %get3A_1578 = tpu.vector_load %arg10[%get3A_1576, %get3A_1577] {strides = array<i32>} : memref<128x64xf32, #tpu.memory_space<vmem>>, vector<16xf32>,
    %mul3A_1579 = arith.mulf %gather3A_1568, %get3A_1578 : vector<16xf32>
    %add3A_1580 = arith.addf %mul3A_1555, %mul3A_1579 : vector<16xf32>
    %get3A_1581 = arith.constant 48 : i32
    %get3A_1582 = arith.index_cast %get3A_1581 : i32 to index
    %get3A_1583 = arith.constant 32 : index
    %get3A_1584 = tpu.vector_load %arg10[%get3A_1582, %get3A_1583] {strides = array<i32>} : memref<128x64xf32, #tpu.memory_space<vmem>>, vector<16xf32>,
    %mul3A_1585 = arith.mulf %gather3A_1568, %get3A_1584 : vector<16xf32>
    %add3A_1586 = arith.addf %mul3A_1560, %mul3A_1585 : vector<16xf32>
    %get3A_1587 = arith.constant 48 : i32
    %get3A_1588 = arith.index_cast %get3A_1587 : i32 to index
    %get3A_1589 = arith.constant 48 : index
    %get3A_1590 = tpu.vector_load %arg10[%get3A_1588, %get3A_1589] {strides = array<i32>} : memref<128x64xf32, #tpu.memory_space<vmem>>, vector<16xf32>,
    %mul3A_1591 = arith.mulf %gather3A_1568, %get3A_1590 : vector<16xf32>
    %add3A_1592 = arith.addf %mul3A_1565, %mul3A_1591 : vector<16xf32>
    %broadcast_in_dim3A_1593 = arith.constant 114 : i32
    %broadcast_in_dim3A_1594 = vector.broadcast %broadcast_in_dim3A_1593 : i32 to vector<16xi32>
    %gather3A_1595 = tpu.vector_load_idx %arg9[%broadcast_in_dim3A_1594] : memref<272xf32, #tpu.memory_space<vmem>>[vector<16xi32>], vector<16xf32>,
    %get3A_1596 = arith.constant 49 : i32
    %get3A_1597 = arith.index_cast %get3A_1596 : i32 to index
    %get3A_1598 = arith.constant 0 : index
    %get3A_1599 = tpu.vector_load %arg10[%get3A_1597, %get3A_1598] {strides = array<i32>} : memref<128x64xf32, #tpu.memory_space<vmem>>, vector<16xf32>,
    %mul3A_1600 = arith.mulf %gather3A_1595, %get3A_1599 : vector<16xf32>
    %add3A_1601 = arith.addf %add3A_1574, %mul3A_1600 : vector<16xf32>
    %get3A_1602 = arith.constant 49 : i32
    %get3A_1603 = arith.index_cast %get3A_1602 : i32 to index
    %get3A_1604 = arith.constant 16 : index
    %get3A_1605 = tpu.vector_load %arg10[%get3A_1603, %get3A_1604] {strides = array<i32>} : memref<128x64xf32, #tpu.memory_space<vmem>>, vector<16xf32>,
    %mul3A_1606 = arith.mulf %gather3A_1595, %get3A_1605 : vector<16xf32>
    %add3A_1607 = arith.addf %add3A_1580, %mul3A_1606 : vector<16xf32>
    %get3A_1608 = arith.constant 49 : i32
    %get3A_1609 = arith.index_cast %get3A_1608 : i32 to index
    %get3A_1610 = arith.constant 32 : index
    %get3A_1611 = tpu.vector_load %arg10[%get3A_1609, %get3A_1610] {strides = array<i32>} : memref<128x64xf32, #tpu.memory_space<vmem>>, vector<16xf32>,
    %mul3A_1612 = arith.mulf %gather3A_1595, %get3A_1611 : vector<16xf32>
    %add3A_1613 = arith.addf %add3A_1586, %mul3A_1612 : vector<16xf32>
    %get3A_1614 = arith.constant 49 : i32
    %get3A_1615 = arith.index_cast %get3A_1614 : i32 to index
    %get3A_1616 = arith.constant 48 : index
    %get3A_1617 = tpu.vector_load %arg10[%get3A_1615, %get3A_1616] {strides = array<i32>} : memref<128x64xf32, #tpu.memory_space<vmem>>, vector<16xf32>,
    %mul3A_1618 = arith.mulf %gather3A_1595, %get3A_1617 : vector<16xf32>
    %add3A_1619 = arith.addf %add3A_1592, %mul3A_1618 : vector<16xf32>
    %broadcast_in_dim3A_1620 = arith.constant 115 : i32
    %broadcast_in_dim3A_1621 = vector.broadcast %broadcast_in_dim3A_1620 : i32 to vector<16xi32>
    %gather3A_1622 = tpu.vector_load_idx %arg9[%broadcast_in_dim3A_1621] : memref<272xf32, #tpu.memory_space<vmem>>[vector<16xi32>], vector<16xf32>,
    %get3A_1623 = arith.constant 50 : i32
    %get3A_1624 = arith.index_cast %get3A_1623 : i32 to index
    %get3A_1625 = arith.constant 0 : index
    %get3A_1626 = tpu.vector_load %arg10[%get3A_1624, %get3A_1625] {strides = array<i32>} : memref<128x64xf32, #tpu.memory_space<vmem>>, vector<16xf32>,
    %mul3A_1627 = arith.mulf %gather3A_1622, %get3A_1626 : vector<16xf32>
    %add3A_1628 = arith.addf %add3A_1601, %mul3A_1627 : vector<16xf32>
    %get3A_1629 = arith.constant 50 : i32
    %get3A_1630 = arith.index_cast %get3A_1629 : i32 to index
    %get3A_1631 = arith.constant 16 : index
    %get3A_1632 = tpu.vector_load %arg10[%get3A_1630, %get3A_1631] {strides = array<i32>} : memref<128x64xf32, #tpu.memory_space<vmem>>, vector<16xf32>,
    %mul3A_1633 = arith.mulf %gather3A_1622, %get3A_1632 : vector<16xf32>
    %add3A_1634 = arith.addf %add3A_1607, %mul3A_1633 : vector<16xf32>
    %get3A_1635 = arith.constant 50 : i32
    %get3A_1636 = arith.index_cast %get3A_1635 : i32 to index
    %get3A_1637 = arith.constant 32 : index
    %get3A_1638 = tpu.vector_load %arg10[%get3A_1636, %get3A_1637] {strides = array<i32>} : memref<128x64xf32, #tpu.memory_space<vmem>>, vector<16xf32>,
    %mul3A_1639 = arith.mulf %gather3A_1622, %get3A_1638 : vector<16xf32>
    %add3A_1640 = arith.addf %add3A_1613, %mul3A_1639 : vector<16xf32>
    %get3A_1641 = arith.constant 50 : i32
    %get3A_1642 = arith.index_cast %get3A_1641 : i32 to index
    %get3A_1643 = arith.constant 48 : index
    %get3A_1644 = tpu.vector_load %arg10[%get3A_1642, %get3A_1643] {strides = array<i32>} : memref<128x64xf32, #tpu.memory_space<vmem>>, vector<16xf32>,
    %mul3A_1645 = arith.mulf %gather3A_1622, %get3A_1644 : vector<16xf32>
    %add3A_1646 = arith.addf %add3A_1619, %mul3A_1645 : vector<16xf32>
    %broadcast_in_dim3A_1647 = arith.constant 116 : i32
    %broadcast_in_dim3A_1648 = vector.broadcast %broadcast_in_dim3A_1647 : i32 to vector<16xi32>
    %gather3A_1649 = tpu.vector_load_idx %arg9[%broadcast_in_dim3A_1648] : memref<272xf32, #tpu.memory_space<vmem>>[vector<16xi32>], vector<16xf32>,
    %get3A_1650 = arith.constant 51 : i32
    %get3A_1651 = arith.index_cast %get3A_1650 : i32 to index
    %get3A_1652 = arith.constant 0 : index
    %get3A_1653 = tpu.vector_load %arg10[%get3A_1651, %get3A_1652] {strides = array<i32>} : memref<128x64xf32, #tpu.memory_space<vmem>>, vector<16xf32>,
    %mul3A_1654 = arith.mulf %gather3A_1649, %get3A_1653 : vector<16xf32>
    %add3A_1655 = arith.addf %add3A_1628, %mul3A_1654 : vector<16xf32>
    %get3A_1656 = arith.constant 51 : i32
    %get3A_1657 = arith.index_cast %get3A_1656 : i32 to index
    %get3A_1658 = arith.constant 16 : index
    %get3A_1659 = tpu.vector_load %arg10[%get3A_1657, %get3A_1658] {strides = array<i32>} : memref<128x64xf32, #tpu.memory_space<vmem>>, vector<16xf32>,
    %mul3A_1660 = arith.mulf %gather3A_1649, %get3A_1659 : vector<16xf32>
    %add3A_1661 = arith.addf %add3A_1634, %mul3A_1660 : vector<16xf32>
    %get3A_1662 = arith.constant 51 : i32
    %get3A_1663 = arith.index_cast %get3A_1662 : i32 to index
    %get3A_1664 = arith.constant 32 : index
    %get3A_1665 = tpu.vector_load %arg10[%get3A_1663, %get3A_1664] {strides = array<i32>} : memref<128x64xf32, #tpu.memory_space<vmem>>, vector<16xf32>,
    %mul3A_1666 = arith.mulf %gather3A_1649, %get3A_1665 : vector<16xf32>
    %add3A_1667 = arith.addf %add3A_1640, %mul3A_1666 : vector<16xf32>
    %get3A_1668 = arith.constant 51 : i32
    %get3A_1669 = arith.index_cast %get3A_1668 : i32 to index
    %get3A_1670 = arith.constant 48 : index
    %get3A_1671 = tpu.vector_load %arg10[%get3A_1669, %get3A_1670] {strides = array<i32>} : memref<128x64xf32, #tpu.memory_space<vmem>>, vector<16xf32>,
    %mul3A_1672 = arith.mulf %gather3A_1649, %get3A_1671 : vector<16xf32>
    %add3A_1673 = arith.addf %add3A_1646, %mul3A_1672 : vector<16xf32>
    %broadcast_in_dim3A_1674 = arith.constant 117 : i32
    %broadcast_in_dim3A_1675 = vector.broadcast %broadcast_in_dim3A_1674 : i32 to vector<16xi32>
    %gather3A_1676 = tpu.vector_load_idx %arg9[%broadcast_in_dim3A_1675] : memref<272xf32, #tpu.memory_space<vmem>>[vector<16xi32>], vector<16xf32>,
    %get3A_1677 = arith.constant 52 : i32
    %get3A_1678 = arith.index_cast %get3A_1677 : i32 to index
    %get3A_1679 = arith.constant 0 : index
    %get3A_1680 = tpu.vector_load %arg10[%get3A_1678, %get3A_1679] {strides = array<i32>} : memref<128x64xf32, #tpu.memory_space<vmem>>, vector<16xf32>,
    %mul3A_1681 = arith.mulf %gather3A_1676, %get3A_1680 : vector<16xf32>
    %add3A_1682 = arith.addf %add3A_1655, %mul3A_1681 : vector<16xf32>
    %get3A_1683 = arith.constant 52 : i32
    %get3A_1684 = arith.index_cast %get3A_1683 : i32 to index
    %get3A_1685 = arith.constant 16 : index
    %get3A_1686 = tpu.vector_load %arg10[%get3A_1684, %get3A_1685] {strides = array<i32>} : memref<128x64xf32, #tpu.memory_space<vmem>>, vector<16xf32>,
    %mul3A_1687 = arith.mulf %gather3A_1676, %get3A_1686 : vector<16xf32>
    %add3A_1688 = arith.addf %add3A_1661, %mul3A_1687 : vector<16xf32>
    %get3A_1689 = arith.constant 52 : i32
    %get3A_1690 = arith.index_cast %get3A_1689 : i32 to index
    %get3A_1691 = arith.constant 32 : index
    %get3A_1692 = tpu.vector_load %arg10[%get3A_1690, %get3A_1691] {strides = array<i32>} : memref<128x64xf32, #tpu.memory_space<vmem>>, vector<16xf32>,
    %mul3A_1693 = arith.mulf %gather3A_1676, %get3A_1692 : vector<16xf32>
    %add3A_1694 = arith.addf %add3A_1667, %mul3A_1693 : vector<16xf32>
    %get3A_1695 = arith.constant 52 : i32
    %get3A_1696 = arith.index_cast %get3A_1695 : i32 to index
    %get3A_1697 = arith.constant 48 : index
    %get3A_1698 = tpu.vector_load %arg10[%get3A_1696, %get3A_1697] {strides = array<i32>} : memref<128x64xf32, #tpu.memory_space<vmem>>, vector<16xf32>,
    %mul3A_1699 = arith.mulf %gather3A_1676, %get3A_1698 : vector<16xf32>
    %add3A_1700 = arith.addf %add3A_1673, %mul3A_1699 : vector<16xf32>
    %broadcast_in_dim3A_1701 = arith.constant 118 : i32
    %broadcast_in_dim3A_1702 = vector.broadcast %broadcast_in_dim3A_1701 : i32 to vector<16xi32>
    %gather3A_1703 = tpu.vector_load_idx %arg9[%broadcast_in_dim3A_1702] : memref<272xf32, #tpu.memory_space<vmem>>[vector<16xi32>], vector<16xf32>,
    %get3A_1704 = arith.constant 53 : i32
    %get3A_1705 = arith.index_cast %get3A_1704 : i32 to index
    %get3A_1706 = arith.constant 0 : index
    %get3A_1707 = tpu.vector_load %arg10[%get3A_1705, %get3A_1706] {strides = array<i32>} : memref<128x64xf32, #tpu.memory_space<vmem>>, vector<16xf32>,
    %mul3A_1708 = arith.mulf %gather3A_1703, %get3A_1707 : vector<16xf32>
    %add3A_1709 = arith.addf %add3A_1682, %mul3A_1708 : vector<16xf32>
    %get3A_1710 = arith.constant 53 : i32
    %get3A_1711 = arith.index_cast %get3A_1710 : i32 to index
    %get3A_1712 = arith.constant 16 : index
    %get3A_1713 = tpu.vector_load %arg10[%get3A_1711, %get3A_1712] {strides = array<i32>} : memref<128x64xf32, #tpu.memory_space<vmem>>, vector<16xf32>,
    %mul3A_1714 = arith.mulf %gather3A_1703, %get3A_1713 : vector<16xf32>
    %add3A_1715 = arith.addf %add3A_1688, %mul3A_1714 : vector<16xf32>
    %get3A_1716 = arith.constant 53 : i32
    %get3A_1717 = arith.index_cast %get3A_1716 : i32 to index
    %get3A_1718 = arith.constant 32 : index
    %get3A_1719 = tpu.vector_load %arg10[%get3A_1717, %get3A_1718] {strides = array<i32>} : memref<128x64xf32, #tpu.memory_space<vmem>>, vector<16xf32>,
    %mul3A_1720 = arith.mulf %gather3A_1703, %get3A_1719 : vector<16xf32>
    %add3A_1721 = arith.addf %add3A_1694, %mul3A_1720 : vector<16xf32>
    %get3A_1722 = arith.constant 53 : i32
    %get3A_1723 = arith.index_cast %get3A_1722 : i32 to index
    %get3A_1724 = arith.constant 48 : index
    %get3A_1725 = tpu.vector_load %arg10[%get3A_1723, %get3A_1724] {strides = array<i32>} : memref<128x64xf32, #tpu.memory_space<vmem>>, vector<16xf32>,
    %mul3A_1726 = arith.mulf %gather3A_1703, %get3A_1725 : vector<16xf32>
    %add3A_1727 = arith.addf %add3A_1700, %mul3A_1726 : vector<16xf32>
    %broadcast_in_dim3A_1728 = arith.constant 119 : i32
    %broadcast_in_dim3A_1729 = vector.broadcast %broadcast_in_dim3A_1728 : i32 to vector<16xi32>
    %gather3A_1730 = tpu.vector_load_idx %arg9[%broadcast_in_dim3A_1729] : memref<272xf32, #tpu.memory_space<vmem>>[vector<16xi32>], vector<16xf32>,
    %get3A_1731 = arith.constant 54 : i32
    %get3A_1732 = arith.index_cast %get3A_1731 : i32 to index
    %get3A_1733 = arith.constant 0 : index
    %get3A_1734 = tpu.vector_load %arg10[%get3A_1732, %get3A_1733] {strides = array<i32>} : memref<128x64xf32, #tpu.memory_space<vmem>>, vector<16xf32>,
    %mul3A_1735 = arith.mulf %gather3A_1730, %get3A_1734 : vector<16xf32>
    %add3A_1736 = arith.addf %add3A_1709, %mul3A_1735 : vector<16xf32>
    %get3A_1737 = arith.constant 54 : i32
    %get3A_1738 = arith.index_cast %get3A_1737 : i32 to index
    %get3A_1739 = arith.constant 16 : index
    %get3A_1740 = tpu.vector_load %arg10[%get3A_1738, %get3A_1739] {strides = array<i32>} : memref<128x64xf32, #tpu.memory_space<vmem>>, vector<16xf32>,
    %mul3A_1741 = arith.mulf %gather3A_1730, %get3A_1740 : vector<16xf32>
    %add3A_1742 = arith.addf %add3A_1715, %mul3A_1741 : vector<16xf32>
    %get3A_1743 = arith.constant 54 : i32
    %get3A_1744 = arith.index_cast %get3A_1743 : i32 to index
    %get3A_1745 = arith.constant 32 : index
    %get3A_1746 = tpu.vector_load %arg10[%get3A_1744, %get3A_1745] {strides = array<i32>} : memref<128x64xf32, #tpu.memory_space<vmem>>, vector<16xf32>,
    %mul3A_1747 = arith.mulf %gather3A_1730, %get3A_1746 : vector<16xf32>
    %add3A_1748 = arith.addf %add3A_1721, %mul3A_1747 : vector<16xf32>
    %get3A_1749 = arith.constant 54 : i32
    %get3A_1750 = arith.index_cast %get3A_1749 : i32 to index
    %get3A_1751 = arith.constant 48 : index
    %get3A_1752 = tpu.vector_load %arg10[%get3A_1750, %get3A_1751] {strides = array<i32>} : memref<128x64xf32, #tpu.memory_space<vmem>>, vector<16xf32>,
    %mul3A_1753 = arith.mulf %gather3A_1730, %get3A_1752 : vector<16xf32>
    %add3A_1754 = arith.addf %add3A_1727, %mul3A_1753 : vector<16xf32>
    %broadcast_in_dim3A_1755 = arith.constant 120 : i32
    %broadcast_in_dim3A_1756 = vector.broadcast %broadcast_in_dim3A_1755 : i32 to vector<16xi32>
    %gather3A_1757 = tpu.vector_load_idx %arg9[%broadcast_in_dim3A_1756] : memref<272xf32, #tpu.memory_space<vmem>>[vector<16xi32>], vector<16xf32>,
    %get3A_1758 = arith.constant 55 : i32
    %get3A_1759 = arith.index_cast %get3A_1758 : i32 to index
    %get3A_1760 = arith.constant 0 : index
    %get3A_1761 = tpu.vector_load %arg10[%get3A_1759, %get3A_1760] {strides = array<i32>} : memref<128x64xf32, #tpu.memory_space<vmem>>, vector<16xf32>,
    %mul3A_1762 = arith.mulf %gather3A_1757, %get3A_1761 : vector<16xf32>
    %add3A_1763 = arith.addf %add3A_1736, %mul3A_1762 : vector<16xf32>
    %get3A_1764 = arith.constant 55 : i32
    %get3A_1765 = arith.index_cast %get3A_1764 : i32 to index
    %get3A_1766 = arith.constant 16 : index
    %get3A_1767 = tpu.vector_load %arg10[%get3A_1765, %get3A_1766] {strides = array<i32>} : memref<128x64xf32, #tpu.memory_space<vmem>>, vector<16xf32>,
    %mul3A_1768 = arith.mulf %gather3A_1757, %get3A_1767 : vector<16xf32>
    %add3A_1769 = arith.addf %add3A_1742, %mul3A_1768 : vector<16xf32>
    %get3A_1770 = arith.constant 55 : i32
    %get3A_1771 = arith.index_cast %get3A_1770 : i32 to index
    %get3A_1772 = arith.constant 32 : index
    %get3A_1773 = tpu.vector_load %arg10[%get3A_1771, %get3A_1772] {strides = array<i32>} : memref<128x64xf32, #tpu.memory_space<vmem>>, vector<16xf32>,
    %mul3A_1774 = arith.mulf %gather3A_1757, %get3A_1773 : vector<16xf32>
    %add3A_1775 = arith.addf %add3A_1748, %mul3A_1774 : vector<16xf32>
    %get3A_1776 = arith.constant 55 : i32
    %get3A_1777 = arith.index_cast %get3A_1776 : i32 to index
    %get3A_1778 = arith.constant 48 : index
    %get3A_1779 = tpu.vector_load %arg10[%get3A_1777, %get3A_1778] {strides = array<i32>} : memref<128x64xf32, #tpu.memory_space<vmem>>, vector<16xf32>,
    %mul3A_1780 = arith.mulf %gather3A_1757, %get3A_1779 : vector<16xf32>
    %add3A_1781 = arith.addf %add3A_1754, %mul3A_1780 : vector<16xf32>
    %swap3A_1782 = arith.constant 6 : i32
    %swap3A_1783 = arith.index_cast %swap3A_1782 : i32 to index
    %swap3A_1784 = arith.constant 0 : index
    %swap3A_1785 = tpu.vector_load %arg12[%swap3A_1783, %swap3A_1784] {strides = array<i32>} : memref<16x64xf32, #tpu.memory_space<vmem>>, vector<16xf32>,
    tpu.vector_store %arg12[%swap3A_1783, %swap3A_1784], %add3A_1763 {strides = array<i32>} : memref<16x64xf32, #tpu.memory_space<vmem>>, vector<16xf32>,
    %swap3A_1786 = arith.constant 6 : i32
    %swap3A_1787 = arith.index_cast %swap3A_1786 : i32 to index
    %swap3A_1788 = arith.constant 16 : index
    %swap3A_1789 = tpu.vector_load %arg12[%swap3A_1787, %swap3A_1788] {strides = array<i32>} : memref<16x64xf32, #tpu.memory_space<vmem>>, vector<16xf32>,
    tpu.vector_store %arg12[%swap3A_1787, %swap3A_1788], %add3A_1769 {strides = array<i32>} : memref<16x64xf32, #tpu.memory_space<vmem>>, vector<16xf32>,
    %swap3A_1790 = arith.constant 6 : i32
    %swap3A_1791 = arith.index_cast %swap3A_1790 : i32 to index
    %swap3A_1792 = arith.constant 32 : index
    %swap3A_1793 = tpu.vector_load %arg12[%swap3A_1791, %swap3A_1792] {strides = array<i32>} : memref<16x64xf32, #tpu.memory_space<vmem>>, vector<16xf32>,
    tpu.vector_store %arg12[%swap3A_1791, %swap3A_1792], %add3A_1775 {strides = array<i32>} : memref<16x64xf32, #tpu.memory_space<vmem>>, vector<16xf32>,
    %swap3A_1794 = arith.constant 6 : i32
    %swap3A_1795 = arith.index_cast %swap3A_1794 : i32 to index
    %swap3A_1796 = arith.constant 48 : index
    %swap3A_1797 = tpu.vector_load %arg12[%swap3A_1795, %swap3A_1796] {strides = array<i32>} : memref<16x64xf32, #tpu.memory_space<vmem>>, vector<16xf32>,
    tpu.vector_store %arg12[%swap3A_1795, %swap3A_1796], %add3A_1781 {strides = array<i32>} : memref<16x64xf32, #tpu.memory_space<vmem>>, vector<16xf32>,
    %broadcast_in_dim3A_1798 = arith.constant 128 : i32
    %broadcast_in_dim3A_1799 = vector.broadcast %broadcast_in_dim3A_1798 : i32 to vector<16xi32>
    %gather3A_1800 = tpu.vector_load_idx %arg9[%broadcast_in_dim3A_1799] : memref<272xf32, #tpu.memory_space<vmem>>[vector<16xi32>], vector<16xf32>,
    %get3A_1801 = arith.constant 7 : i32
    %get3A_1802 = arith.index_cast %get3A_1801 : i32 to index
    %get3A_1803 = arith.constant 0 : index
    %get3A_1804 = tpu.vector_load %arg11[%get3A_1802, %get3A_1803] {strides = array<i32>} : memref<16x64xf32, #tpu.memory_space<vmem>>, vector<16xf32>,
    %mul3A_1805 = arith.mulf %gather3A_1800, %get3A_1804 : vector<16xf32>
    %get3A_1806 = arith.constant 7 : i32
    %get3A_1807 = arith.index_cast %get3A_1806 : i32 to index
    %get3A_1808 = arith.constant 16 : index
    %get3A_1809 = tpu.vector_load %arg11[%get3A_1807, %get3A_1808] {strides = array<i32>} : memref<16x64xf32, #tpu.memory_space<vmem>>, vector<16xf32>,
    %mul3A_1810 = arith.mulf %gather3A_1800, %get3A_1809 : vector<16xf32>
    %get3A_1811 = arith.constant 7 : i32
    %get3A_1812 = arith.index_cast %get3A_1811 : i32 to index
    %get3A_1813 = arith.constant 32 : index
    %get3A_1814 = tpu.vector_load %arg11[%get3A_1812, %get3A_1813] {strides = array<i32>} : memref<16x64xf32, #tpu.memory_space<vmem>>, vector<16xf32>,
    %mul3A_1815 = arith.mulf %gather3A_1800, %get3A_1814 : vector<16xf32>
    %get3A_1816 = arith.constant 7 : i32
    %get3A_1817 = arith.index_cast %get3A_1816 : i32 to index
    %get3A_1818 = arith.constant 48 : index
    %get3A_1819 = tpu.vector_load %arg11[%get3A_1817, %get3A_1818] {strides = array<i32>} : memref<16x64xf32, #tpu.memory_space<vmem>>, vector<16xf32>,
    %mul3A_1820 = arith.mulf %gather3A_1800, %get3A_1819 : vector<16xf32>
    %broadcast_in_dim3A_1821 = arith.constant 129 : i32
    %broadcast_in_dim3A_1822 = vector.broadcast %broadcast_in_dim3A_1821 : i32 to vector<16xi32>
    %gather3A_1823 = tpu.vector_load_idx %arg9[%broadcast_in_dim3A_1822] : memref<272xf32, #tpu.memory_space<vmem>>[vector<16xi32>], vector<16xf32>,
    %get3A_1824 = arith.constant 56 : i32
    %get3A_1825 = arith.index_cast %get3A_1824 : i32 to index
    %get3A_1826 = arith.constant 0 : index
    %get3A_1827 = tpu.vector_load %arg10[%get3A_1825, %get3A_1826] {strides = array<i32>} : memref<128x64xf32, #tpu.memory_space<vmem>>, vector<16xf32>,
    %mul3A_1828 = arith.mulf %gather3A_1823, %get3A_1827 : vector<16xf32>
    %add3A_1829 = arith.addf %mul3A_1805, %mul3A_1828 : vector<16xf32>
    %get3A_1830 = arith.constant 56 : i32
    %get3A_1831 = arith.index_cast %get3A_1830 : i32 to index
    %get3A_1832 = arith.constant 16 : index
    %get3A_1833 = tpu.vector_load %arg10[%get3A_1831, %get3A_1832] {strides = array<i32>} : memref<128x64xf32, #tpu.memory_space<vmem>>, vector<16xf32>,
    %mul3A_1834 = arith.mulf %gather3A_1823, %get3A_1833 : vector<16xf32>
    %add3A_1835 = arith.addf %mul3A_1810, %mul3A_1834 : vector<16xf32>
    %get3A_1836 = arith.constant 56 : i32
    %get3A_1837 = arith.index_cast %get3A_1836 : i32 to index
    %get3A_1838 = arith.constant 32 : index
    %get3A_1839 = tpu.vector_load %arg10[%get3A_1837, %get3A_1838] {strides = array<i32>} : memref<128x64xf32, #tpu.memory_space<vmem>>, vector<16xf32>,
    %mul3A_1840 = arith.mulf %gather3A_1823, %get3A_1839 : vector<16xf32>
    %add3A_1841 = arith.addf %mul3A_1815, %mul3A_1840 : vector<16xf32>
    %get3A_1842 = arith.constant 56 : i32
    %get3A_1843 = arith.index_cast %get3A_1842 : i32 to index
    %get3A_1844 = arith.constant 48 : index
    %get3A_1845 = tpu.vector_load %arg10[%get3A_1843, %get3A_1844] {strides = array<i32>} : memref<128x64xf32, #tpu.memory_space<vmem>>, vector<16xf32>,
    %mul3A_1846 = arith.mulf %gather3A_1823, %get3A_1845 : vector<16xf32>
    %add3A_1847 = arith.addf %mul3A_1820, %mul3A_1846 : vector<16xf32>
    %broadcast_in_dim3A_1848 = arith.constant 130 : i32
    %broadcast_in_dim3A_1849 = vector.broadcast %broadcast_in_dim3A_1848 : i32 to vector<16xi32>
    %gather3A_1850 = tpu.vector_load_idx %arg9[%broadcast_in_dim3A_1849] : memref<272xf32, #tpu.memory_space<vmem>>[vector<16xi32>], vector<16xf32>,
    %get3A_1851 = arith.constant 57 : i32
    %get3A_1852 = arith.index_cast %get3A_1851 : i32 to index
    %get3A_1853 = arith.constant 0 : index
    %get3A_1854 = tpu.vector_load %arg10[%get3A_1852, %get3A_1853] {strides = array<i32>} : memref<128x64xf32, #tpu.memory_space<vmem>>, vector<16xf32>,
    %mul3A_1855 = arith.mulf %gather3A_1850, %get3A_1854 : vector<16xf32>
    %add3A_1856 = arith.addf %add3A_1829, %mul3A_1855 : vector<16xf32>
    %get3A_1857 = arith.constant 57 : i32
    %get3A_1858 = arith.index_cast %get3A_1857 : i32 to index
    %get3A_1859 = arith.constant 16 : index
    %get3A_1860 = tpu.vector_load %arg10[%get3A_1858, %get3A_1859] {strides = array<i32>} : memref<128x64xf32, #tpu.memory_space<vmem>>, vector<16xf32>,
    %mul3A_1861 = arith.mulf %gather3A_1850, %get3A_1860 : vector<16xf32>
    %add3A_1862 = arith.addf %add3A_1835, %mul3A_1861 : vector<16xf32>
    %get3A_1863 = arith.constant 57 : i32
    %get3A_1864 = arith.index_cast %get3A_1863 : i32 to index
    %get3A_1865 = arith.constant 32 : index
    %get3A_1866 = tpu.vector_load %arg10[%get3A_1864, %get3A_1865] {strides = array<i32>} : memref<128x64xf32, #tpu.memory_space<vmem>>, vector<16xf32>,
    %mul3A_1867 = arith.mulf %gather3A_1850, %get3A_1866 : vector<16xf32>
    %add3A_1868 = arith.addf %add3A_1841, %mul3A_1867 : vector<16xf32>
    %get3A_1869 = arith.constant 57 : i32
    %get3A_1870 = arith.index_cast %get3A_1869 : i32 to index
    %get3A_1871 = arith.constant 48 : index
    %get3A_1872 = tpu.vector_load %arg10[%get3A_1870, %get3A_1871] {strides = array<i32>} : memref<128x64xf32, #tpu.memory_space<vmem>>, vector<16xf32>,
    %mul3A_1873 = arith.mulf %gather3A_1850, %get3A_1872 : vector<16xf32>
    %add3A_1874 = arith.addf %add3A_1847, %mul3A_1873 : vector<16xf32>
    %broadcast_in_dim3A_1875 = arith.constant 131 : i32
    %broadcast_in_dim3A_1876 = vector.broadcast %broadcast_in_dim3A_1875 : i32 to vector<16xi32>
    %gather3A_1877 = tpu.vector_load_idx %arg9[%broadcast_in_dim3A_1876] : memref<272xf32, #tpu.memory_space<vmem>>[vector<16xi32>], vector<16xf32>,
    %get3A_1878 = arith.constant 58 : i32
    %get3A_1879 = arith.index_cast %get3A_1878 : i32 to index
    %get3A_1880 = arith.constant 0 : index
    %get3A_1881 = tpu.vector_load %arg10[%get3A_1879, %get3A_1880] {strides = array<i32>} : memref<128x64xf32, #tpu.memory_space<vmem>>, vector<16xf32>,
    %mul3A_1882 = arith.mulf %gather3A_1877, %get3A_1881 : vector<16xf32>
    %add3A_1883 = arith.addf %add3A_1856, %mul3A_1882 : vector<16xf32>
    %get3A_1884 = arith.constant 58 : i32
    %get3A_1885 = arith.index_cast %get3A_1884 : i32 to index
    %get3A_1886 = arith.constant 16 : index
    %get3A_1887 = tpu.vector_load %arg10[%get3A_1885, %get3A_1886] {strides = array<i32>} : memref<128x64xf32, #tpu.memory_space<vmem>>, vector<16xf32>,
    %mul3A_1888 = arith.mulf %gather3A_1877, %get3A_1887 : vector<16xf32>
    %add3A_1889 = arith.addf %add3A_1862, %mul3A_1888 : vector<16xf32>
    %get3A_1890 = arith.constant 58 : i32
    %get3A_1891 = arith.index_cast %get3A_1890 : i32 to index
    %get3A_1892 = arith.constant 32 : index
    %get3A_1893 = tpu.vector_load %arg10[%get3A_1891, %get3A_1892] {strides = array<i32>} : memref<128x64xf32, #tpu.memory_space<vmem>>, vector<16xf32>,
    %mul3A_1894 = arith.mulf %gather3A_1877, %get3A_1893 : vector<16xf32>
    %add3A_1895 = arith.addf %add3A_1868, %mul3A_1894 : vector<16xf32>
    %get3A_1896 = arith.constant 58 : i32
    %get3A_1897 = arith.index_cast %get3A_1896 : i32 to index
    %get3A_1898 = arith.constant 48 : index
    %get3A_1899 = tpu.vector_load %arg10[%get3A_1897, %get3A_1898] {strides = array<i32>} : memref<128x64xf32, #tpu.memory_space<vmem>>, vector<16xf32>,
    %mul3A_1900 = arith.mulf %gather3A_1877, %get3A_1899 : vector<16xf32>
    %add3A_1901 = arith.addf %add3A_1874, %mul3A_1900 : vector<16xf32>
    %broadcast_in_dim3A_1902 = arith.constant 132 : i32
    %broadcast_in_dim3A_1903 = vector.broadcast %broadcast_in_dim3A_1902 : i32 to vector<16xi32>
    %gather3A_1904 = tpu.vector_load_idx %arg9[%broadcast_in_dim3A_1903] : memref<272xf32, #tpu.memory_space<vmem>>[vector<16xi32>], vector<16xf32>,
    %get3A_1905 = arith.constant 59 : i32
    %get3A_1906 = arith.index_cast %get3A_1905 : i32 to index
    %get3A_1907 = arith.constant 0 : index
    %get3A_1908 = tpu.vector_load %arg10[%get3A_1906, %get3A_1907] {strides = array<i32>} : memref<128x64xf32, #tpu.memory_space<vmem>>, vector<16xf32>,
    %mul3A_1909 = arith.mulf %gather3A_1904, %get3A_1908 : vector<16xf32>
    %add3A_1910 = arith.addf %add3A_1883, %mul3A_1909 : vector<16xf32>
    %get3A_1911 = arith.constant 59 : i32
    %get3A_1912 = arith.index_cast %get3A_1911 : i32 to index
    %get3A_1913 = arith.constant 16 : index
    %get3A_1914 = tpu.vector_load %arg10[%get3A_1912, %get3A_1913] {strides = array<i32>} : memref<128x64xf32, #tpu.memory_space<vmem>>, vector<16xf32>,
    %mul3A_1915 = arith.mulf %gather3A_1904, %get3A_1914 : vector<16xf32>
    %add3A_1916 = arith.addf %add3A_1889, %mul3A_1915 : vector<16xf32>
    %get3A_1917 = arith.constant 59 : i32
    %get3A_1918 = arith.index_cast %get3A_1917 : i32 to index
    %get3A_1919 = arith.constant 32 : index
    %get3A_1920 = tpu.vector_load %arg10[%get3A_1918, %get3A_1919] {strides = array<i32>} : memref<128x64xf32, #tpu.memory_space<vmem>>, vector<16xf32>,
    %mul3A_1921 = arith.mulf %gather3A_1904, %get3A_1920 : vector<16xf32>
    %add3A_1922 = arith.addf %add3A_1895, %mul3A_1921 : vector<16xf32>
    %get3A_1923 = arith.constant 59 : i32
    %get3A_1924 = arith.index_cast %get3A_1923 : i32 to index
    %get3A_1925 = arith.constant 48 : index
    %get3A_1926 = tpu.vector_load %arg10[%get3A_1924, %get3A_1925] {strides = array<i32>} : memref<128x64xf32, #tpu.memory_space<vmem>>, vector<16xf32>,
    %mul3A_1927 = arith.mulf %gather3A_1904, %get3A_1926 : vector<16xf32>
    %add3A_1928 = arith.addf %add3A_1901, %mul3A_1927 : vector<16xf32>
    %broadcast_in_dim3A_1929 = arith.constant 133 : i32
    %broadcast_in_dim3A_1930 = vector.broadcast %broadcast_in_dim3A_1929 : i32 to vector<16xi32>
    %gather3A_1931 = tpu.vector_load_idx %arg9[%broadcast_in_dim3A_1930] : memref<272xf32, #tpu.memory_space<vmem>>[vector<16xi32>], vector<16xf32>,
    %get3A_1932 = arith.constant 60 : i32
    %get3A_1933 = arith.index_cast %get3A_1932 : i32 to index
    %get3A_1934 = arith.constant 0 : index
    %get3A_1935 = tpu.vector_load %arg10[%get3A_1933, %get3A_1934] {strides = array<i32>} : memref<128x64xf32, #tpu.memory_space<vmem>>, vector<16xf32>,
    %mul3A_1936 = arith.mulf %gather3A_1931, %get3A_1935 : vector<16xf32>
    %add3A_1937 = arith.addf %add3A_1910, %mul3A_1936 : vector<16xf32>
    %get3A_1938 = arith.constant 60 : i32
    %get3A_1939 = arith.index_cast %get3A_1938 : i32 to index
    %get3A_1940 = arith.constant 16 : index
    %get3A_1941 = tpu.vector_load %arg10[%get3A_1939, %get3A_1940] {strides = array<i32>} : memref<128x64xf32, #tpu.memory_space<vmem>>, vector<16xf32>,
    %mul3A_1942 = arith.mulf %gather3A_1931, %get3A_1941 : vector<16xf32>
    %add3A_1943 = arith.addf %add3A_1916, %mul3A_1942 : vector<16xf32>
    %get3A_1944 = arith.constant 60 : i32
    %get3A_1945 = arith.index_cast %get3A_1944 : i32 to index
    %get3A_1946 = arith.constant 32 : index
    %get3A_1947 = tpu.vector_load %arg10[%get3A_1945, %get3A_1946] {strides = array<i32>} : memref<128x64xf32, #tpu.memory_space<vmem>>, vector<16xf32>,
    %mul3A_1948 = arith.mulf %gather3A_1931, %get3A_1947 : vector<16xf32>
    %add3A_1949 = arith.addf %add3A_1922, %mul3A_1948 : vector<16xf32>
    %get3A_1950 = arith.constant 60 : i32
    %get3A_1951 = arith.index_cast %get3A_1950 : i32 to index
    %get3A_1952 = arith.constant 48 : index
    %get3A_1953 = tpu.vector_load %arg10[%get3A_1951, %get3A_1952] {strides = array<i32>} : memref<128x64xf32, #tpu.memory_space<vmem>>, vector<16xf32>,
    %mul3A_1954 = arith.mulf %gather3A_1931, %get3A_1953 : vector<16xf32>
    %add3A_1955 = arith.addf %add3A_1928, %mul3A_1954 : vector<16xf32>
    %broadcast_in_dim3A_1956 = arith.constant 134 : i32
    %broadcast_in_dim3A_1957 = vector.broadcast %broadcast_in_dim3A_1956 : i32 to vector<16xi32>
    %gather3A_1958 = tpu.vector_load_idx %arg9[%broadcast_in_dim3A_1957] : memref<272xf32, #tpu.memory_space<vmem>>[vector<16xi32>], vector<16xf32>,
    %get3A_1959 = arith.constant 61 : i32
    %get3A_1960 = arith.index_cast %get3A_1959 : i32 to index
    %get3A_1961 = arith.constant 0 : index
    %get3A_1962 = tpu.vector_load %arg10[%get3A_1960, %get3A_1961] {strides = array<i32>} : memref<128x64xf32, #tpu.memory_space<vmem>>, vector<16xf32>,
    %mul3A_1963 = arith.mulf %gather3A_1958, %get3A_1962 : vector<16xf32>
    %add3A_1964 = arith.addf %add3A_1937, %mul3A_1963 : vector<16xf32>
    %get3A_1965 = arith.constant 61 : i32
    %get3A_1966 = arith.index_cast %get3A_1965 : i32 to index
    %get3A_1967 = arith.constant 16 : index
    %get3A_1968 = tpu.vector_load %arg10[%get3A_1966, %get3A_1967] {strides = array<i32>} : memref<128x64xf32, #tpu.memory_space<vmem>>, vector<16xf32>,
    %mul3A_1969 = arith.mulf %gather3A_1958, %get3A_1968 : vector<16xf32>
    %add3A_1970 = arith.addf %add3A_1943, %mul3A_1969 : vector<16xf32>
    %get3A_1971 = arith.constant 61 : i32
    %get3A_1972 = arith.index_cast %get3A_1971 : i32 to index
    %get3A_1973 = arith.constant 32 : index
    %get3A_1974 = tpu.vector_load %arg10[%get3A_1972, %get3A_1973] {strides = array<i32>} : memref<128x64xf32, #tpu.memory_space<vmem>>, vector<16xf32>,
    %mul3A_1975 = arith.mulf %gather3A_1958, %get3A_1974 : vector<16xf32>
    %add3A_1976 = arith.addf %add3A_1949, %mul3A_1975 : vector<16xf32>
    %get3A_1977 = arith.constant 61 : i32
    %get3A_1978 = arith.index_cast %get3A_1977 : i32 to index
    %get3A_1979 = arith.constant 48 : index
    %get3A_1980 = tpu.vector_load %arg10[%get3A_1978, %get3A_1979] {strides = array<i32>} : memref<128x64xf32, #tpu.memory_space<vmem>>, vector<16xf32>,
    %mul3A_1981 = arith.mulf %gather3A_1958, %get3A_1980 : vector<16xf32>
    %add3A_1982 = arith.addf %add3A_1955, %mul3A_1981 : vector<16xf32>
    %broadcast_in_dim3A_1983 = arith.constant 135 : i32
    %broadcast_in_dim3A_1984 = vector.broadcast %broadcast_in_dim3A_1983 : i32 to vector<16xi32>
    %gather3A_1985 = tpu.vector_load_idx %arg9[%broadcast_in_dim3A_1984] : memref<272xf32, #tpu.memory_space<vmem>>[vector<16xi32>], vector<16xf32>,
    %get3A_1986 = arith.constant 62 : i32
    %get3A_1987 = arith.index_cast %get3A_1986 : i32 to index
    %get3A_1988 = arith.constant 0 : index
    %get3A_1989 = tpu.vector_load %arg10[%get3A_1987, %get3A_1988] {strides = array<i32>} : memref<128x64xf32, #tpu.memory_space<vmem>>, vector<16xf32>,
    %mul3A_1990 = arith.mulf %gather3A_1985, %get3A_1989 : vector<16xf32>
    %add3A_1991 = arith.addf %add3A_1964, %mul3A_1990 : vector<16xf32>
    %get3A_1992 = arith.constant 62 : i32
    %get3A_1993 = arith.index_cast %get3A_1992 : i32 to index
    %get3A_1994 = arith.constant 16 : index
    %get3A_1995 = tpu.vector_load %arg10[%get3A_1993, %get3A_1994] {strides = array<i32>} : memref<128x64xf32, #tpu.memory_space<vmem>>, vector<16xf32>,
    %mul3A_1996 = arith.mulf %gather3A_1985, %get3A_1995 : vector<16xf32>
    %add3A_1997 = arith.addf %add3A_1970, %mul3A_1996 : vector<16xf32>
    %get3A_1998 = arith.constant 62 : i32
    %get3A_1999 = arith.index_cast %get3A_1998 : i32 to index
    %get3A_2000 = arith.constant 32 : index
    %get3A_2001 = tpu.vector_load %arg10[%get3A_1999, %get3A_2000] {strides = array<i32>} : memref<128x64xf32, #tpu.memory_space<vmem>>, vector<16xf32>,
    %mul3A_2002 = arith.mulf %gather3A_1985, %get3A_2001 : vector<16xf32>
    %add3A_2003 = arith.addf %add3A_1976, %mul3A_2002 : vector<16xf32>
    %get3A_2004 = arith.constant 62 : i32
    %get3A_2005 = arith.index_cast %get3A_2004 : i32 to index
    %get3A_2006 = arith.constant 48 : index
    %get3A_2007 = tpu.vector_load %arg10[%get3A_2005, %get3A_2006] {strides = array<i32>} : memref<128x64xf32, #tpu.memory_space<vmem>>, vector<16xf32>,
    %mul3A_2008 = arith.mulf %gather3A_1985, %get3A_2007 : vector<16xf32>
    %add3A_2009 = arith.addf %add3A_1982, %mul3A_2008 : vector<16xf32>
    %broadcast_in_dim3A_2010 = arith.constant 136 : i32
    %broadcast_in_dim3A_2011 = vector.broadcast %broadcast_in_dim3A_2010 : i32 to vector<16xi32>
    %gather3A_2012 = tpu.vector_load_idx %arg9[%broadcast_in_dim3A_2011] : memref<272xf32, #tpu.memory_space<vmem>>[vector<16xi32>], vector<16xf32>,
    %get3A_2013 = arith.constant 63 : i32
    %get3A_2014 = arith.index_cast %get3A_2013 : i32 to index
    %get3A_2015 = arith.constant 0 : index
    %get3A_2016 = tpu.vector_load %arg10[%get3A_2014, %get3A_2015] {strides = array<i32>} : memref<128x64xf32, #tpu.memory_space<vmem>>, vector<16xf32>,
    %mul3A_2017 = arith.mulf %gather3A_2012, %get3A_2016 : vector<16xf32>
    %add3A_2018 = arith.addf %add3A_1991, %mul3A_2017 : vector<16xf32>
    %get3A_2019 = arith.constant 63 : i32
    %get3A_2020 = arith.index_cast %get3A_2019 : i32 to index
    %get3A_2021 = arith.constant 16 : index
    %get3A_2022 = tpu.vector_load %arg10[%get3A_2020, %get3A_2021] {strides = array<i32>} : memref<128x64xf32, #tpu.memory_space<vmem>>, vector<16xf32>,
    %mul3A_2023 = arith.mulf %gather3A_2012, %get3A_2022 : vector<16xf32>
    %add3A_2024 = arith.addf %add3A_1997, %mul3A_2023 : vector<16xf32>
    %get3A_2025 = arith.constant 63 : i32
    %get3A_2026 = arith.index_cast %get3A_2025 : i32 to index
    %get3A_2027 = arith.constant 32 : index
    %get3A_2028 = tpu.vector_load %arg10[%get3A_2026, %get3A_2027] {strides = array<i32>} : memref<128x64xf32, #tpu.memory_space<vmem>>, vector<16xf32>,
    %mul3A_2029 = arith.mulf %gather3A_2012, %get3A_2028 : vector<16xf32>
    %add3A_2030 = arith.addf %add3A_2003, %mul3A_2029 : vector<16xf32>
    %get3A_2031 = arith.constant 63 : i32
    %get3A_2032 = arith.index_cast %get3A_2031 : i32 to index
    %get3A_2033 = arith.constant 48 : index
    %get3A_2034 = tpu.vector_load %arg10[%get3A_2032, %get3A_2033] {strides = array<i32>} : memref<128x64xf32, #tpu.memory_space<vmem>>, vector<16xf32>,
    %mul3A_2035 = arith.mulf %gather3A_2012, %get3A_2034 : vector<16xf32>
    %add3A_2036 = arith.addf %add3A_2009, %mul3A_2035 : vector<16xf32>
    %swap3A_2037 = arith.constant 7 : i32
    %swap3A_2038 = arith.index_cast %swap3A_2037 : i32 to index
    %swap3A_2039 = arith.constant 0 : index
    %swap3A_2040 = tpu.vector_load %arg12[%swap3A_2038, %swap3A_2039] {strides = array<i32>} : memref<16x64xf32, #tpu.memory_space<vmem>>, vector<16xf32>,
    tpu.vector_store %arg12[%swap3A_2038, %swap3A_2039], %add3A_2018 {strides = array<i32>} : memref<16x64xf32, #tpu.memory_space<vmem>>, vector<16xf32>,
    %swap3A_2041 = arith.constant 7 : i32
    %swap3A_2042 = arith.index_cast %swap3A_2041 : i32 to index
    %swap3A_2043 = arith.constant 16 : index
    %swap3A_2044 = tpu.vector_load %arg12[%swap3A_2042, %swap3A_2043] {strides = array<i32>} : memref<16x64xf32, #tpu.memory_space<vmem>>, vector<16xf32>,
    tpu.vector_store %arg12[%swap3A_2042, %swap3A_2043], %add3A_2024 {strides = array<i32>} : memref<16x64xf32, #tpu.memory_space<vmem>>, vector<16xf32>,
    %swap3A_2045 = arith.constant 7 : i32
    %swap3A_2046 = arith.index_cast %swap3A_2045 : i32 to index
    %swap3A_2047 = arith.constant 32 : index
    %swap3A_2048 = tpu.vector_load %arg12[%swap3A_2046, %swap3A_2047] {strides = array<i32>} : memref<16x64xf32, #tpu.memory_space<vmem>>, vector<16xf32>,
    tpu.vector_store %arg12[%swap3A_2046, %swap3A_2047], %add3A_2030 {strides = array<i32>} : memref<16x64xf32, #tpu.memory_space<vmem>>, vector<16xf32>,
    %swap3A_2049 = arith.constant 7 : i32
    %swap3A_2050 = arith.index_cast %swap3A_2049 : i32 to index
    %swap3A_2051 = arith.constant 48 : index
    %swap3A_2052 = tpu.vector_load %arg12[%swap3A_2050, %swap3A_2051] {strides = array<i32>} : memref<16x64xf32, #tpu.memory_space<vmem>>, vector<16xf32>,
    tpu.vector_store %arg12[%swap3A_2050, %swap3A_2051], %add3A_2036 {strides = array<i32>} : memref<16x64xf32, #tpu.memory_space<vmem>>, vector<16xf32>,
    %broadcast_in_dim3A_2053 = arith.constant 144 : i32
    %broadcast_in_dim3A_2054 = vector.broadcast %broadcast_in_dim3A_2053 : i32 to vector<16xi32>
    %gather3A_2055 = tpu.vector_load_idx %arg9[%broadcast_in_dim3A_2054] : memref<272xf32, #tpu.memory_space<vmem>>[vector<16xi32>], vector<16xf32>,
    %get3A_2056 = arith.constant 8 : i32
    %get3A_2057 = arith.index_cast %get3A_2056 : i32 to index
    %get3A_2058 = arith.constant 0 : index
    %get3A_2059 = tpu.vector_load %arg11[%get3A_2057, %get3A_2058] {strides = array<i32>} : memref<16x64xf32, #tpu.memory_space<vmem>>, vector<16xf32>,
    %mul3A_2060 = arith.mulf %gather3A_2055, %get3A_2059 : vector<16xf32>
    %get3A_2061 = arith.constant 8 : i32
    %get3A_2062 = arith.index_cast %get3A_2061 : i32 to index
    %get3A_2063 = arith.constant 16 : index
    %get3A_2064 = tpu.vector_load %arg11[%get3A_2062, %get3A_2063] {strides = array<i32>} : memref<16x64xf32, #tpu.memory_space<vmem>>, vector<16xf32>,
    %mul3A_2065 = arith.mulf %gather3A_2055, %get3A_2064 : vector<16xf32>
    %get3A_2066 = arith.constant 8 : i32
    %get3A_2067 = arith.index_cast %get3A_2066 : i32 to index
    %get3A_2068 = arith.constant 32 : index
    %get3A_2069 = tpu.vector_load %arg11[%get3A_2067, %get3A_2068] {strides = array<i32>} : memref<16x64xf32, #tpu.memory_space<vmem>>, vector<16xf32>,
    %mul3A_2070 = arith.mulf %gather3A_2055, %get3A_2069 : vector<16xf32>
    %get3A_2071 = arith.constant 8 : i32
    %get3A_2072 = arith.index_cast %get3A_2071 : i32 to index
    %get3A_2073 = arith.constant 48 : index
    %get3A_2074 = tpu.vector_load %arg11[%get3A_2072, %get3A_2073] {strides = array<i32>} : memref<16x64xf32, #tpu.memory_space<vmem>>, vector<16xf32>,
    %mul3A_2075 = arith.mulf %gather3A_2055, %get3A_2074 : vector<16xf32>
    %broadcast_in_dim3A_2076 = arith.constant 145 : i32
    %broadcast_in_dim3A_2077 = vector.broadcast %broadcast_in_dim3A_2076 : i32 to vector<16xi32>
    %gather3A_2078 = tpu.vector_load_idx %arg9[%broadcast_in_dim3A_2077] : memref<272xf32, #tpu.memory_space<vmem>>[vector<16xi32>], vector<16xf32>,
    %get3A_2079 = arith.constant 64 : i32
    %get3A_2080 = arith.index_cast %get3A_2079 : i32 to index
    %get3A_2081 = arith.constant 0 : index
    %get3A_2082 = tpu.vector_load %arg10[%get3A_2080, %get3A_2081] {strides = array<i32>} : memref<128x64xf32, #tpu.memory_space<vmem>>, vector<16xf32>,
    %mul3A_2083 = arith.mulf %gather3A_2078, %get3A_2082 : vector<16xf32>
    %add3A_2084 = arith.addf %mul3A_2060, %mul3A_2083 : vector<16xf32>
    %get3A_2085 = arith.constant 64 : i32
    %get3A_2086 = arith.index_cast %get3A_2085 : i32 to index
    %get3A_2087 = arith.constant 16 : index
    %get3A_2088 = tpu.vector_load %arg10[%get3A_2086, %get3A_2087] {strides = array<i32>} : memref<128x64xf32, #tpu.memory_space<vmem>>, vector<16xf32>,
    %mul3A_2089 = arith.mulf %gather3A_2078, %get3A_2088 : vector<16xf32>
    %add3A_2090 = arith.addf %mul3A_2065, %mul3A_2089 : vector<16xf32>
    %get3A_2091 = arith.constant 64 : i32
    %get3A_2092 = arith.index_cast %get3A_2091 : i32 to index
    %get3A_2093 = arith.constant 32 : index
    %get3A_2094 = tpu.vector_load %arg10[%get3A_2092, %get3A_2093] {strides = array<i32>} : memref<128x64xf32, #tpu.memory_space<vmem>>, vector<16xf32>,
    %mul3A_2095 = arith.mulf %gather3A_2078, %get3A_2094 : vector<16xf32>
    %add3A_2096 = arith.addf %mul3A_2070, %mul3A_2095 : vector<16xf32>
    %get3A_2097 = arith.constant 64 : i32
    %get3A_2098 = arith.index_cast %get3A_2097 : i32 to index
    %get3A_2099 = arith.constant 48 : index
    %get3A_2100 = tpu.vector_load %arg10[%get3A_2098, %get3A_2099] {strides = array<i32>} : memref<128x64xf32, #tpu.memory_space<vmem>>, vector<16xf32>,
    %mul3A_2101 = arith.mulf %gather3A_2078, %get3A_2100 : vector<16xf32>
    %add3A_2102 = arith.addf %mul3A_2075, %mul3A_2101 : vector<16xf32>
    %broadcast_in_dim3A_2103 = arith.constant 146 : i32
    %broadcast_in_dim3A_2104 = vector.broadcast %broadcast_in_dim3A_2103 : i32 to vector<16xi32>
    %gather3A_2105 = tpu.vector_load_idx %arg9[%broadcast_in_dim3A_2104] : memref<272xf32, #tpu.memory_space<vmem>>[vector<16xi32>], vector<16xf32>,
    %get3A_2106 = arith.constant 65 : i32
    %get3A_2107 = arith.index_cast %get3A_2106 : i32 to index
    %get3A_2108 = arith.constant 0 : index
    %get3A_2109 = tpu.vector_load %arg10[%get3A_2107, %get3A_2108] {strides = array<i32>} : memref<128x64xf32, #tpu.memory_space<vmem>>, vector<16xf32>,
    %mul3A_2110 = arith.mulf %gather3A_2105, %get3A_2109 : vector<16xf32>
    %add3A_2111 = arith.addf %add3A_2084, %mul3A_2110 : vector<16xf32>
    %get3A_2112 = arith.constant 65 : i32
    %get3A_2113 = arith.index_cast %get3A_2112 : i32 to index
    %get3A_2114 = arith.constant 16 : index
    %get3A_2115 = tpu.vector_load %arg10[%get3A_2113, %get3A_2114] {strides = array<i32>} : memref<128x64xf32, #tpu.memory_space<vmem>>, vector<16xf32>,
    %mul3A_2116 = arith.mulf %gather3A_2105, %get3A_2115 : vector<16xf32>
    %add3A_2117 = arith.addf %add3A_2090, %mul3A_2116 : vector<16xf32>
    %get3A_2118 = arith.constant 65 : i32
    %get3A_2119 = arith.index_cast %get3A_2118 : i32 to index
    %get3A_2120 = arith.constant 32 : index
    %get3A_2121 = tpu.vector_load %arg10[%get3A_2119, %get3A_2120] {strides = array<i32>} : memref<128x64xf32, #tpu.memory_space<vmem>>, vector<16xf32>,
    %mul3A_2122 = arith.mulf %gather3A_2105, %get3A_2121 : vector<16xf32>
    %add3A_2123 = arith.addf %add3A_2096, %mul3A_2122 : vector<16xf32>
    %get3A_2124 = arith.constant 65 : i32
    %get3A_2125 = arith.index_cast %get3A_2124 : i32 to index
    %get3A_2126 = arith.constant 48 : index
    %get3A_2127 = tpu.vector_load %arg10[%get3A_2125, %get3A_2126] {strides = array<i32>} : memref<128x64xf32, #tpu.memory_space<vmem>>, vector<16xf32>,
    %mul3A_2128 = arith.mulf %gather3A_2105, %get3A_2127 : vector<16xf32>
    %add3A_2129 = arith.addf %add3A_2102, %mul3A_2128 : vector<16xf32>
    %broadcast_in_dim3A_2130 = arith.constant 147 : i32
    %broadcast_in_dim3A_2131 = vector.broadcast %broadcast_in_dim3A_2130 : i32 to vector<16xi32>
    %gather3A_2132 = tpu.vector_load_idx %arg9[%broadcast_in_dim3A_2131] : memref<272xf32, #tpu.memory_space<vmem>>[vector<16xi32>], vector<16xf32>,
    %get3A_2133 = arith.constant 66 : i32
    %get3A_2134 = arith.index_cast %get3A_2133 : i32 to index
    %get3A_2135 = arith.constant 0 : index
    %get3A_2136 = tpu.vector_load %arg10[%get3A_2134, %get3A_2135] {strides = array<i32>} : memref<128x64xf32, #tpu.memory_space<vmem>>, vector<16xf32>,
    %mul3A_2137 = arith.mulf %gather3A_2132, %get3A_2136 : vector<16xf32>
    %add3A_2138 = arith.addf %add3A_2111, %mul3A_2137 : vector<16xf32>
    %get3A_2139 = arith.constant 66 : i32
    %get3A_2140 = arith.index_cast %get3A_2139 : i32 to index
    %get3A_2141 = arith.constant 16 : index
    %get3A_2142 = tpu.vector_load %arg10[%get3A_2140, %get3A_2141] {strides = array<i32>} : memref<128x64xf32, #tpu.memory_space<vmem>>, vector<16xf32>,
    %mul3A_2143 = arith.mulf %gather3A_2132, %get3A_2142 : vector<16xf32>
    %add3A_2144 = arith.addf %add3A_2117, %mul3A_2143 : vector<16xf32>
    %get3A_2145 = arith.constant 66 : i32
    %get3A_2146 = arith.index_cast %get3A_2145 : i32 to index
    %get3A_2147 = arith.constant 32 : index
    %get3A_2148 = tpu.vector_load %arg10[%get3A_2146, %get3A_2147] {strides = array<i32>} : memref<128x64xf32, #tpu.memory_space<vmem>>, vector<16xf32>,
    %mul3A_2149 = arith.mulf %gather3A_2132, %get3A_2148 : vector<16xf32>
    %add3A_2150 = arith.addf %add3A_2123, %mul3A_2149 : vector<16xf32>
    %get3A_2151 = arith.constant 66 : i32
    %get3A_2152 = arith.index_cast %get3A_2151 : i32 to index
    %get3A_2153 = arith.constant 48 : index
    %get3A_2154 = tpu.vector_load %arg10[%get3A_2152, %get3A_2153] {strides = array<i32>} : memref<128x64xf32, #tpu.memory_space<vmem>>, vector<16xf32>,
    %mul3A_2155 = arith.mulf %gather3A_2132, %get3A_2154 : vector<16xf32>
    %add3A_2156 = arith.addf %add3A_2129, %mul3A_2155 : vector<16xf32>
    %broadcast_in_dim3A_2157 = arith.constant 148 : i32
    %broadcast_in_dim3A_2158 = vector.broadcast %broadcast_in_dim3A_2157 : i32 to vector<16xi32>
    %gather3A_2159 = tpu.vector_load_idx %arg9[%broadcast_in_dim3A_2158] : memref<272xf32, #tpu.memory_space<vmem>>[vector<16xi32>], vector<16xf32>,
    %get3A_2160 = arith.constant 67 : i32
    %get3A_2161 = arith.index_cast %get3A_2160 : i32 to index
    %get3A_2162 = arith.constant 0 : index
    %get3A_2163 = tpu.vector_load %arg10[%get3A_2161, %get3A_2162] {strides = array<i32>} : memref<128x64xf32, #tpu.memory_space<vmem>>, vector<16xf32>,
    %mul3A_2164 = arith.mulf %gather3A_2159, %get3A_2163 : vector<16xf32>
    %add3A_2165 = arith.addf %add3A_2138, %mul3A_2164 : vector<16xf32>
    %get3A_2166 = arith.constant 67 : i32
    %get3A_2167 = arith.index_cast %get3A_2166 : i32 to index
    %get3A_2168 = arith.constant 16 : index
    %get3A_2169 = tpu.vector_load %arg10[%get3A_2167, %get3A_2168] {strides = array<i32>} : memref<128x64xf32, #tpu.memory_space<vmem>>, vector<16xf32>,
    %mul3A_2170 = arith.mulf %gather3A_2159, %get3A_2169 : vector<16xf32>
    %add3A_2171 = arith.addf %add3A_2144, %mul3A_2170 : vector<16xf32>
    %get3A_2172 = arith.constant 67 : i32
    %get3A_2173 = arith.index_cast %get3A_2172 : i32 to index
    %get3A_2174 = arith.constant 32 : index
    %get3A_2175 = tpu.vector_load %arg10[%get3A_2173, %get3A_2174] {strides = array<i32>} : memref<128x64xf32, #tpu.memory_space<vmem>>, vector<16xf32>,
    %mul3A_2176 = arith.mulf %gather3A_2159, %get3A_2175 : vector<16xf32>
    %add3A_2177 = arith.addf %add3A_2150, %mul3A_2176 : vector<16xf32>
    %get3A_2178 = arith.constant 67 : i32
    %get3A_2179 = arith.index_cast %get3A_2178 : i32 to index
    %get3A_2180 = arith.constant 48 : index
    %get3A_2181 = tpu.vector_load %arg10[%get3A_2179, %get3A_2180] {strides = array<i32>} : memref<128x64xf32, #tpu.memory_space<vmem>>, vector<16xf32>,
    %mul3A_2182 = arith.mulf %gather3A_2159, %get3A_2181 : vector<16xf32>
    %add3A_2183 = arith.addf %add3A_2156, %mul3A_2182 : vector<16xf32>
    %broadcast_in_dim3A_2184 = arith.constant 149 : i32
    %broadcast_in_dim3A_2185 = vector.broadcast %broadcast_in_dim3A_2184 : i32 to vector<16xi32>
    %gather3A_2186 = tpu.vector_load_idx %arg9[%broadcast_in_dim3A_2185] : memref<272xf32, #tpu.memory_space<vmem>>[vector<16xi32>], vector<16xf32>,
    %get3A_2187 = arith.constant 68 : i32
    %get3A_2188 = arith.index_cast %get3A_2187 : i32 to index
    %get3A_2189 = arith.constant 0 : index
    %get3A_2190 = tpu.vector_load %arg10[%get3A_2188, %get3A_2189] {strides = array<i32>} : memref<128x64xf32, #tpu.memory_space<vmem>>, vector<16xf32>,
    %mul3A_2191 = arith.mulf %gather3A_2186, %get3A_2190 : vector<16xf32>
    %add3A_2192 = arith.addf %add3A_2165, %mul3A_2191 : vector<16xf32>
    %get3A_2193 = arith.constant 68 : i32
    %get3A_2194 = arith.index_cast %get3A_2193 : i32 to index
    %get3A_2195 = arith.constant 16 : index
    %get3A_2196 = tpu.vector_load %arg10[%get3A_2194, %get3A_2195] {strides = array<i32>} : memref<128x64xf32, #tpu.memory_space<vmem>>, vector<16xf32>,
    %mul3A_2197 = arith.mulf %gather3A_2186, %get3A_2196 : vector<16xf32>
    %add3A_2198 = arith.addf %add3A_2171, %mul3A_2197 : vector<16xf32>
    %get3A_2199 = arith.constant 68 : i32
    %get3A_2200 = arith.index_cast %get3A_2199 : i32 to index
    %get3A_2201 = arith.constant 32 : index
    %get3A_2202 = tpu.vector_load %arg10[%get3A_2200, %get3A_2201] {strides = array<i32>} : memref<128x64xf32, #tpu.memory_space<vmem>>, vector<16xf32>,
    %mul3A_2203 = arith.mulf %gather3A_2186, %get3A_2202 : vector<16xf32>
    %add3A_2204 = arith.addf %add3A_2177, %mul3A_2203 : vector<16xf32>
    %get3A_2205 = arith.constant 68 : i32
    %get3A_2206 = arith.index_cast %get3A_2205 : i32 to index
    %get3A_2207 = arith.constant 48 : index
    %get3A_2208 = tpu.vector_load %arg10[%get3A_2206, %get3A_2207] {strides = array<i32>} : memref<128x64xf32, #tpu.memory_space<vmem>>, vector<16xf32>,
    %mul3A_2209 = arith.mulf %gather3A_2186, %get3A_2208 : vector<16xf32>
    %add3A_2210 = arith.addf %add3A_2183, %mul3A_2209 : vector<16xf32>
    %broadcast_in_dim3A_2211 = arith.constant 150 : i32
    %broadcast_in_dim3A_2212 = vector.broadcast %broadcast_in_dim3A_2211 : i32 to vector<16xi32>
    %gather3A_2213 = tpu.vector_load_idx %arg9[%broadcast_in_dim3A_2212] : memref<272xf32, #tpu.memory_space<vmem>>[vector<16xi32>], vector<16xf32>,
    %get3A_2214 = arith.constant 69 : i32
    %get3A_2215 = arith.index_cast %get3A_2214 : i32 to index
    %get3A_2216 = arith.constant 0 : index
    %get3A_2217 = tpu.vector_load %arg10[%get3A_2215, %get3A_2216] {strides = array<i32>} : memref<128x64xf32, #tpu.memory_space<vmem>>, vector<16xf32>,
    %mul3A_2218 = arith.mulf %gather3A_2213, %get3A_2217 : vector<16xf32>
    %add3A_2219 = arith.addf %add3A_2192, %mul3A_2218 : vector<16xf32>
    %get3A_2220 = arith.constant 69 : i32
    %get3A_2221 = arith.index_cast %get3A_2220 : i32 to index
    %get3A_2222 = arith.constant 16 : index
    %get3A_2223 = tpu.vector_load %arg10[%get3A_2221, %get3A_2222] {strides = array<i32>} : memref<128x64xf32, #tpu.memory_space<vmem>>, vector<16xf32>,
    %mul3A_2224 = arith.mulf %gather3A_2213, %get3A_2223 : vector<16xf32>
    %add3A_2225 = arith.addf %add3A_2198, %mul3A_2224 : vector<16xf32>
    %get3A_2226 = arith.constant 69 : i32
    %get3A_2227 = arith.index_cast %get3A_2226 : i32 to index
    %get3A_2228 = arith.constant 32 : index
    %get3A_2229 = tpu.vector_load %arg10[%get3A_2227, %get3A_2228] {strides = array<i32>} : memref<128x64xf32, #tpu.memory_space<vmem>>, vector<16xf32>,
    %mul3A_2230 = arith.mulf %gather3A_2213, %get3A_2229 : vector<16xf32>
    %add3A_2231 = arith.addf %add3A_2204, %mul3A_2230 : vector<16xf32>
    %get3A_2232 = arith.constant 69 : i32
    %get3A_2233 = arith.index_cast %get3A_2232 : i32 to index
    %get3A_2234 = arith.constant 48 : index
    %get3A_2235 = tpu.vector_load %arg10[%get3A_2233, %get3A_2234] {strides = array<i32>} : memref<128x64xf32, #tpu.memory_space<vmem>>, vector<16xf32>,
    %mul3A_2236 = arith.mulf %gather3A_2213, %get3A_2235 : vector<16xf32>
    %add3A_2237 = arith.addf %add3A_2210, %mul3A_2236 : vector<16xf32>
    %broadcast_in_dim3A_2238 = arith.constant 151 : i32
    %broadcast_in_dim3A_2239 = vector.broadcast %broadcast_in_dim3A_2238 : i32 to vector<16xi32>
    %gather3A_2240 = tpu.vector_load_idx %arg9[%broadcast_in_dim3A_2239] : memref<272xf32, #tpu.memory_space<vmem>>[vector<16xi32>], vector<16xf32>,
    %get3A_2241 = arith.constant 70 : i32
    %get3A_2242 = arith.index_cast %get3A_2241 : i32 to index
    %get3A_2243 = arith.constant 0 : index
    %get3A_2244 = tpu.vector_load %arg10[%get3A_2242, %get3A_2243] {strides = array<i32>} : memref<128x64xf32, #tpu.memory_space<vmem>>, vector<16xf32>,
    %mul3A_2245 = arith.mulf %gather3A_2240, %get3A_2244 : vector<16xf32>
    %add3A_2246 = arith.addf %add3A_2219, %mul3A_2245 : vector<16xf32>
    %get3A_2247 = arith.constant 70 : i32
    %get3A_2248 = arith.index_cast %get3A_2247 : i32 to index
    %get3A_2249 = arith.constant 16 : index
    %get3A_2250 = tpu.vector_load %arg10[%get3A_2248, %get3A_2249] {strides = array<i32>} : memref<128x64xf32, #tpu.memory_space<vmem>>, vector<16xf32>,
    %mul3A_2251 = arith.mulf %gather3A_2240, %get3A_2250 : vector<16xf32>
    %add3A_2252 = arith.addf %add3A_2225, %mul3A_2251 : vector<16xf32>
    %get3A_2253 = arith.constant 70 : i32
    %get3A_2254 = arith.index_cast %get3A_2253 : i32 to index
    %get3A_2255 = arith.constant 32 : index
    %get3A_2256 = tpu.vector_load %arg10[%get3A_2254, %get3A_2255] {strides = array<i32>} : memref<128x64xf32, #tpu.memory_space<vmem>>, vector<16xf32>,
    %mul3A_2257 = arith.mulf %gather3A_2240, %get3A_2256 : vector<16xf32>
    %add3A_2258 = arith.addf %add3A_2231, %mul3A_2257 : vector<16xf32>
    %get3A_2259 = arith.constant 70 : i32
    %get3A_2260 = arith.index_cast %get3A_2259 : i32 to index
    %get3A_2261 = arith.constant 48 : index
    %get3A_2262 = tpu.vector_load %arg10[%get3A_2260, %get3A_2261] {strides = array<i32>} : memref<128x64xf32, #tpu.memory_space<vmem>>, vector<16xf32>,
    %mul3A_2263 = arith.mulf %gather3A_2240, %get3A_2262 : vector<16xf32>
    %add3A_2264 = arith.addf %add3A_2237, %mul3A_2263 : vector<16xf32>
    %broadcast_in_dim3A_2265 = arith.constant 152 : i32
    %broadcast_in_dim3A_2266 = vector.broadcast %broadcast_in_dim3A_2265 : i32 to vector<16xi32>
    %gather3A_2267 = tpu.vector_load_idx %arg9[%broadcast_in_dim3A_2266] : memref<272xf32, #tpu.memory_space<vmem>>[vector<16xi32>], vector<16xf32>,
    %get3A_2268 = arith.constant 71 : i32
    %get3A_2269 = arith.index_cast %get3A_2268 : i32 to index
    %get3A_2270 = arith.constant 0 : index
    %get3A_2271 = tpu.vector_load %arg10[%get3A_2269, %get3A_2270] {strides = array<i32>} : memref<128x64xf32, #tpu.memory_space<vmem>>, vector<16xf32>,
    %mul3A_2272 = arith.mulf %gather3A_2267, %get3A_2271 : vector<16xf32>
    %add3A_2273 = arith.addf %add3A_2246, %mul3A_2272 : vector<16xf32>
    %get3A_2274 = arith.constant 71 : i32
    %get3A_2275 = arith.index_cast %get3A_2274 : i32 to index
    %get3A_2276 = arith.constant 16 : index
    %get3A_2277 = tpu.vector_load %arg10[%get3A_2275, %get3A_2276] {strides = array<i32>} : memref<128x64xf32, #tpu.memory_space<vmem>>, vector<16xf32>,
    %mul3A_2278 = arith.mulf %gather3A_2267, %get3A_2277 : vector<16xf32>
    %add3A_2279 = arith.addf %add3A_2252, %mul3A_2278 : vector<16xf32>
    %get3A_2280 = arith.constant 71 : i32
    %get3A_2281 = arith.index_cast %get3A_2280 : i32 to index
    %get3A_2282 = arith.constant 32 : index
    %get3A_2283 = tpu.vector_load %arg10[%get3A_2281, %get3A_2282] {strides = array<i32>} : memref<128x64xf32, #tpu.memory_space<vmem>>, vector<16xf32>,
    %mul3A_2284 = arith.mulf %gather3A_2267, %get3A_2283 : vector<16xf32>
    %add3A_2285 = arith.addf %add3A_2258, %mul3A_2284 : vector<16xf32>
    %get3A_2286 = arith.constant 71 : i32
    %get3A_2287 = arith.index_cast %get3A_2286 : i32 to index
    %get3A_2288 = arith.constant 48 : index
    %get3A_2289 = tpu.vector_load %arg10[%get3A_2287, %get3A_2288] {strides = array<i32>} : memref<128x64xf32, #tpu.memory_space<vmem>>, vector<16xf32>,
    %mul3A_2290 = arith.mulf %gather3A_2267, %get3A_2289 : vector<16xf32>
    %add3A_2291 = arith.addf %add3A_2264, %mul3A_2290 : vector<16xf32>
    %swap3A_2292 = arith.constant 8 : i32
    %swap3A_2293 = arith.index_cast %swap3A_2292 : i32 to index
    %swap3A_2294 = arith.constant 0 : index
    %swap3A_2295 = tpu.vector_load %arg12[%swap3A_2293, %swap3A_2294] {strides = array<i32>} : memref<16x64xf32, #tpu.memory_space<vmem>>, vector<16xf32>,
    tpu.vector_store %arg12[%swap3A_2293, %swap3A_2294], %add3A_2273 {strides = array<i32>} : memref<16x64xf32, #tpu.memory_space<vmem>>, vector<16xf32>,
    %swap3A_2296 = arith.constant 8 : i32
    %swap3A_2297 = arith.index_cast %swap3A_2296 : i32 to index
    %swap3A_2298 = arith.constant 16 : index
    %swap3A_2299 = tpu.vector_load %arg12[%swap3A_2297, %swap3A_2298] {strides = array<i32>} : memref<16x64xf32, #tpu.memory_space<vmem>>, vector<16xf32>,
    tpu.vector_store %arg12[%swap3A_2297, %swap3A_2298], %add3A_2279 {strides = array<i32>} : memref<16x64xf32, #tpu.memory_space<vmem>>, vector<16xf32>,
    %swap3A_2300 = arith.constant 8 : i32
    %swap3A_2301 = arith.index_cast %swap3A_2300 : i32 to index
    %swap3A_2302 = arith.constant 32 : index
    %swap3A_2303 = tpu.vector_load %arg12[%swap3A_2301, %swap3A_2302] {strides = array<i32>} : memref<16x64xf32, #tpu.memory_space<vmem>>, vector<16xf32>,
    tpu.vector_store %arg12[%swap3A_2301, %swap3A_2302], %add3A_2285 {strides = array<i32>} : memref<16x64xf32, #tpu.memory_space<vmem>>, vector<16xf32>,
    %swap3A_2304 = arith.constant 8 : i32
    %swap3A_2305 = arith.index_cast %swap3A_2304 : i32 to index
    %swap3A_2306 = arith.constant 48 : index
    %swap3A_2307 = tpu.vector_load %arg12[%swap3A_2305, %swap3A_2306] {strides = array<i32>} : memref<16x64xf32, #tpu.memory_space<vmem>>, vector<16xf32>,
    tpu.vector_store %arg12[%swap3A_2305, %swap3A_2306], %add3A_2291 {strides = array<i32>} : memref<16x64xf32, #tpu.memory_space<vmem>>, vector<16xf32>,
    %broadcast_in_dim3A_2308 = arith.constant 160 : i32
    %broadcast_in_dim3A_2309 = vector.broadcast %broadcast_in_dim3A_2308 : i32 to vector<16xi32>
    %gather3A_2310 = tpu.vector_load_idx %arg9[%broadcast_in_dim3A_2309] : memref<272xf32, #tpu.memory_space<vmem>>[vector<16xi32>], vector<16xf32>,
    %get3A_2311 = arith.constant 9 : i32
    %get3A_2312 = arith.index_cast %get3A_2311 : i32 to index
    %get3A_2313 = arith.constant 0 : index
    %get3A_2314 = tpu.vector_load %arg11[%get3A_2312, %get3A_2313] {strides = array<i32>} : memref<16x64xf32, #tpu.memory_space<vmem>>, vector<16xf32>,
    %mul3A_2315 = arith.mulf %gather3A_2310, %get3A_2314 : vector<16xf32>
    %get3A_2316 = arith.constant 9 : i32
    %get3A_2317 = arith.index_cast %get3A_2316 : i32 to index
    %get3A_2318 = arith.constant 16 : index
    %get3A_2319 = tpu.vector_load %arg11[%get3A_2317, %get3A_2318] {strides = array<i32>} : memref<16x64xf32, #tpu.memory_space<vmem>>, vector<16xf32>,
    %mul3A_2320 = arith.mulf %gather3A_2310, %get3A_2319 : vector<16xf32>
    %get3A_2321 = arith.constant 9 : i32
    %get3A_2322 = arith.index_cast %get3A_2321 : i32 to index
    %get3A_2323 = arith.constant 32 : index
    %get3A_2324 = tpu.vector_load %arg11[%get3A_2322, %get3A_2323] {strides = array<i32>} : memref<16x64xf32, #tpu.memory_space<vmem>>, vector<16xf32>,
    %mul3A_2325 = arith.mulf %gather3A_2310, %get3A_2324 : vector<16xf32>
    %get3A_2326 = arith.constant 9 : i32
    %get3A_2327 = arith.index_cast %get3A_2326 : i32 to index
    %get3A_2328 = arith.constant 48 : index
    %get3A_2329 = tpu.vector_load %arg11[%get3A_2327, %get3A_2328] {strides = array<i32>} : memref<16x64xf32, #tpu.memory_space<vmem>>, vector<16xf32>,
    %mul3A_2330 = arith.mulf %gather3A_2310, %get3A_2329 : vector<16xf32>
    %broadcast_in_dim3A_2331 = arith.constant 161 : i32
    %broadcast_in_dim3A_2332 = vector.broadcast %broadcast_in_dim3A_2331 : i32 to vector<16xi32>
    %gather3A_2333 = tpu.vector_load_idx %arg9[%broadcast_in_dim3A_2332] : memref<272xf32, #tpu.memory_space<vmem>>[vector<16xi32>], vector<16xf32>,
    %get3A_2334 = arith.constant 72 : i32
    %get3A_2335 = arith.index_cast %get3A_2334 : i32 to index
    %get3A_2336 = arith.constant 0 : index
    %get3A_2337 = tpu.vector_load %arg10[%get3A_2335, %get3A_2336] {strides = array<i32>} : memref<128x64xf32, #tpu.memory_space<vmem>>, vector<16xf32>,
    %mul3A_2338 = arith.mulf %gather3A_2333, %get3A_2337 : vector<16xf32>
    %add3A_2339 = arith.addf %mul3A_2315, %mul3A_2338 : vector<16xf32>
    %get3A_2340 = arith.constant 72 : i32
    %get3A_2341 = arith.index_cast %get3A_2340 : i32 to index
    %get3A_2342 = arith.constant 16 : index
    %get3A_2343 = tpu.vector_load %arg10[%get3A_2341, %get3A_2342] {strides = array<i32>} : memref<128x64xf32, #tpu.memory_space<vmem>>, vector<16xf32>,
    %mul3A_2344 = arith.mulf %gather3A_2333, %get3A_2343 : vector<16xf32>
    %add3A_2345 = arith.addf %mul3A_2320, %mul3A_2344 : vector<16xf32>
    %get3A_2346 = arith.constant 72 : i32
    %get3A_2347 = arith.index_cast %get3A_2346 : i32 to index
    %get3A_2348 = arith.constant 32 : index
    %get3A_2349 = tpu.vector_load %arg10[%get3A_2347, %get3A_2348] {strides = array<i32>} : memref<128x64xf32, #tpu.memory_space<vmem>>, vector<16xf32>,
    %mul3A_2350 = arith.mulf %gather3A_2333, %get3A_2349 : vector<16xf32>
    %add3A_2351 = arith.addf %mul3A_2325, %mul3A_2350 : vector<16xf32>
    %get3A_2352 = arith.constant 72 : i32
    %get3A_2353 = arith.index_cast %get3A_2352 : i32 to index
    %get3A_2354 = arith.constant 48 : index
    %get3A_2355 = tpu.vector_load %arg10[%get3A_2353, %get3A_2354] {strides = array<i32>} : memref<128x64xf32, #tpu.memory_space<vmem>>, vector<16xf32>,
    %mul3A_2356 = arith.mulf %gather3A_2333, %get3A_2355 : vector<16xf32>
    %add3A_2357 = arith.addf %mul3A_2330, %mul3A_2356 : vector<16xf32>
    %broadcast_in_dim3A_2358 = arith.constant 162 : i32
    %broadcast_in_dim3A_2359 = vector.broadcast %broadcast_in_dim3A_2358 : i32 to vector<16xi32>
    %gather3A_2360 = tpu.vector_load_idx %arg9[%broadcast_in_dim3A_2359] : memref<272xf32, #tpu.memory_space<vmem>>[vector<16xi32>], vector<16xf32>,
    %get3A_2361 = arith.constant 73 : i32
    %get3A_2362 = arith.index_cast %get3A_2361 : i32 to index
    %get3A_2363 = arith.constant 0 : index
    %get3A_2364 = tpu.vector_load %arg10[%get3A_2362, %get3A_2363] {strides = array<i32>} : memref<128x64xf32, #tpu.memory_space<vmem>>, vector<16xf32>,
    %mul3A_2365 = arith.mulf %gather3A_2360, %get3A_2364 : vector<16xf32>
    %add3A_2366 = arith.addf %add3A_2339, %mul3A_2365 : vector<16xf32>
    %get3A_2367 = arith.constant 73 : i32
    %get3A_2368 = arith.index_cast %get3A_2367 : i32 to index
    %get3A_2369 = arith.constant 16 : index
    %get3A_2370 = tpu.vector_load %arg10[%get3A_2368, %get3A_2369] {strides = array<i32>} : memref<128x64xf32, #tpu.memory_space<vmem>>, vector<16xf32>,
    %mul3A_2371 = arith.mulf %gather3A_2360, %get3A_2370 : vector<16xf32>
    %add3A_2372 = arith.addf %add3A_2345, %mul3A_2371 : vector<16xf32>
    %get3A_2373 = arith.constant 73 : i32
    %get3A_2374 = arith.index_cast %get3A_2373 : i32 to index
    %get3A_2375 = arith.constant 32 : index
    %get3A_2376 = tpu.vector_load %arg10[%get3A_2374, %get3A_2375] {strides = array<i32>} : memref<128x64xf32, #tpu.memory_space<vmem>>, vector<16xf32>,
    %mul3A_2377 = arith.mulf %gather3A_2360, %get3A_2376 : vector<16xf32>
    %add3A_2378 = arith.addf %add3A_2351, %mul3A_2377 : vector<16xf32>
    %get3A_2379 = arith.constant 73 : i32
    %get3A_2380 = arith.index_cast %get3A_2379 : i32 to index
    %get3A_2381 = arith.constant 48 : index
    %get3A_2382 = tpu.vector_load %arg10[%get3A_2380, %get3A_2381] {strides = array<i32>} : memref<128x64xf32, #tpu.memory_space<vmem>>, vector<16xf32>,
    %mul3A_2383 = arith.mulf %gather3A_2360, %get3A_2382 : vector<16xf32>
    %add3A_2384 = arith.addf %add3A_2357, %mul3A_2383 : vector<16xf32>
    %broadcast_in_dim3A_2385 = arith.constant 163 : i32
    %broadcast_in_dim3A_2386 = vector.broadcast %broadcast_in_dim3A_2385 : i32 to vector<16xi32>
    %gather3A_2387 = tpu.vector_load_idx %arg9[%broadcast_in_dim3A_2386] : memref<272xf32, #tpu.memory_space<vmem>>[vector<16xi32>], vector<16xf32>,
    %get3A_2388 = arith.constant 74 : i32
    %get3A_2389 = arith.index_cast %get3A_2388 : i32 to index
    %get3A_2390 = arith.constant 0 : index
    %get3A_2391 = tpu.vector_load %arg10[%get3A_2389, %get3A_2390] {strides = array<i32>} : memref<128x64xf32, #tpu.memory_space<vmem>>, vector<16xf32>,
    %mul3A_2392 = arith.mulf %gather3A_2387, %get3A_2391 : vector<16xf32>
    %add3A_2393 = arith.addf %add3A_2366, %mul3A_2392 : vector<16xf32>
    %get3A_2394 = arith.constant 74 : i32
    %get3A_2395 = arith.index_cast %get3A_2394 : i32 to index
    %get3A_2396 = arith.constant 16 : index
    %get3A_2397 = tpu.vector_load %arg10[%get3A_2395, %get3A_2396] {strides = array<i32>} : memref<128x64xf32, #tpu.memory_space<vmem>>, vector<16xf32>,
    %mul3A_2398 = arith.mulf %gather3A_2387, %get3A_2397 : vector<16xf32>
    %add3A_2399 = arith.addf %add3A_2372, %mul3A_2398 : vector<16xf32>
    %get3A_2400 = arith.constant 74 : i32
    %get3A_2401 = arith.index_cast %get3A_2400 : i32 to index
    %get3A_2402 = arith.constant 32 : index
    %get3A_2403 = tpu.vector_load %arg10[%get3A_2401, %get3A_2402] {strides = array<i32>} : memref<128x64xf32, #tpu.memory_space<vmem>>, vector<16xf32>,
    %mul3A_2404 = arith.mulf %gather3A_2387, %get3A_2403 : vector<16xf32>
    %add3A_2405 = arith.addf %add3A_2378, %mul3A_2404 : vector<16xf32>
    %get3A_2406 = arith.constant 74 : i32
    %get3A_2407 = arith.index_cast %get3A_2406 : i32 to index
    %get3A_2408 = arith.constant 48 : index
    %get3A_2409 = tpu.vector_load %arg10[%get3A_2407, %get3A_2408] {strides = array<i32>} : memref<128x64xf32, #tpu.memory_space<vmem>>, vector<16xf32>,
    %mul3A_2410 = arith.mulf %gather3A_2387, %get3A_2409 : vector<16xf32>
    %add3A_2411 = arith.addf %add3A_2384, %mul3A_2410 : vector<16xf32>
    %broadcast_in_dim3A_2412 = arith.constant 164 : i32
    %broadcast_in_dim3A_2413 = vector.broadcast %broadcast_in_dim3A_2412 : i32 to vector<16xi32>
    %gather3A_2414 = tpu.vector_load_idx %arg9[%broadcast_in_dim3A_2413] : memref<272xf32, #tpu.memory_space<vmem>>[vector<16xi32>], vector<16xf32>,
    %get3A_2415 = arith.constant 75 : i32
    %get3A_2416 = arith.index_cast %get3A_2415 : i32 to index
    %get3A_2417 = arith.constant 0 : index
    %get3A_2418 = tpu.vector_load %arg10[%get3A_2416, %get3A_2417] {strides = array<i32>} : memref<128x64xf32, #tpu.memory_space<vmem>>, vector<16xf32>,
    %mul3A_2419 = arith.mulf %gather3A_2414, %get3A_2418 : vector<16xf32>
    %add3A_2420 = arith.addf %add3A_2393, %mul3A_2419 : vector<16xf32>
    %get3A_2421 = arith.constant 75 : i32
    %get3A_2422 = arith.index_cast %get3A_2421 : i32 to index
    %get3A_2423 = arith.constant 16 : index
    %get3A_2424 = tpu.vector_load %arg10[%get3A_2422, %get3A_2423] {strides = array<i32>} : memref<128x64xf32, #tpu.memory_space<vmem>>, vector<16xf32>,
    %mul3A_2425 = arith.mulf %gather3A_2414, %get3A_2424 : vector<16xf32>
    %add3A_2426 = arith.addf %add3A_2399, %mul3A_2425 : vector<16xf32>
    %get3A_2427 = arith.constant 75 : i32
    %get3A_2428 = arith.index_cast %get3A_2427 : i32 to index
    %get3A_2429 = arith.constant 32 : index
    %get3A_2430 = tpu.vector_load %arg10[%get3A_2428, %get3A_2429] {strides = array<i32>} : memref<128x64xf32, #tpu.memory_space<vmem>>, vector<16xf32>,
    %mul3A_2431 = arith.mulf %gather3A_2414, %get3A_2430 : vector<16xf32>
    %add3A_2432 = arith.addf %add3A_2405, %mul3A_2431 : vector<16xf32>
    %get3A_2433 = arith.constant 75 : i32
    %get3A_2434 = arith.index_cast %get3A_2433 : i32 to index
    %get3A_2435 = arith.constant 48 : index
    %get3A_2436 = tpu.vector_load %arg10[%get3A_2434, %get3A_2435] {strides = array<i32>} : memref<128x64xf32, #tpu.memory_space<vmem>>, vector<16xf32>,
    %mul3A_2437 = arith.mulf %gather3A_2414, %get3A_2436 : vector<16xf32>
    %add3A_2438 = arith.addf %add3A_2411, %mul3A_2437 : vector<16xf32>
    %broadcast_in_dim3A_2439 = arith.constant 165 : i32
    %broadcast_in_dim3A_2440 = vector.broadcast %broadcast_in_dim3A_2439 : i32 to vector<16xi32>
    %gather3A_2441 = tpu.vector_load_idx %arg9[%broadcast_in_dim3A_2440] : memref<272xf32, #tpu.memory_space<vmem>>[vector<16xi32>], vector<16xf32>,
    %get3A_2442 = arith.constant 76 : i32
    %get3A_2443 = arith.index_cast %get3A_2442 : i32 to index
    %get3A_2444 = arith.constant 0 : index
    %get3A_2445 = tpu.vector_load %arg10[%get3A_2443, %get3A_2444] {strides = array<i32>} : memref<128x64xf32, #tpu.memory_space<vmem>>, vector<16xf32>,
    %mul3A_2446 = arith.mulf %gather3A_2441, %get3A_2445 : vector<16xf32>
    %add3A_2447 = arith.addf %add3A_2420, %mul3A_2446 : vector<16xf32>
    %get3A_2448 = arith.constant 76 : i32
    %get3A_2449 = arith.index_cast %get3A_2448 : i32 to index
    %get3A_2450 = arith.constant 16 : index
    %get3A_2451 = tpu.vector_load %arg10[%get3A_2449, %get3A_2450] {strides = array<i32>} : memref<128x64xf32, #tpu.memory_space<vmem>>, vector<16xf32>,
    %mul3A_2452 = arith.mulf %gather3A_2441, %get3A_2451 : vector<16xf32>
    %add3A_2453 = arith.addf %add3A_2426, %mul3A_2452 : vector<16xf32>
    %get3A_2454 = arith.constant 76 : i32
    %get3A_2455 = arith.index_cast %get3A_2454 : i32 to index
    %get3A_2456 = arith.constant 32 : index
    %get3A_2457 = tpu.vector_load %arg10[%get3A_2455, %get3A_2456] {strides = array<i32>} : memref<128x64xf32, #tpu.memory_space<vmem>>, vector<16xf32>,
    %mul3A_2458 = arith.mulf %gather3A_2441, %get3A_2457 : vector<16xf32>
    %add3A_2459 = arith.addf %add3A_2432, %mul3A_2458 : vector<16xf32>
    %get3A_2460 = arith.constant 76 : i32
    %get3A_2461 = arith.index_cast %get3A_2460 : i32 to index
    %get3A_2462 = arith.constant 48 : index
    %get3A_2463 = tpu.vector_load %arg10[%get3A_2461, %get3A_2462] {strides = array<i32>} : memref<128x64xf32, #tpu.memory_space<vmem>>, vector<16xf32>,
    %mul3A_2464 = arith.mulf %gather3A_2441, %get3A_2463 : vector<16xf32>
    %add3A_2465 = arith.addf %add3A_2438, %mul3A_2464 : vector<16xf32>
    %broadcast_in_dim3A_2466 = arith.constant 166 : i32
    %broadcast_in_dim3A_2467 = vector.broadcast %broadcast_in_dim3A_2466 : i32 to vector<16xi32>
    %gather3A_2468 = tpu.vector_load_idx %arg9[%broadcast_in_dim3A_2467] : memref<272xf32, #tpu.memory_space<vmem>>[vector<16xi32>], vector<16xf32>,
    %get3A_2469 = arith.constant 77 : i32
    %get3A_2470 = arith.index_cast %get3A_2469 : i32 to index
    %get3A_2471 = arith.constant 0 : index
    %get3A_2472 = tpu.vector_load %arg10[%get3A_2470, %get3A_2471] {strides = array<i32>} : memref<128x64xf32, #tpu.memory_space<vmem>>, vector<16xf32>,
    %mul3A_2473 = arith.mulf %gather3A_2468, %get3A_2472 : vector<16xf32>
    %add3A_2474 = arith.addf %add3A_2447, %mul3A_2473 : vector<16xf32>
    %get3A_2475 = arith.constant 77 : i32
    %get3A_2476 = arith.index_cast %get3A_2475 : i32 to index
    %get3A_2477 = arith.constant 16 : index
    %get3A_2478 = tpu.vector_load %arg10[%get3A_2476, %get3A_2477] {strides = array<i32>} : memref<128x64xf32, #tpu.memory_space<vmem>>, vector<16xf32>,
    %mul3A_2479 = arith.mulf %gather3A_2468, %get3A_2478 : vector<16xf32>
    %add3A_2480 = arith.addf %add3A_2453, %mul3A_2479 : vector<16xf32>
    %get3A_2481 = arith.constant 77 : i32
    %get3A_2482 = arith.index_cast %get3A_2481 : i32 to index
    %get3A_2483 = arith.constant 32 : index
    %get3A_2484 = tpu.vector_load %arg10[%get3A_2482, %get3A_2483] {strides = array<i32>} : memref<128x64xf32, #tpu.memory_space<vmem>>, vector<16xf32>,
    %mul3A_2485 = arith.mulf %gather3A_2468, %get3A_2484 : vector<16xf32>
    %add3A_2486 = arith.addf %add3A_2459, %mul3A_2485 : vector<16xf32>
    %get3A_2487 = arith.constant 77 : i32
    %get3A_2488 = arith.index_cast %get3A_2487 : i32 to index
    %get3A_2489 = arith.constant 48 : index
    %get3A_2490 = tpu.vector_load %arg10[%get3A_2488, %get3A_2489] {strides = array<i32>} : memref<128x64xf32, #tpu.memory_space<vmem>>, vector<16xf32>,
    %mul3A_2491 = arith.mulf %gather3A_2468, %get3A_2490 : vector<16xf32>
    %add3A_2492 = arith.addf %add3A_2465, %mul3A_2491 : vector<16xf32>
    %broadcast_in_dim3A_2493 = arith.constant 167 : i32
    %broadcast_in_dim3A_2494 = vector.broadcast %broadcast_in_dim3A_2493 : i32 to vector<16xi32>
    %gather3A_2495 = tpu.vector_load_idx %arg9[%broadcast_in_dim3A_2494] : memref<272xf32, #tpu.memory_space<vmem>>[vector<16xi32>], vector<16xf32>,
    %get3A_2496 = arith.constant 78 : i32
    %get3A_2497 = arith.index_cast %get3A_2496 : i32 to index
    %get3A_2498 = arith.constant 0 : index
    %get3A_2499 = tpu.vector_load %arg10[%get3A_2497, %get3A_2498] {strides = array<i32>} : memref<128x64xf32, #tpu.memory_space<vmem>>, vector<16xf32>,
    %mul3A_2500 = arith.mulf %gather3A_2495, %get3A_2499 : vector<16xf32>
    %add3A_2501 = arith.addf %add3A_2474, %mul3A_2500 : vector<16xf32>
    %get3A_2502 = arith.constant 78 : i32
    %get3A_2503 = arith.index_cast %get3A_2502 : i32 to index
    %get3A_2504 = arith.constant 16 : index
    %get3A_2505 = tpu.vector_load %arg10[%get3A_2503, %get3A_2504] {strides = array<i32>} : memref<128x64xf32, #tpu.memory_space<vmem>>, vector<16xf32>,
    %mul3A_2506 = arith.mulf %gather3A_2495, %get3A_2505 : vector<16xf32>
    %add3A_2507 = arith.addf %add3A_2480, %mul3A_2506 : vector<16xf32>
    %get3A_2508 = arith.constant 78 : i32
    %get3A_2509 = arith.index_cast %get3A_2508 : i32 to index
    %get3A_2510 = arith.constant 32 : index
    %get3A_2511 = tpu.vector_load %arg10[%get3A_2509, %get3A_2510] {strides = array<i32>} : memref<128x64xf32, #tpu.memory_space<vmem>>, vector<16xf32>,
    %mul3A_2512 = arith.mulf %gather3A_2495, %get3A_2511 : vector<16xf32>
    %add3A_2513 = arith.addf %add3A_2486, %mul3A_2512 : vector<16xf32>
    %get3A_2514 = arith.constant 78 : i32
    %get3A_2515 = arith.index_cast %get3A_2514 : i32 to index
    %get3A_2516 = arith.constant 48 : index
    %get3A_2517 = tpu.vector_load %arg10[%get3A_2515, %get3A_2516] {strides = array<i32>} : memref<128x64xf32, #tpu.memory_space<vmem>>, vector<16xf32>,
    %mul3A_2518 = arith.mulf %gather3A_2495, %get3A_2517 : vector<16xf32>
    %add3A_2519 = arith.addf %add3A_2492, %mul3A_2518 : vector<16xf32>
    %broadcast_in_dim3A_2520 = arith.constant 168 : i32
    %broadcast_in_dim3A_2521 = vector.broadcast %broadcast_in_dim3A_2520 : i32 to vector<16xi32>
    %gather3A_2522 = tpu.vector_load_idx %arg9[%broadcast_in_dim3A_2521] : memref<272xf32, #tpu.memory_space<vmem>>[vector<16xi32>], vector<16xf32>,
    %get3A_2523 = arith.constant 79 : i32
    %get3A_2524 = arith.index_cast %get3A_2523 : i32 to index
    %get3A_2525 = arith.constant 0 : index
    %get3A_2526 = tpu.vector_load %arg10[%get3A_2524, %get3A_2525] {strides = array<i32>} : memref<128x64xf32, #tpu.memory_space<vmem>>, vector<16xf32>,
    %mul3A_2527 = arith.mulf %gather3A_2522, %get3A_2526 : vector<16xf32>
    %add3A_2528 = arith.addf %add3A_2501, %mul3A_2527 : vector<16xf32>
    %get3A_2529 = arith.constant 79 : i32
    %get3A_2530 = arith.index_cast %get3A_2529 : i32 to index
    %get3A_2531 = arith.constant 16 : index
    %get3A_2532 = tpu.vector_load %arg10[%get3A_2530, %get3A_2531] {strides = array<i32>} : memref<128x64xf32, #tpu.memory_space<vmem>>, vector<16xf32>,
    %mul3A_2533 = arith.mulf %gather3A_2522, %get3A_2532 : vector<16xf32>
    %add3A_2534 = arith.addf %add3A_2507, %mul3A_2533 : vector<16xf32>
    %get3A_2535 = arith.constant 79 : i32
    %get3A_2536 = arith.index_cast %get3A_2535 : i32 to index
    %get3A_2537 = arith.constant 32 : index
    %get3A_2538 = tpu.vector_load %arg10[%get3A_2536, %get3A_2537] {strides = array<i32>} : memref<128x64xf32, #tpu.memory_space<vmem>>, vector<16xf32>,
    %mul3A_2539 = arith.mulf %gather3A_2522, %get3A_2538 : vector<16xf32>
    %add3A_2540 = arith.addf %add3A_2513, %mul3A_2539 : vector<16xf32>
    %get3A_2541 = arith.constant 79 : i32
    %get3A_2542 = arith.index_cast %get3A_2541 : i32 to index
    %get3A_2543 = arith.constant 48 : index
    %get3A_2544 = tpu.vector_load %arg10[%get3A_2542, %get3A_2543] {strides = array<i32>} : memref<128x64xf32, #tpu.memory_space<vmem>>, vector<16xf32>,
    %mul3A_2545 = arith.mulf %gather3A_2522, %get3A_2544 : vector<16xf32>
    %add3A_2546 = arith.addf %add3A_2519, %mul3A_2545 : vector<16xf32>
    %swap3A_2547 = arith.constant 9 : i32
    %swap3A_2548 = arith.index_cast %swap3A_2547 : i32 to index
    %swap3A_2549 = arith.constant 0 : index
    %swap3A_2550 = tpu.vector_load %arg12[%swap3A_2548, %swap3A_2549] {strides = array<i32>} : memref<16x64xf32, #tpu.memory_space<vmem>>, vector<16xf32>,
    tpu.vector_store %arg12[%swap3A_2548, %swap3A_2549], %add3A_2528 {strides = array<i32>} : memref<16x64xf32, #tpu.memory_space<vmem>>, vector<16xf32>,
    %swap3A_2551 = arith.constant 9 : i32
    %swap3A_2552 = arith.index_cast %swap3A_2551 : i32 to index
    %swap3A_2553 = arith.constant 16 : index
    %swap3A_2554 = tpu.vector_load %arg12[%swap3A_2552, %swap3A_2553] {strides = array<i32>} : memref<16x64xf32, #tpu.memory_space<vmem>>, vector<16xf32>,
    tpu.vector_store %arg12[%swap3A_2552, %swap3A_2553], %add3A_2534 {strides = array<i32>} : memref<16x64xf32, #tpu.memory_space<vmem>>, vector<16xf32>,
    %swap3A_2555 = arith.constant 9 : i32
    %swap3A_2556 = arith.index_cast %swap3A_2555 : i32 to index
    %swap3A_2557 = arith.constant 32 : index
    %swap3A_2558 = tpu.vector_load %arg12[%swap3A_2556, %swap3A_2557] {strides = array<i32>} : memref<16x64xf32, #tpu.memory_space<vmem>>, vector<16xf32>,
    tpu.vector_store %arg12[%swap3A_2556, %swap3A_2557], %add3A_2540 {strides = array<i32>} : memref<16x64xf32, #tpu.memory_space<vmem>>, vector<16xf32>,
    %swap3A_2559 = arith.constant 9 : i32
    %swap3A_2560 = arith.index_cast %swap3A_2559 : i32 to index
    %swap3A_2561 = arith.constant 48 : index
    %swap3A_2562 = tpu.vector_load %arg12[%swap3A_2560, %swap3A_2561] {strides = array<i32>} : memref<16x64xf32, #tpu.memory_space<vmem>>, vector<16xf32>,
    tpu.vector_store %arg12[%swap3A_2560, %swap3A_2561], %add3A_2546 {strides = array<i32>} : memref<16x64xf32, #tpu.memory_space<vmem>>, vector<16xf32>,
    %broadcast_in_dim3A_2563 = arith.constant 176 : i32
    %broadcast_in_dim3A_2564 = vector.broadcast %broadcast_in_dim3A_2563 : i32 to vector<16xi32>
    %gather3A_2565 = tpu.vector_load_idx %arg9[%broadcast_in_dim3A_2564] : memref<272xf32, #tpu.memory_space<vmem>>[vector<16xi32>], vector<16xf32>,
    %get3A_2566 = arith.constant 10 : i32
    %get3A_2567 = arith.index_cast %get3A_2566 : i32 to index
    %get3A_2568 = arith.constant 0 : index
    %get3A_2569 = tpu.vector_load %arg11[%get3A_2567, %get3A_2568] {strides = array<i32>} : memref<16x64xf32, #tpu.memory_space<vmem>>, vector<16xf32>,
    %mul3A_2570 = arith.mulf %gather3A_2565, %get3A_2569 : vector<16xf32>
    %get3A_2571 = arith.constant 10 : i32
    %get3A_2572 = arith.index_cast %get3A_2571 : i32 to index
    %get3A_2573 = arith.constant 16 : index
    %get3A_2574 = tpu.vector_load %arg11[%get3A_2572, %get3A_2573] {strides = array<i32>} : memref<16x64xf32, #tpu.memory_space<vmem>>, vector<16xf32>,
    %mul3A_2575 = arith.mulf %gather3A_2565, %get3A_2574 : vector<16xf32>
    %get3A_2576 = arith.constant 10 : i32
    %get3A_2577 = arith.index_cast %get3A_2576 : i32 to index
    %get3A_2578 = arith.constant 32 : index
    %get3A_2579 = tpu.vector_load %arg11[%get3A_2577, %get3A_2578] {strides = array<i32>} : memref<16x64xf32, #tpu.memory_space<vmem>>, vector<16xf32>,
    %mul3A_2580 = arith.mulf %gather3A_2565, %get3A_2579 : vector<16xf32>
    %get3A_2581 = arith.constant 10 : i32
    %get3A_2582 = arith.index_cast %get3A_2581 : i32 to index
    %get3A_2583 = arith.constant 48 : index
    %get3A_2584 = tpu.vector_load %arg11[%get3A_2582, %get3A_2583] {strides = array<i32>} : memref<16x64xf32, #tpu.memory_space<vmem>>, vector<16xf32>,
    %mul3A_2585 = arith.mulf %gather3A_2565, %get3A_2584 : vector<16xf32>
    %broadcast_in_dim3A_2586 = arith.constant 177 : i32
    %broadcast_in_dim3A_2587 = vector.broadcast %broadcast_in_dim3A_2586 : i32 to vector<16xi32>
    %gather3A_2588 = tpu.vector_load_idx %arg9[%broadcast_in_dim3A_2587] : memref<272xf32, #tpu.memory_space<vmem>>[vector<16xi32>], vector<16xf32>,
    %get3A_2589 = arith.constant 80 : i32
    %get3A_2590 = arith.index_cast %get3A_2589 : i32 to index
    %get3A_2591 = arith.constant 0 : index
    %get3A_2592 = tpu.vector_load %arg10[%get3A_2590, %get3A_2591] {strides = array<i32>} : memref<128x64xf32, #tpu.memory_space<vmem>>, vector<16xf32>,
    %mul3A_2593 = arith.mulf %gather3A_2588, %get3A_2592 : vector<16xf32>
    %add3A_2594 = arith.addf %mul3A_2570, %mul3A_2593 : vector<16xf32>
    %get3A_2595 = arith.constant 80 : i32
    %get3A_2596 = arith.index_cast %get3A_2595 : i32 to index
    %get3A_2597 = arith.constant 16 : index
    %get3A_2598 = tpu.vector_load %arg10[%get3A_2596, %get3A_2597] {strides = array<i32>} : memref<128x64xf32, #tpu.memory_space<vmem>>, vector<16xf32>,
    %mul3A_2599 = arith.mulf %gather3A_2588, %get3A_2598 : vector<16xf32>
    %add3A_2600 = arith.addf %mul3A_2575, %mul3A_2599 : vector<16xf32>
    %get3A_2601 = arith.constant 80 : i32
    %get3A_2602 = arith.index_cast %get3A_2601 : i32 to index
    %get3A_2603 = arith.constant 32 : index
    %get3A_2604 = tpu.vector_load %arg10[%get3A_2602, %get3A_2603] {strides = array<i32>} : memref<128x64xf32, #tpu.memory_space<vmem>>, vector<16xf32>,
    %mul3A_2605 = arith.mulf %gather3A_2588, %get3A_2604 : vector<16xf32>
    %add3A_2606 = arith.addf %mul3A_2580, %mul3A_2605 : vector<16xf32>
    %get3A_2607 = arith.constant 80 : i32
    %get3A_2608 = arith.index_cast %get3A_2607 : i32 to index
    %get3A_2609 = arith.constant 48 : index
    %get3A_2610 = tpu.vector_load %arg10[%get3A_2608, %get3A_2609] {strides = array<i32>} : memref<128x64xf32, #tpu.memory_space<vmem>>, vector<16xf32>,
    %mul3A_2611 = arith.mulf %gather3A_2588, %get3A_2610 : vector<16xf32>
    %add3A_2612 = arith.addf %mul3A_2585, %mul3A_2611 : vector<16xf32>
    %broadcast_in_dim3A_2613 = arith.constant 178 : i32
    %broadcast_in_dim3A_2614 = vector.broadcast %broadcast_in_dim3A_2613 : i32 to vector<16xi32>
    %gather3A_2615 = tpu.vector_load_idx %arg9[%broadcast_in_dim3A_2614] : memref<272xf32, #tpu.memory_space<vmem>>[vector<16xi32>], vector<16xf32>,
    %get3A_2616 = arith.constant 81 : i32
    %get3A_2617 = arith.index_cast %get3A_2616 : i32 to index
    %get3A_2618 = arith.constant 0 : index
    %get3A_2619 = tpu.vector_load %arg10[%get3A_2617, %get3A_2618] {strides = array<i32>} : memref<128x64xf32, #tpu.memory_space<vmem>>, vector<16xf32>,
    %mul3A_2620 = arith.mulf %gather3A_2615, %get3A_2619 : vector<16xf32>
    %add3A_2621 = arith.addf %add3A_2594, %mul3A_2620 : vector<16xf32>
    %get3A_2622 = arith.constant 81 : i32
    %get3A_2623 = arith.index_cast %get3A_2622 : i32 to index
    %get3A_2624 = arith.constant 16 : index
    %get3A_2625 = tpu.vector_load %arg10[%get3A_2623, %get3A_2624] {strides = array<i32>} : memref<128x64xf32, #tpu.memory_space<vmem>>, vector<16xf32>,
    %mul3A_2626 = arith.mulf %gather3A_2615, %get3A_2625 : vector<16xf32>
    %add3A_2627 = arith.addf %add3A_2600, %mul3A_2626 : vector<16xf32>
    %get3A_2628 = arith.constant 81 : i32
    %get3A_2629 = arith.index_cast %get3A_2628 : i32 to index
    %get3A_2630 = arith.constant 32 : index
    %get3A_2631 = tpu.vector_load %arg10[%get3A_2629, %get3A_2630] {strides = array<i32>} : memref<128x64xf32, #tpu.memory_space<vmem>>, vector<16xf32>,
    %mul3A_2632 = arith.mulf %gather3A_2615, %get3A_2631 : vector<16xf32>
    %add3A_2633 = arith.addf %add3A_2606, %mul3A_2632 : vector<16xf32>
    %get3A_2634 = arith.constant 81 : i32
    %get3A_2635 = arith.index_cast %get3A_2634 : i32 to index
    %get3A_2636 = arith.constant 48 : index
    %get3A_2637 = tpu.vector_load %arg10[%get3A_2635, %get3A_2636] {strides = array<i32>} : memref<128x64xf32, #tpu.memory_space<vmem>>, vector<16xf32>,
    %mul3A_2638 = arith.mulf %gather3A_2615, %get3A_2637 : vector<16xf32>
    %add3A_2639 = arith.addf %add3A_2612, %mul3A_2638 : vector<16xf32>
    %broadcast_in_dim3A_2640 = arith.constant 179 : i32
    %broadcast_in_dim3A_2641 = vector.broadcast %broadcast_in_dim3A_2640 : i32 to vector<16xi32>
    %gather3A_2642 = tpu.vector_load_idx %arg9[%broadcast_in_dim3A_2641] : memref<272xf32, #tpu.memory_space<vmem>>[vector<16xi32>], vector<16xf32>,
    %get3A_2643 = arith.constant 82 : i32
    %get3A_2644 = arith.index_cast %get3A_2643 : i32 to index
    %get3A_2645 = arith.constant 0 : index
    %get3A_2646 = tpu.vector_load %arg10[%get3A_2644, %get3A_2645] {strides = array<i32>} : memref<128x64xf32, #tpu.memory_space<vmem>>, vector<16xf32>,
    %mul3A_2647 = arith.mulf %gather3A_2642, %get3A_2646 : vector<16xf32>
    %add3A_2648 = arith.addf %add3A_2621, %mul3A_2647 : vector<16xf32>
    %get3A_2649 = arith.constant 82 : i32
    %get3A_2650 = arith.index_cast %get3A_2649 : i32 to index
    %get3A_2651 = arith.constant 16 : index
    %get3A_2652 = tpu.vector_load %arg10[%get3A_2650, %get3A_2651] {strides = array<i32>} : memref<128x64xf32, #tpu.memory_space<vmem>>, vector<16xf32>,
    %mul3A_2653 = arith.mulf %gather3A_2642, %get3A_2652 : vector<16xf32>
    %add3A_2654 = arith.addf %add3A_2627, %mul3A_2653 : vector<16xf32>
    %get3A_2655 = arith.constant 82 : i32
    %get3A_2656 = arith.index_cast %get3A_2655 : i32 to index
    %get3A_2657 = arith.constant 32 : index
    %get3A_2658 = tpu.vector_load %arg10[%get3A_2656, %get3A_2657] {strides = array<i32>} : memref<128x64xf32, #tpu.memory_space<vmem>>, vector<16xf32>,
    %mul3A_2659 = arith.mulf %gather3A_2642, %get3A_2658 : vector<16xf32>
    %add3A_2660 = arith.addf %add3A_2633, %mul3A_2659 : vector<16xf32>
    %get3A_2661 = arith.constant 82 : i32
    %get3A_2662 = arith.index_cast %get3A_2661 : i32 to index
    %get3A_2663 = arith.constant 48 : index
    %get3A_2664 = tpu.vector_load %arg10[%get3A_2662, %get3A_2663] {strides = array<i32>} : memref<128x64xf32, #tpu.memory_space<vmem>>, vector<16xf32>,
    %mul3A_2665 = arith.mulf %gather3A_2642, %get3A_2664 : vector<16xf32>
    %add3A_2666 = arith.addf %add3A_2639, %mul3A_2665 : vector<16xf32>
    %broadcast_in_dim3A_2667 = arith.constant 180 : i32
    %broadcast_in_dim3A_2668 = vector.broadcast %broadcast_in_dim3A_2667 : i32 to vector<16xi32>
    %gather3A_2669 = tpu.vector_load_idx %arg9[%broadcast_in_dim3A_2668] : memref<272xf32, #tpu.memory_space<vmem>>[vector<16xi32>], vector<16xf32>,
    %get3A_2670 = arith.constant 83 : i32
    %get3A_2671 = arith.index_cast %get3A_2670 : i32 to index
    %get3A_2672 = arith.constant 0 : index
    %get3A_2673 = tpu.vector_load %arg10[%get3A_2671, %get3A_2672] {strides = array<i32>} : memref<128x64xf32, #tpu.memory_space<vmem>>, vector<16xf32>,
    %mul3A_2674 = arith.mulf %gather3A_2669, %get3A_2673 : vector<16xf32>
    %add3A_2675 = arith.addf %add3A_2648, %mul3A_2674 : vector<16xf32>
    %get3A_2676 = arith.constant 83 : i32
    %get3A_2677 = arith.index_cast %get3A_2676 : i32 to index
    %get3A_2678 = arith.constant 16 : index
    %get3A_2679 = tpu.vector_load %arg10[%get3A_2677, %get3A_2678] {strides = array<i32>} : memref<128x64xf32, #tpu.memory_space<vmem>>, vector<16xf32>,
    %mul3A_2680 = arith.mulf %gather3A_2669, %get3A_2679 : vector<16xf32>
    %add3A_2681 = arith.addf %add3A_2654, %mul3A_2680 : vector<16xf32>
    %get3A_2682 = arith.constant 83 : i32
    %get3A_2683 = arith.index_cast %get3A_2682 : i32 to index
    %get3A_2684 = arith.constant 32 : index
    %get3A_2685 = tpu.vector_load %arg10[%get3A_2683, %get3A_2684] {strides = array<i32>} : memref<128x64xf32, #tpu.memory_space<vmem>>, vector<16xf32>,
    %mul3A_2686 = arith.mulf %gather3A_2669, %get3A_2685 : vector<16xf32>
    %add3A_2687 = arith.addf %add3A_2660, %mul3A_2686 : vector<16xf32>
    %get3A_2688 = arith.constant 83 : i32
    %get3A_2689 = arith.index_cast %get3A_2688 : i32 to index
    %get3A_2690 = arith.constant 48 : index
    %get3A_2691 = tpu.vector_load %arg10[%get3A_2689, %get3A_2690] {strides = array<i32>} : memref<128x64xf32, #tpu.memory_space<vmem>>, vector<16xf32>,
    %mul3A_2692 = arith.mulf %gather3A_2669, %get3A_2691 : vector<16xf32>
    %add3A_2693 = arith.addf %add3A_2666, %mul3A_2692 : vector<16xf32>
    %broadcast_in_dim3A_2694 = arith.constant 181 : i32
    %broadcast_in_dim3A_2695 = vector.broadcast %broadcast_in_dim3A_2694 : i32 to vector<16xi32>
    %gather3A_2696 = tpu.vector_load_idx %arg9[%broadcast_in_dim3A_2695] : memref<272xf32, #tpu.memory_space<vmem>>[vector<16xi32>], vector<16xf32>,
    %get3A_2697 = arith.constant 84 : i32
    %get3A_2698 = arith.index_cast %get3A_2697 : i32 to index
    %get3A_2699 = arith.constant 0 : index
    %get3A_2700 = tpu.vector_load %arg10[%get3A_2698, %get3A_2699] {strides = array<i32>} : memref<128x64xf32, #tpu.memory_space<vmem>>, vector<16xf32>,
    %mul3A_2701 = arith.mulf %gather3A_2696, %get3A_2700 : vector<16xf32>
    %add3A_2702 = arith.addf %add3A_2675, %mul3A_2701 : vector<16xf32>
    %get3A_2703 = arith.constant 84 : i32
    %get3A_2704 = arith.index_cast %get3A_2703 : i32 to index
    %get3A_2705 = arith.constant 16 : index
    %get3A_2706 = tpu.vector_load %arg10[%get3A_2704, %get3A_2705] {strides = array<i32>} : memref<128x64xf32, #tpu.memory_space<vmem>>, vector<16xf32>,
    %mul3A_2707 = arith.mulf %gather3A_2696, %get3A_2706 : vector<16xf32>
    %add3A_2708 = arith.addf %add3A_2681, %mul3A_2707 : vector<16xf32>
    %get3A_2709 = arith.constant 84 : i32
    %get3A_2710 = arith.index_cast %get3A_2709 : i32 to index
    %get3A_2711 = arith.constant 32 : index
    %get3A_2712 = tpu.vector_load %arg10[%get3A_2710, %get3A_2711] {strides = array<i32>} : memref<128x64xf32, #tpu.memory_space<vmem>>, vector<16xf32>,
    %mul3A_2713 = arith.mulf %gather3A_2696, %get3A_2712 : vector<16xf32>
    %add3A_2714 = arith.addf %add3A_2687, %mul3A_2713 : vector<16xf32>
    %get3A_2715 = arith.constant 84 : i32
    %get3A_2716 = arith.index_cast %get3A_2715 : i32 to index
    %get3A_2717 = arith.constant 48 : index
    %get3A_2718 = tpu.vector_load %arg10[%get3A_2716, %get3A_2717] {strides = array<i32>} : memref<128x64xf32, #tpu.memory_space<vmem>>, vector<16xf32>,
    %mul3A_2719 = arith.mulf %gather3A_2696, %get3A_2718 : vector<16xf32>
    %add3A_2720 = arith.addf %add3A_2693, %mul3A_2719 : vector<16xf32>
    %broadcast_in_dim3A_2721 = arith.constant 182 : i32
    %broadcast_in_dim3A_2722 = vector.broadcast %broadcast_in_dim3A_2721 : i32 to vector<16xi32>
    %gather3A_2723 = tpu.vector_load_idx %arg9[%broadcast_in_dim3A_2722] : memref<272xf32, #tpu.memory_space<vmem>>[vector<16xi32>], vector<16xf32>,
    %get3A_2724 = arith.constant 85 : i32
    %get3A_2725 = arith.index_cast %get3A_2724 : i32 to index
    %get3A_2726 = arith.constant 0 : index
    %get3A_2727 = tpu.vector_load %arg10[%get3A_2725, %get3A_2726] {strides = array<i32>} : memref<128x64xf32, #tpu.memory_space<vmem>>, vector<16xf32>,
    %mul3A_2728 = arith.mulf %gather3A_2723, %get3A_2727 : vector<16xf32>
    %add3A_2729 = arith.addf %add3A_2702, %mul3A_2728 : vector<16xf32>
    %get3A_2730 = arith.constant 85 : i32
    %get3A_2731 = arith.index_cast %get3A_2730 : i32 to index
    %get3A_2732 = arith.constant 16 : index
    %get3A_2733 = tpu.vector_load %arg10[%get3A_2731, %get3A_2732] {strides = array<i32>} : memref<128x64xf32, #tpu.memory_space<vmem>>, vector<16xf32>,
    %mul3A_2734 = arith.mulf %gather3A_2723, %get3A_2733 : vector<16xf32>
    %add3A_2735 = arith.addf %add3A_2708, %mul3A_2734 : vector<16xf32>
    %get3A_2736 = arith.constant 85 : i32
    %get3A_2737 = arith.index_cast %get3A_2736 : i32 to index
    %get3A_2738 = arith.constant 32 : index
    %get3A_2739 = tpu.vector_load %arg10[%get3A_2737, %get3A_2738] {strides = array<i32>} : memref<128x64xf32, #tpu.memory_space<vmem>>, vector<16xf32>,
    %mul3A_2740 = arith.mulf %gather3A_2723, %get3A_2739 : vector<16xf32>
    %add3A_2741 = arith.addf %add3A_2714, %mul3A_2740 : vector<16xf32>
    %get3A_2742 = arith.constant 85 : i32
    %get3A_2743 = arith.index_cast %get3A_2742 : i32 to index
    %get3A_2744 = arith.constant 48 : index
    %get3A_2745 = tpu.vector_load %arg10[%get3A_2743, %get3A_2744] {strides = array<i32>} : memref<128x64xf32, #tpu.memory_space<vmem>>, vector<16xf32>,
    %mul3A_2746 = arith.mulf %gather3A_2723, %get3A_2745 : vector<16xf32>
    %add3A_2747 = arith.addf %add3A_2720, %mul3A_2746 : vector<16xf32>
    %broadcast_in_dim3A_2748 = arith.constant 183 : i32
    %broadcast_in_dim3A_2749 = vector.broadcast %broadcast_in_dim3A_2748 : i32 to vector<16xi32>
    %gather3A_2750 = tpu.vector_load_idx %arg9[%broadcast_in_dim3A_2749] : memref<272xf32, #tpu.memory_space<vmem>>[vector<16xi32>], vector<16xf32>,
    %get3A_2751 = arith.constant 86 : i32
    %get3A_2752 = arith.index_cast %get3A_2751 : i32 to index
    %get3A_2753 = arith.constant 0 : index
    %get3A_2754 = tpu.vector_load %arg10[%get3A_2752, %get3A_2753] {strides = array<i32>} : memref<128x64xf32, #tpu.memory_space<vmem>>, vector<16xf32>,
    %mul3A_2755 = arith.mulf %gather3A_2750, %get3A_2754 : vector<16xf32>
    %add3A_2756 = arith.addf %add3A_2729, %mul3A_2755 : vector<16xf32>
    %get3A_2757 = arith.constant 86 : i32
    %get3A_2758 = arith.index_cast %get3A_2757 : i32 to index
    %get3A_2759 = arith.constant 16 : index
    %get3A_2760 = tpu.vector_load %arg10[%get3A_2758, %get3A_2759] {strides = array<i32>} : memref<128x64xf32, #tpu.memory_space<vmem>>, vector<16xf32>,
    %mul3A_2761 = arith.mulf %gather3A_2750, %get3A_2760 : vector<16xf32>
    %add3A_2762 = arith.addf %add3A_2735, %mul3A_2761 : vector<16xf32>
    %get3A_2763 = arith.constant 86 : i32
    %get3A_2764 = arith.index_cast %get3A_2763 : i32 to index
    %get3A_2765 = arith.constant 32 : index
    %get3A_2766 = tpu.vector_load %arg10[%get3A_2764, %get3A_2765] {strides = array<i32>} : memref<128x64xf32, #tpu.memory_space<vmem>>, vector<16xf32>,
    %mul3A_2767 = arith.mulf %gather3A_2750, %get3A_2766 : vector<16xf32>
    %add3A_2768 = arith.addf %add3A_2741, %mul3A_2767 : vector<16xf32>
    %get3A_2769 = arith.constant 86 : i32
    %get3A_2770 = arith.index_cast %get3A_2769 : i32 to index
    %get3A_2771 = arith.constant 48 : index
    %get3A_2772 = tpu.vector_load %arg10[%get3A_2770, %get3A_2771] {strides = array<i32>} : memref<128x64xf32, #tpu.memory_space<vmem>>, vector<16xf32>,
    %mul3A_2773 = arith.mulf %gather3A_2750, %get3A_2772 : vector<16xf32>
    %add3A_2774 = arith.addf %add3A_2747, %mul3A_2773 : vector<16xf32>
    %broadcast_in_dim3A_2775 = arith.constant 184 : i32
    %broadcast_in_dim3A_2776 = vector.broadcast %broadcast_in_dim3A_2775 : i32 to vector<16xi32>
    %gather3A_2777 = tpu.vector_load_idx %arg9[%broadcast_in_dim3A_2776] : memref<272xf32, #tpu.memory_space<vmem>>[vector<16xi32>], vector<16xf32>,
    %get3A_2778 = arith.constant 87 : i32
    %get3A_2779 = arith.index_cast %get3A_2778 : i32 to index
    %get3A_2780 = arith.constant 0 : index
    %get3A_2781 = tpu.vector_load %arg10[%get3A_2779, %get3A_2780] {strides = array<i32>} : memref<128x64xf32, #tpu.memory_space<vmem>>, vector<16xf32>,
    %mul3A_2782 = arith.mulf %gather3A_2777, %get3A_2781 : vector<16xf32>
    %add3A_2783 = arith.addf %add3A_2756, %mul3A_2782 : vector<16xf32>
    %get3A_2784 = arith.constant 87 : i32
    %get3A_2785 = arith.index_cast %get3A_2784 : i32 to index
    %get3A_2786 = arith.constant 16 : index
    %get3A_2787 = tpu.vector_load %arg10[%get3A_2785, %get3A_2786] {strides = array<i32>} : memref<128x64xf32, #tpu.memory_space<vmem>>, vector<16xf32>,
    %mul3A_2788 = arith.mulf %gather3A_2777, %get3A_2787 : vector<16xf32>
    %add3A_2789 = arith.addf %add3A_2762, %mul3A_2788 : vector<16xf32>
    %get3A_2790 = arith.constant 87 : i32
    %get3A_2791 = arith.index_cast %get3A_2790 : i32 to index
    %get3A_2792 = arith.constant 32 : index
    %get3A_2793 = tpu.vector_load %arg10[%get3A_2791, %get3A_2792] {strides = array<i32>} : memref<128x64xf32, #tpu.memory_space<vmem>>, vector<16xf32>,
    %mul3A_2794 = arith.mulf %gather3A_2777, %get3A_2793 : vector<16xf32>
    %add3A_2795 = arith.addf %add3A_2768, %mul3A_2794 : vector<16xf32>
    %get3A_2796 = arith.constant 87 : i32
    %get3A_2797 = arith.index_cast %get3A_2796 : i32 to index
    %get3A_2798 = arith.constant 48 : index
    %get3A_2799 = tpu.vector_load %arg10[%get3A_2797, %get3A_2798] {strides = array<i32>} : memref<128x64xf32, #tpu.memory_space<vmem>>, vector<16xf32>,
    %mul3A_2800 = arith.mulf %gather3A_2777, %get3A_2799 : vector<16xf32>
    %add3A_2801 = arith.addf %add3A_2774, %mul3A_2800 : vector<16xf32>
    %swap3A_2802 = arith.constant 10 : i32
    %swap3A_2803 = arith.index_cast %swap3A_2802 : i32 to index
    %swap3A_2804 = arith.constant 0 : index
    %swap3A_2805 = tpu.vector_load %arg12[%swap3A_2803, %swap3A_2804] {strides = array<i32>} : memref<16x64xf32, #tpu.memory_space<vmem>>, vector<16xf32>,
    tpu.vector_store %arg12[%swap3A_2803, %swap3A_2804], %add3A_2783 {strides = array<i32>} : memref<16x64xf32, #tpu.memory_space<vmem>>, vector<16xf32>,
    %swap3A_2806 = arith.constant 10 : i32
    %swap3A_2807 = arith.index_cast %swap3A_2806 : i32 to index
    %swap3A_2808 = arith.constant 16 : index
    %swap3A_2809 = tpu.vector_load %arg12[%swap3A_2807, %swap3A_2808] {strides = array<i32>} : memref<16x64xf32, #tpu.memory_space<vmem>>, vector<16xf32>,
    tpu.vector_store %arg12[%swap3A_2807, %swap3A_2808], %add3A_2789 {strides = array<i32>} : memref<16x64xf32, #tpu.memory_space<vmem>>, vector<16xf32>,
    %swap3A_2810 = arith.constant 10 : i32
    %swap3A_2811 = arith.index_cast %swap3A_2810 : i32 to index
    %swap3A_2812 = arith.constant 32 : index
    %swap3A_2813 = tpu.vector_load %arg12[%swap3A_2811, %swap3A_2812] {strides = array<i32>} : memref<16x64xf32, #tpu.memory_space<vmem>>, vector<16xf32>,
    tpu.vector_store %arg12[%swap3A_2811, %swap3A_2812], %add3A_2795 {strides = array<i32>} : memref<16x64xf32, #tpu.memory_space<vmem>>, vector<16xf32>,
    %swap3A_2814 = arith.constant 10 : i32
    %swap3A_2815 = arith.index_cast %swap3A_2814 : i32 to index
    %swap3A_2816 = arith.constant 48 : index
    %swap3A_2817 = tpu.vector_load %arg12[%swap3A_2815, %swap3A_2816] {strides = array<i32>} : memref<16x64xf32, #tpu.memory_space<vmem>>, vector<16xf32>,
    tpu.vector_store %arg12[%swap3A_2815, %swap3A_2816], %add3A_2801 {strides = array<i32>} : memref<16x64xf32, #tpu.memory_space<vmem>>, vector<16xf32>,
    %broadcast_in_dim3A_2818 = arith.constant 192 : i32
    %broadcast_in_dim3A_2819 = vector.broadcast %broadcast_in_dim3A_2818 : i32 to vector<16xi32>
    %gather3A_2820 = tpu.vector_load_idx %arg9[%broadcast_in_dim3A_2819] : memref<272xf32, #tpu.memory_space<vmem>>[vector<16xi32>], vector<16xf32>,
    %get3A_2821 = arith.constant 11 : i32
    %get3A_2822 = arith.index_cast %get3A_2821 : i32 to index
    %get3A_2823 = arith.constant 0 : index
    %get3A_2824 = tpu.vector_load %arg11[%get3A_2822, %get3A_2823] {strides = array<i32>} : memref<16x64xf32, #tpu.memory_space<vmem>>, vector<16xf32>,
    %mul3A_2825 = arith.mulf %gather3A_2820, %get3A_2824 : vector<16xf32>
    %get3A_2826 = arith.constant 11 : i32
    %get3A_2827 = arith.index_cast %get3A_2826 : i32 to index
    %get3A_2828 = arith.constant 16 : index
    %get3A_2829 = tpu.vector_load %arg11[%get3A_2827, %get3A_2828] {strides = array<i32>} : memref<16x64xf32, #tpu.memory_space<vmem>>, vector<16xf32>,
    %mul3A_2830 = arith.mulf %gather3A_2820, %get3A_2829 : vector<16xf32>
    %get3A_2831 = arith.constant 11 : i32
    %get3A_2832 = arith.index_cast %get3A_2831 : i32 to index
    %get3A_2833 = arith.constant 32 : index
    %get3A_2834 = tpu.vector_load %arg11[%get3A_2832, %get3A_2833] {strides = array<i32>} : memref<16x64xf32, #tpu.memory_space<vmem>>, vector<16xf32>,
    %mul3A_2835 = arith.mulf %gather3A_2820, %get3A_2834 : vector<16xf32>
    %get3A_2836 = arith.constant 11 : i32
    %get3A_2837 = arith.index_cast %get3A_2836 : i32 to index
    %get3A_2838 = arith.constant 48 : index
    %get3A_2839 = tpu.vector_load %arg11[%get3A_2837, %get3A_2838] {strides = array<i32>} : memref<16x64xf32, #tpu.memory_space<vmem>>, vector<16xf32>,
    %mul3A_2840 = arith.mulf %gather3A_2820, %get3A_2839 : vector<16xf32>
    %broadcast_in_dim3A_2841 = arith.constant 193 : i32
    %broadcast_in_dim3A_2842 = vector.broadcast %broadcast_in_dim3A_2841 : i32 to vector<16xi32>
    %gather3A_2843 = tpu.vector_load_idx %arg9[%broadcast_in_dim3A_2842] : memref<272xf32, #tpu.memory_space<vmem>>[vector<16xi32>], vector<16xf32>,
    %get3A_2844 = arith.constant 88 : i32
    %get3A_2845 = arith.index_cast %get3A_2844 : i32 to index
    %get3A_2846 = arith.constant 0 : index
    %get3A_2847 = tpu.vector_load %arg10[%get3A_2845, %get3A_2846] {strides = array<i32>} : memref<128x64xf32, #tpu.memory_space<vmem>>, vector<16xf32>,
    %mul3A_2848 = arith.mulf %gather3A_2843, %get3A_2847 : vector<16xf32>
    %add3A_2849 = arith.addf %mul3A_2825, %mul3A_2848 : vector<16xf32>
    %get3A_2850 = arith.constant 88 : i32
    %get3A_2851 = arith.index_cast %get3A_2850 : i32 to index
    %get3A_2852 = arith.constant 16 : index
    %get3A_2853 = tpu.vector_load %arg10[%get3A_2851, %get3A_2852] {strides = array<i32>} : memref<128x64xf32, #tpu.memory_space<vmem>>, vector<16xf32>,
    %mul3A_2854 = arith.mulf %gather3A_2843, %get3A_2853 : vector<16xf32>
    %add3A_2855 = arith.addf %mul3A_2830, %mul3A_2854 : vector<16xf32>
    %get3A_2856 = arith.constant 88 : i32
    %get3A_2857 = arith.index_cast %get3A_2856 : i32 to index
    %get3A_2858 = arith.constant 32 : index
    %get3A_2859 = tpu.vector_load %arg10[%get3A_2857, %get3A_2858] {strides = array<i32>} : memref<128x64xf32, #tpu.memory_space<vmem>>, vector<16xf32>,
    %mul3A_2860 = arith.mulf %gather3A_2843, %get3A_2859 : vector<16xf32>
    %add3A_2861 = arith.addf %mul3A_2835, %mul3A_2860 : vector<16xf32>
    %get3A_2862 = arith.constant 88 : i32
    %get3A_2863 = arith.index_cast %get3A_2862 : i32 to index
    %get3A_2864 = arith.constant 48 : index
    %get3A_2865 = tpu.vector_load %arg10[%get3A_2863, %get3A_2864] {strides = array<i32>} : memref<128x64xf32, #tpu.memory_space<vmem>>, vector<16xf32>,
    %mul3A_2866 = arith.mulf %gather3A_2843, %get3A_2865 : vector<16xf32>
    %add3A_2867 = arith.addf %mul3A_2840, %mul3A_2866 : vector<16xf32>
    %broadcast_in_dim3A_2868 = arith.constant 194 : i32
    %broadcast_in_dim3A_2869 = vector.broadcast %broadcast_in_dim3A_2868 : i32 to vector<16xi32>
    %gather3A_2870 = tpu.vector_load_idx %arg9[%broadcast_in_dim3A_2869] : memref<272xf32, #tpu.memory_space<vmem>>[vector<16xi32>], vector<16xf32>,
    %get3A_2871 = arith.constant 89 : i32
    %get3A_2872 = arith.index_cast %get3A_2871 : i32 to index
    %get3A_2873 = arith.constant 0 : index
    %get3A_2874 = tpu.vector_load %arg10[%get3A_2872, %get3A_2873] {strides = array<i32>} : memref<128x64xf32, #tpu.memory_space<vmem>>, vector<16xf32>,
    %mul3A_2875 = arith.mulf %gather3A_2870, %get3A_2874 : vector<16xf32>
    %add3A_2876 = arith.addf %add3A_2849, %mul3A_2875 : vector<16xf32>
    %get3A_2877 = arith.constant 89 : i32
    %get3A_2878 = arith.index_cast %get3A_2877 : i32 to index
    %get3A_2879 = arith.constant 16 : index
    %get3A_2880 = tpu.vector_load %arg10[%get3A_2878, %get3A_2879] {strides = array<i32>} : memref<128x64xf32, #tpu.memory_space<vmem>>, vector<16xf32>,
    %mul3A_2881 = arith.mulf %gather3A_2870, %get3A_2880 : vector<16xf32>
    %add3A_2882 = arith.addf %add3A_2855, %mul3A_2881 : vector<16xf32>
    %get3A_2883 = arith.constant 89 : i32
    %get3A_2884 = arith.index_cast %get3A_2883 : i32 to index
    %get3A_2885 = arith.constant 32 : index
    %get3A_2886 = tpu.vector_load %arg10[%get3A_2884, %get3A_2885] {strides = array<i32>} : memref<128x64xf32, #tpu.memory_space<vmem>>, vector<16xf32>,
    %mul3A_2887 = arith.mulf %gather3A_2870, %get3A_2886 : vector<16xf32>
    %add3A_2888 = arith.addf %add3A_2861, %mul3A_2887 : vector<16xf32>
    %get3A_2889 = arith.constant 89 : i32
    %get3A_2890 = arith.index_cast %get3A_2889 : i32 to index
    %get3A_2891 = arith.constant 48 : index
    %get3A_2892 = tpu.vector_load %arg10[%get3A_2890, %get3A_2891] {strides = array<i32>} : memref<128x64xf32, #tpu.memory_space<vmem>>, vector<16xf32>,
    %mul3A_2893 = arith.mulf %gather3A_2870, %get3A_2892 : vector<16xf32>
    %add3A_2894 = arith.addf %add3A_2867, %mul3A_2893 : vector<16xf32>
    %broadcast_in_dim3A_2895 = arith.constant 195 : i32
    %broadcast_in_dim3A_2896 = vector.broadcast %broadcast_in_dim3A_2895 : i32 to vector<16xi32>
    %gather3A_2897 = tpu.vector_load_idx %arg9[%broadcast_in_dim3A_2896] : memref<272xf32, #tpu.memory_space<vmem>>[vector<16xi32>], vector<16xf32>,
    %get3A_2898 = arith.constant 90 : i32
    %get3A_2899 = arith.index_cast %get3A_2898 : i32 to index
    %get3A_2900 = arith.constant 0 : index
    %get3A_2901 = tpu.vector_load %arg10[%get3A_2899, %get3A_2900] {strides = array<i32>} : memref<128x64xf32, #tpu.memory_space<vmem>>, vector<16xf32>,
    %mul3A_2902 = arith.mulf %gather3A_2897, %get3A_2901 : vector<16xf32>
    %add3A_2903 = arith.addf %add3A_2876, %mul3A_2902 : vector<16xf32>
    %get3A_2904 = arith.constant 90 : i32
    %get3A_2905 = arith.index_cast %get3A_2904 : i32 to index
    %get3A_2906 = arith.constant 16 : index
    %get3A_2907 = tpu.vector_load %arg10[%get3A_2905, %get3A_2906] {strides = array<i32>} : memref<128x64xf32, #tpu.memory_space<vmem>>, vector<16xf32>,
    %mul3A_2908 = arith.mulf %gather3A_2897, %get3A_2907 : vector<16xf32>
    %add3A_2909 = arith.addf %add3A_2882, %mul3A_2908 : vector<16xf32>
    %get3A_2910 = arith.constant 90 : i32
    %get3A_2911 = arith.index_cast %get3A_2910 : i32 to index
    %get3A_2912 = arith.constant 32 : index
    %get3A_2913 = tpu.vector_load %arg10[%get3A_2911, %get3A_2912] {strides = array<i32>} : memref<128x64xf32, #tpu.memory_space<vmem>>, vector<16xf32>,
    %mul3A_2914 = arith.mulf %gather3A_2897, %get3A_2913 : vector<16xf32>
    %add3A_2915 = arith.addf %add3A_2888, %mul3A_2914 : vector<16xf32>
    %get3A_2916 = arith.constant 90 : i32
    %get3A_2917 = arith.index_cast %get3A_2916 : i32 to index
    %get3A_2918 = arith.constant 48 : index
    %get3A_2919 = tpu.vector_load %arg10[%get3A_2917, %get3A_2918] {strides = array<i32>} : memref<128x64xf32, #tpu.memory_space<vmem>>, vector<16xf32>,
    %mul3A_2920 = arith.mulf %gather3A_2897, %get3A_2919 : vector<16xf32>
    %add3A_2921 = arith.addf %add3A_2894, %mul3A_2920 : vector<16xf32>
    %broadcast_in_dim3A_2922 = arith.constant 196 : i32
    %broadcast_in_dim3A_2923 = vector.broadcast %broadcast_in_dim3A_2922 : i32 to vector<16xi32>
    %gather3A_2924 = tpu.vector_load_idx %arg9[%broadcast_in_dim3A_2923] : memref<272xf32, #tpu.memory_space<vmem>>[vector<16xi32>], vector<16xf32>,
    %get3A_2925 = arith.constant 91 : i32
    %get3A_2926 = arith.index_cast %get3A_2925 : i32 to index
    %get3A_2927 = arith.constant 0 : index
    %get3A_2928 = tpu.vector_load %arg10[%get3A_2926, %get3A_2927] {strides = array<i32>} : memref<128x64xf32, #tpu.memory_space<vmem>>, vector<16xf32>,
    %mul3A_2929 = arith.mulf %gather3A_2924, %get3A_2928 : vector<16xf32>
    %add3A_2930 = arith.addf %add3A_2903, %mul3A_2929 : vector<16xf32>
    %get3A_2931 = arith.constant 91 : i32
    %get3A_2932 = arith.index_cast %get3A_2931 : i32 to index
    %get3A_2933 = arith.constant 16 : index
    %get3A_2934 = tpu.vector_load %arg10[%get3A_2932, %get3A_2933] {strides = array<i32>} : memref<128x64xf32, #tpu.memory_space<vmem>>, vector<16xf32>,
    %mul3A_2935 = arith.mulf %gather3A_2924, %get3A_2934 : vector<16xf32>
    %add3A_2936 = arith.addf %add3A_2909, %mul3A_2935 : vector<16xf32>
    %get3A_2937 = arith.constant 91 : i32
    %get3A_2938 = arith.index_cast %get3A_2937 : i32 to index
    %get3A_2939 = arith.constant 32 : index
    %get3A_2940 = tpu.vector_load %arg10[%get3A_2938, %get3A_2939] {strides = array<i32>} : memref<128x64xf32, #tpu.memory_space<vmem>>, vector<16xf32>,
    %mul3A_2941 = arith.mulf %gather3A_2924, %get3A_2940 : vector<16xf32>
    %add3A_2942 = arith.addf %add3A_2915, %mul3A_2941 : vector<16xf32>
    %get3A_2943 = arith.constant 91 : i32
    %get3A_2944 = arith.index_cast %get3A_2943 : i32 to index
    %get3A_2945 = arith.constant 48 : index
    %get3A_2946 = tpu.vector_load %arg10[%get3A_2944, %get3A_2945] {strides = array<i32>} : memref<128x64xf32, #tpu.memory_space<vmem>>, vector<16xf32>,
    %mul3A_2947 = arith.mulf %gather3A_2924, %get3A_2946 : vector<16xf32>
    %add3A_2948 = arith.addf %add3A_2921, %mul3A_2947 : vector<16xf32>
    %broadcast_in_dim3A_2949 = arith.constant 197 : i32
    %broadcast_in_dim3A_2950 = vector.broadcast %broadcast_in_dim3A_2949 : i32 to vector<16xi32>
    %gather3A_2951 = tpu.vector_load_idx %arg9[%broadcast_in_dim3A_2950] : memref<272xf32, #tpu.memory_space<vmem>>[vector<16xi32>], vector<16xf32>,
    %get3A_2952 = arith.constant 92 : i32
    %get3A_2953 = arith.index_cast %get3A_2952 : i32 to index
    %get3A_2954 = arith.constant 0 : index
    %get3A_2955 = tpu.vector_load %arg10[%get3A_2953, %get3A_2954] {strides = array<i32>} : memref<128x64xf32, #tpu.memory_space<vmem>>, vector<16xf32>,
    %mul3A_2956 = arith.mulf %gather3A_2951, %get3A_2955 : vector<16xf32>
    %add3A_2957 = arith.addf %add3A_2930, %mul3A_2956 : vector<16xf32>
    %get3A_2958 = arith.constant 92 : i32
    %get3A_2959 = arith.index_cast %get3A_2958 : i32 to index
    %get3A_2960 = arith.constant 16 : index
    %get3A_2961 = tpu.vector_load %arg10[%get3A_2959, %get3A_2960] {strides = array<i32>} : memref<128x64xf32, #tpu.memory_space<vmem>>, vector<16xf32>,
    %mul3A_2962 = arith.mulf %gather3A_2951, %get3A_2961 : vector<16xf32>
    %add3A_2963 = arith.addf %add3A_2936, %mul3A_2962 : vector<16xf32>
    %get3A_2964 = arith.constant 92 : i32
    %get3A_2965 = arith.index_cast %get3A_2964 : i32 to index
    %get3A_2966 = arith.constant 32 : index
    %get3A_2967 = tpu.vector_load %arg10[%get3A_2965, %get3A_2966] {strides = array<i32>} : memref<128x64xf32, #tpu.memory_space<vmem>>, vector<16xf32>,
    %mul3A_2968 = arith.mulf %gather3A_2951, %get3A_2967 : vector<16xf32>
    %add3A_2969 = arith.addf %add3A_2942, %mul3A_2968 : vector<16xf32>
    %get3A_2970 = arith.constant 92 : i32
    %get3A_2971 = arith.index_cast %get3A_2970 : i32 to index
    %get3A_2972 = arith.constant 48 : index
    %get3A_2973 = tpu.vector_load %arg10[%get3A_2971, %get3A_2972] {strides = array<i32>} : memref<128x64xf32, #tpu.memory_space<vmem>>, vector<16xf32>,
    %mul3A_2974 = arith.mulf %gather3A_2951, %get3A_2973 : vector<16xf32>
    %add3A_2975 = arith.addf %add3A_2948, %mul3A_2974 : vector<16xf32>
    %broadcast_in_dim3A_2976 = arith.constant 198 : i32
    %broadcast_in_dim3A_2977 = vector.broadcast %broadcast_in_dim3A_2976 : i32 to vector<16xi32>
    %gather3A_2978 = tpu.vector_load_idx %arg9[%broadcast_in_dim3A_2977] : memref<272xf32, #tpu.memory_space<vmem>>[vector<16xi32>], vector<16xf32>,
    %get3A_2979 = arith.constant 93 : i32
    %get3A_2980 = arith.index_cast %get3A_2979 : i32 to index
    %get3A_2981 = arith.constant 0 : index
    %get3A_2982 = tpu.vector_load %arg10[%get3A_2980, %get3A_2981] {strides = array<i32>} : memref<128x64xf32, #tpu.memory_space<vmem>>, vector<16xf32>,
    %mul3A_2983 = arith.mulf %gather3A_2978, %get3A_2982 : vector<16xf32>
    %add3A_2984 = arith.addf %add3A_2957, %mul3A_2983 : vector<16xf32>
    %get3A_2985 = arith.constant 93 : i32
    %get3A_2986 = arith.index_cast %get3A_2985 : i32 to index
    %get3A_2987 = arith.constant 16 : index
    %get3A_2988 = tpu.vector_load %arg10[%get3A_2986, %get3A_2987] {strides = array<i32>} : memref<128x64xf32, #tpu.memory_space<vmem>>, vector<16xf32>,
    %mul3A_2989 = arith.mulf %gather3A_2978, %get3A_2988 : vector<16xf32>
    %add3A_2990 = arith.addf %add3A_2963, %mul3A_2989 : vector<16xf32>
    %get3A_2991 = arith.constant 93 : i32
    %get3A_2992 = arith.index_cast %get3A_2991 : i32 to index
    %get3A_2993 = arith.constant 32 : index
    %get3A_2994 = tpu.vector_load %arg10[%get3A_2992, %get3A_2993] {strides = array<i32>} : memref<128x64xf32, #tpu.memory_space<vmem>>, vector<16xf32>,
    %mul3A_2995 = arith.mulf %gather3A_2978, %get3A_2994 : vector<16xf32>
    %add3A_2996 = arith.addf %add3A_2969, %mul3A_2995 : vector<16xf32>
    %get3A_2997 = arith.constant 93 : i32
    %get3A_2998 = arith.index_cast %get3A_2997 : i32 to index
    %get3A_2999 = arith.constant 48 : index
    %get3A_3000 = tpu.vector_load %arg10[%get3A_2998, %get3A_2999] {strides = array<i32>} : memref<128x64xf32, #tpu.memory_space<vmem>>, vector<16xf32>,
    %mul3A_3001 = arith.mulf %gather3A_2978, %get3A_3000 : vector<16xf32>
    %add3A_3002 = arith.addf %add3A_2975, %mul3A_3001 : vector<16xf32>
    %broadcast_in_dim3A_3003 = arith.constant 199 : i32
    %broadcast_in_dim3A_3004 = vector.broadcast %broadcast_in_dim3A_3003 : i32 to vector<16xi32>
    %gather3A_3005 = tpu.vector_load_idx %arg9[%broadcast_in_dim3A_3004] : memref<272xf32, #tpu.memory_space<vmem>>[vector<16xi32>], vector<16xf32>,
    %get3A_3006 = arith.constant 94 : i32
    %get3A_3007 = arith.index_cast %get3A_3006 : i32 to index
    %get3A_3008 = arith.constant 0 : index
    %get3A_3009 = tpu.vector_load %arg10[%get3A_3007, %get3A_3008] {strides = array<i32>} : memref<128x64xf32, #tpu.memory_space<vmem>>, vector<16xf32>,
    %mul3A_3010 = arith.mulf %gather3A_3005, %get3A_3009 : vector<16xf32>
    %add3A_3011 = arith.addf %add3A_2984, %mul3A_3010 : vector<16xf32>
    %get3A_3012 = arith.constant 94 : i32
    %get3A_3013 = arith.index_cast %get3A_3012 : i32 to index
    %get3A_3014 = arith.constant 16 : index
    %get3A_3015 = tpu.vector_load %arg10[%get3A_3013, %get3A_3014] {strides = array<i32>} : memref<128x64xf32, #tpu.memory_space<vmem>>, vector<16xf32>,
    %mul3A_3016 = arith.mulf %gather3A_3005, %get3A_3015 : vector<16xf32>
    %add3A_3017 = arith.addf %add3A_2990, %mul3A_3016 : vector<16xf32>
    %get3A_3018 = arith.constant 94 : i32
    %get3A_3019 = arith.index_cast %get3A_3018 : i32 to index
    %get3A_3020 = arith.constant 32 : index
    %get3A_3021 = tpu.vector_load %arg10[%get3A_3019, %get3A_3020] {strides = array<i32>} : memref<128x64xf32, #tpu.memory_space<vmem>>, vector<16xf32>,
    %mul3A_3022 = arith.mulf %gather3A_3005, %get3A_3021 : vector<16xf32>
    %add3A_3023 = arith.addf %add3A_2996, %mul3A_3022 : vector<16xf32>
    %get3A_3024 = arith.constant 94 : i32
    %get3A_3025 = arith.index_cast %get3A_3024 : i32 to index
    %get3A_3026 = arith.constant 48 : index
    %get3A_3027 = tpu.vector_load %arg10[%get3A_3025, %get3A_3026] {strides = array<i32>} : memref<128x64xf32, #tpu.memory_space<vmem>>, vector<16xf32>,
    %mul3A_3028 = arith.mulf %gather3A_3005, %get3A_3027 : vector<16xf32>
    %add3A_3029 = arith.addf %add3A_3002, %mul3A_3028 : vector<16xf32>
    %broadcast_in_dim3A_3030 = arith.constant 200 : i32
    %broadcast_in_dim3A_3031 = vector.broadcast %broadcast_in_dim3A_3030 : i32 to vector<16xi32>
    %gather3A_3032 = tpu.vector_load_idx %arg9[%broadcast_in_dim3A_3031] : memref<272xf32, #tpu.memory_space<vmem>>[vector<16xi32>], vector<16xf32>,
    %get3A_3033 = arith.constant 95 : i32
    %get3A_3034 = arith.index_cast %get3A_3033 : i32 to index
    %get3A_3035 = arith.constant 0 : index
    %get3A_3036 = tpu.vector_load %arg10[%get3A_3034, %get3A_3035] {strides = array<i32>} : memref<128x64xf32, #tpu.memory_space<vmem>>, vector<16xf32>,
    %mul3A_3037 = arith.mulf %gather3A_3032, %get3A_3036 : vector<16xf32>
    %add3A_3038 = arith.addf %add3A_3011, %mul3A_3037 : vector<16xf32>
    %get3A_3039 = arith.constant 95 : i32
    %get3A_3040 = arith.index_cast %get3A_3039 : i32 to index
    %get3A_3041 = arith.constant 16 : index
    %get3A_3042 = tpu.vector_load %arg10[%get3A_3040, %get3A_3041] {strides = array<i32>} : memref<128x64xf32, #tpu.memory_space<vmem>>, vector<16xf32>,
    %mul3A_3043 = arith.mulf %gather3A_3032, %get3A_3042 : vector<16xf32>
    %add3A_3044 = arith.addf %add3A_3017, %mul3A_3043 : vector<16xf32>
    %get3A_3045 = arith.constant 95 : i32
    %get3A_3046 = arith.index_cast %get3A_3045 : i32 to index
    %get3A_3047 = arith.constant 32 : index
    %get3A_3048 = tpu.vector_load %arg10[%get3A_3046, %get3A_3047] {strides = array<i32>} : memref<128x64xf32, #tpu.memory_space<vmem>>, vector<16xf32>,
    %mul3A_3049 = arith.mulf %gather3A_3032, %get3A_3048 : vector<16xf32>
    %add3A_3050 = arith.addf %add3A_3023, %mul3A_3049 : vector<16xf32>
    %get3A_3051 = arith.constant 95 : i32
    %get3A_3052 = arith.index_cast %get3A_3051 : i32 to index
    %get3A_3053 = arith.constant 48 : index
    %get3A_3054 = tpu.vector_load %arg10[%get3A_3052, %get3A_3053] {strides = array<i32>} : memref<128x64xf32, #tpu.memory_space<vmem>>, vector<16xf32>,
    %mul3A_3055 = arith.mulf %gather3A_3032, %get3A_3054 : vector<16xf32>
    %add3A_3056 = arith.addf %add3A_3029, %mul3A_3055 : vector<16xf32>
    %swap3A_3057 = arith.constant 11 : i32
    %swap3A_3058 = arith.index_cast %swap3A_3057 : i32 to index
    %swap3A_3059 = arith.constant 0 : index
    %swap3A_3060 = tpu.vector_load %arg12[%swap3A_3058, %swap3A_3059] {strides = array<i32>} : memref<16x64xf32, #tpu.memory_space<vmem>>, vector<16xf32>,
    tpu.vector_store %arg12[%swap3A_3058, %swap3A_3059], %add3A_3038 {strides = array<i32>} : memref<16x64xf32, #tpu.memory_space<vmem>>, vector<16xf32>,
    %swap3A_3061 = arith.constant 11 : i32
    %swap3A_3062 = arith.index_cast %swap3A_3061 : i32 to index
    %swap3A_3063 = arith.constant 16 : index
    %swap3A_3064 = tpu.vector_load %arg12[%swap3A_3062, %swap3A_3063] {strides = array<i32>} : memref<16x64xf32, #tpu.memory_space<vmem>>, vector<16xf32>,
    tpu.vector_store %arg12[%swap3A_3062, %swap3A_3063], %add3A_3044 {strides = array<i32>} : memref<16x64xf32, #tpu.memory_space<vmem>>, vector<16xf32>,
    %swap3A_3065 = arith.constant 11 : i32
    %swap3A_3066 = arith.index_cast %swap3A_3065 : i32 to index
    %swap3A_3067 = arith.constant 32 : index
    %swap3A_3068 = tpu.vector_load %arg12[%swap3A_3066, %swap3A_3067] {strides = array<i32>} : memref<16x64xf32, #tpu.memory_space<vmem>>, vector<16xf32>,
    tpu.vector_store %arg12[%swap3A_3066, %swap3A_3067], %add3A_3050 {strides = array<i32>} : memref<16x64xf32, #tpu.memory_space<vmem>>, vector<16xf32>,
    %swap3A_3069 = arith.constant 11 : i32
    %swap3A_3070 = arith.index_cast %swap3A_3069 : i32 to index
    %swap3A_3071 = arith.constant 48 : index
    %swap3A_3072 = tpu.vector_load %arg12[%swap3A_3070, %swap3A_3071] {strides = array<i32>} : memref<16x64xf32, #tpu.memory_space<vmem>>, vector<16xf32>,
    tpu.vector_store %arg12[%swap3A_3070, %swap3A_3071], %add3A_3056 {strides = array<i32>} : memref<16x64xf32, #tpu.memory_space<vmem>>, vector<16xf32>,
    %broadcast_in_dim3A_3073 = arith.constant 208 : i32
    %broadcast_in_dim3A_3074 = vector.broadcast %broadcast_in_dim3A_3073 : i32 to vector<16xi32>
    %gather3A_3075 = tpu.vector_load_idx %arg9[%broadcast_in_dim3A_3074] : memref<272xf32, #tpu.memory_space<vmem>>[vector<16xi32>], vector<16xf32>,
    %get3A_3076 = arith.constant 12 : i32
    %get3A_3077 = arith.index_cast %get3A_3076 : i32 to index
    %get3A_3078 = arith.constant 0 : index
    %get3A_3079 = tpu.vector_load %arg11[%get3A_3077, %get3A_3078] {strides = array<i32>} : memref<16x64xf32, #tpu.memory_space<vmem>>, vector<16xf32>,
    %mul3A_3080 = arith.mulf %gather3A_3075, %get3A_3079 : vector<16xf32>
    %get3A_3081 = arith.constant 12 : i32
    %get3A_3082 = arith.index_cast %get3A_3081 : i32 to index
    %get3A_3083 = arith.constant 16 : index
    %get3A_3084 = tpu.vector_load %arg11[%get3A_3082, %get3A_3083] {strides = array<i32>} : memref<16x64xf32, #tpu.memory_space<vmem>>, vector<16xf32>,
    %mul3A_3085 = arith.mulf %gather3A_3075, %get3A_3084 : vector<16xf32>
    %get3A_3086 = arith.constant 12 : i32
    %get3A_3087 = arith.index_cast %get3A_3086 : i32 to index
    %get3A_3088 = arith.constant 32 : index
    %get3A_3089 = tpu.vector_load %arg11[%get3A_3087, %get3A_3088] {strides = array<i32>} : memref<16x64xf32, #tpu.memory_space<vmem>>, vector<16xf32>,
    %mul3A_3090 = arith.mulf %gather3A_3075, %get3A_3089 : vector<16xf32>
    %get3A_3091 = arith.constant 12 : i32
    %get3A_3092 = arith.index_cast %get3A_3091 : i32 to index
    %get3A_3093 = arith.constant 48 : index
    %get3A_3094 = tpu.vector_load %arg11[%get3A_3092, %get3A_3093] {strides = array<i32>} : memref<16x64xf32, #tpu.memory_space<vmem>>, vector<16xf32>,
    %mul3A_3095 = arith.mulf %gather3A_3075, %get3A_3094 : vector<16xf32>
    %broadcast_in_dim3A_3096 = arith.constant 209 : i32
    %broadcast_in_dim3A_3097 = vector.broadcast %broadcast_in_dim3A_3096 : i32 to vector<16xi32>
    %gather3A_3098 = tpu.vector_load_idx %arg9[%broadcast_in_dim3A_3097] : memref<272xf32, #tpu.memory_space<vmem>>[vector<16xi32>], vector<16xf32>,
    %get3A_3099 = arith.constant 96 : i32
    %get3A_3100 = arith.index_cast %get3A_3099 : i32 to index
    %get3A_3101 = arith.constant 0 : index
    %get3A_3102 = tpu.vector_load %arg10[%get3A_3100, %get3A_3101] {strides = array<i32>} : memref<128x64xf32, #tpu.memory_space<vmem>>, vector<16xf32>,
    %mul3A_3103 = arith.mulf %gather3A_3098, %get3A_3102 : vector<16xf32>
    %add3A_3104 = arith.addf %mul3A_3080, %mul3A_3103 : vector<16xf32>
    %get3A_3105 = arith.constant 96 : i32
    %get3A_3106 = arith.index_cast %get3A_3105 : i32 to index
    %get3A_3107 = arith.constant 16 : index
    %get3A_3108 = tpu.vector_load %arg10[%get3A_3106, %get3A_3107] {strides = array<i32>} : memref<128x64xf32, #tpu.memory_space<vmem>>, vector<16xf32>,
    %mul3A_3109 = arith.mulf %gather3A_3098, %get3A_3108 : vector<16xf32>
    %add3A_3110 = arith.addf %mul3A_3085, %mul3A_3109 : vector<16xf32>
    %get3A_3111 = arith.constant 96 : i32
    %get3A_3112 = arith.index_cast %get3A_3111 : i32 to index
    %get3A_3113 = arith.constant 32 : index
    %get3A_3114 = tpu.vector_load %arg10[%get3A_3112, %get3A_3113] {strides = array<i32>} : memref<128x64xf32, #tpu.memory_space<vmem>>, vector<16xf32>,
    %mul3A_3115 = arith.mulf %gather3A_3098, %get3A_3114 : vector<16xf32>
    %add3A_3116 = arith.addf %mul3A_3090, %mul3A_3115 : vector<16xf32>
    %get3A_3117 = arith.constant 96 : i32
    %get3A_3118 = arith.index_cast %get3A_3117 : i32 to index
    %get3A_3119 = arith.constant 48 : index
    %get3A_3120 = tpu.vector_load %arg10[%get3A_3118, %get3A_3119] {strides = array<i32>} : memref<128x64xf32, #tpu.memory_space<vmem>>, vector<16xf32>,
    %mul3A_3121 = arith.mulf %gather3A_3098, %get3A_3120 : vector<16xf32>
    %add3A_3122 = arith.addf %mul3A_3095, %mul3A_3121 : vector<16xf32>
    %broadcast_in_dim3A_3123 = arith.constant 210 : i32
    %broadcast_in_dim3A_3124 = vector.broadcast %broadcast_in_dim3A_3123 : i32 to vector<16xi32>
    %gather3A_3125 = tpu.vector_load_idx %arg9[%broadcast_in_dim3A_3124] : memref<272xf32, #tpu.memory_space<vmem>>[vector<16xi32>], vector<16xf32>,
    %get3A_3126 = arith.constant 97 : i32
    %get3A_3127 = arith.index_cast %get3A_3126 : i32 to index
    %get3A_3128 = arith.constant 0 : index
    %get3A_3129 = tpu.vector_load %arg10[%get3A_3127, %get3A_3128] {strides = array<i32>} : memref<128x64xf32, #tpu.memory_space<vmem>>, vector<16xf32>,
    %mul3A_3130 = arith.mulf %gather3A_3125, %get3A_3129 : vector<16xf32>
    %add3A_3131 = arith.addf %add3A_3104, %mul3A_3130 : vector<16xf32>
    %get3A_3132 = arith.constant 97 : i32
    %get3A_3133 = arith.index_cast %get3A_3132 : i32 to index
    %get3A_3134 = arith.constant 16 : index
    %get3A_3135 = tpu.vector_load %arg10[%get3A_3133, %get3A_3134] {strides = array<i32>} : memref<128x64xf32, #tpu.memory_space<vmem>>, vector<16xf32>,
    %mul3A_3136 = arith.mulf %gather3A_3125, %get3A_3135 : vector<16xf32>
    %add3A_3137 = arith.addf %add3A_3110, %mul3A_3136 : vector<16xf32>
    %get3A_3138 = arith.constant 97 : i32
    %get3A_3139 = arith.index_cast %get3A_3138 : i32 to index
    %get3A_3140 = arith.constant 32 : index
    %get3A_3141 = tpu.vector_load %arg10[%get3A_3139, %get3A_3140] {strides = array<i32>} : memref<128x64xf32, #tpu.memory_space<vmem>>, vector<16xf32>,
    %mul3A_3142 = arith.mulf %gather3A_3125, %get3A_3141 : vector<16xf32>
    %add3A_3143 = arith.addf %add3A_3116, %mul3A_3142 : vector<16xf32>
    %get3A_3144 = arith.constant 97 : i32
    %get3A_3145 = arith.index_cast %get3A_3144 : i32 to index
    %get3A_3146 = arith.constant 48 : index
    %get3A_3147 = tpu.vector_load %arg10[%get3A_3145, %get3A_3146] {strides = array<i32>} : memref<128x64xf32, #tpu.memory_space<vmem>>, vector<16xf32>,
    %mul3A_3148 = arith.mulf %gather3A_3125, %get3A_3147 : vector<16xf32>
    %add3A_3149 = arith.addf %add3A_3122, %mul3A_3148 : vector<16xf32>
    %broadcast_in_dim3A_3150 = arith.constant 211 : i32
    %broadcast_in_dim3A_3151 = vector.broadcast %broadcast_in_dim3A_3150 : i32 to vector<16xi32>
    %gather3A_3152 = tpu.vector_load_idx %arg9[%broadcast_in_dim3A_3151] : memref<272xf32, #tpu.memory_space<vmem>>[vector<16xi32>], vector<16xf32>,
    %get3A_3153 = arith.constant 98 : i32
    %get3A_3154 = arith.index_cast %get3A_3153 : i32 to index
    %get3A_3155 = arith.constant 0 : index
    %get3A_3156 = tpu.vector_load %arg10[%get3A_3154, %get3A_3155] {strides = array<i32>} : memref<128x64xf32, #tpu.memory_space<vmem>>, vector<16xf32>,
    %mul3A_3157 = arith.mulf %gather3A_3152, %get3A_3156 : vector<16xf32>
    %add3A_3158 = arith.addf %add3A_3131, %mul3A_3157 : vector<16xf32>
    %get3A_3159 = arith.constant 98 : i32
    %get3A_3160 = arith.index_cast %get3A_3159 : i32 to index
    %get3A_3161 = arith.constant 16 : index
    %get3A_3162 = tpu.vector_load %arg10[%get3A_3160, %get3A_3161] {strides = array<i32>} : memref<128x64xf32, #tpu.memory_space<vmem>>, vector<16xf32>,
    %mul3A_3163 = arith.mulf %gather3A_3152, %get3A_3162 : vector<16xf32>
    %add3A_3164 = arith.addf %add3A_3137, %mul3A_3163 : vector<16xf32>
    %get3A_3165 = arith.constant 98 : i32
    %get3A_3166 = arith.index_cast %get3A_3165 : i32 to index
    %get3A_3167 = arith.constant 32 : index
    %get3A_3168 = tpu.vector_load %arg10[%get3A_3166, %get3A_3167] {strides = array<i32>} : memref<128x64xf32, #tpu.memory_space<vmem>>, vector<16xf32>,
    %mul3A_3169 = arith.mulf %gather3A_3152, %get3A_3168 : vector<16xf32>
    %add3A_3170 = arith.addf %add3A_3143, %mul3A_3169 : vector<16xf32>
    %get3A_3171 = arith.constant 98 : i32
    %get3A_3172 = arith.index_cast %get3A_3171 : i32 to index
    %get3A_3173 = arith.constant 48 : index
    %get3A_3174 = tpu.vector_load %arg10[%get3A_3172, %get3A_3173] {strides = array<i32>} : memref<128x64xf32, #tpu.memory_space<vmem>>, vector<16xf32>,
    %mul3A_3175 = arith.mulf %gather3A_3152, %get3A_3174 : vector<16xf32>
    %add3A_3176 = arith.addf %add3A_3149, %mul3A_3175 : vector<16xf32>
    %broadcast_in_dim3A_3177 = arith.constant 212 : i32
    %broadcast_in_dim3A_3178 = vector.broadcast %broadcast_in_dim3A_3177 : i32 to vector<16xi32>
    %gather3A_3179 = tpu.vector_load_idx %arg9[%broadcast_in_dim3A_3178] : memref<272xf32, #tpu.memory_space<vmem>>[vector<16xi32>], vector<16xf32>,
    %get3A_3180 = arith.constant 99 : i32
    %get3A_3181 = arith.index_cast %get3A_3180 : i32 to index
    %get3A_3182 = arith.constant 0 : index
    %get3A_3183 = tpu.vector_load %arg10[%get3A_3181, %get3A_3182] {strides = array<i32>} : memref<128x64xf32, #tpu.memory_space<vmem>>, vector<16xf32>,
    %mul3A_3184 = arith.mulf %gather3A_3179, %get3A_3183 : vector<16xf32>
    %add3A_3185 = arith.addf %add3A_3158, %mul3A_3184 : vector<16xf32>
    %get3A_3186 = arith.constant 99 : i32
    %get3A_3187 = arith.index_cast %get3A_3186 : i32 to index
    %get3A_3188 = arith.constant 16 : index
    %get3A_3189 = tpu.vector_load %arg10[%get3A_3187, %get3A_3188] {strides = array<i32>} : memref<128x64xf32, #tpu.memory_space<vmem>>, vector<16xf32>,
    %mul3A_3190 = arith.mulf %gather3A_3179, %get3A_3189 : vector<16xf32>
    %add3A_3191 = arith.addf %add3A_3164, %mul3A_3190 : vector<16xf32>
    %get3A_3192 = arith.constant 99 : i32
    %get3A_3193 = arith.index_cast %get3A_3192 : i32 to index
    %get3A_3194 = arith.constant 32 : index
    %get3A_3195 = tpu.vector_load %arg10[%get3A_3193, %get3A_3194] {strides = array<i32>} : memref<128x64xf32, #tpu.memory_space<vmem>>, vector<16xf32>,
    %mul3A_3196 = arith.mulf %gather3A_3179, %get3A_3195 : vector<16xf32>
    %add3A_3197 = arith.addf %add3A_3170, %mul3A_3196 : vector<16xf32>
    %get3A_3198 = arith.constant 99 : i32
    %get3A_3199 = arith.index_cast %get3A_3198 : i32 to index
    %get3A_3200 = arith.constant 48 : index
    %get3A_3201 = tpu.vector_load %arg10[%get3A_3199, %get3A_3200] {strides = array<i32>} : memref<128x64xf32, #tpu.memory_space<vmem>>, vector<16xf32>,
    %mul3A_3202 = arith.mulf %gather3A_3179, %get3A_3201 : vector<16xf32>
    %add3A_3203 = arith.addf %add3A_3176, %mul3A_3202 : vector<16xf32>
    %broadcast_in_dim3A_3204 = arith.constant 213 : i32
    %broadcast_in_dim3A_3205 = vector.broadcast %broadcast_in_dim3A_3204 : i32 to vector<16xi32>
    %gather3A_3206 = tpu.vector_load_idx %arg9[%broadcast_in_dim3A_3205] : memref<272xf32, #tpu.memory_space<vmem>>[vector<16xi32>], vector<16xf32>,
    %get3A_3207 = arith.constant 100 : i32
    %get3A_3208 = arith.index_cast %get3A_3207 : i32 to index
    %get3A_3209 = arith.constant 0 : index
    %get3A_3210 = tpu.vector_load %arg10[%get3A_3208, %get3A_3209] {strides = array<i32>} : memref<128x64xf32, #tpu.memory_space<vmem>>, vector<16xf32>,
    %mul3A_3211 = arith.mulf %gather3A_3206, %get3A_3210 : vector<16xf32>
    %add3A_3212 = arith.addf %add3A_3185, %mul3A_3211 : vector<16xf32>
    %get3A_3213 = arith.constant 100 : i32
    %get3A_3214 = arith.index_cast %get3A_3213 : i32 to index
    %get3A_3215 = arith.constant 16 : index
    %get3A_3216 = tpu.vector_load %arg10[%get3A_3214, %get3A_3215] {strides = array<i32>} : memref<128x64xf32, #tpu.memory_space<vmem>>, vector<16xf32>,
    %mul3A_3217 = arith.mulf %gather3A_3206, %get3A_3216 : vector<16xf32>
    %add3A_3218 = arith.addf %add3A_3191, %mul3A_3217 : vector<16xf32>
    %get3A_3219 = arith.constant 100 : i32
    %get3A_3220 = arith.index_cast %get3A_3219 : i32 to index
    %get3A_3221 = arith.constant 32 : index
    %get3A_3222 = tpu.vector_load %arg10[%get3A_3220, %get3A_3221] {strides = array<i32>} : memref<128x64xf32, #tpu.memory_space<vmem>>, vector<16xf32>,
    %mul3A_3223 = arith.mulf %gather3A_3206, %get3A_3222 : vector<16xf32>
    %add3A_3224 = arith.addf %add3A_3197, %mul3A_3223 : vector<16xf32>
    %get3A_3225 = arith.constant 100 : i32
    %get3A_3226 = arith.index_cast %get3A_3225 : i32 to index
    %get3A_3227 = arith.constant 48 : index
    %get3A_3228 = tpu.vector_load %arg10[%get3A_3226, %get3A_3227] {strides = array<i32>} : memref<128x64xf32, #tpu.memory_space<vmem>>, vector<16xf32>,
    %mul3A_3229 = arith.mulf %gather3A_3206, %get3A_3228 : vector<16xf32>
    %add3A_3230 = arith.addf %add3A_3203, %mul3A_3229 : vector<16xf32>
    %broadcast_in_dim3A_3231 = arith.constant 214 : i32
    %broadcast_in_dim3A_3232 = vector.broadcast %broadcast_in_dim3A_3231 : i32 to vector<16xi32>
    %gather3A_3233 = tpu.vector_load_idx %arg9[%broadcast_in_dim3A_3232] : memref<272xf32, #tpu.memory_space<vmem>>[vector<16xi32>], vector<16xf32>,
    %get3A_3234 = arith.constant 101 : i32
    %get3A_3235 = arith.index_cast %get3A_3234 : i32 to index
    %get3A_3236 = arith.constant 0 : index
    %get3A_3237 = tpu.vector_load %arg10[%get3A_3235, %get3A_3236] {strides = array<i32>} : memref<128x64xf32, #tpu.memory_space<vmem>>, vector<16xf32>,
    %mul3A_3238 = arith.mulf %gather3A_3233, %get3A_3237 : vector<16xf32>
    %add3A_3239 = arith.addf %add3A_3212, %mul3A_3238 : vector<16xf32>
    %get3A_3240 = arith.constant 101 : i32
    %get3A_3241 = arith.index_cast %get3A_3240 : i32 to index
    %get3A_3242 = arith.constant 16 : index
    %get3A_3243 = tpu.vector_load %arg10[%get3A_3241, %get3A_3242] {strides = array<i32>} : memref<128x64xf32, #tpu.memory_space<vmem>>, vector<16xf32>,
    %mul3A_3244 = arith.mulf %gather3A_3233, %get3A_3243 : vector<16xf32>
    %add3A_3245 = arith.addf %add3A_3218, %mul3A_3244 : vector<16xf32>
    %get3A_3246 = arith.constant 101 : i32
    %get3A_3247 = arith.index_cast %get3A_3246 : i32 to index
    %get3A_3248 = arith.constant 32 : index
    %get3A_3249 = tpu.vector_load %arg10[%get3A_3247, %get3A_3248] {strides = array<i32>} : memref<128x64xf32, #tpu.memory_space<vmem>>, vector<16xf32>,
    %mul3A_3250 = arith.mulf %gather3A_3233, %get3A_3249 : vector<16xf32>
    %add3A_3251 = arith.addf %add3A_3224, %mul3A_3250 : vector<16xf32>
    %get3A_3252 = arith.constant 101 : i32
    %get3A_3253 = arith.index_cast %get3A_3252 : i32 to index
    %get3A_3254 = arith.constant 48 : index
    %get3A_3255 = tpu.vector_load %arg10[%get3A_3253, %get3A_3254] {strides = array<i32>} : memref<128x64xf32, #tpu.memory_space<vmem>>, vector<16xf32>,
    %mul3A_3256 = arith.mulf %gather3A_3233, %get3A_3255 : vector<16xf32>
    %add3A_3257 = arith.addf %add3A_3230, %mul3A_3256 : vector<16xf32>
    %broadcast_in_dim3A_3258 = arith.constant 215 : i32
    %broadcast_in_dim3A_3259 = vector.broadcast %broadcast_in_dim3A_3258 : i32 to vector<16xi32>
    %gather3A_3260 = tpu.vector_load_idx %arg9[%broadcast_in_dim3A_3259] : memref<272xf32, #tpu.memory_space<vmem>>[vector<16xi32>], vector<16xf32>,
    %get3A_3261 = arith.constant 102 : i32
    %get3A_3262 = arith.index_cast %get3A_3261 : i32 to index
    %get3A_3263 = arith.constant 0 : index
    %get3A_3264 = tpu.vector_load %arg10[%get3A_3262, %get3A_3263] {strides = array<i32>} : memref<128x64xf32, #tpu.memory_space<vmem>>, vector<16xf32>,
    %mul3A_3265 = arith.mulf %gather3A_3260, %get3A_3264 : vector<16xf32>
    %add3A_3266 = arith.addf %add3A_3239, %mul3A_3265 : vector<16xf32>
    %get3A_3267 = arith.constant 102 : i32
    %get3A_3268 = arith.index_cast %get3A_3267 : i32 to index
    %get3A_3269 = arith.constant 16 : index
    %get3A_3270 = tpu.vector_load %arg10[%get3A_3268, %get3A_3269] {strides = array<i32>} : memref<128x64xf32, #tpu.memory_space<vmem>>, vector<16xf32>,
    %mul3A_3271 = arith.mulf %gather3A_3260, %get3A_3270 : vector<16xf32>
    %add3A_3272 = arith.addf %add3A_3245, %mul3A_3271 : vector<16xf32>
    %get3A_3273 = arith.constant 102 : i32
    %get3A_3274 = arith.index_cast %get3A_3273 : i32 to index
    %get3A_3275 = arith.constant 32 : index
    %get3A_3276 = tpu.vector_load %arg10[%get3A_3274, %get3A_3275] {strides = array<i32>} : memref<128x64xf32, #tpu.memory_space<vmem>>, vector<16xf32>,
    %mul3A_3277 = arith.mulf %gather3A_3260, %get3A_3276 : vector<16xf32>
    %add3A_3278 = arith.addf %add3A_3251, %mul3A_3277 : vector<16xf32>
    %get3A_3279 = arith.constant 102 : i32
    %get3A_3280 = arith.index_cast %get3A_3279 : i32 to index
    %get3A_3281 = arith.constant 48 : index
    %get3A_3282 = tpu.vector_load %arg10[%get3A_3280, %get3A_3281] {strides = array<i32>} : memref<128x64xf32, #tpu.memory_space<vmem>>, vector<16xf32>,
    %mul3A_3283 = arith.mulf %gather3A_3260, %get3A_3282 : vector<16xf32>
    %add3A_3284 = arith.addf %add3A_3257, %mul3A_3283 : vector<16xf32>
    %broadcast_in_dim3A_3285 = arith.constant 216 : i32
    %broadcast_in_dim3A_3286 = vector.broadcast %broadcast_in_dim3A_3285 : i32 to vector<16xi32>
    %gather3A_3287 = tpu.vector_load_idx %arg9[%broadcast_in_dim3A_3286] : memref<272xf32, #tpu.memory_space<vmem>>[vector<16xi32>], vector<16xf32>,
    %get3A_3288 = arith.constant 103 : i32
    %get3A_3289 = arith.index_cast %get3A_3288 : i32 to index
    %get3A_3290 = arith.constant 0 : index
    %get3A_3291 = tpu.vector_load %arg10[%get3A_3289, %get3A_3290] {strides = array<i32>} : memref<128x64xf32, #tpu.memory_space<vmem>>, vector<16xf32>,
    %mul3A_3292 = arith.mulf %gather3A_3287, %get3A_3291 : vector<16xf32>
    %add3A_3293 = arith.addf %add3A_3266, %mul3A_3292 : vector<16xf32>
    %get3A_3294 = arith.constant 103 : i32
    %get3A_3295 = arith.index_cast %get3A_3294 : i32 to index
    %get3A_3296 = arith.constant 16 : index
    %get3A_3297 = tpu.vector_load %arg10[%get3A_3295, %get3A_3296] {strides = array<i32>} : memref<128x64xf32, #tpu.memory_space<vmem>>, vector<16xf32>,
    %mul3A_3298 = arith.mulf %gather3A_3287, %get3A_3297 : vector<16xf32>
    %add3A_3299 = arith.addf %add3A_3272, %mul3A_3298 : vector<16xf32>
    %get3A_3300 = arith.constant 103 : i32
    %get3A_3301 = arith.index_cast %get3A_3300 : i32 to index
    %get3A_3302 = arith.constant 32 : index
    %get3A_3303 = tpu.vector_load %arg10[%get3A_3301, %get3A_3302] {strides = array<i32>} : memref<128x64xf32, #tpu.memory_space<vmem>>, vector<16xf32>,
    %mul3A_3304 = arith.mulf %gather3A_3287, %get3A_3303 : vector<16xf32>
    %add3A_3305 = arith.addf %add3A_3278, %mul3A_3304 : vector<16xf32>
    %get3A_3306 = arith.constant 103 : i32
    %get3A_3307 = arith.index_cast %get3A_3306 : i32 to index
    %get3A_3308 = arith.constant 48 : index
    %get3A_3309 = tpu.vector_load %arg10[%get3A_3307, %get3A_3308] {strides = array<i32>} : memref<128x64xf32, #tpu.memory_space<vmem>>, vector<16xf32>,
    %mul3A_3310 = arith.mulf %gather3A_3287, %get3A_3309 : vector<16xf32>
    %add3A_3311 = arith.addf %add3A_3284, %mul3A_3310 : vector<16xf32>
    %swap3A_3312 = arith.constant 12 : i32
    %swap3A_3313 = arith.index_cast %swap3A_3312 : i32 to index
    %swap3A_3314 = arith.constant 0 : index
    %swap3A_3315 = tpu.vector_load %arg12[%swap3A_3313, %swap3A_3314] {strides = array<i32>} : memref<16x64xf32, #tpu.memory_space<vmem>>, vector<16xf32>,
    tpu.vector_store %arg12[%swap3A_3313, %swap3A_3314], %add3A_3293 {strides = array<i32>} : memref<16x64xf32, #tpu.memory_space<vmem>>, vector<16xf32>,
    %swap3A_3316 = arith.constant 12 : i32
    %swap3A_3317 = arith.index_cast %swap3A_3316 : i32 to index
    %swap3A_3318 = arith.constant 16 : index
    %swap3A_3319 = tpu.vector_load %arg12[%swap3A_3317, %swap3A_3318] {strides = array<i32>} : memref<16x64xf32, #tpu.memory_space<vmem>>, vector<16xf32>,
    tpu.vector_store %arg12[%swap3A_3317, %swap3A_3318], %add3A_3299 {strides = array<i32>} : memref<16x64xf32, #tpu.memory_space<vmem>>, vector<16xf32>,
    %swap3A_3320 = arith.constant 12 : i32
    %swap3A_3321 = arith.index_cast %swap3A_3320 : i32 to index
    %swap3A_3322 = arith.constant 32 : index
    %swap3A_3323 = tpu.vector_load %arg12[%swap3A_3321, %swap3A_3322] {strides = array<i32>} : memref<16x64xf32, #tpu.memory_space<vmem>>, vector<16xf32>,
    tpu.vector_store %arg12[%swap3A_3321, %swap3A_3322], %add3A_3305 {strides = array<i32>} : memref<16x64xf32, #tpu.memory_space<vmem>>, vector<16xf32>,
    %swap3A_3324 = arith.constant 12 : i32
    %swap3A_3325 = arith.index_cast %swap3A_3324 : i32 to index
    %swap3A_3326 = arith.constant 48 : index
    %swap3A_3327 = tpu.vector_load %arg12[%swap3A_3325, %swap3A_3326] {strides = array<i32>} : memref<16x64xf32, #tpu.memory_space<vmem>>, vector<16xf32>,
    tpu.vector_store %arg12[%swap3A_3325, %swap3A_3326], %add3A_3311 {strides = array<i32>} : memref<16x64xf32, #tpu.memory_space<vmem>>, vector<16xf32>,
    %broadcast_in_dim3A_3328 = arith.constant 224 : i32
    %broadcast_in_dim3A_3329 = vector.broadcast %broadcast_in_dim3A_3328 : i32 to vector<16xi32>
    %gather3A_3330 = tpu.vector_load_idx %arg9[%broadcast_in_dim3A_3329] : memref<272xf32, #tpu.memory_space<vmem>>[vector<16xi32>], vector<16xf32>,
    %get3A_3331 = arith.constant 13 : i32
    %get3A_3332 = arith.index_cast %get3A_3331 : i32 to index
    %get3A_3333 = arith.constant 0 : index
    %get3A_3334 = tpu.vector_load %arg11[%get3A_3332, %get3A_3333] {strides = array<i32>} : memref<16x64xf32, #tpu.memory_space<vmem>>, vector<16xf32>,
    %mul3A_3335 = arith.mulf %gather3A_3330, %get3A_3334 : vector<16xf32>
    %get3A_3336 = arith.constant 13 : i32
    %get3A_3337 = arith.index_cast %get3A_3336 : i32 to index
    %get3A_3338 = arith.constant 16 : index
    %get3A_3339 = tpu.vector_load %arg11[%get3A_3337, %get3A_3338] {strides = array<i32>} : memref<16x64xf32, #tpu.memory_space<vmem>>, vector<16xf32>,
    %mul3A_3340 = arith.mulf %gather3A_3330, %get3A_3339 : vector<16xf32>
    %get3A_3341 = arith.constant 13 : i32
    %get3A_3342 = arith.index_cast %get3A_3341 : i32 to index
    %get3A_3343 = arith.constant 32 : index
    %get3A_3344 = tpu.vector_load %arg11[%get3A_3342, %get3A_3343] {strides = array<i32>} : memref<16x64xf32, #tpu.memory_space<vmem>>, vector<16xf32>,
    %mul3A_3345 = arith.mulf %gather3A_3330, %get3A_3344 : vector<16xf32>
    %get3A_3346 = arith.constant 13 : i32
    %get3A_3347 = arith.index_cast %get3A_3346 : i32 to index
    %get3A_3348 = arith.constant 48 : index
    %get3A_3349 = tpu.vector_load %arg11[%get3A_3347, %get3A_3348] {strides = array<i32>} : memref<16x64xf32, #tpu.memory_space<vmem>>, vector<16xf32>,
    %mul3A_3350 = arith.mulf %gather3A_3330, %get3A_3349 : vector<16xf32>
    %broadcast_in_dim3A_3351 = arith.constant 225 : i32
    %broadcast_in_dim3A_3352 = vector.broadcast %broadcast_in_dim3A_3351 : i32 to vector<16xi32>
    %gather3A_3353 = tpu.vector_load_idx %arg9[%broadcast_in_dim3A_3352] : memref<272xf32, #tpu.memory_space<vmem>>[vector<16xi32>], vector<16xf32>,
    %get3A_3354 = arith.constant 104 : i32
    %get3A_3355 = arith.index_cast %get3A_3354 : i32 to index
    %get3A_3356 = arith.constant 0 : index
    %get3A_3357 = tpu.vector_load %arg10[%get3A_3355, %get3A_3356] {strides = array<i32>} : memref<128x64xf32, #tpu.memory_space<vmem>>, vector<16xf32>,
    %mul3A_3358 = arith.mulf %gather3A_3353, %get3A_3357 : vector<16xf32>
    %add3A_3359 = arith.addf %mul3A_3335, %mul3A_3358 : vector<16xf32>
    %get3A_3360 = arith.constant 104 : i32
    %get3A_3361 = arith.index_cast %get3A_3360 : i32 to index
    %get3A_3362 = arith.constant 16 : index
    %get3A_3363 = tpu.vector_load %arg10[%get3A_3361, %get3A_3362] {strides = array<i32>} : memref<128x64xf32, #tpu.memory_space<vmem>>, vector<16xf32>,
    %mul3A_3364 = arith.mulf %gather3A_3353, %get3A_3363 : vector<16xf32>
    %add3A_3365 = arith.addf %mul3A_3340, %mul3A_3364 : vector<16xf32>
    %get3A_3366 = arith.constant 104 : i32
    %get3A_3367 = arith.index_cast %get3A_3366 : i32 to index
    %get3A_3368 = arith.constant 32 : index
    %get3A_3369 = tpu.vector_load %arg10[%get3A_3367, %get3A_3368] {strides = array<i32>} : memref<128x64xf32, #tpu.memory_space<vmem>>, vector<16xf32>,
    %mul3A_3370 = arith.mulf %gather3A_3353, %get3A_3369 : vector<16xf32>
    %add3A_3371 = arith.addf %mul3A_3345, %mul3A_3370 : vector<16xf32>
    %get3A_3372 = arith.constant 104 : i32
    %get3A_3373 = arith.index_cast %get3A_3372 : i32 to index
    %get3A_3374 = arith.constant 48 : index
    %get3A_3375 = tpu.vector_load %arg10[%get3A_3373, %get3A_3374] {strides = array<i32>} : memref<128x64xf32, #tpu.memory_space<vmem>>, vector<16xf32>,
    %mul3A_3376 = arith.mulf %gather3A_3353, %get3A_3375 : vector<16xf32>
    %add3A_3377 = arith.addf %mul3A_3350, %mul3A_3376 : vector<16xf32>
    %broadcast_in_dim3A_3378 = arith.constant 226 : i32
    %broadcast_in_dim3A_3379 = vector.broadcast %broadcast_in_dim3A_3378 : i32 to vector<16xi32>
    %gather3A_3380 = tpu.vector_load_idx %arg9[%broadcast_in_dim3A_3379] : memref<272xf32, #tpu.memory_space<vmem>>[vector<16xi32>], vector<16xf32>,
    %get3A_3381 = arith.constant 105 : i32
    %get3A_3382 = arith.index_cast %get3A_3381 : i32 to index
    %get3A_3383 = arith.constant 0 : index
    %get3A_3384 = tpu.vector_load %arg10[%get3A_3382, %get3A_3383] {strides = array<i32>} : memref<128x64xf32, #tpu.memory_space<vmem>>, vector<16xf32>,
    %mul3A_3385 = arith.mulf %gather3A_3380, %get3A_3384 : vector<16xf32>
    %add3A_3386 = arith.addf %add3A_3359, %mul3A_3385 : vector<16xf32>
    %get3A_3387 = arith.constant 105 : i32
    %get3A_3388 = arith.index_cast %get3A_3387 : i32 to index
    %get3A_3389 = arith.constant 16 : index
    %get3A_3390 = tpu.vector_load %arg10[%get3A_3388, %get3A_3389] {strides = array<i32>} : memref<128x64xf32, #tpu.memory_space<vmem>>, vector<16xf32>,
    %mul3A_3391 = arith.mulf %gather3A_3380, %get3A_3390 : vector<16xf32>
    %add3A_3392 = arith.addf %add3A_3365, %mul3A_3391 : vector<16xf32>
    %get3A_3393 = arith.constant 105 : i32
    %get3A_3394 = arith.index_cast %get3A_3393 : i32 to index
    %get3A_3395 = arith.constant 32 : index
    %get3A_3396 = tpu.vector_load %arg10[%get3A_3394, %get3A_3395] {strides = array<i32>} : memref<128x64xf32, #tpu.memory_space<vmem>>, vector<16xf32>,
    %mul3A_3397 = arith.mulf %gather3A_3380, %get3A_3396 : vector<16xf32>
    %add3A_3398 = arith.addf %add3A_3371, %mul3A_3397 : vector<16xf32>
    %get3A_3399 = arith.constant 105 : i32
    %get3A_3400 = arith.index_cast %get3A_3399 : i32 to index
    %get3A_3401 = arith.constant 48 : index
    %get3A_3402 = tpu.vector_load %arg10[%get3A_3400, %get3A_3401] {strides = array<i32>} : memref<128x64xf32, #tpu.memory_space<vmem>>, vector<16xf32>,
    %mul3A_3403 = arith.mulf %gather3A_3380, %get3A_3402 : vector<16xf32>
    %add3A_3404 = arith.addf %add3A_3377, %mul3A_3403 : vector<16xf32>
    %broadcast_in_dim3A_3405 = arith.constant 227 : i32
    %broadcast_in_dim3A_3406 = vector.broadcast %broadcast_in_dim3A_3405 : i32 to vector<16xi32>
    %gather3A_3407 = tpu.vector_load_idx %arg9[%broadcast_in_dim3A_3406] : memref<272xf32, #tpu.memory_space<vmem>>[vector<16xi32>], vector<16xf32>,
    %get3A_3408 = arith.constant 106 : i32
    %get3A_3409 = arith.index_cast %get3A_3408 : i32 to index
    %get3A_3410 = arith.constant 0 : index
    %get3A_3411 = tpu.vector_load %arg10[%get3A_3409, %get3A_3410] {strides = array<i32>} : memref<128x64xf32, #tpu.memory_space<vmem>>, vector<16xf32>,
    %mul3A_3412 = arith.mulf %gather3A_3407, %get3A_3411 : vector<16xf32>
    %add3A_3413 = arith.addf %add3A_3386, %mul3A_3412 : vector<16xf32>
    %get3A_3414 = arith.constant 106 : i32
    %get3A_3415 = arith.index_cast %get3A_3414 : i32 to index
    %get3A_3416 = arith.constant 16 : index
    %get3A_3417 = tpu.vector_load %arg10[%get3A_3415, %get3A_3416] {strides = array<i32>} : memref<128x64xf32, #tpu.memory_space<vmem>>, vector<16xf32>,
    %mul3A_3418 = arith.mulf %gather3A_3407, %get3A_3417 : vector<16xf32>
    %add3A_3419 = arith.addf %add3A_3392, %mul3A_3418 : vector<16xf32>
    %get3A_3420 = arith.constant 106 : i32
    %get3A_3421 = arith.index_cast %get3A_3420 : i32 to index
    %get3A_3422 = arith.constant 32 : index
    %get3A_3423 = tpu.vector_load %arg10[%get3A_3421, %get3A_3422] {strides = array<i32>} : memref<128x64xf32, #tpu.memory_space<vmem>>, vector<16xf32>,
    %mul3A_3424 = arith.mulf %gather3A_3407, %get3A_3423 : vector<16xf32>
    %add3A_3425 = arith.addf %add3A_3398, %mul3A_3424 : vector<16xf32>
    %get3A_3426 = arith.constant 106 : i32
    %get3A_3427 = arith.index_cast %get3A_3426 : i32 to index
    %get3A_3428 = arith.constant 48 : index
    %get3A_3429 = tpu.vector_load %arg10[%get3A_3427, %get3A_3428] {strides = array<i32>} : memref<128x64xf32, #tpu.memory_space<vmem>>, vector<16xf32>,
    %mul3A_3430 = arith.mulf %gather3A_3407, %get3A_3429 : vector<16xf32>
    %add3A_3431 = arith.addf %add3A_3404, %mul3A_3430 : vector<16xf32>
    %broadcast_in_dim3A_3432 = arith.constant 228 : i32
    %broadcast_in_dim3A_3433 = vector.broadcast %broadcast_in_dim3A_3432 : i32 to vector<16xi32>
    %gather3A_3434 = tpu.vector_load_idx %arg9[%broadcast_in_dim3A_3433] : memref<272xf32, #tpu.memory_space<vmem>>[vector<16xi32>], vector<16xf32>,
    %get3A_3435 = arith.constant 107 : i32
    %get3A_3436 = arith.index_cast %get3A_3435 : i32 to index
    %get3A_3437 = arith.constant 0 : index
    %get3A_3438 = tpu.vector_load %arg10[%get3A_3436, %get3A_3437] {strides = array<i32>} : memref<128x64xf32, #tpu.memory_space<vmem>>, vector<16xf32>,
    %mul3A_3439 = arith.mulf %gather3A_3434, %get3A_3438 : vector<16xf32>
    %add3A_3440 = arith.addf %add3A_3413, %mul3A_3439 : vector<16xf32>
    %get3A_3441 = arith.constant 107 : i32
    %get3A_3442 = arith.index_cast %get3A_3441 : i32 to index
    %get3A_3443 = arith.constant 16 : index
    %get3A_3444 = tpu.vector_load %arg10[%get3A_3442, %get3A_3443] {strides = array<i32>} : memref<128x64xf32, #tpu.memory_space<vmem>>, vector<16xf32>,
    %mul3A_3445 = arith.mulf %gather3A_3434, %get3A_3444 : vector<16xf32>
    %add3A_3446 = arith.addf %add3A_3419, %mul3A_3445 : vector<16xf32>
    %get3A_3447 = arith.constant 107 : i32
    %get3A_3448 = arith.index_cast %get3A_3447 : i32 to index
    %get3A_3449 = arith.constant 32 : index
    %get3A_3450 = tpu.vector_load %arg10[%get3A_3448, %get3A_3449] {strides = array<i32>} : memref<128x64xf32, #tpu.memory_space<vmem>>, vector<16xf32>,
    %mul3A_3451 = arith.mulf %gather3A_3434, %get3A_3450 : vector<16xf32>
    %add3A_3452 = arith.addf %add3A_3425, %mul3A_3451 : vector<16xf32>
    %get3A_3453 = arith.constant 107 : i32
    %get3A_3454 = arith.index_cast %get3A_3453 : i32 to index
    %get3A_3455 = arith.constant 48 : index
    %get3A_3456 = tpu.vector_load %arg10[%get3A_3454, %get3A_3455] {strides = array<i32>} : memref<128x64xf32, #tpu.memory_space<vmem>>, vector<16xf32>,
    %mul3A_3457 = arith.mulf %gather3A_3434, %get3A_3456 : vector<16xf32>
    %add3A_3458 = arith.addf %add3A_3431, %mul3A_3457 : vector<16xf32>
    %broadcast_in_dim3A_3459 = arith.constant 229 : i32
    %broadcast_in_dim3A_3460 = vector.broadcast %broadcast_in_dim3A_3459 : i32 to vector<16xi32>
    %gather3A_3461 = tpu.vector_load_idx %arg9[%broadcast_in_dim3A_3460] : memref<272xf32, #tpu.memory_space<vmem>>[vector<16xi32>], vector<16xf32>,
    %get3A_3462 = arith.constant 108 : i32
    %get3A_3463 = arith.index_cast %get3A_3462 : i32 to index
    %get3A_3464 = arith.constant 0 : index
    %get3A_3465 = tpu.vector_load %arg10[%get3A_3463, %get3A_3464] {strides = array<i32>} : memref<128x64xf32, #tpu.memory_space<vmem>>, vector<16xf32>,
    %mul3A_3466 = arith.mulf %gather3A_3461, %get3A_3465 : vector<16xf32>
    %add3A_3467 = arith.addf %add3A_3440, %mul3A_3466 : vector<16xf32>
    %get3A_3468 = arith.constant 108 : i32
    %get3A_3469 = arith.index_cast %get3A_3468 : i32 to index
    %get3A_3470 = arith.constant 16 : index
    %get3A_3471 = tpu.vector_load %arg10[%get3A_3469, %get3A_3470] {strides = array<i32>} : memref<128x64xf32, #tpu.memory_space<vmem>>, vector<16xf32>,
    %mul3A_3472 = arith.mulf %gather3A_3461, %get3A_3471 : vector<16xf32>
    %add3A_3473 = arith.addf %add3A_3446, %mul3A_3472 : vector<16xf32>
    %get3A_3474 = arith.constant 108 : i32
    %get3A_3475 = arith.index_cast %get3A_3474 : i32 to index
    %get3A_3476 = arith.constant 32 : index
    %get3A_3477 = tpu.vector_load %arg10[%get3A_3475, %get3A_3476] {strides = array<i32>} : memref<128x64xf32, #tpu.memory_space<vmem>>, vector<16xf32>,
    %mul3A_3478 = arith.mulf %gather3A_3461, %get3A_3477 : vector<16xf32>
    %add3A_3479 = arith.addf %add3A_3452, %mul3A_3478 : vector<16xf32>
    %get3A_3480 = arith.constant 108 : i32
    %get3A_3481 = arith.index_cast %get3A_3480 : i32 to index
    %get3A_3482 = arith.constant 48 : index
    %get3A_3483 = tpu.vector_load %arg10[%get3A_3481, %get3A_3482] {strides = array<i32>} : memref<128x64xf32, #tpu.memory_space<vmem>>, vector<16xf32>,
    %mul3A_3484 = arith.mulf %gather3A_3461, %get3A_3483 : vector<16xf32>
    %add3A_3485 = arith.addf %add3A_3458, %mul3A_3484 : vector<16xf32>
    %broadcast_in_dim3A_3486 = arith.constant 230 : i32
    %broadcast_in_dim3A_3487 = vector.broadcast %broadcast_in_dim3A_3486 : i32 to vector<16xi32>
    %gather3A_3488 = tpu.vector_load_idx %arg9[%broadcast_in_dim3A_3487] : memref<272xf32, #tpu.memory_space<vmem>>[vector<16xi32>], vector<16xf32>,
    %get3A_3489 = arith.constant 109 : i32
    %get3A_3490 = arith.index_cast %get3A_3489 : i32 to index
    %get3A_3491 = arith.constant 0 : index
    %get3A_3492 = tpu.vector_load %arg10[%get3A_3490, %get3A_3491] {strides = array<i32>} : memref<128x64xf32, #tpu.memory_space<vmem>>, vector<16xf32>,
    %mul3A_3493 = arith.mulf %gather3A_3488, %get3A_3492 : vector<16xf32>
    %add3A_3494 = arith.addf %add3A_3467, %mul3A_3493 : vector<16xf32>
    %get3A_3495 = arith.constant 109 : i32
    %get3A_3496 = arith.index_cast %get3A_3495 : i32 to index
    %get3A_3497 = arith.constant 16 : index
    %get3A_3498 = tpu.vector_load %arg10[%get3A_3496, %get3A_3497] {strides = array<i32>} : memref<128x64xf32, #tpu.memory_space<vmem>>, vector<16xf32>,
    %mul3A_3499 = arith.mulf %gather3A_3488, %get3A_3498 : vector<16xf32>
    %add3A_3500 = arith.addf %add3A_3473, %mul3A_3499 : vector<16xf32>
    %get3A_3501 = arith.constant 109 : i32
    %get3A_3502 = arith.index_cast %get3A_3501 : i32 to index
    %get3A_3503 = arith.constant 32 : index
    %get3A_3504 = tpu.vector_load %arg10[%get3A_3502, %get3A_3503] {strides = array<i32>} : memref<128x64xf32, #tpu.memory_space<vmem>>, vector<16xf32>,
    %mul3A_3505 = arith.mulf %gather3A_3488, %get3A_3504 : vector<16xf32>
    %add3A_3506 = arith.addf %add3A_3479, %mul3A_3505 : vector<16xf32>
    %get3A_3507 = arith.constant 109 : i32
    %get3A_3508 = arith.index_cast %get3A_3507 : i32 to index
    %get3A_3509 = arith.constant 48 : index
    %get3A_3510 = tpu.vector_load %arg10[%get3A_3508, %get3A_3509] {strides = array<i32>} : memref<128x64xf32, #tpu.memory_space<vmem>>, vector<16xf32>,
    %mul3A_3511 = arith.mulf %gather3A_3488, %get3A_3510 : vector<16xf32>
    %add3A_3512 = arith.addf %add3A_3485, %mul3A_3511 : vector<16xf32>
    %broadcast_in_dim3A_3513 = arith.constant 231 : i32
    %broadcast_in_dim3A_3514 = vector.broadcast %broadcast_in_dim3A_3513 : i32 to vector<16xi32>
    %gather3A_3515 = tpu.vector_load_idx %arg9[%broadcast_in_dim3A_3514] : memref<272xf32, #tpu.memory_space<vmem>>[vector<16xi32>], vector<16xf32>,
    %get3A_3516 = arith.constant 110 : i32
    %get3A_3517 = arith.index_cast %get3A_3516 : i32 to index
    %get3A_3518 = arith.constant 0 : index
    %get3A_3519 = tpu.vector_load %arg10[%get3A_3517, %get3A_3518] {strides = array<i32>} : memref<128x64xf32, #tpu.memory_space<vmem>>, vector<16xf32>,
    %mul3A_3520 = arith.mulf %gather3A_3515, %get3A_3519 : vector<16xf32>
    %add3A_3521 = arith.addf %add3A_3494, %mul3A_3520 : vector<16xf32>
    %get3A_3522 = arith.constant 110 : i32
    %get3A_3523 = arith.index_cast %get3A_3522 : i32 to index
    %get3A_3524 = arith.constant 16 : index
    %get3A_3525 = tpu.vector_load %arg10[%get3A_3523, %get3A_3524] {strides = array<i32>} : memref<128x64xf32, #tpu.memory_space<vmem>>, vector<16xf32>,
    %mul3A_3526 = arith.mulf %gather3A_3515, %get3A_3525 : vector<16xf32>
    %add3A_3527 = arith.addf %add3A_3500, %mul3A_3526 : vector<16xf32>
    %get3A_3528 = arith.constant 110 : i32
    %get3A_3529 = arith.index_cast %get3A_3528 : i32 to index
    %get3A_3530 = arith.constant 32 : index
    %get3A_3531 = tpu.vector_load %arg10[%get3A_3529, %get3A_3530] {strides = array<i32>} : memref<128x64xf32, #tpu.memory_space<vmem>>, vector<16xf32>,
    %mul3A_3532 = arith.mulf %gather3A_3515, %get3A_3531 : vector<16xf32>
    %add3A_3533 = arith.addf %add3A_3506, %mul3A_3532 : vector<16xf32>
    %get3A_3534 = arith.constant 110 : i32
    %get3A_3535 = arith.index_cast %get3A_3534 : i32 to index
    %get3A_3536 = arith.constant 48 : index
    %get3A_3537 = tpu.vector_load %arg10[%get3A_3535, %get3A_3536] {strides = array<i32>} : memref<128x64xf32, #tpu.memory_space<vmem>>, vector<16xf32>,
    %mul3A_3538 = arith.mulf %gather3A_3515, %get3A_3537 : vector<16xf32>
    %add3A_3539 = arith.addf %add3A_3512, %mul3A_3538 : vector<16xf32>
    %broadcast_in_dim3A_3540 = arith.constant 232 : i32
    %broadcast_in_dim3A_3541 = vector.broadcast %broadcast_in_dim3A_3540 : i32 to vector<16xi32>
    %gather3A_3542 = tpu.vector_load_idx %arg9[%broadcast_in_dim3A_3541] : memref<272xf32, #tpu.memory_space<vmem>>[vector<16xi32>], vector<16xf32>,
    %get3A_3543 = arith.constant 111 : i32
    %get3A_3544 = arith.index_cast %get3A_3543 : i32 to index
    %get3A_3545 = arith.constant 0 : index
    %get3A_3546 = tpu.vector_load %arg10[%get3A_3544, %get3A_3545] {strides = array<i32>} : memref<128x64xf32, #tpu.memory_space<vmem>>, vector<16xf32>,
    %mul3A_3547 = arith.mulf %gather3A_3542, %get3A_3546 : vector<16xf32>
    %add3A_3548 = arith.addf %add3A_3521, %mul3A_3547 : vector<16xf32>
    %get3A_3549 = arith.constant 111 : i32
    %get3A_3550 = arith.index_cast %get3A_3549 : i32 to index
    %get3A_3551 = arith.constant 16 : index
    %get3A_3552 = tpu.vector_load %arg10[%get3A_3550, %get3A_3551] {strides = array<i32>} : memref<128x64xf32, #tpu.memory_space<vmem>>, vector<16xf32>,
    %mul3A_3553 = arith.mulf %gather3A_3542, %get3A_3552 : vector<16xf32>
    %add3A_3554 = arith.addf %add3A_3527, %mul3A_3553 : vector<16xf32>
    %get3A_3555 = arith.constant 111 : i32
    %get3A_3556 = arith.index_cast %get3A_3555 : i32 to index
    %get3A_3557 = arith.constant 32 : index
    %get3A_3558 = tpu.vector_load %arg10[%get3A_3556, %get3A_3557] {strides = array<i32>} : memref<128x64xf32, #tpu.memory_space<vmem>>, vector<16xf32>,
    %mul3A_3559 = arith.mulf %gather3A_3542, %get3A_3558 : vector<16xf32>
    %add3A_3560 = arith.addf %add3A_3533, %mul3A_3559 : vector<16xf32>
    %get3A_3561 = arith.constant 111 : i32
    %get3A_3562 = arith.index_cast %get3A_3561 : i32 to index
    %get3A_3563 = arith.constant 48 : index
    %get3A_3564 = tpu.vector_load %arg10[%get3A_3562, %get3A_3563] {strides = array<i32>} : memref<128x64xf32, #tpu.memory_space<vmem>>, vector<16xf32>,
    %mul3A_3565 = arith.mulf %gather3A_3542, %get3A_3564 : vector<16xf32>
    %add3A_3566 = arith.addf %add3A_3539, %mul3A_3565 : vector<16xf32>
    %swap3A_3567 = arith.constant 13 : i32
    %swap3A_3568 = arith.index_cast %swap3A_3567 : i32 to index
    %swap3A_3569 = arith.constant 0 : index
    %swap3A_3570 = tpu.vector_load %arg12[%swap3A_3568, %swap3A_3569] {strides = array<i32>} : memref<16x64xf32, #tpu.memory_space<vmem>>, vector<16xf32>,
    tpu.vector_store %arg12[%swap3A_3568, %swap3A_3569], %add3A_3548 {strides = array<i32>} : memref<16x64xf32, #tpu.memory_space<vmem>>, vector<16xf32>,
    %swap3A_3571 = arith.constant 13 : i32
    %swap3A_3572 = arith.index_cast %swap3A_3571 : i32 to index
    %swap3A_3573 = arith.constant 16 : index
    %swap3A_3574 = tpu.vector_load %arg12[%swap3A_3572, %swap3A_3573] {strides = array<i32>} : memref<16x64xf32, #tpu.memory_space<vmem>>, vector<16xf32>,
    tpu.vector_store %arg12[%swap3A_3572, %swap3A_3573], %add3A_3554 {strides = array<i32>} : memref<16x64xf32, #tpu.memory_space<vmem>>, vector<16xf32>,
    %swap3A_3575 = arith.constant 13 : i32
    %swap3A_3576 = arith.index_cast %swap3A_3575 : i32 to index
    %swap3A_3577 = arith.constant 32 : index
    %swap3A_3578 = tpu.vector_load %arg12[%swap3A_3576, %swap3A_3577] {strides = array<i32>} : memref<16x64xf32, #tpu.memory_space<vmem>>, vector<16xf32>,
    tpu.vector_store %arg12[%swap3A_3576, %swap3A_3577], %add3A_3560 {strides = array<i32>} : memref<16x64xf32, #tpu.memory_space<vmem>>, vector<16xf32>,
    %swap3A_3579 = arith.constant 13 : i32
    %swap3A_3580 = arith.index_cast %swap3A_3579 : i32 to index
    %swap3A_3581 = arith.constant 48 : index
    %swap3A_3582 = tpu.vector_load %arg12[%swap3A_3580, %swap3A_3581] {strides = array<i32>} : memref<16x64xf32, #tpu.memory_space<vmem>>, vector<16xf32>,
    tpu.vector_store %arg12[%swap3A_3580, %swap3A_3581], %add3A_3566 {strides = array<i32>} : memref<16x64xf32, #tpu.memory_space<vmem>>, vector<16xf32>,
    %broadcast_in_dim3A_3583 = arith.constant 240 : i32
    %broadcast_in_dim3A_3584 = vector.broadcast %broadcast_in_dim3A_3583 : i32 to vector<16xi32>
    %gather3A_3585 = tpu.vector_load_idx %arg9[%broadcast_in_dim3A_3584] : memref<272xf32, #tpu.memory_space<vmem>>[vector<16xi32>], vector<16xf32>,
    %get3A_3586 = arith.constant 14 : i32
    %get3A_3587 = arith.index_cast %get3A_3586 : i32 to index
    %get3A_3588 = arith.constant 0 : index
    %get3A_3589 = tpu.vector_load %arg11[%get3A_3587, %get3A_3588] {strides = array<i32>} : memref<16x64xf32, #tpu.memory_space<vmem>>, vector<16xf32>,
    %mul3A_3590 = arith.mulf %gather3A_3585, %get3A_3589 : vector<16xf32>
    %get3A_3591 = arith.constant 14 : i32
    %get3A_3592 = arith.index_cast %get3A_3591 : i32 to index
    %get3A_3593 = arith.constant 16 : index
    %get3A_3594 = tpu.vector_load %arg11[%get3A_3592, %get3A_3593] {strides = array<i32>} : memref<16x64xf32, #tpu.memory_space<vmem>>, vector<16xf32>,
    %mul3A_3595 = arith.mulf %gather3A_3585, %get3A_3594 : vector<16xf32>
    %get3A_3596 = arith.constant 14 : i32
    %get3A_3597 = arith.index_cast %get3A_3596 : i32 to index
    %get3A_3598 = arith.constant 32 : index
    %get3A_3599 = tpu.vector_load %arg11[%get3A_3597, %get3A_3598] {strides = array<i32>} : memref<16x64xf32, #tpu.memory_space<vmem>>, vector<16xf32>,
    %mul3A_3600 = arith.mulf %gather3A_3585, %get3A_3599 : vector<16xf32>
    %get3A_3601 = arith.constant 14 : i32
    %get3A_3602 = arith.index_cast %get3A_3601 : i32 to index
    %get3A_3603 = arith.constant 48 : index
    %get3A_3604 = tpu.vector_load %arg11[%get3A_3602, %get3A_3603] {strides = array<i32>} : memref<16x64xf32, #tpu.memory_space<vmem>>, vector<16xf32>,
    %mul3A_3605 = arith.mulf %gather3A_3585, %get3A_3604 : vector<16xf32>
    %broadcast_in_dim3A_3606 = arith.constant 241 : i32
    %broadcast_in_dim3A_3607 = vector.broadcast %broadcast_in_dim3A_3606 : i32 to vector<16xi32>
    %gather3A_3608 = tpu.vector_load_idx %arg9[%broadcast_in_dim3A_3607] : memref<272xf32, #tpu.memory_space<vmem>>[vector<16xi32>], vector<16xf32>,
    %get3A_3609 = arith.constant 112 : i32
    %get3A_3610 = arith.index_cast %get3A_3609 : i32 to index
    %get3A_3611 = arith.constant 0 : index
    %get3A_3612 = tpu.vector_load %arg10[%get3A_3610, %get3A_3611] {strides = array<i32>} : memref<128x64xf32, #tpu.memory_space<vmem>>, vector<16xf32>,
    %mul3A_3613 = arith.mulf %gather3A_3608, %get3A_3612 : vector<16xf32>
    %add3A_3614 = arith.addf %mul3A_3590, %mul3A_3613 : vector<16xf32>
    %get3A_3615 = arith.constant 112 : i32
    %get3A_3616 = arith.index_cast %get3A_3615 : i32 to index
    %get3A_3617 = arith.constant 16 : index
    %get3A_3618 = tpu.vector_load %arg10[%get3A_3616, %get3A_3617] {strides = array<i32>} : memref<128x64xf32, #tpu.memory_space<vmem>>, vector<16xf32>,
    %mul3A_3619 = arith.mulf %gather3A_3608, %get3A_3618 : vector<16xf32>
    %add3A_3620 = arith.addf %mul3A_3595, %mul3A_3619 : vector<16xf32>
    %get3A_3621 = arith.constant 112 : i32
    %get3A_3622 = arith.index_cast %get3A_3621 : i32 to index
    %get3A_3623 = arith.constant 32 : index
    %get3A_3624 = tpu.vector_load %arg10[%get3A_3622, %get3A_3623] {strides = array<i32>} : memref<128x64xf32, #tpu.memory_space<vmem>>, vector<16xf32>,
    %mul3A_3625 = arith.mulf %gather3A_3608, %get3A_3624 : vector<16xf32>
    %add3A_3626 = arith.addf %mul3A_3600, %mul3A_3625 : vector<16xf32>
    %get3A_3627 = arith.constant 112 : i32
    %get3A_3628 = arith.index_cast %get3A_3627 : i32 to index
    %get3A_3629 = arith.constant 48 : index
    %get3A_3630 = tpu.vector_load %arg10[%get3A_3628, %get3A_3629] {strides = array<i32>} : memref<128x64xf32, #tpu.memory_space<vmem>>, vector<16xf32>,
    %mul3A_3631 = arith.mulf %gather3A_3608, %get3A_3630 : vector<16xf32>
    %add3A_3632 = arith.addf %mul3A_3605, %mul3A_3631 : vector<16xf32>
    %broadcast_in_dim3A_3633 = arith.constant 242 : i32
    %broadcast_in_dim3A_3634 = vector.broadcast %broadcast_in_dim3A_3633 : i32 to vector<16xi32>
    %gather3A_3635 = tpu.vector_load_idx %arg9[%broadcast_in_dim3A_3634] : memref<272xf32, #tpu.memory_space<vmem>>[vector<16xi32>], vector<16xf32>,
    %get3A_3636 = arith.constant 113 : i32
    %get3A_3637 = arith.index_cast %get3A_3636 : i32 to index
    %get3A_3638 = arith.constant 0 : index
    %get3A_3639 = tpu.vector_load %arg10[%get3A_3637, %get3A_3638] {strides = array<i32>} : memref<128x64xf32, #tpu.memory_space<vmem>>, vector<16xf32>,
    %mul3A_3640 = arith.mulf %gather3A_3635, %get3A_3639 : vector<16xf32>
    %add3A_3641 = arith.addf %add3A_3614, %mul3A_3640 : vector<16xf32>
    %get3A_3642 = arith.constant 113 : i32
    %get3A_3643 = arith.index_cast %get3A_3642 : i32 to index
    %get3A_3644 = arith.constant 16 : index
    %get3A_3645 = tpu.vector_load %arg10[%get3A_3643, %get3A_3644] {strides = array<i32>} : memref<128x64xf32, #tpu.memory_space<vmem>>, vector<16xf32>,
    %mul3A_3646 = arith.mulf %gather3A_3635, %get3A_3645 : vector<16xf32>
    %add3A_3647 = arith.addf %add3A_3620, %mul3A_3646 : vector<16xf32>
    %get3A_3648 = arith.constant 113 : i32
    %get3A_3649 = arith.index_cast %get3A_3648 : i32 to index
    %get3A_3650 = arith.constant 32 : index
    %get3A_3651 = tpu.vector_load %arg10[%get3A_3649, %get3A_3650] {strides = array<i32>} : memref<128x64xf32, #tpu.memory_space<vmem>>, vector<16xf32>,
    %mul3A_3652 = arith.mulf %gather3A_3635, %get3A_3651 : vector<16xf32>
    %add3A_3653 = arith.addf %add3A_3626, %mul3A_3652 : vector<16xf32>
    %get3A_3654 = arith.constant 113 : i32
    %get3A_3655 = arith.index_cast %get3A_3654 : i32 to index
    %get3A_3656 = arith.constant 48 : index
    %get3A_3657 = tpu.vector_load %arg10[%get3A_3655, %get3A_3656] {strides = array<i32>} : memref<128x64xf32, #tpu.memory_space<vmem>>, vector<16xf32>,
    %mul3A_3658 = arith.mulf %gather3A_3635, %get3A_3657 : vector<16xf32>
    %add3A_3659 = arith.addf %add3A_3632, %mul3A_3658 : vector<16xf32>
    %broadcast_in_dim3A_3660 = arith.constant 243 : i32
    %broadcast_in_dim3A_3661 = vector.broadcast %broadcast_in_dim3A_3660 : i32 to vector<16xi32>
    %gather3A_3662 = tpu.vector_load_idx %arg9[%broadcast_in_dim3A_3661] : memref<272xf32, #tpu.memory_space<vmem>>[vector<16xi32>], vector<16xf32>,
    %get3A_3663 = arith.constant 114 : i32
    %get3A_3664 = arith.index_cast %get3A_3663 : i32 to index
    %get3A_3665 = arith.constant 0 : index
    %get3A_3666 = tpu.vector_load %arg10[%get3A_3664, %get3A_3665] {strides = array<i32>} : memref<128x64xf32, #tpu.memory_space<vmem>>, vector<16xf32>,
    %mul3A_3667 = arith.mulf %gather3A_3662, %get3A_3666 : vector<16xf32>
    %add3A_3668 = arith.addf %add3A_3641, %mul3A_3667 : vector<16xf32>
    %get3A_3669 = arith.constant 114 : i32
    %get3A_3670 = arith.index_cast %get3A_3669 : i32 to index
    %get3A_3671 = arith.constant 16 : index
    %get3A_3672 = tpu.vector_load %arg10[%get3A_3670, %get3A_3671] {strides = array<i32>} : memref<128x64xf32, #tpu.memory_space<vmem>>, vector<16xf32>,
    %mul3A_3673 = arith.mulf %gather3A_3662, %get3A_3672 : vector<16xf32>
    %add3A_3674 = arith.addf %add3A_3647, %mul3A_3673 : vector<16xf32>
    %get3A_3675 = arith.constant 114 : i32
    %get3A_3676 = arith.index_cast %get3A_3675 : i32 to index
    %get3A_3677 = arith.constant 32 : index
    %get3A_3678 = tpu.vector_load %arg10[%get3A_3676, %get3A_3677] {strides = array<i32>} : memref<128x64xf32, #tpu.memory_space<vmem>>, vector<16xf32>,
    %mul3A_3679 = arith.mulf %gather3A_3662, %get3A_3678 : vector<16xf32>
    %add3A_3680 = arith.addf %add3A_3653, %mul3A_3679 : vector<16xf32>
    %get3A_3681 = arith.constant 114 : i32
    %get3A_3682 = arith.index_cast %get3A_3681 : i32 to index
    %get3A_3683 = arith.constant 48 : index
    %get3A_3684 = tpu.vector_load %arg10[%get3A_3682, %get3A_3683] {strides = array<i32>} : memref<128x64xf32, #tpu.memory_space<vmem>>, vector<16xf32>,
    %mul3A_3685 = arith.mulf %gather3A_3662, %get3A_3684 : vector<16xf32>
    %add3A_3686 = arith.addf %add3A_3659, %mul3A_3685 : vector<16xf32>
    %broadcast_in_dim3A_3687 = arith.constant 244 : i32
    %broadcast_in_dim3A_3688 = vector.broadcast %broadcast_in_dim3A_3687 : i32 to vector<16xi32>
    %gather3A_3689 = tpu.vector_load_idx %arg9[%broadcast_in_dim3A_3688] : memref<272xf32, #tpu.memory_space<vmem>>[vector<16xi32>], vector<16xf32>,
    %get3A_3690 = arith.constant 115 : i32
    %get3A_3691 = arith.index_cast %get3A_3690 : i32 to index
    %get3A_3692 = arith.constant 0 : index
    %get3A_3693 = tpu.vector_load %arg10[%get3A_3691, %get3A_3692] {strides = array<i32>} : memref<128x64xf32, #tpu.memory_space<vmem>>, vector<16xf32>,
    %mul3A_3694 = arith.mulf %gather3A_3689, %get3A_3693 : vector<16xf32>
    %add3A_3695 = arith.addf %add3A_3668, %mul3A_3694 : vector<16xf32>
    %get3A_3696 = arith.constant 115 : i32
    %get3A_3697 = arith.index_cast %get3A_3696 : i32 to index
    %get3A_3698 = arith.constant 16 : index
    %get3A_3699 = tpu.vector_load %arg10[%get3A_3697, %get3A_3698] {strides = array<i32>} : memref<128x64xf32, #tpu.memory_space<vmem>>, vector<16xf32>,
    %mul3A_3700 = arith.mulf %gather3A_3689, %get3A_3699 : vector<16xf32>
    %add3A_3701 = arith.addf %add3A_3674, %mul3A_3700 : vector<16xf32>
    %get3A_3702 = arith.constant 115 : i32
    %get3A_3703 = arith.index_cast %get3A_3702 : i32 to index
    %get3A_3704 = arith.constant 32 : index
    %get3A_3705 = tpu.vector_load %arg10[%get3A_3703, %get3A_3704] {strides = array<i32>} : memref<128x64xf32, #tpu.memory_space<vmem>>, vector<16xf32>,
    %mul3A_3706 = arith.mulf %gather3A_3689, %get3A_3705 : vector<16xf32>
    %add3A_3707 = arith.addf %add3A_3680, %mul3A_3706 : vector<16xf32>
    %get3A_3708 = arith.constant 115 : i32
    %get3A_3709 = arith.index_cast %get3A_3708 : i32 to index
    %get3A_3710 = arith.constant 48 : index
    %get3A_3711 = tpu.vector_load %arg10[%get3A_3709, %get3A_3710] {strides = array<i32>} : memref<128x64xf32, #tpu.memory_space<vmem>>, vector<16xf32>,
    %mul3A_3712 = arith.mulf %gather3A_3689, %get3A_3711 : vector<16xf32>
    %add3A_3713 = arith.addf %add3A_3686, %mul3A_3712 : vector<16xf32>
    %broadcast_in_dim3A_3714 = arith.constant 245 : i32
    %broadcast_in_dim3A_3715 = vector.broadcast %broadcast_in_dim3A_3714 : i32 to vector<16xi32>
    %gather3A_3716 = tpu.vector_load_idx %arg9[%broadcast_in_dim3A_3715] : memref<272xf32, #tpu.memory_space<vmem>>[vector<16xi32>], vector<16xf32>,
    %get3A_3717 = arith.constant 116 : i32
    %get3A_3718 = arith.index_cast %get3A_3717 : i32 to index
    %get3A_3719 = arith.constant 0 : index
    %get3A_3720 = tpu.vector_load %arg10[%get3A_3718, %get3A_3719] {strides = array<i32>} : memref<128x64xf32, #tpu.memory_space<vmem>>, vector<16xf32>,
    %mul3A_3721 = arith.mulf %gather3A_3716, %get3A_3720 : vector<16xf32>
    %add3A_3722 = arith.addf %add3A_3695, %mul3A_3721 : vector<16xf32>
    %get3A_3723 = arith.constant 116 : i32
    %get3A_3724 = arith.index_cast %get3A_3723 : i32 to index
    %get3A_3725 = arith.constant 16 : index
    %get3A_3726 = tpu.vector_load %arg10[%get3A_3724, %get3A_3725] {strides = array<i32>} : memref<128x64xf32, #tpu.memory_space<vmem>>, vector<16xf32>,
    %mul3A_3727 = arith.mulf %gather3A_3716, %get3A_3726 : vector<16xf32>
    %add3A_3728 = arith.addf %add3A_3701, %mul3A_3727 : vector<16xf32>
    %get3A_3729 = arith.constant 116 : i32
    %get3A_3730 = arith.index_cast %get3A_3729 : i32 to index
    %get3A_3731 = arith.constant 32 : index
    %get3A_3732 = tpu.vector_load %arg10[%get3A_3730, %get3A_3731] {strides = array<i32>} : memref<128x64xf32, #tpu.memory_space<vmem>>, vector<16xf32>,
    %mul3A_3733 = arith.mulf %gather3A_3716, %get3A_3732 : vector<16xf32>
    %add3A_3734 = arith.addf %add3A_3707, %mul3A_3733 : vector<16xf32>
    %get3A_3735 = arith.constant 116 : i32
    %get3A_3736 = arith.index_cast %get3A_3735 : i32 to index
    %get3A_3737 = arith.constant 48 : index
    %get3A_3738 = tpu.vector_load %arg10[%get3A_3736, %get3A_3737] {strides = array<i32>} : memref<128x64xf32, #tpu.memory_space<vmem>>, vector<16xf32>,
    %mul3A_3739 = arith.mulf %gather3A_3716, %get3A_3738 : vector<16xf32>
    %add3A_3740 = arith.addf %add3A_3713, %mul3A_3739 : vector<16xf32>
    %broadcast_in_dim3A_3741 = arith.constant 246 : i32
    %broadcast_in_dim3A_3742 = vector.broadcast %broadcast_in_dim3A_3741 : i32 to vector<16xi32>
    %gather3A_3743 = tpu.vector_load_idx %arg9[%broadcast_in_dim3A_3742] : memref<272xf32, #tpu.memory_space<vmem>>[vector<16xi32>], vector<16xf32>,
    %get3A_3744 = arith.constant 117 : i32
    %get3A_3745 = arith.index_cast %get3A_3744 : i32 to index
    %get3A_3746 = arith.constant 0 : index
    %get3A_3747 = tpu.vector_load %arg10[%get3A_3745, %get3A_3746] {strides = array<i32>} : memref<128x64xf32, #tpu.memory_space<vmem>>, vector<16xf32>,
    %mul3A_3748 = arith.mulf %gather3A_3743, %get3A_3747 : vector<16xf32>
    %add3A_3749 = arith.addf %add3A_3722, %mul3A_3748 : vector<16xf32>
    %get3A_3750 = arith.constant 117 : i32
    %get3A_3751 = arith.index_cast %get3A_3750 : i32 to index
    %get3A_3752 = arith.constant 16 : index
    %get3A_3753 = tpu.vector_load %arg10[%get3A_3751, %get3A_3752] {strides = array<i32>} : memref<128x64xf32, #tpu.memory_space<vmem>>, vector<16xf32>,
    %mul3A_3754 = arith.mulf %gather3A_3743, %get3A_3753 : vector<16xf32>
    %add3A_3755 = arith.addf %add3A_3728, %mul3A_3754 : vector<16xf32>
    %get3A_3756 = arith.constant 117 : i32
    %get3A_3757 = arith.index_cast %get3A_3756 : i32 to index
    %get3A_3758 = arith.constant 32 : index
    %get3A_3759 = tpu.vector_load %arg10[%get3A_3757, %get3A_3758] {strides = array<i32>} : memref<128x64xf32, #tpu.memory_space<vmem>>, vector<16xf32>,
    %mul3A_3760 = arith.mulf %gather3A_3743, %get3A_3759 : vector<16xf32>
    %add3A_3761 = arith.addf %add3A_3734, %mul3A_3760 : vector<16xf32>
    %get3A_3762 = arith.constant 117 : i32
    %get3A_3763 = arith.index_cast %get3A_3762 : i32 to index
    %get3A_3764 = arith.constant 48 : index
    %get3A_3765 = tpu.vector_load %arg10[%get3A_3763, %get3A_3764] {strides = array<i32>} : memref<128x64xf32, #tpu.memory_space<vmem>>, vector<16xf32>,
    %mul3A_3766 = arith.mulf %gather3A_3743, %get3A_3765 : vector<16xf32>
    %add3A_3767 = arith.addf %add3A_3740, %mul3A_3766 : vector<16xf32>
    %broadcast_in_dim3A_3768 = arith.constant 247 : i32
    %broadcast_in_dim3A_3769 = vector.broadcast %broadcast_in_dim3A_3768 : i32 to vector<16xi32>
    %gather3A_3770 = tpu.vector_load_idx %arg9[%broadcast_in_dim3A_3769] : memref<272xf32, #tpu.memory_space<vmem>>[vector<16xi32>], vector<16xf32>,
    %get3A_3771 = arith.constant 118 : i32
    %get3A_3772 = arith.index_cast %get3A_3771 : i32 to index
    %get3A_3773 = arith.constant 0 : index
    %get3A_3774 = tpu.vector_load %arg10[%get3A_3772, %get3A_3773] {strides = array<i32>} : memref<128x64xf32, #tpu.memory_space<vmem>>, vector<16xf32>,
    %mul3A_3775 = arith.mulf %gather3A_3770, %get3A_3774 : vector<16xf32>
    %add3A_3776 = arith.addf %add3A_3749, %mul3A_3775 : vector<16xf32>
    %get3A_3777 = arith.constant 118 : i32
    %get3A_3778 = arith.index_cast %get3A_3777 : i32 to index
    %get3A_3779 = arith.constant 16 : index
    %get3A_3780 = tpu.vector_load %arg10[%get3A_3778, %get3A_3779] {strides = array<i32>} : memref<128x64xf32, #tpu.memory_space<vmem>>, vector<16xf32>,
    %mul3A_3781 = arith.mulf %gather3A_3770, %get3A_3780 : vector<16xf32>
    %add3A_3782 = arith.addf %add3A_3755, %mul3A_3781 : vector<16xf32>
    %get3A_3783 = arith.constant 118 : i32
    %get3A_3784 = arith.index_cast %get3A_3783 : i32 to index
    %get3A_3785 = arith.constant 32 : index
    %get3A_3786 = tpu.vector_load %arg10[%get3A_3784, %get3A_3785] {strides = array<i32>} : memref<128x64xf32, #tpu.memory_space<vmem>>, vector<16xf32>,
    %mul3A_3787 = arith.mulf %gather3A_3770, %get3A_3786 : vector<16xf32>
    %add3A_3788 = arith.addf %add3A_3761, %mul3A_3787 : vector<16xf32>
    %get3A_3789 = arith.constant 118 : i32
    %get3A_3790 = arith.index_cast %get3A_3789 : i32 to index
    %get3A_3791 = arith.constant 48 : index
    %get3A_3792 = tpu.vector_load %arg10[%get3A_3790, %get3A_3791] {strides = array<i32>} : memref<128x64xf32, #tpu.memory_space<vmem>>, vector<16xf32>,
    %mul3A_3793 = arith.mulf %gather3A_3770, %get3A_3792 : vector<16xf32>
    %add3A_3794 = arith.addf %add3A_3767, %mul3A_3793 : vector<16xf32>
    %broadcast_in_dim3A_3795 = arith.constant 248 : i32
    %broadcast_in_dim3A_3796 = vector.broadcast %broadcast_in_dim3A_3795 : i32 to vector<16xi32>
    %gather3A_3797 = tpu.vector_load_idx %arg9[%broadcast_in_dim3A_3796] : memref<272xf32, #tpu.memory_space<vmem>>[vector<16xi32>], vector<16xf32>,
    %get3A_3798 = arith.constant 119 : i32
    %get3A_3799 = arith.index_cast %get3A_3798 : i32 to index
    %get3A_3800 = arith.constant 0 : index
    %get3A_3801 = tpu.vector_load %arg10[%get3A_3799, %get3A_3800] {strides = array<i32>} : memref<128x64xf32, #tpu.memory_space<vmem>>, vector<16xf32>,
    %mul3A_3802 = arith.mulf %gather3A_3797, %get3A_3801 : vector<16xf32>
    %add3A_3803 = arith.addf %add3A_3776, %mul3A_3802 : vector<16xf32>
    %get3A_3804 = arith.constant 119 : i32
    %get3A_3805 = arith.index_cast %get3A_3804 : i32 to index
    %get3A_3806 = arith.constant 16 : index
    %get3A_3807 = tpu.vector_load %arg10[%get3A_3805, %get3A_3806] {strides = array<i32>} : memref<128x64xf32, #tpu.memory_space<vmem>>, vector<16xf32>,
    %mul3A_3808 = arith.mulf %gather3A_3797, %get3A_3807 : vector<16xf32>
    %add3A_3809 = arith.addf %add3A_3782, %mul3A_3808 : vector<16xf32>
    %get3A_3810 = arith.constant 119 : i32
    %get3A_3811 = arith.index_cast %get3A_3810 : i32 to index
    %get3A_3812 = arith.constant 32 : index
    %get3A_3813 = tpu.vector_load %arg10[%get3A_3811, %get3A_3812] {strides = array<i32>} : memref<128x64xf32, #tpu.memory_space<vmem>>, vector<16xf32>,
    %mul3A_3814 = arith.mulf %gather3A_3797, %get3A_3813 : vector<16xf32>
    %add3A_3815 = arith.addf %add3A_3788, %mul3A_3814 : vector<16xf32>
    %get3A_3816 = arith.constant 119 : i32
    %get3A_3817 = arith.index_cast %get3A_3816 : i32 to index
    %get3A_3818 = arith.constant 48 : index
    %get3A_3819 = tpu.vector_load %arg10[%get3A_3817, %get3A_3818] {strides = array<i32>} : memref<128x64xf32, #tpu.memory_space<vmem>>, vector<16xf32>,
    %mul3A_3820 = arith.mulf %gather3A_3797, %get3A_3819 : vector<16xf32>
    %add3A_3821 = arith.addf %add3A_3794, %mul3A_3820 : vector<16xf32>
    %swap3A_3822 = arith.constant 14 : i32
    %swap3A_3823 = arith.index_cast %swap3A_3822 : i32 to index
    %swap3A_3824 = arith.constant 0 : index
    %swap3A_3825 = tpu.vector_load %arg12[%swap3A_3823, %swap3A_3824] {strides = array<i32>} : memref<16x64xf32, #tpu.memory_space<vmem>>, vector<16xf32>,
    tpu.vector_store %arg12[%swap3A_3823, %swap3A_3824], %add3A_3803 {strides = array<i32>} : memref<16x64xf32, #tpu.memory_space<vmem>>, vector<16xf32>,
    %swap3A_3826 = arith.constant 14 : i32
    %swap3A_3827 = arith.index_cast %swap3A_3826 : i32 to index
    %swap3A_3828 = arith.constant 16 : index
    %swap3A_3829 = tpu.vector_load %arg12[%swap3A_3827, %swap3A_3828] {strides = array<i32>} : memref<16x64xf32, #tpu.memory_space<vmem>>, vector<16xf32>,
    tpu.vector_store %arg12[%swap3A_3827, %swap3A_3828], %add3A_3809 {strides = array<i32>} : memref<16x64xf32, #tpu.memory_space<vmem>>, vector<16xf32>,
    %swap3A_3830 = arith.constant 14 : i32
    %swap3A_3831 = arith.index_cast %swap3A_3830 : i32 to index
    %swap3A_3832 = arith.constant 32 : index
    %swap3A_3833 = tpu.vector_load %arg12[%swap3A_3831, %swap3A_3832] {strides = array<i32>} : memref<16x64xf32, #tpu.memory_space<vmem>>, vector<16xf32>,
    tpu.vector_store %arg12[%swap3A_3831, %swap3A_3832], %add3A_3815 {strides = array<i32>} : memref<16x64xf32, #tpu.memory_space<vmem>>, vector<16xf32>,
    %swap3A_3834 = arith.constant 14 : i32
    %swap3A_3835 = arith.index_cast %swap3A_3834 : i32 to index
    %swap3A_3836 = arith.constant 48 : index
    %swap3A_3837 = tpu.vector_load %arg12[%swap3A_3835, %swap3A_3836] {strides = array<i32>} : memref<16x64xf32, #tpu.memory_space<vmem>>, vector<16xf32>,
    tpu.vector_store %arg12[%swap3A_3835, %swap3A_3836], %add3A_3821 {strides = array<i32>} : memref<16x64xf32, #tpu.memory_space<vmem>>, vector<16xf32>,
    %broadcast_in_dim3A_3838 = arith.constant 256 : i32
    %broadcast_in_dim3A_3839 = vector.broadcast %broadcast_in_dim3A_3838 : i32 to vector<16xi32>
    %gather3A_3840 = tpu.vector_load_idx %arg9[%broadcast_in_dim3A_3839] : memref<272xf32, #tpu.memory_space<vmem>>[vector<16xi32>], vector<16xf32>,
    %get3A_3841 = arith.constant 15 : i32
    %get3A_3842 = arith.index_cast %get3A_3841 : i32 to index
    %get3A_3843 = arith.constant 0 : index
    %get3A_3844 = tpu.vector_load %arg11[%get3A_3842, %get3A_3843] {strides = array<i32>} : memref<16x64xf32, #tpu.memory_space<vmem>>, vector<16xf32>,
    %mul3A_3845 = arith.mulf %gather3A_3840, %get3A_3844 : vector<16xf32>
    %get3A_3846 = arith.constant 15 : i32
    %get3A_3847 = arith.index_cast %get3A_3846 : i32 to index
    %get3A_3848 = arith.constant 16 : index
    %get3A_3849 = tpu.vector_load %arg11[%get3A_3847, %get3A_3848] {strides = array<i32>} : memref<16x64xf32, #tpu.memory_space<vmem>>, vector<16xf32>,
    %mul3A_3850 = arith.mulf %gather3A_3840, %get3A_3849 : vector<16xf32>
    %get3A_3851 = arith.constant 15 : i32
    %get3A_3852 = arith.index_cast %get3A_3851 : i32 to index
    %get3A_3853 = arith.constant 32 : index
    %get3A_3854 = tpu.vector_load %arg11[%get3A_3852, %get3A_3853] {strides = array<i32>} : memref<16x64xf32, #tpu.memory_space<vmem>>, vector<16xf32>,
    %mul3A_3855 = arith.mulf %gather3A_3840, %get3A_3854 : vector<16xf32>
    %get3A_3856 = arith.constant 15 : i32
    %get3A_3857 = arith.index_cast %get3A_3856 : i32 to index
    %get3A_3858 = arith.constant 48 : index
    %get3A_3859 = tpu.vector_load %arg11[%get3A_3857, %get3A_3858] {strides = array<i32>} : memref<16x64xf32, #tpu.memory_space<vmem>>, vector<16xf32>,
    %mul3A_3860 = arith.mulf %gather3A_3840, %get3A_3859 : vector<16xf32>
    %broadcast_in_dim3A_3861 = arith.constant 257 : i32
    %broadcast_in_dim3A_3862 = vector.broadcast %broadcast_in_dim3A_3861 : i32 to vector<16xi32>
    %gather3A_3863 = tpu.vector_load_idx %arg9[%broadcast_in_dim3A_3862] : memref<272xf32, #tpu.memory_space<vmem>>[vector<16xi32>], vector<16xf32>,
    %get3A_3864 = arith.constant 120 : i32
    %get3A_3865 = arith.index_cast %get3A_3864 : i32 to index
    %get3A_3866 = arith.constant 0 : index
    %get3A_3867 = tpu.vector_load %arg10[%get3A_3865, %get3A_3866] {strides = array<i32>} : memref<128x64xf32, #tpu.memory_space<vmem>>, vector<16xf32>,
    %mul3A_3868 = arith.mulf %gather3A_3863, %get3A_3867 : vector<16xf32>
    %add3A_3869 = arith.addf %mul3A_3845, %mul3A_3868 : vector<16xf32>
    %get3A_3870 = arith.constant 120 : i32
    %get3A_3871 = arith.index_cast %get3A_3870 : i32 to index
    %get3A_3872 = arith.constant 16 : index
    %get3A_3873 = tpu.vector_load %arg10[%get3A_3871, %get3A_3872] {strides = array<i32>} : memref<128x64xf32, #tpu.memory_space<vmem>>, vector<16xf32>,
    %mul3A_3874 = arith.mulf %gather3A_3863, %get3A_3873 : vector<16xf32>
    %add3A_3875 = arith.addf %mul3A_3850, %mul3A_3874 : vector<16xf32>
    %get3A_3876 = arith.constant 120 : i32
    %get3A_3877 = arith.index_cast %get3A_3876 : i32 to index
    %get3A_3878 = arith.constant 32 : index
    %get3A_3879 = tpu.vector_load %arg10[%get3A_3877, %get3A_3878] {strides = array<i32>} : memref<128x64xf32, #tpu.memory_space<vmem>>, vector<16xf32>,
    %mul3A_3880 = arith.mulf %gather3A_3863, %get3A_3879 : vector<16xf32>
    %add3A_3881 = arith.addf %mul3A_3855, %mul3A_3880 : vector<16xf32>
    %get3A_3882 = arith.constant 120 : i32
    %get3A_3883 = arith.index_cast %get3A_3882 : i32 to index
    %get3A_3884 = arith.constant 48 : index
    %get3A_3885 = tpu.vector_load %arg10[%get3A_3883, %get3A_3884] {strides = array<i32>} : memref<128x64xf32, #tpu.memory_space<vmem>>, vector<16xf32>,
    %mul3A_3886 = arith.mulf %gather3A_3863, %get3A_3885 : vector<16xf32>
    %add3A_3887 = arith.addf %mul3A_3860, %mul3A_3886 : vector<16xf32>
    %broadcast_in_dim3A_3888 = arith.constant 258 : i32
    %broadcast_in_dim3A_3889 = vector.broadcast %broadcast_in_dim3A_3888 : i32 to vector<16xi32>
    %gather3A_3890 = tpu.vector_load_idx %arg9[%broadcast_in_dim3A_3889] : memref<272xf32, #tpu.memory_space<vmem>>[vector<16xi32>], vector<16xf32>,
    %get3A_3891 = arith.constant 121 : i32
    %get3A_3892 = arith.index_cast %get3A_3891 : i32 to index
    %get3A_3893 = arith.constant 0 : index
    %get3A_3894 = tpu.vector_load %arg10[%get3A_3892, %get3A_3893] {strides = array<i32>} : memref<128x64xf32, #tpu.memory_space<vmem>>, vector<16xf32>,
    %mul3A_3895 = arith.mulf %gather3A_3890, %get3A_3894 : vector<16xf32>
    %add3A_3896 = arith.addf %add3A_3869, %mul3A_3895 : vector<16xf32>
    %get3A_3897 = arith.constant 121 : i32
    %get3A_3898 = arith.index_cast %get3A_3897 : i32 to index
    %get3A_3899 = arith.constant 16 : index
    %get3A_3900 = tpu.vector_load %arg10[%get3A_3898, %get3A_3899] {strides = array<i32>} : memref<128x64xf32, #tpu.memory_space<vmem>>, vector<16xf32>,
    %mul3A_3901 = arith.mulf %gather3A_3890, %get3A_3900 : vector<16xf32>
    %add3A_3902 = arith.addf %add3A_3875, %mul3A_3901 : vector<16xf32>
    %get3A_3903 = arith.constant 121 : i32
    %get3A_3904 = arith.index_cast %get3A_3903 : i32 to index
    %get3A_3905 = arith.constant 32 : index
    %get3A_3906 = tpu.vector_load %arg10[%get3A_3904, %get3A_3905] {strides = array<i32>} : memref<128x64xf32, #tpu.memory_space<vmem>>, vector<16xf32>,
    %mul3A_3907 = arith.mulf %gather3A_3890, %get3A_3906 : vector<16xf32>
    %add3A_3908 = arith.addf %add3A_3881, %mul3A_3907 : vector<16xf32>
    %get3A_3909 = arith.constant 121 : i32
    %get3A_3910 = arith.index_cast %get3A_3909 : i32 to index
    %get3A_3911 = arith.constant 48 : index
    %get3A_3912 = tpu.vector_load %arg10[%get3A_3910, %get3A_3911] {strides = array<i32>} : memref<128x64xf32, #tpu.memory_space<vmem>>, vector<16xf32>,
    %mul3A_3913 = arith.mulf %gather3A_3890, %get3A_3912 : vector<16xf32>
    %add3A_3914 = arith.addf %add3A_3887, %mul3A_3913 : vector<16xf32>
    %broadcast_in_dim3A_3915 = arith.constant 259 : i32
    %broadcast_in_dim3A_3916 = vector.broadcast %broadcast_in_dim3A_3915 : i32 to vector<16xi32>
    %gather3A_3917 = tpu.vector_load_idx %arg9[%broadcast_in_dim3A_3916] : memref<272xf32, #tpu.memory_space<vmem>>[vector<16xi32>], vector<16xf32>,
    %get3A_3918 = arith.constant 122 : i32
    %get3A_3919 = arith.index_cast %get3A_3918 : i32 to index
    %get3A_3920 = arith.constant 0 : index
    %get3A_3921 = tpu.vector_load %arg10[%get3A_3919, %get3A_3920] {strides = array<i32>} : memref<128x64xf32, #tpu.memory_space<vmem>>, vector<16xf32>,
    %mul3A_3922 = arith.mulf %gather3A_3917, %get3A_3921 : vector<16xf32>
    %add3A_3923 = arith.addf %add3A_3896, %mul3A_3922 : vector<16xf32>
    %get3A_3924 = arith.constant 122 : i32
    %get3A_3925 = arith.index_cast %get3A_3924 : i32 to index
    %get3A_3926 = arith.constant 16 : index
    %get3A_3927 = tpu.vector_load %arg10[%get3A_3925, %get3A_3926] {strides = array<i32>} : memref<128x64xf32, #tpu.memory_space<vmem>>, vector<16xf32>,
    %mul3A_3928 = arith.mulf %gather3A_3917, %get3A_3927 : vector<16xf32>
    %add3A_3929 = arith.addf %add3A_3902, %mul3A_3928 : vector<16xf32>
    %get3A_3930 = arith.constant 122 : i32
    %get3A_3931 = arith.index_cast %get3A_3930 : i32 to index
    %get3A_3932 = arith.constant 32 : index
    %get3A_3933 = tpu.vector_load %arg10[%get3A_3931, %get3A_3932] {strides = array<i32>} : memref<128x64xf32, #tpu.memory_space<vmem>>, vector<16xf32>,
    %mul3A_3934 = arith.mulf %gather3A_3917, %get3A_3933 : vector<16xf32>
    %add3A_3935 = arith.addf %add3A_3908, %mul3A_3934 : vector<16xf32>
    %get3A_3936 = arith.constant 122 : i32
    %get3A_3937 = arith.index_cast %get3A_3936 : i32 to index
    %get3A_3938 = arith.constant 48 : index
    %get3A_3939 = tpu.vector_load %arg10[%get3A_3937, %get3A_3938] {strides = array<i32>} : memref<128x64xf32, #tpu.memory_space<vmem>>, vector<16xf32>,
    %mul3A_3940 = arith.mulf %gather3A_3917, %get3A_3939 : vector<16xf32>
    %add3A_3941 = arith.addf %add3A_3914, %mul3A_3940 : vector<16xf32>
    %broadcast_in_dim3A_3942 = arith.constant 260 : i32
    %broadcast_in_dim3A_3943 = vector.broadcast %broadcast_in_dim3A_3942 : i32 to vector<16xi32>
    %gather3A_3944 = tpu.vector_load_idx %arg9[%broadcast_in_dim3A_3943] : memref<272xf32, #tpu.memory_space<vmem>>[vector<16xi32>], vector<16xf32>,
    %get3A_3945 = arith.constant 123 : i32
    %get3A_3946 = arith.index_cast %get3A_3945 : i32 to index
    %get3A_3947 = arith.constant 0 : index
    %get3A_3948 = tpu.vector_load %arg10[%get3A_3946, %get3A_3947] {strides = array<i32>} : memref<128x64xf32, #tpu.memory_space<vmem>>, vector<16xf32>,
    %mul3A_3949 = arith.mulf %gather3A_3944, %get3A_3948 : vector<16xf32>
    %add3A_3950 = arith.addf %add3A_3923, %mul3A_3949 : vector<16xf32>
    %get3A_3951 = arith.constant 123 : i32
    %get3A_3952 = arith.index_cast %get3A_3951 : i32 to index
    %get3A_3953 = arith.constant 16 : index
    %get3A_3954 = tpu.vector_load %arg10[%get3A_3952, %get3A_3953] {strides = array<i32>} : memref<128x64xf32, #tpu.memory_space<vmem>>, vector<16xf32>,
    %mul3A_3955 = arith.mulf %gather3A_3944, %get3A_3954 : vector<16xf32>
    %add3A_3956 = arith.addf %add3A_3929, %mul3A_3955 : vector<16xf32>
    %get3A_3957 = arith.constant 123 : i32
    %get3A_3958 = arith.index_cast %get3A_3957 : i32 to index
    %get3A_3959 = arith.constant 32 : index
    %get3A_3960 = tpu.vector_load %arg10[%get3A_3958, %get3A_3959] {strides = array<i32>} : memref<128x64xf32, #tpu.memory_space<vmem>>, vector<16xf32>,
    %mul3A_3961 = arith.mulf %gather3A_3944, %get3A_3960 : vector<16xf32>
    %add3A_3962 = arith.addf %add3A_3935, %mul3A_3961 : vector<16xf32>
    %get3A_3963 = arith.constant 123 : i32
    %get3A_3964 = arith.index_cast %get3A_3963 : i32 to index
    %get3A_3965 = arith.constant 48 : index
    %get3A_3966 = tpu.vector_load %arg10[%get3A_3964, %get3A_3965] {strides = array<i32>} : memref<128x64xf32, #tpu.memory_space<vmem>>, vector<16xf32>,
    %mul3A_3967 = arith.mulf %gather3A_3944, %get3A_3966 : vector<16xf32>
    %add3A_3968 = arith.addf %add3A_3941, %mul3A_3967 : vector<16xf32>
    %broadcast_in_dim3A_3969 = arith.constant 261 : i32
    %broadcast_in_dim3A_3970 = vector.broadcast %broadcast_in_dim3A_3969 : i32 to vector<16xi32>
    %gather3A_3971 = tpu.vector_load_idx %arg9[%broadcast_in_dim3A_3970] : memref<272xf32, #tpu.memory_space<vmem>>[vector<16xi32>], vector<16xf32>,
    %get3A_3972 = arith.constant 124 : i32
    %get3A_3973 = arith.index_cast %get3A_3972 : i32 to index
    %get3A_3974 = arith.constant 0 : index
    %get3A_3975 = tpu.vector_load %arg10[%get3A_3973, %get3A_3974] {strides = array<i32>} : memref<128x64xf32, #tpu.memory_space<vmem>>, vector<16xf32>,
    %mul3A_3976 = arith.mulf %gather3A_3971, %get3A_3975 : vector<16xf32>
    %add3A_3977 = arith.addf %add3A_3950, %mul3A_3976 : vector<16xf32>
    %get3A_3978 = arith.constant 124 : i32
    %get3A_3979 = arith.index_cast %get3A_3978 : i32 to index
    %get3A_3980 = arith.constant 16 : index
    %get3A_3981 = tpu.vector_load %arg10[%get3A_3979, %get3A_3980] {strides = array<i32>} : memref<128x64xf32, #tpu.memory_space<vmem>>, vector<16xf32>,
    %mul3A_3982 = arith.mulf %gather3A_3971, %get3A_3981 : vector<16xf32>
    %add3A_3983 = arith.addf %add3A_3956, %mul3A_3982 : vector<16xf32>
    %get3A_3984 = arith.constant 124 : i32
    %get3A_3985 = arith.index_cast %get3A_3984 : i32 to index
    %get3A_3986 = arith.constant 32 : index
    %get3A_3987 = tpu.vector_load %arg10[%get3A_3985, %get3A_3986] {strides = array<i32>} : memref<128x64xf32, #tpu.memory_space<vmem>>, vector<16xf32>,
    %mul3A_3988 = arith.mulf %gather3A_3971, %get3A_3987 : vector<16xf32>
    %add3A_3989 = arith.addf %add3A_3962, %mul3A_3988 : vector<16xf32>
    %get3A_3990 = arith.constant 124 : i32
    %get3A_3991 = arith.index_cast %get3A_3990 : i32 to index
    %get3A_3992 = arith.constant 48 : index
    %get3A_3993 = tpu.vector_load %arg10[%get3A_3991, %get3A_3992] {strides = array<i32>} : memref<128x64xf32, #tpu.memory_space<vmem>>, vector<16xf32>,
    %mul3A_3994 = arith.mulf %gather3A_3971, %get3A_3993 : vector<16xf32>
    %add3A_3995 = arith.addf %add3A_3968, %mul3A_3994 : vector<16xf32>
    %broadcast_in_dim3A_3996 = arith.constant 262 : i32
    %broadcast_in_dim3A_3997 = vector.broadcast %broadcast_in_dim3A_3996 : i32 to vector<16xi32>
    %gather3A_3998 = tpu.vector_load_idx %arg9[%broadcast_in_dim3A_3997] : memref<272xf32, #tpu.memory_space<vmem>>[vector<16xi32>], vector<16xf32>,
    %get3A_3999 = arith.constant 125 : i32
    %get3A_4000 = arith.index_cast %get3A_3999 : i32 to index
    %get3A_4001 = arith.constant 0 : index
    %get3A_4002 = tpu.vector_load %arg10[%get3A_4000, %get3A_4001] {strides = array<i32>} : memref<128x64xf32, #tpu.memory_space<vmem>>, vector<16xf32>,
    %mul3A_4003 = arith.mulf %gather3A_3998, %get3A_4002 : vector<16xf32>
    %add3A_4004 = arith.addf %add3A_3977, %mul3A_4003 : vector<16xf32>
    %get3A_4005 = arith.constant 125 : i32
    %get3A_4006 = arith.index_cast %get3A_4005 : i32 to index
    %get3A_4007 = arith.constant 16 : index
    %get3A_4008 = tpu.vector_load %arg10[%get3A_4006, %get3A_4007] {strides = array<i32>} : memref<128x64xf32, #tpu.memory_space<vmem>>, vector<16xf32>,
    %mul3A_4009 = arith.mulf %gather3A_3998, %get3A_4008 : vector<16xf32>
    %add3A_4010 = arith.addf %add3A_3983, %mul3A_4009 : vector<16xf32>
    %get3A_4011 = arith.constant 125 : i32
    %get3A_4012 = arith.index_cast %get3A_4011 : i32 to index
    %get3A_4013 = arith.constant 32 : index
    %get3A_4014 = tpu.vector_load %arg10[%get3A_4012, %get3A_4013] {strides = array<i32>} : memref<128x64xf32, #tpu.memory_space<vmem>>, vector<16xf32>,
    %mul3A_4015 = arith.mulf %gather3A_3998, %get3A_4014 : vector<16xf32>
    %add3A_4016 = arith.addf %add3A_3989, %mul3A_4015 : vector<16xf32>
    %get3A_4017 = arith.constant 125 : i32
    %get3A_4018 = arith.index_cast %get3A_4017 : i32 to index
    %get3A_4019 = arith.constant 48 : index
    %get3A_4020 = tpu.vector_load %arg10[%get3A_4018, %get3A_4019] {strides = array<i32>} : memref<128x64xf32, #tpu.memory_space<vmem>>, vector<16xf32>,
    %mul3A_4021 = arith.mulf %gather3A_3998, %get3A_4020 : vector<16xf32>
    %add3A_4022 = arith.addf %add3A_3995, %mul3A_4021 : vector<16xf32>
    %broadcast_in_dim3A_4023 = arith.constant 263 : i32
    %broadcast_in_dim3A_4024 = vector.broadcast %broadcast_in_dim3A_4023 : i32 to vector<16xi32>
    %gather3A_4025 = tpu.vector_load_idx %arg9[%broadcast_in_dim3A_4024] : memref<272xf32, #tpu.memory_space<vmem>>[vector<16xi32>], vector<16xf32>,
    %get3A_4026 = arith.constant 126 : i32
    %get3A_4027 = arith.index_cast %get3A_4026 : i32 to index
    %get3A_4028 = arith.constant 0 : index
    %get3A_4029 = tpu.vector_load %arg10[%get3A_4027, %get3A_4028] {strides = array<i32>} : memref<128x64xf32, #tpu.memory_space<vmem>>, vector<16xf32>,
    %mul3A_4030 = arith.mulf %gather3A_4025, %get3A_4029 : vector<16xf32>
    %add3A_4031 = arith.addf %add3A_4004, %mul3A_4030 : vector<16xf32>
    %get3A_4032 = arith.constant 126 : i32
    %get3A_4033 = arith.index_cast %get3A_4032 : i32 to index
    %get3A_4034 = arith.constant 16 : index
    %get3A_4035 = tpu.vector_load %arg10[%get3A_4033, %get3A_4034] {strides = array<i32>} : memref<128x64xf32, #tpu.memory_space<vmem>>, vector<16xf32>,
    %mul3A_4036 = arith.mulf %gather3A_4025, %get3A_4035 : vector<16xf32>
    %add3A_4037 = arith.addf %add3A_4010, %mul3A_4036 : vector<16xf32>
    %get3A_4038 = arith.constant 126 : i32
    %get3A_4039 = arith.index_cast %get3A_4038 : i32 to index
    %get3A_4040 = arith.constant 32 : index
    %get3A_4041 = tpu.vector_load %arg10[%get3A_4039, %get3A_4040] {strides = array<i32>} : memref<128x64xf32, #tpu.memory_space<vmem>>, vector<16xf32>,
    %mul3A_4042 = arith.mulf %gather3A_4025, %get3A_4041 : vector<16xf32>
    %add3A_4043 = arith.addf %add3A_4016, %mul3A_4042 : vector<16xf32>
    %get3A_4044 = arith.constant 126 : i32
    %get3A_4045 = arith.index_cast %get3A_4044 : i32 to index
    %get3A_4046 = arith.constant 48 : index
    %get3A_4047 = tpu.vector_load %arg10[%get3A_4045, %get3A_4046] {strides = array<i32>} : memref<128x64xf32, #tpu.memory_space<vmem>>, vector<16xf32>,
    %mul3A_4048 = arith.mulf %gather3A_4025, %get3A_4047 : vector<16xf32>
    %add3A_4049 = arith.addf %add3A_4022, %mul3A_4048 : vector<16xf32>
    %broadcast_in_dim3A_4050 = arith.constant 264 : i32
    %broadcast_in_dim3A_4051 = vector.broadcast %broadcast_in_dim3A_4050 : i32 to vector<16xi32>
    %gather3A_4052 = tpu.vector_load_idx %arg9[%broadcast_in_dim3A_4051] : memref<272xf32, #tpu.memory_space<vmem>>[vector<16xi32>], vector<16xf32>,
    %get3A_4053 = arith.constant 127 : i32
    %get3A_4054 = arith.index_cast %get3A_4053 : i32 to index
    %get3A_4055 = arith.constant 0 : index
    %get3A_4056 = tpu.vector_load %arg10[%get3A_4054, %get3A_4055] {strides = array<i32>} : memref<128x64xf32, #tpu.memory_space<vmem>>, vector<16xf32>,
    %mul3A_4057 = arith.mulf %gather3A_4052, %get3A_4056 : vector<16xf32>
    %add3A_4058 = arith.addf %add3A_4031, %mul3A_4057 : vector<16xf32>
    %get3A_4059 = arith.constant 127 : i32
    %get3A_4060 = arith.index_cast %get3A_4059 : i32 to index
    %get3A_4061 = arith.constant 16 : index
    %get3A_4062 = tpu.vector_load %arg10[%get3A_4060, %get3A_4061] {strides = array<i32>} : memref<128x64xf32, #tpu.memory_space<vmem>>, vector<16xf32>,
    %mul3A_4063 = arith.mulf %gather3A_4052, %get3A_4062 : vector<16xf32>
    %add3A_4064 = arith.addf %add3A_4037, %mul3A_4063 : vector<16xf32>
    %get3A_4065 = arith.constant 127 : i32
    %get3A_4066 = arith.index_cast %get3A_4065 : i32 to index
    %get3A_4067 = arith.constant 32 : index
    %get3A_4068 = tpu.vector_load %arg10[%get3A_4066, %get3A_4067] {strides = array<i32>} : memref<128x64xf32, #tpu.memory_space<vmem>>, vector<16xf32>,
    %mul3A_4069 = arith.mulf %gather3A_4052, %get3A_4068 : vector<16xf32>
    %add3A_4070 = arith.addf %add3A_4043, %mul3A_4069 : vector<16xf32>
    %get3A_4071 = arith.constant 127 : i32
    %get3A_4072 = arith.index_cast %get3A_4071 : i32 to index
    %get3A_4073 = arith.constant 48 : index
    %get3A_4074 = tpu.vector_load %arg10[%get3A_4072, %get3A_4073] {strides = array<i32>} : memref<128x64xf32, #tpu.memory_space<vmem>>, vector<16xf32>,
    %mul3A_4075 = arith.mulf %gather3A_4052, %get3A_4074 : vector<16xf32>
    %add3A_4076 = arith.addf %add3A_4049, %mul3A_4075 : vector<16xf32>
    %swap3A_4077 = arith.constant 15 : i32
    %swap3A_4078 = arith.index_cast %swap3A_4077 : i32 to index
    %swap3A_4079 = arith.constant 0 : index
    %swap3A_4080 = tpu.vector_load %arg12[%swap3A_4078, %swap3A_4079] {strides = array<i32>} : memref<16x64xf32, #tpu.memory_space<vmem>>, vector<16xf32>,
    tpu.vector_store %arg12[%swap3A_4078, %swap3A_4079], %add3A_4058 {strides = array<i32>} : memref<16x64xf32, #tpu.memory_space<vmem>>, vector<16xf32>,
    %swap3A_4081 = arith.constant 15 : i32
    %swap3A_4082 = arith.index_cast %swap3A_4081 : i32 to index
    %swap3A_4083 = arith.constant 16 : index
    %swap3A_4084 = tpu.vector_load %arg12[%swap3A_4082, %swap3A_4083] {strides = array<i32>} : memref<16x64xf32, #tpu.memory_space<vmem>>, vector<16xf32>,
    tpu.vector_store %arg12[%swap3A_4082, %swap3A_4083], %add3A_4064 {strides = array<i32>} : memref<16x64xf32, #tpu.memory_space<vmem>>, vector<16xf32>,
    %swap3A_4085 = arith.constant 15 : i32
    %swap3A_4086 = arith.index_cast %swap3A_4085 : i32 to index
    %swap3A_4087 = arith.constant 32 : index
    %swap3A_4088 = tpu.vector_load %arg12[%swap3A_4086, %swap3A_4087] {strides = array<i32>} : memref<16x64xf32, #tpu.memory_space<vmem>>, vector<16xf32>,
    tpu.vector_store %arg12[%swap3A_4086, %swap3A_4087], %add3A_4070 {strides = array<i32>} : memref<16x64xf32, #tpu.memory_space<vmem>>, vector<16xf32>,
    %swap3A_4089 = arith.constant 15 : i32
    %swap3A_4090 = arith.index_cast %swap3A_4089 : i32 to index
    %swap3A_4091 = arith.constant 48 : index
    %swap3A_4092 = tpu.vector_load %arg12[%swap3A_4090, %swap3A_4091] {strides = array<i32>} : memref<16x64xf32, #tpu.memory_space<vmem>>, vector<16xf32>,
    tpu.vector_store %arg12[%swap3A_4090, %swap3A_4091], %add3A_4076 {strides = array<i32>} : memref<16x64xf32, #tpu.memory_space<vmem>>, vector<16xf32>,
    "tpu.region"() ({
      %run_scoped3A = tpu.sem_alloc : memref<!tpu.dma_semaphore, #tpu.memory_space<semaphore_mem>>
      %dma_start3A_4093 = arith.constant 0 : i32
      %dma_start3A_4094 = tpu.memref_slice %arg6[%mul3A_2, %dma_start3A_4093] : memref<512x64xf32, #tpu.memory_space<hbm>> -> memref<16x64xf32, #tpu.memory_space<hbm>>
      %dma_start3A_4095 = arith.constant 0 : i32
      %dma_start3A_4096 = tpu.memref_slice %arg6[%mul3A_2, %dma_start3A_4095] : memref<512x64xf32, #tpu.memory_space<hbm>> -> memref<16x64xf32, #tpu.memory_space<hbm>>
      tpu.enqueue_dma source(%arg12 : memref<16x64xf32, #tpu.memory_space<vmem>>) target(%dma_start3A_4096 : memref<16x64xf32, #tpu.memory_space<hbm>>) target_semaphore(%run_scoped3A : memref<!tpu.dma_semaphore, #tpu.memory_space<semaphore_mem>>)
      %dma_wait3A_4097 = arith.constant 0 : i32
      %dma_wait3A_4098 = tpu.memref_slice %arg6[%mul3A_2, %dma_wait3A_4097] : memref<512x64xf32, #tpu.memory_space<hbm>> -> memref<16x64xf32, #tpu.memory_space<hbm>>
      %dma_wait3A_4099 = arith.constant 0 : i32
      %dma_wait3A_4100 = tpu.memref_slice %arg6[%mul3A_2, %dma_wait3A_4099] : memref<512x64xf32, #tpu.memory_space<hbm>> -> memref<16x64xf32, #tpu.memory_space<hbm>>
      tpu.wait_dma2 semaphore(%run_scoped3A : memref<!tpu.dma_semaphore, #tpu.memory_space<semaphore_mem>>) src(%arg12 : memref<16x64xf32, #tpu.memory_space<vmem>>) dst(%dma_wait3A_4100 : memref<16x64xf32, #tpu.memory_space<hbm>>)
      tpu.yield
    }) : () -> ()
    return
  }
}

module attributes {stable_mosaic.version = 14 : i64} {
  func.func @_scan_kernel(%arg0: i32, %arg1: memref<1x4xf32, #tpu.memory_space<smem>>, %arg2: memref<1x1x32xi32, #tpu.memory_space<vmem>>, %arg3: memref<32x100000xf32, #tpu.memory_space<vmem>>, %arg4: memref<32x8xi32, #tpu.memory_space<vmem>>, %arg5: memref<32x16xf32, #tpu.memory_space<vmem>>) attributes {dimension_semantics = [#tpu.dimension_semantics<arbitrary>], iteration_bounds = array<i64: 16>, scalar_prefetch = 0 : i64, scratch_operands = 0 : i64, tpu.core_type = #tpu.core_type<tc>, window_params = [{transform_indices = @transform_0, window_bounds = array<i64: 1, 4>}, {transform_indices = @transform_1, window_bounds = array<i64: 1, 1, 32>}, {transform_indices = @transform_2, window_bounds = array<i64: 32, 100000>}, {transform_indices = @transform_3, window_bounds = array<i64: 32, 8>}, {transform_indices = @transform_4, window_bounds = array<i64: 32, 16>}]} {
    %get3A = arith.constant 0 : index
    %get3A_0 = arith.constant 0 : index
    %get3A_1 = vector.load %arg3[%get3A, %get3A_0] : memref<32x100000xf32, #tpu.memory_space<vmem>>, vector<32x100000xf32>
    %add3A = arith.constant 9.99999935E-39 : f32
    %add3A_2 = vector.broadcast %add3A : f32 to vector<32x100000xf32>
    %add3A_3 = arith.addf %get3A_1, %add3A_2 : vector<32x100000xf32>
    %log3A = math.log %add3A_3 : vector<32x100000xf32>
    %mul3A = arith.mulf %get3A_1, %log3A : vector<32x100000xf32>
    %reduce_sum3A = arith.constant dense<0.000000e+00> : vector<32xf32>
    %reduce_sum3A_4 = vector.multi_reduction <add>, %mul3A, %reduce_sum3A [1] : vector<32x100000xf32> to vector<32xf32>
    %neg3A = arith.constant 0.000000e+00 : f32
    %neg3A_5 = vector.broadcast %neg3A : f32 to vector<32xf32>
    %neg3A_6 = arith.subf %neg3A_5, %reduce_sum3A_4 : vector<32xf32>
    %slice3A = vector.extract_strided_slice %get3A_1 {offsets = [0, 0], sizes = [32, 99840], strides = [1, 1]} : vector<32x100000xf32> to vector<32x99840xf32>
    %reshape3A = vector.shape_cast %slice3A : vector<32x99840xf32> to vector<32x195x512xf32>
    %reduce_max3A = arith.constant dense<0xFF800000> : vector<32x195xf32>
    %reduce_max3A_7 = vector.multi_reduction <maximumf>, %reshape3A, %reduce_max3A [2] : vector<32x195x512xf32> to vector<32x195xf32>
    %slice3A_8 = vector.extract_strided_slice %get3A_1 {offsets = [0, 99840], sizes = [32, 160], strides = [1, 1]} : vector<32x100000xf32> to vector<32x160xf32>
    %reduce_max3A_9 = arith.constant dense<0xFF800000> : vector<32xf32>
    %reduce_max3A_10 = vector.multi_reduction <maximumf>, %slice3A_8, %reduce_max3A_9 [1] : vector<32x160xf32> to vector<32xf32>
    %broadcast_in_dim3A = vector.shape_cast %reduce_max3A_10 : vector<32xf32> to vector<32x1xf32>
    %concatenate3A = tpu.concatenate %reduce_max3A_7, %broadcast_in_dim3A in 1 : vector<32x195xf32>, vector<32x1xf32> -> vector<32x196xf32>
    %iota3A = tpu.iota {dimensions = array<i32: 1>} : vector<32x196xi32>
    %reduce_max3A_11 = arith.constant dense<0xFF800000> : vector<32xf32>
    %reduce_max3A_12 = vector.multi_reduction <maximumf>, %concatenate3A, %reduce_max3A_11 [1] : vector<32x196xf32> to vector<32xf32>
    %broadcast_in_dim3A_13 = vector.shape_cast %reduce_max3A_12 : vector<32xf32> to vector<32x1xf32>
    %eq3A = vector.broadcast %broadcast_in_dim3A_13 : vector<32x1xf32> to vector<32x196xf32>
    %eq3A_14 = arith.cmpf oeq, %concatenate3A, %eq3A : vector<32x196xf32>
    %jit3A = arith.constant 1073741824 : i32
    %broadcast_in_dim3A_15 = vector.broadcast %jit3A : i32 to vector<32x196xi32>
    %select_n3A = arith.select %eq3A_14, %iota3A, %broadcast_in_dim3A_15 : vector<32x196xi1>, vector<32x196xi32>
    %reduce_min3A = arith.constant dense<2147483647> : vector<32xi32>
    %reduce_min3A_16 = vector.multi_reduction <minsi>, %select_n3A, %reduce_min3A [1] : vector<32x196xi32> to vector<32xi32>
    %broadcast_in_dim3A_17 = vector.shape_cast %reduce_min3A_16 : vector<32xi32> to vector<32x1xi32>
    %eq3A_18 = vector.broadcast %broadcast_in_dim3A_17 : vector<32x1xi32> to vector<32x196xi32>
    %eq3A_19 = arith.cmpi eq, %iota3A, %eq3A_18 : vector<32x196xi32>
    %jit3A_20 = arith.constant -1.000000e+00 : f32
    %broadcast_in_dim3A_21 = vector.broadcast %jit3A_20 : f32 to vector<32x196xf32>
    %select_n3A_22 = arith.select %eq3A_19, %broadcast_in_dim3A_21, %concatenate3A : vector<32x196xi1>, vector<32x196xf32>
    %reduce_max3A_23 = arith.constant dense<0xFF800000> : vector<32xf32>
    %reduce_max3A_24 = vector.multi_reduction <maximumf>, %select_n3A_22, %reduce_max3A_23 [1] : vector<32x196xf32> to vector<32xf32>
    %broadcast_in_dim3A_25 = vector.shape_cast %reduce_max3A_24 : vector<32xf32> to vector<32x1xf32>
    %eq3A_26 = vector.broadcast %broadcast_in_dim3A_25 : vector<32x1xf32> to vector<32x196xf32>
    %eq3A_27 = arith.cmpf oeq, %select_n3A_22, %eq3A_26 : vector<32x196xf32>
    %jit3A_28 = arith.constant 1073741824 : i32
    %broadcast_in_dim3A_29 = vector.broadcast %jit3A_28 : i32 to vector<32x196xi32>
    %select_n3A_30 = arith.select %eq3A_27, %iota3A, %broadcast_in_dim3A_29 : vector<32x196xi1>, vector<32x196xi32>
    %reduce_min3A_31 = arith.constant dense<2147483647> : vector<32xi32>
    %reduce_min3A_32 = vector.multi_reduction <minsi>, %select_n3A_30, %reduce_min3A_31 [1] : vector<32x196xi32> to vector<32xi32>
    %broadcast_in_dim3A_33 = vector.shape_cast %reduce_min3A_32 : vector<32xi32> to vector<32x1xi32>
    %eq3A_34 = vector.broadcast %broadcast_in_dim3A_33 : vector<32x1xi32> to vector<32x196xi32>
    %eq3A_35 = arith.cmpi eq, %iota3A, %eq3A_34 : vector<32x196xi32>
    %jit3A_36 = arith.constant -1.000000e+00 : f32
    %broadcast_in_dim3A_37 = vector.broadcast %jit3A_36 : f32 to vector<32x196xf32>
    %select_n3A_38 = arith.select %eq3A_35, %broadcast_in_dim3A_37, %select_n3A_22 : vector<32x196xi1>, vector<32x196xf32>
    %reduce_max3A_39 = arith.constant dense<0xFF800000> : vector<32xf32>
    %reduce_max3A_40 = vector.multi_reduction <maximumf>, %select_n3A_38, %reduce_max3A_39 [1] : vector<32x196xf32> to vector<32xf32>
    %broadcast_in_dim3A_41 = vector.shape_cast %reduce_max3A_40 : vector<32xf32> to vector<32x1xf32>
    %eq3A_42 = vector.broadcast %broadcast_in_dim3A_41 : vector<32x1xf32> to vector<32x196xf32>
    %eq3A_43 = arith.cmpf oeq, %select_n3A_38, %eq3A_42 : vector<32x196xf32>
    %jit3A_44 = arith.constant 1073741824 : i32
    %broadcast_in_dim3A_45 = vector.broadcast %jit3A_44 : i32 to vector<32x196xi32>
    %select_n3A_46 = arith.select %eq3A_43, %iota3A, %broadcast_in_dim3A_45 : vector<32x196xi1>, vector<32x196xi32>
    %reduce_min3A_47 = arith.constant dense<2147483647> : vector<32xi32>
    %reduce_min3A_48 = vector.multi_reduction <minsi>, %select_n3A_46, %reduce_min3A_47 [1] : vector<32x196xi32> to vector<32xi32>
    %broadcast_in_dim3A_49 = vector.shape_cast %reduce_min3A_48 : vector<32xi32> to vector<32x1xi32>
    %eq3A_50 = vector.broadcast %broadcast_in_dim3A_49 : vector<32x1xi32> to vector<32x196xi32>
    %eq3A_51 = arith.cmpi eq, %iota3A, %eq3A_50 : vector<32x196xi32>
    %jit3A_52 = arith.constant -1.000000e+00 : f32
    %broadcast_in_dim3A_53 = vector.broadcast %jit3A_52 : f32 to vector<32x196xf32>
    %select_n3A_54 = arith.select %eq3A_51, %broadcast_in_dim3A_53, %select_n3A_38 : vector<32x196xi1>, vector<32x196xf32>
    %reduce_max3A_55 = arith.constant dense<0xFF800000> : vector<32xf32>
    %reduce_max3A_56 = vector.multi_reduction <maximumf>, %select_n3A_54, %reduce_max3A_55 [1] : vector<32x196xf32> to vector<32xf32>
    %broadcast_in_dim3A_57 = vector.shape_cast %reduce_max3A_56 : vector<32xf32> to vector<32x1xf32>
    %eq3A_58 = vector.broadcast %broadcast_in_dim3A_57 : vector<32x1xf32> to vector<32x196xf32>
    %eq3A_59 = arith.cmpf oeq, %select_n3A_54, %eq3A_58 : vector<32x196xf32>
    %jit3A_60 = arith.constant 1073741824 : i32
    %broadcast_in_dim3A_61 = vector.broadcast %jit3A_60 : i32 to vector<32x196xi32>
    %select_n3A_62 = arith.select %eq3A_59, %iota3A, %broadcast_in_dim3A_61 : vector<32x196xi1>, vector<32x196xi32>
    %reduce_min3A_63 = arith.constant dense<2147483647> : vector<32xi32>
    %reduce_min3A_64 = vector.multi_reduction <minsi>, %select_n3A_62, %reduce_min3A_63 [1] : vector<32x196xi32> to vector<32xi32>
    %broadcast_in_dim3A_65 = vector.shape_cast %reduce_min3A_64 : vector<32xi32> to vector<32x1xi32>
    %eq3A_66 = vector.broadcast %broadcast_in_dim3A_65 : vector<32x1xi32> to vector<32x196xi32>
    %eq3A_67 = arith.cmpi eq, %iota3A, %eq3A_66 : vector<32x196xi32>
    %jit3A_68 = arith.constant -1.000000e+00 : f32
    %broadcast_in_dim3A_69 = vector.broadcast %jit3A_68 : f32 to vector<32x196xf32>
    %select_n3A_70 = arith.select %eq3A_67, %broadcast_in_dim3A_69, %select_n3A_54 : vector<32x196xi1>, vector<32x196xf32>
    %reduce_max3A_71 = arith.constant dense<0xFF800000> : vector<32xf32>
    %reduce_max3A_72 = vector.multi_reduction <maximumf>, %select_n3A_70, %reduce_max3A_71 [1] : vector<32x196xf32> to vector<32xf32>
    %broadcast_in_dim3A_73 = vector.shape_cast %reduce_max3A_72 : vector<32xf32> to vector<32x1xf32>
    %eq3A_74 = vector.broadcast %broadcast_in_dim3A_73 : vector<32x1xf32> to vector<32x196xf32>
    %eq3A_75 = arith.cmpf oeq, %select_n3A_70, %eq3A_74 : vector<32x196xf32>
    %jit3A_76 = arith.constant 1073741824 : i32
    %broadcast_in_dim3A_77 = vector.broadcast %jit3A_76 : i32 to vector<32x196xi32>
    %select_n3A_78 = arith.select %eq3A_75, %iota3A, %broadcast_in_dim3A_77 : vector<32x196xi1>, vector<32x196xi32>
    %reduce_min3A_79 = arith.constant dense<2147483647> : vector<32xi32>
    %reduce_min3A_80 = vector.multi_reduction <minsi>, %select_n3A_78, %reduce_min3A_79 [1] : vector<32x196xi32> to vector<32xi32>
    %broadcast_in_dim3A_81 = vector.shape_cast %reduce_min3A_80 : vector<32xi32> to vector<32x1xi32>
    %eq3A_82 = vector.broadcast %broadcast_in_dim3A_81 : vector<32x1xi32> to vector<32x196xi32>
    %eq3A_83 = arith.cmpi eq, %iota3A, %eq3A_82 : vector<32x196xi32>
    %jit3A_84 = arith.constant -1.000000e+00 : f32
    %broadcast_in_dim3A_85 = vector.broadcast %jit3A_84 : f32 to vector<32x196xf32>
    %select_n3A_86 = arith.select %eq3A_83, %broadcast_in_dim3A_85, %select_n3A_70 : vector<32x196xi1>, vector<32x196xf32>
    %reduce_max3A_87 = arith.constant dense<0xFF800000> : vector<32xf32>
    %reduce_max3A_88 = vector.multi_reduction <maximumf>, %select_n3A_86, %reduce_max3A_87 [1] : vector<32x196xf32> to vector<32xf32>
    %broadcast_in_dim3A_89 = vector.shape_cast %reduce_max3A_88 : vector<32xf32> to vector<32x1xf32>
    %eq3A_90 = vector.broadcast %broadcast_in_dim3A_89 : vector<32x1xf32> to vector<32x196xf32>
    %eq3A_91 = arith.cmpf oeq, %select_n3A_86, %eq3A_90 : vector<32x196xf32>
    %jit3A_92 = arith.constant 1073741824 : i32
    %broadcast_in_dim3A_93 = vector.broadcast %jit3A_92 : i32 to vector<32x196xi32>
    %select_n3A_94 = arith.select %eq3A_91, %iota3A, %broadcast_in_dim3A_93 : vector<32x196xi1>, vector<32x196xi32>
    %reduce_min3A_95 = arith.constant dense<2147483647> : vector<32xi32>
    %reduce_min3A_96 = vector.multi_reduction <minsi>, %select_n3A_94, %reduce_min3A_95 [1] : vector<32x196xi32> to vector<32xi32>
    %broadcast_in_dim3A_97 = vector.shape_cast %reduce_min3A_96 : vector<32xi32> to vector<32x1xi32>
    %eq3A_98 = vector.broadcast %broadcast_in_dim3A_97 : vector<32x1xi32> to vector<32x196xi32>
    %eq3A_99 = arith.cmpi eq, %iota3A, %eq3A_98 : vector<32x196xi32>
    %jit3A_100 = arith.constant -1.000000e+00 : f32
    %broadcast_in_dim3A_101 = vector.broadcast %jit3A_100 : f32 to vector<32x196xf32>
    %select_n3A_102 = arith.select %eq3A_99, %broadcast_in_dim3A_101, %select_n3A_86 : vector<32x196xi1>, vector<32x196xf32>
    %reduce_max3A_103 = arith.constant dense<0xFF800000> : vector<32xf32>
    %reduce_max3A_104 = vector.multi_reduction <maximumf>, %select_n3A_102, %reduce_max3A_103 [1] : vector<32x196xf32> to vector<32xf32>
    %broadcast_in_dim3A_105 = vector.shape_cast %reduce_max3A_104 : vector<32xf32> to vector<32x1xf32>
    %eq3A_106 = vector.broadcast %broadcast_in_dim3A_105 : vector<32x1xf32> to vector<32x196xf32>
    %eq3A_107 = arith.cmpf oeq, %select_n3A_102, %eq3A_106 : vector<32x196xf32>
    %jit3A_108 = arith.constant 1073741824 : i32
    %broadcast_in_dim3A_109 = vector.broadcast %jit3A_108 : i32 to vector<32x196xi32>
    %select_n3A_110 = arith.select %eq3A_107, %iota3A, %broadcast_in_dim3A_109 : vector<32x196xi1>, vector<32x196xi32>
    %reduce_min3A_111 = arith.constant dense<2147483647> : vector<32xi32>
    %reduce_min3A_112 = vector.multi_reduction <minsi>, %select_n3A_110, %reduce_min3A_111 [1] : vector<32x196xi32> to vector<32xi32>
    %broadcast_in_dim3A_113 = vector.shape_cast %reduce_min3A_112 : vector<32xi32> to vector<32x1xi32>
    %eq3A_114 = vector.broadcast %broadcast_in_dim3A_113 : vector<32x1xi32> to vector<32x196xi32>
    %eq3A_115 = arith.cmpi eq, %iota3A, %eq3A_114 : vector<32x196xi32>
    %jit3A_116 = arith.constant -1.000000e+00 : f32
    %broadcast_in_dim3A_117 = vector.broadcast %jit3A_116 : f32 to vector<32x196xf32>
    %select_n3A_118 = arith.select %eq3A_115, %broadcast_in_dim3A_117, %select_n3A_102 : vector<32x196xi1>, vector<32x196xf32>
    %reduce_max3A_119 = arith.constant dense<0xFF800000> : vector<32xf32>
    %reduce_max3A_120 = vector.multi_reduction <maximumf>, %select_n3A_118, %reduce_max3A_119 [1] : vector<32x196xf32> to vector<32xf32>
    %broadcast_in_dim3A_121 = vector.shape_cast %reduce_max3A_120 : vector<32xf32> to vector<32x1xf32>
    %eq3A_122 = vector.broadcast %broadcast_in_dim3A_121 : vector<32x1xf32> to vector<32x196xf32>
    %eq3A_123 = arith.cmpf oeq, %select_n3A_118, %eq3A_122 : vector<32x196xf32>
    %jit3A_124 = arith.constant 1073741824 : i32
    %broadcast_in_dim3A_125 = vector.broadcast %jit3A_124 : i32 to vector<32x196xi32>
    %select_n3A_126 = arith.select %eq3A_123, %iota3A, %broadcast_in_dim3A_125 : vector<32x196xi1>, vector<32x196xi32>
    %reduce_min3A_127 = arith.constant dense<2147483647> : vector<32xi32>
    %reduce_min3A_128 = vector.multi_reduction <minsi>, %select_n3A_126, %reduce_min3A_127 [1] : vector<32x196xi32> to vector<32xi32>
    %broadcast_in_dim3A_129 = vector.shape_cast %reduce_min3A_128 : vector<32xi32> to vector<32x1xi32>
    %concatenate3A_130 = tpu.concatenate %broadcast_in_dim3A_17, %broadcast_in_dim3A_33, %broadcast_in_dim3A_49, %broadcast_in_dim3A_65, %broadcast_in_dim3A_81, %broadcast_in_dim3A_97, %broadcast_in_dim3A_113, %broadcast_in_dim3A_129 in 1 : vector<32x1xi32>, vector<32x1xi32>, vector<32x1xi32>, vector<32x1xi32>, vector<32x1xi32>, vector<32x1xi32>, vector<32x1xi32>, vector<32x1xi32> -> vector<32x8xi32>
    %broadcast_in_dim3A_131 = vector.shape_cast %iota3A : vector<32x196xi32> to vector<32x1x196xi32>
    %broadcast_in_dim3A_132 = vector.shape_cast %concatenate3A_130 : vector<32x8xi32> to vector<32x8x1xi32>
    %eq3A_133 = vector.broadcast %broadcast_in_dim3A_131 : vector<32x1x196xi32> to vector<32x8x196xi32>
    %eq3A_134 = vector.broadcast %broadcast_in_dim3A_132 : vector<32x8x1xi32> to vector<32x8x196xi32>
    %eq3A_135 = arith.cmpi eq, %eq3A_133, %eq3A_134 : vector<32x8x196xi32>
    %convert_element_type3A = arith.extui %eq3A_135 : vector<32x8x196xi1> to vector<32x8x196xi32>
    %convert_element_type3A_136 = arith.sitofp %convert_element_type3A : vector<32x8x196xi32> to vector<32x8x196xf32>
    %slice3A_137 = vector.extract_strided_slice %convert_element_type3A_136 {offsets = [0, 0, 0], sizes = [1, 8, 195], strides = [1, 1, 1]} : vector<32x8x196xf32> to vector<1x8x195xf32>
    %squeeze3A = vector.shape_cast %slice3A_137 : vector<1x8x195xf32> to vector<8x195xf32>
    %slice3A_138 = vector.extract_strided_slice %reshape3A {offsets = [0, 0, 0], sizes = [1, 195, 512], strides = [1, 1, 1]} : vector<32x195x512xf32> to vector<1x195x512xf32>
    %squeeze3A_139 = vector.shape_cast %slice3A_138 : vector<1x195x512xf32> to vector<195x512xf32>
    %dot_general3A = arith.constant dense<0.000000e+00> : vector<8x512xf32>
    %dot_general3A_140 = tpu.matmul %squeeze3A, %squeeze3A_139, %dot_general3A {dimension_numbers = #tpu.dot_dimension_numbers<[1], [0], [0], [1], [0, 0, 1, 1], [], []>, transpose_lhs_hint = false} : vector<8x195xf32>, vector<195x512xf32>, vector<8x512xf32> -> vector<8x512xf32>
    %slice3A_141 = vector.extract_strided_slice %convert_element_type3A_136 {offsets = [1, 0, 0], sizes = [1, 8, 195], strides = [1, 1, 1]} : vector<32x8x196xf32> to vector<1x8x195xf32>
    %squeeze3A_142 = vector.shape_cast %slice3A_141 : vector<1x8x195xf32> to vector<8x195xf32>
    %slice3A_143 = vector.extract_strided_slice %reshape3A {offsets = [1, 0, 0], sizes = [1, 195, 512], strides = [1, 1, 1]} : vector<32x195x512xf32> to vector<1x195x512xf32>
    %squeeze3A_144 = vector.shape_cast %slice3A_143 : vector<1x195x512xf32> to vector<195x512xf32>
    %dot_general3A_145 = arith.constant dense<0.000000e+00> : vector<8x512xf32>
    %dot_general3A_146 = tpu.matmul %squeeze3A_142, %squeeze3A_144, %dot_general3A_145 {dimension_numbers = #tpu.dot_dimension_numbers<[1], [0], [0], [1], [0, 0, 1, 1], [], []>, transpose_lhs_hint = false} : vector<8x195xf32>, vector<195x512xf32>, vector<8x512xf32> -> vector<8x512xf32>
    %slice3A_147 = vector.extract_strided_slice %convert_element_type3A_136 {offsets = [2, 0, 0], sizes = [1, 8, 195], strides = [1, 1, 1]} : vector<32x8x196xf32> to vector<1x8x195xf32>
    %squeeze3A_148 = vector.shape_cast %slice3A_147 : vector<1x8x195xf32> to vector<8x195xf32>
    %slice3A_149 = vector.extract_strided_slice %reshape3A {offsets = [2, 0, 0], sizes = [1, 195, 512], strides = [1, 1, 1]} : vector<32x195x512xf32> to vector<1x195x512xf32>
    %squeeze3A_150 = vector.shape_cast %slice3A_149 : vector<1x195x512xf32> to vector<195x512xf32>
    %dot_general3A_151 = arith.constant dense<0.000000e+00> : vector<8x512xf32>
    %dot_general3A_152 = tpu.matmul %squeeze3A_148, %squeeze3A_150, %dot_general3A_151 {dimension_numbers = #tpu.dot_dimension_numbers<[1], [0], [0], [1], [0, 0, 1, 1], [], []>, transpose_lhs_hint = false} : vector<8x195xf32>, vector<195x512xf32>, vector<8x512xf32> -> vector<8x512xf32>
    %slice3A_153 = vector.extract_strided_slice %convert_element_type3A_136 {offsets = [3, 0, 0], sizes = [1, 8, 195], strides = [1, 1, 1]} : vector<32x8x196xf32> to vector<1x8x195xf32>
    %squeeze3A_154 = vector.shape_cast %slice3A_153 : vector<1x8x195xf32> to vector<8x195xf32>
    %slice3A_155 = vector.extract_strided_slice %reshape3A {offsets = [3, 0, 0], sizes = [1, 195, 512], strides = [1, 1, 1]} : vector<32x195x512xf32> to vector<1x195x512xf32>
    %squeeze3A_156 = vector.shape_cast %slice3A_155 : vector<1x195x512xf32> to vector<195x512xf32>
    %dot_general3A_157 = arith.constant dense<0.000000e+00> : vector<8x512xf32>
    %dot_general3A_158 = tpu.matmul %squeeze3A_154, %squeeze3A_156, %dot_general3A_157 {dimension_numbers = #tpu.dot_dimension_numbers<[1], [0], [0], [1], [0, 0, 1, 1], [], []>, transpose_lhs_hint = false} : vector<8x195xf32>, vector<195x512xf32>, vector<8x512xf32> -> vector<8x512xf32>
    %slice3A_159 = vector.extract_strided_slice %convert_element_type3A_136 {offsets = [4, 0, 0], sizes = [1, 8, 195], strides = [1, 1, 1]} : vector<32x8x196xf32> to vector<1x8x195xf32>
    %squeeze3A_160 = vector.shape_cast %slice3A_159 : vector<1x8x195xf32> to vector<8x195xf32>
    %slice3A_161 = vector.extract_strided_slice %reshape3A {offsets = [4, 0, 0], sizes = [1, 195, 512], strides = [1, 1, 1]} : vector<32x195x512xf32> to vector<1x195x512xf32>
    %squeeze3A_162 = vector.shape_cast %slice3A_161 : vector<1x195x512xf32> to vector<195x512xf32>
    %dot_general3A_163 = arith.constant dense<0.000000e+00> : vector<8x512xf32>
    %dot_general3A_164 = tpu.matmul %squeeze3A_160, %squeeze3A_162, %dot_general3A_163 {dimension_numbers = #tpu.dot_dimension_numbers<[1], [0], [0], [1], [0, 0, 1, 1], [], []>, transpose_lhs_hint = false} : vector<8x195xf32>, vector<195x512xf32>, vector<8x512xf32> -> vector<8x512xf32>
    %slice3A_165 = vector.extract_strided_slice %convert_element_type3A_136 {offsets = [5, 0, 0], sizes = [1, 8, 195], strides = [1, 1, 1]} : vector<32x8x196xf32> to vector<1x8x195xf32>
    %squeeze3A_166 = vector.shape_cast %slice3A_165 : vector<1x8x195xf32> to vector<8x195xf32>
    %slice3A_167 = vector.extract_strided_slice %reshape3A {offsets = [5, 0, 0], sizes = [1, 195, 512], strides = [1, 1, 1]} : vector<32x195x512xf32> to vector<1x195x512xf32>
    %squeeze3A_168 = vector.shape_cast %slice3A_167 : vector<1x195x512xf32> to vector<195x512xf32>
    %dot_general3A_169 = arith.constant dense<0.000000e+00> : vector<8x512xf32>
    %dot_general3A_170 = tpu.matmul %squeeze3A_166, %squeeze3A_168, %dot_general3A_169 {dimension_numbers = #tpu.dot_dimension_numbers<[1], [0], [0], [1], [0, 0, 1, 1], [], []>, transpose_lhs_hint = false} : vector<8x195xf32>, vector<195x512xf32>, vector<8x512xf32> -> vector<8x512xf32>
    %slice3A_171 = vector.extract_strided_slice %convert_element_type3A_136 {offsets = [6, 0, 0], sizes = [1, 8, 195], strides = [1, 1, 1]} : vector<32x8x196xf32> to vector<1x8x195xf32>
    %squeeze3A_172 = vector.shape_cast %slice3A_171 : vector<1x8x195xf32> to vector<8x195xf32>
    %slice3A_173 = vector.extract_strided_slice %reshape3A {offsets = [6, 0, 0], sizes = [1, 195, 512], strides = [1, 1, 1]} : vector<32x195x512xf32> to vector<1x195x512xf32>
    %squeeze3A_174 = vector.shape_cast %slice3A_173 : vector<1x195x512xf32> to vector<195x512xf32>
    %dot_general3A_175 = arith.constant dense<0.000000e+00> : vector<8x512xf32>
    %dot_general3A_176 = tpu.matmul %squeeze3A_172, %squeeze3A_174, %dot_general3A_175 {dimension_numbers = #tpu.dot_dimension_numbers<[1], [0], [0], [1], [0, 0, 1, 1], [], []>, transpose_lhs_hint = false} : vector<8x195xf32>, vector<195x512xf32>, vector<8x512xf32> -> vector<8x512xf32>
    %slice3A_177 = vector.extract_strided_slice %convert_element_type3A_136 {offsets = [7, 0, 0], sizes = [1, 8, 195], strides = [1, 1, 1]} : vector<32x8x196xf32> to vector<1x8x195xf32>
    %squeeze3A_178 = vector.shape_cast %slice3A_177 : vector<1x8x195xf32> to vector<8x195xf32>
    %slice3A_179 = vector.extract_strided_slice %reshape3A {offsets = [7, 0, 0], sizes = [1, 195, 512], strides = [1, 1, 1]} : vector<32x195x512xf32> to vector<1x195x512xf32>
    %squeeze3A_180 = vector.shape_cast %slice3A_179 : vector<1x195x512xf32> to vector<195x512xf32>
    %dot_general3A_181 = arith.constant dense<0.000000e+00> : vector<8x512xf32>
    %dot_general3A_182 = tpu.matmul %squeeze3A_178, %squeeze3A_180, %dot_general3A_181 {dimension_numbers = #tpu.dot_dimension_numbers<[1], [0], [0], [1], [0, 0, 1, 1], [], []>, transpose_lhs_hint = false} : vector<8x195xf32>, vector<195x512xf32>, vector<8x512xf32> -> vector<8x512xf32>
    %slice3A_183 = vector.extract_strided_slice %convert_element_type3A_136 {offsets = [8, 0, 0], sizes = [1, 8, 195], strides = [1, 1, 1]} : vector<32x8x196xf32> to vector<1x8x195xf32>
    %squeeze3A_184 = vector.shape_cast %slice3A_183 : vector<1x8x195xf32> to vector<8x195xf32>
    %slice3A_185 = vector.extract_strided_slice %reshape3A {offsets = [8, 0, 0], sizes = [1, 195, 512], strides = [1, 1, 1]} : vector<32x195x512xf32> to vector<1x195x512xf32>
    %squeeze3A_186 = vector.shape_cast %slice3A_185 : vector<1x195x512xf32> to vector<195x512xf32>
    %dot_general3A_187 = arith.constant dense<0.000000e+00> : vector<8x512xf32>
    %dot_general3A_188 = tpu.matmul %squeeze3A_184, %squeeze3A_186, %dot_general3A_187 {dimension_numbers = #tpu.dot_dimension_numbers<[1], [0], [0], [1], [0, 0, 1, 1], [], []>, transpose_lhs_hint = false} : vector<8x195xf32>, vector<195x512xf32>, vector<8x512xf32> -> vector<8x512xf32>
    %slice3A_189 = vector.extract_strided_slice %convert_element_type3A_136 {offsets = [9, 0, 0], sizes = [1, 8, 195], strides = [1, 1, 1]} : vector<32x8x196xf32> to vector<1x8x195xf32>
    %squeeze3A_190 = vector.shape_cast %slice3A_189 : vector<1x8x195xf32> to vector<8x195xf32>
    %slice3A_191 = vector.extract_strided_slice %reshape3A {offsets = [9, 0, 0], sizes = [1, 195, 512], strides = [1, 1, 1]} : vector<32x195x512xf32> to vector<1x195x512xf32>
    %squeeze3A_192 = vector.shape_cast %slice3A_191 : vector<1x195x512xf32> to vector<195x512xf32>
    %dot_general3A_193 = arith.constant dense<0.000000e+00> : vector<8x512xf32>
    %dot_general3A_194 = tpu.matmul %squeeze3A_190, %squeeze3A_192, %dot_general3A_193 {dimension_numbers = #tpu.dot_dimension_numbers<[1], [0], [0], [1], [0, 0, 1, 1], [], []>, transpose_lhs_hint = false} : vector<8x195xf32>, vector<195x512xf32>, vector<8x512xf32> -> vector<8x512xf32>
    %slice3A_195 = vector.extract_strided_slice %convert_element_type3A_136 {offsets = [10, 0, 0], sizes = [1, 8, 195], strides = [1, 1, 1]} : vector<32x8x196xf32> to vector<1x8x195xf32>
    %squeeze3A_196 = vector.shape_cast %slice3A_195 : vector<1x8x195xf32> to vector<8x195xf32>
    %slice3A_197 = vector.extract_strided_slice %reshape3A {offsets = [10, 0, 0], sizes = [1, 195, 512], strides = [1, 1, 1]} : vector<32x195x512xf32> to vector<1x195x512xf32>
    %squeeze3A_198 = vector.shape_cast %slice3A_197 : vector<1x195x512xf32> to vector<195x512xf32>
    %dot_general3A_199 = arith.constant dense<0.000000e+00> : vector<8x512xf32>
    %dot_general3A_200 = tpu.matmul %squeeze3A_196, %squeeze3A_198, %dot_general3A_199 {dimension_numbers = #tpu.dot_dimension_numbers<[1], [0], [0], [1], [0, 0, 1, 1], [], []>, transpose_lhs_hint = false} : vector<8x195xf32>, vector<195x512xf32>, vector<8x512xf32> -> vector<8x512xf32>
    %slice3A_201 = vector.extract_strided_slice %convert_element_type3A_136 {offsets = [11, 0, 0], sizes = [1, 8, 195], strides = [1, 1, 1]} : vector<32x8x196xf32> to vector<1x8x195xf32>
    %squeeze3A_202 = vector.shape_cast %slice3A_201 : vector<1x8x195xf32> to vector<8x195xf32>
    %slice3A_203 = vector.extract_strided_slice %reshape3A {offsets = [11, 0, 0], sizes = [1, 195, 512], strides = [1, 1, 1]} : vector<32x195x512xf32> to vector<1x195x512xf32>
    %squeeze3A_204 = vector.shape_cast %slice3A_203 : vector<1x195x512xf32> to vector<195x512xf32>
    %dot_general3A_205 = arith.constant dense<0.000000e+00> : vector<8x512xf32>
    %dot_general3A_206 = tpu.matmul %squeeze3A_202, %squeeze3A_204, %dot_general3A_205 {dimension_numbers = #tpu.dot_dimension_numbers<[1], [0], [0], [1], [0, 0, 1, 1], [], []>, transpose_lhs_hint = false} : vector<8x195xf32>, vector<195x512xf32>, vector<8x512xf32> -> vector<8x512xf32>
    %slice3A_207 = vector.extract_strided_slice %convert_element_type3A_136 {offsets = [12, 0, 0], sizes = [1, 8, 195], strides = [1, 1, 1]} : vector<32x8x196xf32> to vector<1x8x195xf32>
    %squeeze3A_208 = vector.shape_cast %slice3A_207 : vector<1x8x195xf32> to vector<8x195xf32>
    %slice3A_209 = vector.extract_strided_slice %reshape3A {offsets = [12, 0, 0], sizes = [1, 195, 512], strides = [1, 1, 1]} : vector<32x195x512xf32> to vector<1x195x512xf32>
    %squeeze3A_210 = vector.shape_cast %slice3A_209 : vector<1x195x512xf32> to vector<195x512xf32>
    %dot_general3A_211 = arith.constant dense<0.000000e+00> : vector<8x512xf32>
    %dot_general3A_212 = tpu.matmul %squeeze3A_208, %squeeze3A_210, %dot_general3A_211 {dimension_numbers = #tpu.dot_dimension_numbers<[1], [0], [0], [1], [0, 0, 1, 1], [], []>, transpose_lhs_hint = false} : vector<8x195xf32>, vector<195x512xf32>, vector<8x512xf32> -> vector<8x512xf32>
    %slice3A_213 = vector.extract_strided_slice %convert_element_type3A_136 {offsets = [13, 0, 0], sizes = [1, 8, 195], strides = [1, 1, 1]} : vector<32x8x196xf32> to vector<1x8x195xf32>
    %squeeze3A_214 = vector.shape_cast %slice3A_213 : vector<1x8x195xf32> to vector<8x195xf32>
    %slice3A_215 = vector.extract_strided_slice %reshape3A {offsets = [13, 0, 0], sizes = [1, 195, 512], strides = [1, 1, 1]} : vector<32x195x512xf32> to vector<1x195x512xf32>
    %squeeze3A_216 = vector.shape_cast %slice3A_215 : vector<1x195x512xf32> to vector<195x512xf32>
    %dot_general3A_217 = arith.constant dense<0.000000e+00> : vector<8x512xf32>
    %dot_general3A_218 = tpu.matmul %squeeze3A_214, %squeeze3A_216, %dot_general3A_217 {dimension_numbers = #tpu.dot_dimension_numbers<[1], [0], [0], [1], [0, 0, 1, 1], [], []>, transpose_lhs_hint = false} : vector<8x195xf32>, vector<195x512xf32>, vector<8x512xf32> -> vector<8x512xf32>
    %slice3A_219 = vector.extract_strided_slice %convert_element_type3A_136 {offsets = [14, 0, 0], sizes = [1, 8, 195], strides = [1, 1, 1]} : vector<32x8x196xf32> to vector<1x8x195xf32>
    %squeeze3A_220 = vector.shape_cast %slice3A_219 : vector<1x8x195xf32> to vector<8x195xf32>
    %slice3A_221 = vector.extract_strided_slice %reshape3A {offsets = [14, 0, 0], sizes = [1, 195, 512], strides = [1, 1, 1]} : vector<32x195x512xf32> to vector<1x195x512xf32>
    %squeeze3A_222 = vector.shape_cast %slice3A_221 : vector<1x195x512xf32> to vector<195x512xf32>
    %dot_general3A_223 = arith.constant dense<0.000000e+00> : vector<8x512xf32>
    %dot_general3A_224 = tpu.matmul %squeeze3A_220, %squeeze3A_222, %dot_general3A_223 {dimension_numbers = #tpu.dot_dimension_numbers<[1], [0], [0], [1], [0, 0, 1, 1], [], []>, transpose_lhs_hint = false} : vector<8x195xf32>, vector<195x512xf32>, vector<8x512xf32> -> vector<8x512xf32>
    %slice3A_225 = vector.extract_strided_slice %convert_element_type3A_136 {offsets = [15, 0, 0], sizes = [1, 8, 195], strides = [1, 1, 1]} : vector<32x8x196xf32> to vector<1x8x195xf32>
    %squeeze3A_226 = vector.shape_cast %slice3A_225 : vector<1x8x195xf32> to vector<8x195xf32>
    %slice3A_227 = vector.extract_strided_slice %reshape3A {offsets = [15, 0, 0], sizes = [1, 195, 512], strides = [1, 1, 1]} : vector<32x195x512xf32> to vector<1x195x512xf32>
    %squeeze3A_228 = vector.shape_cast %slice3A_227 : vector<1x195x512xf32> to vector<195x512xf32>
    %dot_general3A_229 = arith.constant dense<0.000000e+00> : vector<8x512xf32>
    %dot_general3A_230 = tpu.matmul %squeeze3A_226, %squeeze3A_228, %dot_general3A_229 {dimension_numbers = #tpu.dot_dimension_numbers<[1], [0], [0], [1], [0, 0, 1, 1], [], []>, transpose_lhs_hint = false} : vector<8x195xf32>, vector<195x512xf32>, vector<8x512xf32> -> vector<8x512xf32>
    %slice3A_231 = vector.extract_strided_slice %convert_element_type3A_136 {offsets = [16, 0, 0], sizes = [1, 8, 195], strides = [1, 1, 1]} : vector<32x8x196xf32> to vector<1x8x195xf32>
    %squeeze3A_232 = vector.shape_cast %slice3A_231 : vector<1x8x195xf32> to vector<8x195xf32>
    %slice3A_233 = vector.extract_strided_slice %reshape3A {offsets = [16, 0, 0], sizes = [1, 195, 512], strides = [1, 1, 1]} : vector<32x195x512xf32> to vector<1x195x512xf32>
    %squeeze3A_234 = vector.shape_cast %slice3A_233 : vector<1x195x512xf32> to vector<195x512xf32>
    %dot_general3A_235 = arith.constant dense<0.000000e+00> : vector<8x512xf32>
    %dot_general3A_236 = tpu.matmul %squeeze3A_232, %squeeze3A_234, %dot_general3A_235 {dimension_numbers = #tpu.dot_dimension_numbers<[1], [0], [0], [1], [0, 0, 1, 1], [], []>, transpose_lhs_hint = false} : vector<8x195xf32>, vector<195x512xf32>, vector<8x512xf32> -> vector<8x512xf32>
    %slice3A_237 = vector.extract_strided_slice %convert_element_type3A_136 {offsets = [17, 0, 0], sizes = [1, 8, 195], strides = [1, 1, 1]} : vector<32x8x196xf32> to vector<1x8x195xf32>
    %squeeze3A_238 = vector.shape_cast %slice3A_237 : vector<1x8x195xf32> to vector<8x195xf32>
    %slice3A_239 = vector.extract_strided_slice %reshape3A {offsets = [17, 0, 0], sizes = [1, 195, 512], strides = [1, 1, 1]} : vector<32x195x512xf32> to vector<1x195x512xf32>
    %squeeze3A_240 = vector.shape_cast %slice3A_239 : vector<1x195x512xf32> to vector<195x512xf32>
    %dot_general3A_241 = arith.constant dense<0.000000e+00> : vector<8x512xf32>
    %dot_general3A_242 = tpu.matmul %squeeze3A_238, %squeeze3A_240, %dot_general3A_241 {dimension_numbers = #tpu.dot_dimension_numbers<[1], [0], [0], [1], [0, 0, 1, 1], [], []>, transpose_lhs_hint = false} : vector<8x195xf32>, vector<195x512xf32>, vector<8x512xf32> -> vector<8x512xf32>
    %slice3A_243 = vector.extract_strided_slice %convert_element_type3A_136 {offsets = [18, 0, 0], sizes = [1, 8, 195], strides = [1, 1, 1]} : vector<32x8x196xf32> to vector<1x8x195xf32>
    %squeeze3A_244 = vector.shape_cast %slice3A_243 : vector<1x8x195xf32> to vector<8x195xf32>
    %slice3A_245 = vector.extract_strided_slice %reshape3A {offsets = [18, 0, 0], sizes = [1, 195, 512], strides = [1, 1, 1]} : vector<32x195x512xf32> to vector<1x195x512xf32>
    %squeeze3A_246 = vector.shape_cast %slice3A_245 : vector<1x195x512xf32> to vector<195x512xf32>
    %dot_general3A_247 = arith.constant dense<0.000000e+00> : vector<8x512xf32>
    %dot_general3A_248 = tpu.matmul %squeeze3A_244, %squeeze3A_246, %dot_general3A_247 {dimension_numbers = #tpu.dot_dimension_numbers<[1], [0], [0], [1], [0, 0, 1, 1], [], []>, transpose_lhs_hint = false} : vector<8x195xf32>, vector<195x512xf32>, vector<8x512xf32> -> vector<8x512xf32>
    %slice3A_249 = vector.extract_strided_slice %convert_element_type3A_136 {offsets = [19, 0, 0], sizes = [1, 8, 195], strides = [1, 1, 1]} : vector<32x8x196xf32> to vector<1x8x195xf32>
    %squeeze3A_250 = vector.shape_cast %slice3A_249 : vector<1x8x195xf32> to vector<8x195xf32>
    %slice3A_251 = vector.extract_strided_slice %reshape3A {offsets = [19, 0, 0], sizes = [1, 195, 512], strides = [1, 1, 1]} : vector<32x195x512xf32> to vector<1x195x512xf32>
    %squeeze3A_252 = vector.shape_cast %slice3A_251 : vector<1x195x512xf32> to vector<195x512xf32>
    %dot_general3A_253 = arith.constant dense<0.000000e+00> : vector<8x512xf32>
    %dot_general3A_254 = tpu.matmul %squeeze3A_250, %squeeze3A_252, %dot_general3A_253 {dimension_numbers = #tpu.dot_dimension_numbers<[1], [0], [0], [1], [0, 0, 1, 1], [], []>, transpose_lhs_hint = false} : vector<8x195xf32>, vector<195x512xf32>, vector<8x512xf32> -> vector<8x512xf32>
    %slice3A_255 = vector.extract_strided_slice %convert_element_type3A_136 {offsets = [20, 0, 0], sizes = [1, 8, 195], strides = [1, 1, 1]} : vector<32x8x196xf32> to vector<1x8x195xf32>
    %squeeze3A_256 = vector.shape_cast %slice3A_255 : vector<1x8x195xf32> to vector<8x195xf32>
    %slice3A_257 = vector.extract_strided_slice %reshape3A {offsets = [20, 0, 0], sizes = [1, 195, 512], strides = [1, 1, 1]} : vector<32x195x512xf32> to vector<1x195x512xf32>
    %squeeze3A_258 = vector.shape_cast %slice3A_257 : vector<1x195x512xf32> to vector<195x512xf32>
    %dot_general3A_259 = arith.constant dense<0.000000e+00> : vector<8x512xf32>
    %dot_general3A_260 = tpu.matmul %squeeze3A_256, %squeeze3A_258, %dot_general3A_259 {dimension_numbers = #tpu.dot_dimension_numbers<[1], [0], [0], [1], [0, 0, 1, 1], [], []>, transpose_lhs_hint = false} : vector<8x195xf32>, vector<195x512xf32>, vector<8x512xf32> -> vector<8x512xf32>
    %slice3A_261 = vector.extract_strided_slice %convert_element_type3A_136 {offsets = [21, 0, 0], sizes = [1, 8, 195], strides = [1, 1, 1]} : vector<32x8x196xf32> to vector<1x8x195xf32>
    %squeeze3A_262 = vector.shape_cast %slice3A_261 : vector<1x8x195xf32> to vector<8x195xf32>
    %slice3A_263 = vector.extract_strided_slice %reshape3A {offsets = [21, 0, 0], sizes = [1, 195, 512], strides = [1, 1, 1]} : vector<32x195x512xf32> to vector<1x195x512xf32>
    %squeeze3A_264 = vector.shape_cast %slice3A_263 : vector<1x195x512xf32> to vector<195x512xf32>
    %dot_general3A_265 = arith.constant dense<0.000000e+00> : vector<8x512xf32>
    %dot_general3A_266 = tpu.matmul %squeeze3A_262, %squeeze3A_264, %dot_general3A_265 {dimension_numbers = #tpu.dot_dimension_numbers<[1], [0], [0], [1], [0, 0, 1, 1], [], []>, transpose_lhs_hint = false} : vector<8x195xf32>, vector<195x512xf32>, vector<8x512xf32> -> vector<8x512xf32>
    %slice3A_267 = vector.extract_strided_slice %convert_element_type3A_136 {offsets = [22, 0, 0], sizes = [1, 8, 195], strides = [1, 1, 1]} : vector<32x8x196xf32> to vector<1x8x195xf32>
    %squeeze3A_268 = vector.shape_cast %slice3A_267 : vector<1x8x195xf32> to vector<8x195xf32>
    %slice3A_269 = vector.extract_strided_slice %reshape3A {offsets = [22, 0, 0], sizes = [1, 195, 512], strides = [1, 1, 1]} : vector<32x195x512xf32> to vector<1x195x512xf32>
    %squeeze3A_270 = vector.shape_cast %slice3A_269 : vector<1x195x512xf32> to vector<195x512xf32>
    %dot_general3A_271 = arith.constant dense<0.000000e+00> : vector<8x512xf32>
    %dot_general3A_272 = tpu.matmul %squeeze3A_268, %squeeze3A_270, %dot_general3A_271 {dimension_numbers = #tpu.dot_dimension_numbers<[1], [0], [0], [1], [0, 0, 1, 1], [], []>, transpose_lhs_hint = false} : vector<8x195xf32>, vector<195x512xf32>, vector<8x512xf32> -> vector<8x512xf32>
    %slice3A_273 = vector.extract_strided_slice %convert_element_type3A_136 {offsets = [23, 0, 0], sizes = [1, 8, 195], strides = [1, 1, 1]} : vector<32x8x196xf32> to vector<1x8x195xf32>
    %squeeze3A_274 = vector.shape_cast %slice3A_273 : vector<1x8x195xf32> to vector<8x195xf32>
    %slice3A_275 = vector.extract_strided_slice %reshape3A {offsets = [23, 0, 0], sizes = [1, 195, 512], strides = [1, 1, 1]} : vector<32x195x512xf32> to vector<1x195x512xf32>
    %squeeze3A_276 = vector.shape_cast %slice3A_275 : vector<1x195x512xf32> to vector<195x512xf32>
    %dot_general3A_277 = arith.constant dense<0.000000e+00> : vector<8x512xf32>
    %dot_general3A_278 = tpu.matmul %squeeze3A_274, %squeeze3A_276, %dot_general3A_277 {dimension_numbers = #tpu.dot_dimension_numbers<[1], [0], [0], [1], [0, 0, 1, 1], [], []>, transpose_lhs_hint = false} : vector<8x195xf32>, vector<195x512xf32>, vector<8x512xf32> -> vector<8x512xf32>
    %slice3A_279 = vector.extract_strided_slice %convert_element_type3A_136 {offsets = [24, 0, 0], sizes = [1, 8, 195], strides = [1, 1, 1]} : vector<32x8x196xf32> to vector<1x8x195xf32>
    %squeeze3A_280 = vector.shape_cast %slice3A_279 : vector<1x8x195xf32> to vector<8x195xf32>
    %slice3A_281 = vector.extract_strided_slice %reshape3A {offsets = [24, 0, 0], sizes = [1, 195, 512], strides = [1, 1, 1]} : vector<32x195x512xf32> to vector<1x195x512xf32>
    %squeeze3A_282 = vector.shape_cast %slice3A_281 : vector<1x195x512xf32> to vector<195x512xf32>
    %dot_general3A_283 = arith.constant dense<0.000000e+00> : vector<8x512xf32>
    %dot_general3A_284 = tpu.matmul %squeeze3A_280, %squeeze3A_282, %dot_general3A_283 {dimension_numbers = #tpu.dot_dimension_numbers<[1], [0], [0], [1], [0, 0, 1, 1], [], []>, transpose_lhs_hint = false} : vector<8x195xf32>, vector<195x512xf32>, vector<8x512xf32> -> vector<8x512xf32>
    %slice3A_285 = vector.extract_strided_slice %convert_element_type3A_136 {offsets = [25, 0, 0], sizes = [1, 8, 195], strides = [1, 1, 1]} : vector<32x8x196xf32> to vector<1x8x195xf32>
    %squeeze3A_286 = vector.shape_cast %slice3A_285 : vector<1x8x195xf32> to vector<8x195xf32>
    %slice3A_287 = vector.extract_strided_slice %reshape3A {offsets = [25, 0, 0], sizes = [1, 195, 512], strides = [1, 1, 1]} : vector<32x195x512xf32> to vector<1x195x512xf32>
    %squeeze3A_288 = vector.shape_cast %slice3A_287 : vector<1x195x512xf32> to vector<195x512xf32>
    %dot_general3A_289 = arith.constant dense<0.000000e+00> : vector<8x512xf32>
    %dot_general3A_290 = tpu.matmul %squeeze3A_286, %squeeze3A_288, %dot_general3A_289 {dimension_numbers = #tpu.dot_dimension_numbers<[1], [0], [0], [1], [0, 0, 1, 1], [], []>, transpose_lhs_hint = false} : vector<8x195xf32>, vector<195x512xf32>, vector<8x512xf32> -> vector<8x512xf32>
    %slice3A_291 = vector.extract_strided_slice %convert_element_type3A_136 {offsets = [26, 0, 0], sizes = [1, 8, 195], strides = [1, 1, 1]} : vector<32x8x196xf32> to vector<1x8x195xf32>
    %squeeze3A_292 = vector.shape_cast %slice3A_291 : vector<1x8x195xf32> to vector<8x195xf32>
    %slice3A_293 = vector.extract_strided_slice %reshape3A {offsets = [26, 0, 0], sizes = [1, 195, 512], strides = [1, 1, 1]} : vector<32x195x512xf32> to vector<1x195x512xf32>
    %squeeze3A_294 = vector.shape_cast %slice3A_293 : vector<1x195x512xf32> to vector<195x512xf32>
    %dot_general3A_295 = arith.constant dense<0.000000e+00> : vector<8x512xf32>
    %dot_general3A_296 = tpu.matmul %squeeze3A_292, %squeeze3A_294, %dot_general3A_295 {dimension_numbers = #tpu.dot_dimension_numbers<[1], [0], [0], [1], [0, 0, 1, 1], [], []>, transpose_lhs_hint = false} : vector<8x195xf32>, vector<195x512xf32>, vector<8x512xf32> -> vector<8x512xf32>
    %slice3A_297 = vector.extract_strided_slice %convert_element_type3A_136 {offsets = [27, 0, 0], sizes = [1, 8, 195], strides = [1, 1, 1]} : vector<32x8x196xf32> to vector<1x8x195xf32>
    %squeeze3A_298 = vector.shape_cast %slice3A_297 : vector<1x8x195xf32> to vector<8x195xf32>
    %slice3A_299 = vector.extract_strided_slice %reshape3A {offsets = [27, 0, 0], sizes = [1, 195, 512], strides = [1, 1, 1]} : vector<32x195x512xf32> to vector<1x195x512xf32>
    %squeeze3A_300 = vector.shape_cast %slice3A_299 : vector<1x195x512xf32> to vector<195x512xf32>
    %dot_general3A_301 = arith.constant dense<0.000000e+00> : vector<8x512xf32>
    %dot_general3A_302 = tpu.matmul %squeeze3A_298, %squeeze3A_300, %dot_general3A_301 {dimension_numbers = #tpu.dot_dimension_numbers<[1], [0], [0], [1], [0, 0, 1, 1], [], []>, transpose_lhs_hint = false} : vector<8x195xf32>, vector<195x512xf32>, vector<8x512xf32> -> vector<8x512xf32>
    %slice3A_303 = vector.extract_strided_slice %convert_element_type3A_136 {offsets = [28, 0, 0], sizes = [1, 8, 195], strides = [1, 1, 1]} : vector<32x8x196xf32> to vector<1x8x195xf32>
    %squeeze3A_304 = vector.shape_cast %slice3A_303 : vector<1x8x195xf32> to vector<8x195xf32>
    %slice3A_305 = vector.extract_strided_slice %reshape3A {offsets = [28, 0, 0], sizes = [1, 195, 512], strides = [1, 1, 1]} : vector<32x195x512xf32> to vector<1x195x512xf32>
    %squeeze3A_306 = vector.shape_cast %slice3A_305 : vector<1x195x512xf32> to vector<195x512xf32>
    %dot_general3A_307 = arith.constant dense<0.000000e+00> : vector<8x512xf32>
    %dot_general3A_308 = tpu.matmul %squeeze3A_304, %squeeze3A_306, %dot_general3A_307 {dimension_numbers = #tpu.dot_dimension_numbers<[1], [0], [0], [1], [0, 0, 1, 1], [], []>, transpose_lhs_hint = false} : vector<8x195xf32>, vector<195x512xf32>, vector<8x512xf32> -> vector<8x512xf32>
    %slice3A_309 = vector.extract_strided_slice %convert_element_type3A_136 {offsets = [29, 0, 0], sizes = [1, 8, 195], strides = [1, 1, 1]} : vector<32x8x196xf32> to vector<1x8x195xf32>
    %squeeze3A_310 = vector.shape_cast %slice3A_309 : vector<1x8x195xf32> to vector<8x195xf32>
    %slice3A_311 = vector.extract_strided_slice %reshape3A {offsets = [29, 0, 0], sizes = [1, 195, 512], strides = [1, 1, 1]} : vector<32x195x512xf32> to vector<1x195x512xf32>
    %squeeze3A_312 = vector.shape_cast %slice3A_311 : vector<1x195x512xf32> to vector<195x512xf32>
    %dot_general3A_313 = arith.constant dense<0.000000e+00> : vector<8x512xf32>
    %dot_general3A_314 = tpu.matmul %squeeze3A_310, %squeeze3A_312, %dot_general3A_313 {dimension_numbers = #tpu.dot_dimension_numbers<[1], [0], [0], [1], [0, 0, 1, 1], [], []>, transpose_lhs_hint = false} : vector<8x195xf32>, vector<195x512xf32>, vector<8x512xf32> -> vector<8x512xf32>
    %slice3A_315 = vector.extract_strided_slice %convert_element_type3A_136 {offsets = [30, 0, 0], sizes = [1, 8, 195], strides = [1, 1, 1]} : vector<32x8x196xf32> to vector<1x8x195xf32>
    %squeeze3A_316 = vector.shape_cast %slice3A_315 : vector<1x8x195xf32> to vector<8x195xf32>
    %slice3A_317 = vector.extract_strided_slice %reshape3A {offsets = [30, 0, 0], sizes = [1, 195, 512], strides = [1, 1, 1]} : vector<32x195x512xf32> to vector<1x195x512xf32>
    %squeeze3A_318 = vector.shape_cast %slice3A_317 : vector<1x195x512xf32> to vector<195x512xf32>
    %dot_general3A_319 = arith.constant dense<0.000000e+00> : vector<8x512xf32>
    %dot_general3A_320 = tpu.matmul %squeeze3A_316, %squeeze3A_318, %dot_general3A_319 {dimension_numbers = #tpu.dot_dimension_numbers<[1], [0], [0], [1], [0, 0, 1, 1], [], []>, transpose_lhs_hint = false} : vector<8x195xf32>, vector<195x512xf32>, vector<8x512xf32> -> vector<8x512xf32>
    %slice3A_321 = vector.extract_strided_slice %convert_element_type3A_136 {offsets = [31, 0, 0], sizes = [1, 8, 195], strides = [1, 1, 1]} : vector<32x8x196xf32> to vector<1x8x195xf32>
    %squeeze3A_322 = vector.shape_cast %slice3A_321 : vector<1x8x195xf32> to vector<8x195xf32>
    %slice3A_323 = vector.extract_strided_slice %reshape3A {offsets = [31, 0, 0], sizes = [1, 195, 512], strides = [1, 1, 1]} : vector<32x195x512xf32> to vector<1x195x512xf32>
    %squeeze3A_324 = vector.shape_cast %slice3A_323 : vector<1x195x512xf32> to vector<195x512xf32>
    %dot_general3A_325 = arith.constant dense<0.000000e+00> : vector<8x512xf32>
    %dot_general3A_326 = tpu.matmul %squeeze3A_322, %squeeze3A_324, %dot_general3A_325 {dimension_numbers = #tpu.dot_dimension_numbers<[1], [0], [0], [1], [0, 0, 1, 1], [], []>, transpose_lhs_hint = false} : vector<8x195xf32>, vector<195x512xf32>, vector<8x512xf32> -> vector<8x512xf32>
    %stack3A = vector.shape_cast %dot_general3A_140 : vector<8x512xf32> to vector<1x8x512xf32>
    %stack3A_327 = vector.shape_cast %dot_general3A_146 : vector<8x512xf32> to vector<1x8x512xf32>
    %stack3A_328 = vector.shape_cast %dot_general3A_152 : vector<8x512xf32> to vector<1x8x512xf32>
    %stack3A_329 = vector.shape_cast %dot_general3A_158 : vector<8x512xf32> to vector<1x8x512xf32>
    %stack3A_330 = vector.shape_cast %dot_general3A_164 : vector<8x512xf32> to vector<1x8x512xf32>
    %stack3A_331 = vector.shape_cast %dot_general3A_170 : vector<8x512xf32> to vector<1x8x512xf32>
    %stack3A_332 = vector.shape_cast %dot_general3A_176 : vector<8x512xf32> to vector<1x8x512xf32>
    %stack3A_333 = vector.shape_cast %dot_general3A_182 : vector<8x512xf32> to vector<1x8x512xf32>
    %stack3A_334 = vector.shape_cast %dot_general3A_188 : vector<8x512xf32> to vector<1x8x512xf32>
    %stack3A_335 = vector.shape_cast %dot_general3A_194 : vector<8x512xf32> to vector<1x8x512xf32>
    %stack3A_336 = vector.shape_cast %dot_general3A_200 : vector<8x512xf32> to vector<1x8x512xf32>
    %stack3A_337 = vector.shape_cast %dot_general3A_206 : vector<8x512xf32> to vector<1x8x512xf32>
    %stack3A_338 = vector.shape_cast %dot_general3A_212 : vector<8x512xf32> to vector<1x8x512xf32>
    %stack3A_339 = vector.shape_cast %dot_general3A_218 : vector<8x512xf32> to vector<1x8x512xf32>
    %stack3A_340 = vector.shape_cast %dot_general3A_224 : vector<8x512xf32> to vector<1x8x512xf32>
    %stack3A_341 = vector.shape_cast %dot_general3A_230 : vector<8x512xf32> to vector<1x8x512xf32>
    %stack3A_342 = vector.shape_cast %dot_general3A_236 : vector<8x512xf32> to vector<1x8x512xf32>
    %stack3A_343 = vector.shape_cast %dot_general3A_242 : vector<8x512xf32> to vector<1x8x512xf32>
    %stack3A_344 = vector.shape_cast %dot_general3A_248 : vector<8x512xf32> to vector<1x8x512xf32>
    %stack3A_345 = vector.shape_cast %dot_general3A_254 : vector<8x512xf32> to vector<1x8x512xf32>
    %stack3A_346 = vector.shape_cast %dot_general3A_260 : vector<8x512xf32> to vector<1x8x512xf32>
    %stack3A_347 = vector.shape_cast %dot_general3A_266 : vector<8x512xf32> to vector<1x8x512xf32>
    %stack3A_348 = vector.shape_cast %dot_general3A_272 : vector<8x512xf32> to vector<1x8x512xf32>
    %stack3A_349 = vector.shape_cast %dot_general3A_278 : vector<8x512xf32> to vector<1x8x512xf32>
    %stack3A_350 = vector.shape_cast %dot_general3A_284 : vector<8x512xf32> to vector<1x8x512xf32>
    %stack3A_351 = vector.shape_cast %dot_general3A_290 : vector<8x512xf32> to vector<1x8x512xf32>
    %stack3A_352 = vector.shape_cast %dot_general3A_296 : vector<8x512xf32> to vector<1x8x512xf32>
    %stack3A_353 = vector.shape_cast %dot_general3A_302 : vector<8x512xf32> to vector<1x8x512xf32>
    %stack3A_354 = vector.shape_cast %dot_general3A_308 : vector<8x512xf32> to vector<1x8x512xf32>
    %stack3A_355 = vector.shape_cast %dot_general3A_314 : vector<8x512xf32> to vector<1x8x512xf32>
    %stack3A_356 = vector.shape_cast %dot_general3A_320 : vector<8x512xf32> to vector<1x8x512xf32>
    %stack3A_357 = vector.shape_cast %dot_general3A_326 : vector<8x512xf32> to vector<1x8x512xf32>
    %stack3A_358 = tpu.concatenate %stack3A, %stack3A_327, %stack3A_328, %stack3A_329, %stack3A_330, %stack3A_331, %stack3A_332, %stack3A_333, %stack3A_334, %stack3A_335, %stack3A_336, %stack3A_337, %stack3A_338, %stack3A_339, %stack3A_340, %stack3A_341, %stack3A_342, %stack3A_343, %stack3A_344, %stack3A_345, %stack3A_346, %stack3A_347, %stack3A_348, %stack3A_349, %stack3A_350, %stack3A_351, %stack3A_352, %stack3A_353, %stack3A_354, %stack3A_355, %stack3A_356, %stack3A_357 in 0 : vector<1x8x512xf32>, vector<1x8x512xf32>, vector<1x8x512xf32>, vector<1x8x512xf32>, vector<1x8x512xf32>, vector<1x8x512xf32>, vector<1x8x512xf32>, vector<1x8x512xf32>, vector<1x8x512xf32>, vector<1x8x512xf32>, vector<1x8x512xf32>, vector<1x8x512xf32>, vector<1x8x512xf32>, vector<1x8x512xf32>, vector<1x8x512xf32>, vector<1x8x512xf32>, vector<1x8x512xf32>, vector<1x8x512xf32>, vector<1x8x512xf32>, vector<1x8x512xf32>, vector<1x8x512xf32>, vector<1x8x512xf32>, vector<1x8x512xf32>, vector<1x8x512xf32>, vector<1x8x512xf32>, vector<1x8x512xf32>, vector<1x8x512xf32>, vector<1x8x512xf32>, vector<1x8x512xf32>, vector<1x8x512xf32>, vector<1x8x512xf32>, vector<1x8x512xf32> -> vector<32x8x512xf32>
    %slice3A_359 = vector.extract_strided_slice %get3A_1 {offsets = [0, 99488], sizes = [32, 512], strides = [1, 1]} : vector<32x100000xf32> to vector<32x512xf32>
    %slice3A_360 = vector.extract_strided_slice %convert_element_type3A_136 {offsets = [0, 0, 195], sizes = [32, 8, 1], strides = [1, 1, 1]} : vector<32x8x196xf32> to vector<32x8x1xf32>
    %broadcast_in_dim3A_361 = vector.shape_cast %slice3A_359 : vector<32x512xf32> to vector<32x1x512xf32>
    %mul3A_362 = vector.broadcast %slice3A_360 : vector<32x8x1xf32> to vector<32x8x512xf32>
    %mul3A_363 = vector.broadcast %broadcast_in_dim3A_361 : vector<32x1x512xf32> to vector<32x8x512xf32>
    %mul3A_364 = arith.mulf %mul3A_362, %mul3A_363 : vector<32x8x512xf32>
    %add3A_365 = arith.addf %stack3A_358, %mul3A_364 : vector<32x8x512xf32>
    %iota3A_366 = tpu.iota {dimensions = array<i32: 2>} : vector<32x8x512xi32>
    %eq3A_367 = arith.constant 195 : i32
    %eq3A_368 = vector.broadcast %eq3A_367 : i32 to vector<32x8xi32>
    %eq3A_369 = arith.cmpi eq, %concatenate3A_130, %eq3A_368 : vector<32x8xi32>
    %mul3A_370 = arith.constant 512 : i32
    %mul3A_371 = vector.broadcast %mul3A_370 : i32 to vector<32x8xi32>
    %mul3A_372 = arith.muli %concatenate3A_130, %mul3A_371 : vector<32x8xi32>
    %jit3A_373 = arith.constant 99488 : i32
    %broadcast_in_dim3A_374 = vector.broadcast %jit3A_373 : i32 to vector<32x8xi32>
    %select_n3A_375 = arith.select %eq3A_369, %broadcast_in_dim3A_374, %mul3A_372 : vector<32x8xi1>, vector<32x8xi32>
    %broadcast_in_dim3A_376 = vector.shape_cast %select_n3A_375 : vector<32x8xi32> to vector<32x8x1xi32>
    %add3A_377 = vector.broadcast %broadcast_in_dim3A_376 : vector<32x8x1xi32> to vector<32x8x512xi32>
    %add3A_378 = arith.addi %add3A_377, %iota3A_366 : vector<32x8x512xi32>
    %eq3A_379 = arith.constant 99488 : i32
    %eq3A_380 = vector.broadcast %eq3A_379 : i32 to vector<32x8x1xi32>
    %eq3A_381 = arith.cmpi eq, %broadcast_in_dim3A_376, %eq3A_380 : vector<32x8x1xi32>
    %lt3A = arith.constant 352 : i32
    %lt3A_382 = vector.broadcast %lt3A : i32 to vector<32x8x512xi32>
    %lt3A_383 = arith.cmpi slt, %iota3A_366, %lt3A_382 : vector<32x8x512xi32>
    %and3A = vector.broadcast %eq3A_381 : vector<32x8x1xi1> to vector<32x8x512xi1>
    %and3A_384 = arith.andi %and3A, %lt3A_383 : vector<32x8x512xi1>
    %jit3A_385 = arith.constant -1.000000e+00 : f32
    %broadcast_in_dim3A_386 = vector.broadcast %jit3A_385 : f32 to vector<32x8x512xf32>
    %select_n3A_387 = arith.select %and3A_384, %broadcast_in_dim3A_386, %add3A_365 : vector<32x8x512xi1>, vector<32x8x512xf32>
    %jit3A_388 = arith.constant 1073741824 : i32
    %broadcast_in_dim3A_389 = vector.broadcast %jit3A_388 : i32 to vector<32x8x512xi32>
    %select_n3A_390 = arith.select %and3A_384, %broadcast_in_dim3A_389, %add3A_378 : vector<32x8x512xi1>, vector<32x8x512xi32>
    %reduce_max3A_391 = arith.constant dense<0xFF800000> : vector<32xf32>
    %reduce_max3A_392 = vector.multi_reduction <maximumf>, %select_n3A_387, %reduce_max3A_391 [1, 2] : vector<32x8x512xf32> to vector<32xf32>
    %broadcast_in_dim3A_393 = vector.shape_cast %reduce_max3A_392 : vector<32xf32> to vector<32x1x1xf32>
    %eq3A_394 = vector.broadcast %broadcast_in_dim3A_393 : vector<32x1x1xf32> to vector<32x8x512xf32>
    %eq3A_395 = arith.cmpf oeq, %select_n3A_387, %eq3A_394 : vector<32x8x512xf32>
    %jit3A_396 = arith.constant 1073741824 : i32
    %broadcast_in_dim3A_397 = vector.broadcast %jit3A_396 : i32 to vector<32x8x512xi32>
    %select_n3A_398 = arith.select %eq3A_395, %select_n3A_390, %broadcast_in_dim3A_397 : vector<32x8x512xi1>, vector<32x8x512xi32>
    %reduce_min3A_399 = arith.constant dense<2147483647> : vector<32xi32>
    %reduce_min3A_400 = vector.multi_reduction <minsi>, %select_n3A_398, %reduce_min3A_399 [1, 2] : vector<32x8x512xi32> to vector<32xi32>
    %broadcast_in_dim3A_401 = vector.shape_cast %reduce_min3A_400 : vector<32xi32> to vector<32x1x1xi32>
    %squeeze3A_402 = vector.shape_cast %broadcast_in_dim3A_393 : vector<32x1x1xf32> to vector<32x1xf32>
    %squeeze3A_403 = vector.shape_cast %broadcast_in_dim3A_401 : vector<32x1x1xi32> to vector<32x1xi32>
    %eq3A_404 = vector.broadcast %broadcast_in_dim3A_401 : vector<32x1x1xi32> to vector<32x8x512xi32>
    %eq3A_405 = arith.cmpi eq, %select_n3A_390, %eq3A_404 : vector<32x8x512xi32>
    %jit3A_406 = arith.constant -1.000000e+00 : f32
    %broadcast_in_dim3A_407 = vector.broadcast %jit3A_406 : f32 to vector<32x8x512xf32>
    %select_n3A_408 = arith.select %eq3A_405, %broadcast_in_dim3A_407, %select_n3A_387 : vector<32x8x512xi1>, vector<32x8x512xf32>
    %reduce_max3A_409 = arith.constant dense<0xFF800000> : vector<32xf32>
    %reduce_max3A_410 = vector.multi_reduction <maximumf>, %select_n3A_408, %reduce_max3A_409 [1, 2] : vector<32x8x512xf32> to vector<32xf32>
    %broadcast_in_dim3A_411 = vector.shape_cast %reduce_max3A_410 : vector<32xf32> to vector<32x1x1xf32>
    %eq3A_412 = vector.broadcast %broadcast_in_dim3A_411 : vector<32x1x1xf32> to vector<32x8x512xf32>
    %eq3A_413 = arith.cmpf oeq, %select_n3A_408, %eq3A_412 : vector<32x8x512xf32>
    %jit3A_414 = arith.constant 1073741824 : i32
    %broadcast_in_dim3A_415 = vector.broadcast %jit3A_414 : i32 to vector<32x8x512xi32>
    %select_n3A_416 = arith.select %eq3A_413, %select_n3A_390, %broadcast_in_dim3A_415 : vector<32x8x512xi1>, vector<32x8x512xi32>
    %reduce_min3A_417 = arith.constant dense<2147483647> : vector<32xi32>
    %reduce_min3A_418 = vector.multi_reduction <minsi>, %select_n3A_416, %reduce_min3A_417 [1, 2] : vector<32x8x512xi32> to vector<32xi32>
    %broadcast_in_dim3A_419 = vector.shape_cast %reduce_min3A_418 : vector<32xi32> to vector<32x1x1xi32>
    %squeeze3A_420 = vector.shape_cast %broadcast_in_dim3A_411 : vector<32x1x1xf32> to vector<32x1xf32>
    %squeeze3A_421 = vector.shape_cast %broadcast_in_dim3A_419 : vector<32x1x1xi32> to vector<32x1xi32>
    %eq3A_422 = vector.broadcast %broadcast_in_dim3A_419 : vector<32x1x1xi32> to vector<32x8x512xi32>
    %eq3A_423 = arith.cmpi eq, %select_n3A_390, %eq3A_422 : vector<32x8x512xi32>
    %jit3A_424 = arith.constant -1.000000e+00 : f32
    %broadcast_in_dim3A_425 = vector.broadcast %jit3A_424 : f32 to vector<32x8x512xf32>
    %select_n3A_426 = arith.select %eq3A_423, %broadcast_in_dim3A_425, %select_n3A_408 : vector<32x8x512xi1>, vector<32x8x512xf32>
    %reduce_max3A_427 = arith.constant dense<0xFF800000> : vector<32xf32>
    %reduce_max3A_428 = vector.multi_reduction <maximumf>, %select_n3A_426, %reduce_max3A_427 [1, 2] : vector<32x8x512xf32> to vector<32xf32>
    %broadcast_in_dim3A_429 = vector.shape_cast %reduce_max3A_428 : vector<32xf32> to vector<32x1x1xf32>
    %eq3A_430 = vector.broadcast %broadcast_in_dim3A_429 : vector<32x1x1xf32> to vector<32x8x512xf32>
    %eq3A_431 = arith.cmpf oeq, %select_n3A_426, %eq3A_430 : vector<32x8x512xf32>
    %jit3A_432 = arith.constant 1073741824 : i32
    %broadcast_in_dim3A_433 = vector.broadcast %jit3A_432 : i32 to vector<32x8x512xi32>
    %select_n3A_434 = arith.select %eq3A_431, %select_n3A_390, %broadcast_in_dim3A_433 : vector<32x8x512xi1>, vector<32x8x512xi32>
    %reduce_min3A_435 = arith.constant dense<2147483647> : vector<32xi32>
    %reduce_min3A_436 = vector.multi_reduction <minsi>, %select_n3A_434, %reduce_min3A_435 [1, 2] : vector<32x8x512xi32> to vector<32xi32>
    %broadcast_in_dim3A_437 = vector.shape_cast %reduce_min3A_436 : vector<32xi32> to vector<32x1x1xi32>
    %squeeze3A_438 = vector.shape_cast %broadcast_in_dim3A_429 : vector<32x1x1xf32> to vector<32x1xf32>
    %squeeze3A_439 = vector.shape_cast %broadcast_in_dim3A_437 : vector<32x1x1xi32> to vector<32x1xi32>
    %eq3A_440 = vector.broadcast %broadcast_in_dim3A_437 : vector<32x1x1xi32> to vector<32x8x512xi32>
    %eq3A_441 = arith.cmpi eq, %select_n3A_390, %eq3A_440 : vector<32x8x512xi32>
    %jit3A_442 = arith.constant -1.000000e+00 : f32
    %broadcast_in_dim3A_443 = vector.broadcast %jit3A_442 : f32 to vector<32x8x512xf32>
    %select_n3A_444 = arith.select %eq3A_441, %broadcast_in_dim3A_443, %select_n3A_426 : vector<32x8x512xi1>, vector<32x8x512xf32>
    %reduce_max3A_445 = arith.constant dense<0xFF800000> : vector<32xf32>
    %reduce_max3A_446 = vector.multi_reduction <maximumf>, %select_n3A_444, %reduce_max3A_445 [1, 2] : vector<32x8x512xf32> to vector<32xf32>
    %broadcast_in_dim3A_447 = vector.shape_cast %reduce_max3A_446 : vector<32xf32> to vector<32x1x1xf32>
    %eq3A_448 = vector.broadcast %broadcast_in_dim3A_447 : vector<32x1x1xf32> to vector<32x8x512xf32>
    %eq3A_449 = arith.cmpf oeq, %select_n3A_444, %eq3A_448 : vector<32x8x512xf32>
    %jit3A_450 = arith.constant 1073741824 : i32
    %broadcast_in_dim3A_451 = vector.broadcast %jit3A_450 : i32 to vector<32x8x512xi32>
    %select_n3A_452 = arith.select %eq3A_449, %select_n3A_390, %broadcast_in_dim3A_451 : vector<32x8x512xi1>, vector<32x8x512xi32>
    %reduce_min3A_453 = arith.constant dense<2147483647> : vector<32xi32>
    %reduce_min3A_454 = vector.multi_reduction <minsi>, %select_n3A_452, %reduce_min3A_453 [1, 2] : vector<32x8x512xi32> to vector<32xi32>
    %broadcast_in_dim3A_455 = vector.shape_cast %reduce_min3A_454 : vector<32xi32> to vector<32x1x1xi32>
    %squeeze3A_456 = vector.shape_cast %broadcast_in_dim3A_447 : vector<32x1x1xf32> to vector<32x1xf32>
    %squeeze3A_457 = vector.shape_cast %broadcast_in_dim3A_455 : vector<32x1x1xi32> to vector<32x1xi32>
    %eq3A_458 = vector.broadcast %broadcast_in_dim3A_455 : vector<32x1x1xi32> to vector<32x8x512xi32>
    %eq3A_459 = arith.cmpi eq, %select_n3A_390, %eq3A_458 : vector<32x8x512xi32>
    %jit3A_460 = arith.constant -1.000000e+00 : f32
    %broadcast_in_dim3A_461 = vector.broadcast %jit3A_460 : f32 to vector<32x8x512xf32>
    %select_n3A_462 = arith.select %eq3A_459, %broadcast_in_dim3A_461, %select_n3A_444 : vector<32x8x512xi1>, vector<32x8x512xf32>
    %reduce_max3A_463 = arith.constant dense<0xFF800000> : vector<32xf32>
    %reduce_max3A_464 = vector.multi_reduction <maximumf>, %select_n3A_462, %reduce_max3A_463 [1, 2] : vector<32x8x512xf32> to vector<32xf32>
    %broadcast_in_dim3A_465 = vector.shape_cast %reduce_max3A_464 : vector<32xf32> to vector<32x1x1xf32>
    %eq3A_466 = vector.broadcast %broadcast_in_dim3A_465 : vector<32x1x1xf32> to vector<32x8x512xf32>
    %eq3A_467 = arith.cmpf oeq, %select_n3A_462, %eq3A_466 : vector<32x8x512xf32>
    %jit3A_468 = arith.constant 1073741824 : i32
    %broadcast_in_dim3A_469 = vector.broadcast %jit3A_468 : i32 to vector<32x8x512xi32>
    %select_n3A_470 = arith.select %eq3A_467, %select_n3A_390, %broadcast_in_dim3A_469 : vector<32x8x512xi1>, vector<32x8x512xi32>
    %reduce_min3A_471 = arith.constant dense<2147483647> : vector<32xi32>
    %reduce_min3A_472 = vector.multi_reduction <minsi>, %select_n3A_470, %reduce_min3A_471 [1, 2] : vector<32x8x512xi32> to vector<32xi32>
    %broadcast_in_dim3A_473 = vector.shape_cast %reduce_min3A_472 : vector<32xi32> to vector<32x1x1xi32>
    %squeeze3A_474 = vector.shape_cast %broadcast_in_dim3A_465 : vector<32x1x1xf32> to vector<32x1xf32>
    %squeeze3A_475 = vector.shape_cast %broadcast_in_dim3A_473 : vector<32x1x1xi32> to vector<32x1xi32>
    %eq3A_476 = vector.broadcast %broadcast_in_dim3A_473 : vector<32x1x1xi32> to vector<32x8x512xi32>
    %eq3A_477 = arith.cmpi eq, %select_n3A_390, %eq3A_476 : vector<32x8x512xi32>
    %jit3A_478 = arith.constant -1.000000e+00 : f32
    %broadcast_in_dim3A_479 = vector.broadcast %jit3A_478 : f32 to vector<32x8x512xf32>
    %select_n3A_480 = arith.select %eq3A_477, %broadcast_in_dim3A_479, %select_n3A_462 : vector<32x8x512xi1>, vector<32x8x512xf32>
    %reduce_max3A_481 = arith.constant dense<0xFF800000> : vector<32xf32>
    %reduce_max3A_482 = vector.multi_reduction <maximumf>, %select_n3A_480, %reduce_max3A_481 [1, 2] : vector<32x8x512xf32> to vector<32xf32>
    %broadcast_in_dim3A_483 = vector.shape_cast %reduce_max3A_482 : vector<32xf32> to vector<32x1x1xf32>
    %eq3A_484 = vector.broadcast %broadcast_in_dim3A_483 : vector<32x1x1xf32> to vector<32x8x512xf32>
    %eq3A_485 = arith.cmpf oeq, %select_n3A_480, %eq3A_484 : vector<32x8x512xf32>
    %jit3A_486 = arith.constant 1073741824 : i32
    %broadcast_in_dim3A_487 = vector.broadcast %jit3A_486 : i32 to vector<32x8x512xi32>
    %select_n3A_488 = arith.select %eq3A_485, %select_n3A_390, %broadcast_in_dim3A_487 : vector<32x8x512xi1>, vector<32x8x512xi32>
    %reduce_min3A_489 = arith.constant dense<2147483647> : vector<32xi32>
    %reduce_min3A_490 = vector.multi_reduction <minsi>, %select_n3A_488, %reduce_min3A_489 [1, 2] : vector<32x8x512xi32> to vector<32xi32>
    %broadcast_in_dim3A_491 = vector.shape_cast %reduce_min3A_490 : vector<32xi32> to vector<32x1x1xi32>
    %squeeze3A_492 = vector.shape_cast %broadcast_in_dim3A_483 : vector<32x1x1xf32> to vector<32x1xf32>
    %squeeze3A_493 = vector.shape_cast %broadcast_in_dim3A_491 : vector<32x1x1xi32> to vector<32x1xi32>
    %eq3A_494 = vector.broadcast %broadcast_in_dim3A_491 : vector<32x1x1xi32> to vector<32x8x512xi32>
    %eq3A_495 = arith.cmpi eq, %select_n3A_390, %eq3A_494 : vector<32x8x512xi32>
    %jit3A_496 = arith.constant -1.000000e+00 : f32
    %broadcast_in_dim3A_497 = vector.broadcast %jit3A_496 : f32 to vector<32x8x512xf32>
    %select_n3A_498 = arith.select %eq3A_495, %broadcast_in_dim3A_497, %select_n3A_480 : vector<32x8x512xi1>, vector<32x8x512xf32>
    %reduce_max3A_499 = arith.constant dense<0xFF800000> : vector<32xf32>
    %reduce_max3A_500 = vector.multi_reduction <maximumf>, %select_n3A_498, %reduce_max3A_499 [1, 2] : vector<32x8x512xf32> to vector<32xf32>
    %broadcast_in_dim3A_501 = vector.shape_cast %reduce_max3A_500 : vector<32xf32> to vector<32x1x1xf32>
    %eq3A_502 = vector.broadcast %broadcast_in_dim3A_501 : vector<32x1x1xf32> to vector<32x8x512xf32>
    %eq3A_503 = arith.cmpf oeq, %select_n3A_498, %eq3A_502 : vector<32x8x512xf32>
    %jit3A_504 = arith.constant 1073741824 : i32
    %broadcast_in_dim3A_505 = vector.broadcast %jit3A_504 : i32 to vector<32x8x512xi32>
    %select_n3A_506 = arith.select %eq3A_503, %select_n3A_390, %broadcast_in_dim3A_505 : vector<32x8x512xi1>, vector<32x8x512xi32>
    %reduce_min3A_507 = arith.constant dense<2147483647> : vector<32xi32>
    %reduce_min3A_508 = vector.multi_reduction <minsi>, %select_n3A_506, %reduce_min3A_507 [1, 2] : vector<32x8x512xi32> to vector<32xi32>
    %broadcast_in_dim3A_509 = vector.shape_cast %reduce_min3A_508 : vector<32xi32> to vector<32x1x1xi32>
    %squeeze3A_510 = vector.shape_cast %broadcast_in_dim3A_501 : vector<32x1x1xf32> to vector<32x1xf32>
    %squeeze3A_511 = vector.shape_cast %broadcast_in_dim3A_509 : vector<32x1x1xi32> to vector<32x1xi32>
    %eq3A_512 = vector.broadcast %broadcast_in_dim3A_509 : vector<32x1x1xi32> to vector<32x8x512xi32>
    %eq3A_513 = arith.cmpi eq, %select_n3A_390, %eq3A_512 : vector<32x8x512xi32>
    %jit3A_514 = arith.constant -1.000000e+00 : f32
    %broadcast_in_dim3A_515 = vector.broadcast %jit3A_514 : f32 to vector<32x8x512xf32>
    %select_n3A_516 = arith.select %eq3A_513, %broadcast_in_dim3A_515, %select_n3A_498 : vector<32x8x512xi1>, vector<32x8x512xf32>
    %reduce_max3A_517 = arith.constant dense<0xFF800000> : vector<32xf32>
    %reduce_max3A_518 = vector.multi_reduction <maximumf>, %select_n3A_516, %reduce_max3A_517 [1, 2] : vector<32x8x512xf32> to vector<32xf32>
    %broadcast_in_dim3A_519 = vector.shape_cast %reduce_max3A_518 : vector<32xf32> to vector<32x1x1xf32>
    %eq3A_520 = vector.broadcast %broadcast_in_dim3A_519 : vector<32x1x1xf32> to vector<32x8x512xf32>
    %eq3A_521 = arith.cmpf oeq, %select_n3A_516, %eq3A_520 : vector<32x8x512xf32>
    %jit3A_522 = arith.constant 1073741824 : i32
    %broadcast_in_dim3A_523 = vector.broadcast %jit3A_522 : i32 to vector<32x8x512xi32>
    %select_n3A_524 = arith.select %eq3A_521, %select_n3A_390, %broadcast_in_dim3A_523 : vector<32x8x512xi1>, vector<32x8x512xi32>
    %reduce_min3A_525 = arith.constant dense<2147483647> : vector<32xi32>
    %reduce_min3A_526 = vector.multi_reduction <minsi>, %select_n3A_524, %reduce_min3A_525 [1, 2] : vector<32x8x512xi32> to vector<32xi32>
    %broadcast_in_dim3A_527 = vector.shape_cast %reduce_min3A_526 : vector<32xi32> to vector<32x1x1xi32>
    %squeeze3A_528 = vector.shape_cast %broadcast_in_dim3A_519 : vector<32x1x1xf32> to vector<32x1xf32>
    %squeeze3A_529 = vector.shape_cast %broadcast_in_dim3A_527 : vector<32x1x1xi32> to vector<32x1xi32>
    %concatenate3A_530 = tpu.concatenate %squeeze3A_402, %squeeze3A_420, %squeeze3A_438, %squeeze3A_456, %squeeze3A_474, %squeeze3A_492, %squeeze3A_510, %squeeze3A_528 in 1 : vector<32x1xf32>, vector<32x1xf32>, vector<32x1xf32>, vector<32x1xf32>, vector<32x1xf32>, vector<32x1xf32>, vector<32x1xf32>, vector<32x1xf32> -> vector<32x8xf32>
    %concatenate3A_531 = tpu.concatenate %squeeze3A_403, %squeeze3A_421, %squeeze3A_439, %squeeze3A_457, %squeeze3A_475, %squeeze3A_493, %squeeze3A_511, %squeeze3A_529 in 1 : vector<32x1xi32>, vector<32x1xi32>, vector<32x1xi32>, vector<32x1xi32>, vector<32x1xi32>, vector<32x1xi32>, vector<32x1xi32>, vector<32x1xi32> -> vector<32x8xi32>
    %reduce_sum3A_532 = arith.constant dense<0.000000e+00> : vector<32xf32>
    %reduce_sum3A_533 = vector.multi_reduction <add>, %concatenate3A_530, %reduce_sum3A_532 [1] : vector<32x8xf32> to vector<32xf32>
    %broadcast_in_dim3A_534 = vector.shape_cast %reduce_sum3A_533 : vector<32xf32> to vector<32x1xf32>
    %add3A_535 = arith.constant 1.000000e-10 : f32
    %add3A_536 = vector.broadcast %add3A_535 : f32 to vector<32x1xf32>
    %add3A_537 = arith.addf %broadcast_in_dim3A_534, %add3A_536 : vector<32x1xf32>
    %div3A = vector.broadcast %add3A_537 : vector<32x1xf32> to vector<32x8xf32>
    %div3A_538 = arith.divf %concatenate3A_530, %div3A : vector<32x8xf32>
    %get3A_539 = arith.constant 0 : index
    %get3A_540 = arith.constant 0 : index
    %get3A_541 = memref.load %arg1[%get3A_539, %get3A_540] : memref<1x4xf32, #tpu.memory_space<smem>>
    %get3A_542 = arith.constant 0 : index
    %get3A_543 = arith.constant 1 : index
    %get3A_544 = memref.load %arg1[%get3A_542, %get3A_543] : memref<1x4xf32, #tpu.memory_space<smem>>
    %get3A_545 = arith.constant 0 : index
    %get3A_546 = arith.constant 2 : index
    %get3A_547 = memref.load %arg1[%get3A_545, %get3A_546] : memref<1x4xf32, #tpu.memory_space<smem>>
    %neg3A_548 = arith.constant 0.000000e+00 : f32
    %neg3A_549 = vector.broadcast %neg3A_548 : f32 to vector<32xf32>
    %neg3A_550 = arith.subf %neg3A_549, %neg3A_6 : vector<32xf32>
    %sub3A = vector.broadcast %get3A_547 : f32 to vector<32xf32>
    %sub3A_551 = arith.subf %neg3A_550, %sub3A : vector<32xf32>
    %mul3A_552 = vector.broadcast %get3A_544 : f32 to vector<32xf32>
    %mul3A_553 = arith.mulf %mul3A_552, %sub3A_551 : vector<32xf32>
    %neg3A_554 = arith.constant 0.000000e+00 : f32
    %neg3A_555 = vector.broadcast %neg3A_554 : f32 to vector<32xf32>
    %neg3A_556 = arith.subf %neg3A_555, %mul3A_553 : vector<32xf32>
    %exp3A = math.exp %neg3A_556 : vector<32xf32>
    %add3A_557 = arith.constant 1.000000e+00 : f32
    %add3A_558 = vector.broadcast %add3A_557 : f32 to vector<32xf32>
    %add3A_559 = arith.addf %add3A_558, %exp3A : vector<32xf32>
    %div3A_560 = arith.constant 1.000000e+00 : f32
    %div3A_561 = vector.broadcast %div3A_560 : f32 to vector<32xf32>
    %div3A_562 = arith.divf %div3A_561, %add3A_559 : vector<32xf32>
    %mul3A_563 = vector.broadcast %get3A_541 : f32 to vector<32xf32>
    %mul3A_564 = arith.mulf %mul3A_563, %div3A_562 : vector<32xf32>
    %get3A_565 = arith.constant 0 : index
    %get3A_566 = arith.constant 0 : index
    %get3A_567 = arith.constant 0 : index
    %get3A_568 = vector.load %arg2[%get3A_565, %get3A_566, %get3A_567] : memref<1x1x32xi32, #tpu.memory_space<vmem>>, vector<1x1x32xi32>
    %get3A_569 = vector.shape_cast %get3A_568 : vector<1x1x32xi32> to vector<32xi32>
    %eq3A_570 = arith.constant 103 : i32
    %eq3A_571 = vector.broadcast %eq3A_570 : i32 to vector<32xi32>
    %eq3A_572 = arith.cmpi eq, %get3A_569, %eq3A_571 : vector<32xi32>
    %jit3A_573 = arith.constant 0.000000e+00 : f32
    %broadcast_in_dim3A_574 = vector.broadcast %jit3A_573 : f32 to vector<32xf32>
    %select_n3A_575 = arith.select %eq3A_572, %mul3A_564, %broadcast_in_dim3A_574 : vector<32xi1>, vector<32xf32>
    %sub3A_576 = arith.constant 1.000000e+00 : f32
    %sub3A_577 = vector.broadcast %sub3A_576 : f32 to vector<32xf32>
    %sub3A_578 = arith.subf %sub3A_577, %select_n3A_575 : vector<32xf32>
    %broadcast_in_dim3A_579 = vector.shape_cast %select_n3A_575 : vector<32xf32> to vector<32x1xf32>
    %mul3A_580 = vector.broadcast %broadcast_in_dim3A_579 : vector<32x1xf32> to vector<32x8xf32>
    %mul3A_581 = arith.mulf %div3A_538, %mul3A_580 : vector<32x8xf32>
    %broadcast_in_dim3A_582 = vector.shape_cast %sub3A_578 : vector<32xf32> to vector<32x1xf32>
    %broadcast_in_dim3A_583 = arith.constant 0.000000e+00 : f32
    %broadcast_in_dim3A_584 = vector.broadcast %broadcast_in_dim3A_583 : f32 to vector<32x7xf32>
    %concatenate3A_585 = tpu.concatenate %broadcast_in_dim3A_582, %mul3A_581, %broadcast_in_dim3A_584 in 1 : vector<32x1xf32>, vector<32x8xf32>, vector<32x7xf32> -> vector<32x16xf32>
    %swap3A = arith.constant 0 : index
    %swap3A_586 = arith.constant 0 : index
    %swap3A_587 = vector.load %arg5[%swap3A, %swap3A_586] : memref<32x16xf32, #tpu.memory_space<vmem>>, vector<32x16xf32>
    tpu.vector_store %arg5[%swap3A, %swap3A_586], %concatenate3A_585 {strides = array<i32>} : memref<32x16xf32, #tpu.memory_space<vmem>>, vector<32x16xf32>,
    %swap3A_588 = arith.constant 0 : index
    %swap3A_589 = arith.constant 0 : index
    %swap3A_590 = vector.load %arg4[%swap3A_588, %swap3A_589] : memref<32x8xi32, #tpu.memory_space<vmem>>, vector<32x8xi32>
    tpu.vector_store %arg4[%swap3A_588, %swap3A_589], %concatenate3A_531 {strides = array<i32>} : memref<32x8xi32, #tpu.memory_space<vmem>>, vector<32x8xi32>,
    return
  }
  func.func @transform_0(%arg0: i32) -> (i32, i32) {
    %c0_i32 = arith.constant 0 : i32
    %c0_i32_0 = arith.constant 0 : i32
    %c0_i32_1 = arith.constant 0 : i32
    return %c0_i32, %c0_i32_0 : i32, i32
  }
  func.func @transform_1(%arg0: i32) -> (i32, i32, i32) {
    %c0_i32 = arith.constant 0 : i32
    %c0_i32_0 = arith.constant 0 : i32
    %c0_i32_1 = arith.constant 0 : i32
    return %arg0, %c0_i32, %c0_i32_0 : i32, i32, i32
  }
  func.func @transform_2(%arg0: i32) -> (i32, i32) {
    %c0_i32 = arith.constant 0 : i32
    %c0_i32_0 = arith.constant 0 : i32
    return %arg0, %c0_i32 : i32, i32
  }
  func.func @transform_3(%arg0: i32) -> (i32, i32) {
    %c0_i32 = arith.constant 0 : i32
    %c0_i32_0 = arith.constant 0 : i32
    return %arg0, %c0_i32 : i32, i32
  }
  func.func @transform_4(%arg0: i32) -> (i32, i32) {
    %c0_i32 = arith.constant 0 : i32
    %c0_i32_0 = arith.constant 0 : i32
    return %arg0, %c0_i32 : i32, i32
  }
}

</mosaic_0001>

<sc_bundles>
// kernel: kernel.4.cloned.1.call-start
scs
__scs_entry_jumppad:
0x0: {  	(pc) =	sbr.rel $0x88, $3  }
0x1: {  	(tag) =	ssettag $0x0;
	lr =	simm.s32 $0x1  }
0x2: {  	[smem:$0x3F9B] =	sst lr;
	_ =	strace $0xD0000000  }
0x3: {  	_ = 	snop  }
0x4: {  	_ = 	snop  }
0x5: {  	_ = 	snop  }
0x6: {  	_ = 	snop  }
0x7: {  	_ = 	snop  }
__scs_overlays_trampoline_lowered:
0x8: {  	[smem:$0x3FAA] =	sst s0  }
0x9: {  	[smem:$0x3FAB] =	sst s1  }
0xa: {  	[smem:$0x3FAC] =	sst s2  }
0xb: {  	[smem:$0x3FAD] =	sst s3  }
0xc: {  	[smem:$0x3FAE] =	sst s4  }
0xd: {  	[smem:$0x3FAF] =	sst s5  }
0xe: {  	[smem:$0x3FB0] =	sst s6  }
0xf: {  	[smem:$0x3FB1] =	sst s7  }
0x10: {  	[smem:$0x3FB2] =	sst s8  }
0x11: {  	[smem:$0x3FB3] =	sst s9;
	s0 =	simm.s32 @!p0 $0x0  }
0x12: {  	s1 =	sld [smem:$0x3F99];
	s0 =	simm.s32 @p0 $0x1  }
0x13: {  	[smem:$0x3FB4] =	sst s0;
	s0 =	simm.s32 @!p1 $0x0  }
0x14: {  	s2 =	sld [smem:$0x3F98];
	s0 =	simm.s32 @p1 $0x1  }
0x15: {  	[smem:$0x3FB5] =	sst s0;
	s0 =	simm.s32 @!p2 $0x0  }
0x16: {  	s3 =	sld [smem:$0x3FDB];
	s0 =	simm.s32 @p2 $0x1  }
0x17: {  	s4 =	simm.s32 $0x1BF5;
	[smem:$0x3FB7] =	sst s0  }
0x18: {  	s0 =	sld [smem:$0x3F9A];
	_ =	swait.ge [sflag:s4], $0x0  }
0x19: {  	s7 =	sld [smem:$0x3F9B]  }
0x1a: {  	s8 =	sadd.s32 $0xFFFFE003, lr  }
0x1b: {  	s9 =	sadd.s32 $0xFFFFFEF7, lr;
	s5 =	simm.s32 $0xFFFFFFFF;
	p2 =	slt.u32 s8, $0xFFFFF086  }
0x1c: {  	p1 =	slt.u32 s9, $0xF7A;
	s5 =	simm.s32 @!p2 $0x0  }
0x1d: {  	s5 =	simm.s32 @p1 $0x1;
	p0 =	seq.s32 s7, s2  }
0x1e: {  	s7 =	smul.u32 @!p0 $0xF7A, s2;
	p2 =	seq.s32 @!p0 s5, $0x0  }
0x1f: {  	s9 =	smul.u32 $0xF7A, s1;
	s8 =	simm.s32 @!p0 $0x1BF5;
	p2 =	por !p2, p0  }
0x20: {  	[sflag:s8] =	ssyncset.s32 @!p0 $0xFFFFF086;
	s6 =	sadd.s32 @!p0 s3, s7;
	s7 =	simm.s32 @!p0 $0x108  }
0x21: {  	s3 =	sadd.s32 s3, s9;
	s6 =	sadd.s32 @!p0 $0x88, s6;
	s7 =	simm.s32 @p2 $0x1082  }
0x22: {  	[simem:s7], [sflag:s8] =	dma.local @!p0 [hbm:s6], $0xF7A  }
0x23: {  	s9 =	sor.u32 $0xD0000000, s2;
	s6 =	simm.s32 $0x108;
	_ =	swait.ge @!p0 [sflag:s8], $0x0  }
0x24: {  	s3 =	sadd.s32 $0x88, s3;
	s6 =	simm.s32 @!p1 $0x1082;
	[sflag:s4] =	ssyncset.s32 $0xFFFFF086  }
0x25: {  	[simem:s6], [sflag:s4] =	dma.local [hbm:s3], $0xF7A  }
0x26: {  	[smem:$0x3F9B] =	sst s1;
	(tag) =	ssettag s2;
	_ =	strace s9  }
0x27: {  	s1 =	sld [smem:$0x3FAB]  }
0x28: {  	s2 =	sld [smem:$0x3FAC]  }
0x29: {  	s4 =	sld [smem:$0x3FAE]  }
0x2a: {  	p0 =	seq.s32 s5, $0x0;
	s5 =	sld [smem:$0x3FAF]  }
0x2b: {  	s6 =	sld [smem:$0x3FB0]  }
0x2c: {  	s7 =	sld [smem:$0x3FB1]  }
0x2d: {  	s3 =	simm.s32 $0x108;
	s8 =	sld [smem:$0x3FB2]  }
0x2e: {  	s3 =	simm.s32 @!p0 $0x1082;
	s9 =	sld [smem:$0x3FB3]  }
0x2f: {  	lr =	sadd.s32 s0, s3;
	s0 =	sld [smem:$0x3FAA]  }
0x30: {  	s3 =	sld [smem:$0x3FAD]  }
0x31: {  	[smem:$0x3FB6] =	sst s10  }
0x32: {  	s10 =	sld [smem:$0x3FB4];
	_ =	sdelay $0x3  }
0x33: {  	p0 =	seq.s32 s10, $0x1;
	s10 =	sld [smem:$0x3FB6];
	_ =	sdelay $0x3  }
0x34: {  	[smem:$0x3FB6] =	sst s10  }
0x35: {  	s10 =	sld [smem:$0x3FB5];
	_ =	sdelay $0x3  }
0x36: {  	p1 =	seq.s32 s10, $0x1;
	s10 =	sld [smem:$0x3FB6];
	_ =	sdelay $0x3  }
0x37: {  	[smem:$0x3FB6] =	sst s10  }
0x38: {  	s10 =	sld [smem:$0x3FB7]  }
0x39: {  	_ = 	snop;
	(pc) =	sbr.ind lr, $3  }
0x3a: {  	_ = 	snop  }
0x3b: {  	_ = 	snop  }
0x3c: {  	p2 =	seq.s32 s10, $0x1;
	s10 =	sld [smem:$0x3FB6]  }
0x3d: {  	_ =	shalt  }
0x3e: {  	_ =	shalt  }
0x3f: {  	_ =	shalt  }
0x40: {  	_ =	shalt  }
0x41: {  	_ =	shalt  }
0x42: {  	_ =	shalt  }
0x43: {  	_ =	shalt  }
0x44: {  	_ =	shalt  }
0x45: {  	_ =	shalt  }
0x46: {  	_ =	shalt  }
0x47: {  	_ =	shalt  }
0x48: {  	_ =	shalt  }
0x49: {  	_ =	shalt  }
0x4a: {  	_ =	shalt  }
0x4b: {  	_ =	shalt  }
0x4c: {  	_ =	shalt  }
0x4d: {  	_ =	shalt  }
0x4e: {  	_ =	shalt  }
0x4f: {  	_ =	shalt  }
0x50: {  	_ =	shalt  }
0x51: {  	_ =	shalt  }
0x52: {  	_ =	shalt  }
0x53: {  	_ =	shalt  }
0x54: {  	_ =	shalt  }
0x55: {  	_ =	shalt  }
0x56: {  	_ =	shalt  }
0x57: {  	_ =	shalt  }
0x58: {  	_ =	shalt  }
0x59: {  	_ =	shalt  }
0x5a: {  	_ =	shalt  }
0x5b: {  	_ =	shalt  }
0x5c: {  	_ =	shalt  }
0x5d: {  	_ =	shalt  }
0x5e: {  	_ =	shalt  }
0x5f: {  	_ =	shalt  }
0x60: {  	_ =	shalt  }
0x61: {  	_ =	shalt  }
0x62: {  	_ =	shalt  }
0x63: {  	_ =	shalt  }
0x64: {  	_ =	shalt  }
0x65: {  	_ =	shalt  }
0x66: {  	_ =	shalt  }
0x67: {  	_ =	shalt  }
0x68: {  	_ =	shalt  }
0x69: {  	_ =	shalt  }
0x6a: {  	_ =	shalt  }
0x6b: {  	_ =	shalt  }
0x6c: {  	_ =	shalt  }
0x6d: {  	_ =	shalt  }
0x6e: {  	_ =	shalt  }
0x6f: {  	_ =	shalt  }
0x70: {  	_ =	shalt  }
0x71: {  	_ =	shalt  }
0x72: {  	_ =	shalt  }
0x73: {  	_ =	shalt  }
0x74: {  	_ =	shalt  }
0x75: {  	_ =	shalt  }
0x76: {  	_ =	shalt  }
0x77: {  	_ =	shalt  }
0x78: {  	_ =	shalt  }
0x79: {  	_ =	shalt  }
0x7a: {  	_ =	shalt  }
0x7b: {  	_ =	shalt  }
0x7c: {  	_ =	shalt  }
0x7d: {  	_ =	shalt  }
0x7e: {  	_ =	shalt  }
0x7f: {  	_ =	shalt  }
0x80: {  	_ =	shalt  }
0x81: {  	_ =	shalt  }
0x82: {  	_ =	shalt  }
0x83: {  	_ =	shalt  }
0x84: {  	_ =	shalt  }
0x85: {  	_ =	shalt  }
0x86: {  	_ =	shalt  }
0x87: {  	_ =	shalt  }
.Lfunc_end0:
.L_simem_size_0:
called_computation_lowered:
.L_overlay_start_0:
0x88: {  	s2 =	sld [smem:$0x3FD9]  }
0x89: {  	s3 =	sld [smem:$0x3FFE];
	_ =	sdelay $0x1  }
0x8a: {  	s1 =	srdreg.scid  }
0x8b: {  	s0 =	sand.u32 $0x1, s1  }
0x8c: {  	s16 =	sshll.u32 s0, $0xA;
	s2 =	sadd.s32 s3, s2  }
0x8d: {  	s2 =	sadd.s32 s2, s16  }
0x8e: {  	[smem:$0x3FC2] =	sst s2  }
0x8f: {  	_ = 	snop  }
0x90: {  	(tm) =	ssettm $0x1  }
0x91: {  	s17 =	sld [smem:$0x3FFB];
	_ =	sdelay $0x3  }
0x92: {  	_ =	strace s17  }
0x93: {  	s2 =	sld [smem:$0x3FFC];
	_ =	sdelay $0x3  }
0x94: {  	_ =	strace s2  }
0x95: {  	s2 =	sld [smem:$0x3FFD];
	_ =	sdelay $0x3  }
0x96: {  	_ =	strace s2  }
0x97: {  	_ =	strace $0x8FFFFFFF  }
0x98: {  	s18 =	sld [smem:$0x3FDB];
	_ =	sdelay $0x1  }
0x99: {  	s19 =	simm.s32 $_scs_section_size  }
0x9a: {  	s4 =	simm.s32 $_size__tile_overlayer_lowered;
	s5 =	simm.s32 $_tile_overlayer_lowered  }
0x9b: {  	s22 =	simm.s32 $0x1BFF;
	s21 =	sshll.u32 s5, $0x1;
	s2 =	sadd.s32 s19, s18  }
0x9c: {  	s6 =	simm.s32 $0x0;
	s20 =	sshll.u32 s4, $0x1;
	s4 =	sadd.s32 s21, s2  }
0x9d: {  	[timem:s6], [sflag:s22] =	dma.local [hbm:s4], s20  }
0x9e: {  	_ =	swait.ge [sflag:s22], s20  }
0x9f: {  	s3 =	ssub.s32 $0x0, s20;
	[sflag:s22] =	ssyncset.done $0x0  }
0xa0: {  	[sflag:s22] =	ssyncadd.s32 s3;
	_ =	sdelay $0x1  }
0xa1: {  	s23 =	simm.s32 $0x1B8B  }
0xa2: {  	_ =	swait.ge [sflag:s23], $0x1  }
0xa3: {  	[sflag:s23] =	ssyncset.done $0x0  }
0xa4: {  	s25 =	simm.s32 $0x1B8E;
	s24 =	sld [smem:$0x3FFE];
	[sflag:s23] =	ssyncadd.s32 $0xFFFFFFFF  }
0xa5: {  	s26 =	simm.s32 $execute0_lowered;
	[smem:$0x3FD2] =	sst s25  }
0xa6: {  	s4 =	sshll.u32 s26, $0x1;
	_ =	strace $0x80000046;
	[dreg:$0x1] =	wrdreg $0xFFFFFFFF  }
0xa7: {  	s28 =	simm.s32 $_size_execute0_lowered;
	s2 =	sadd.s32 s2, s4;
	[dreg:$0x0] =	wrdreg $0x0  }
0xa8: {  	s4 =	sshll.u32 s28, $0x1;
	[dreg:$0x2] =	wrdreg s2  }
0xa9: {  	[dreg:$0x3] =	wrdreg s4  }
0xaa: {  	[dreg:$0x4] =	wrdreg $0xC0  }
0xab: {  	_ =	task [dreg:s6], $0x5FFFF  }
0xac: {  	[dreg:$0x1] =	wrdreg $0xFFFFFFFF  }
0xad: {  	[dreg:$0x0] =	wrdreg $0x60  }
0xae: {  	[dreg:$0x2] =	wrdreg s24  }
0xaf: {  	[dreg:$0x3] =	wrdreg $0x9  }
0xb0: {  	_ =	task.clear_ibuf [dreg:s6], $0x4FFFF;
	_ =	strace $0x90000046  }
0xb1: {  	s29 =	simm.s32 $0x9;
	_ =	strace $0x80000048  }
0xb2: {  	_ =	swait.ge [sflag:s29], $0x1  }
0xb3: {  	[sflag:s29] =	ssyncadd.s32 $0xFFFFFFFF  }
0xb4: {  	_ =	strace $0x90000048  }
0xb5: {  	_ =	sfence  }
0xb6: {  	s30 =	sld [smem:$0x0];
	_ =	sdelay $0x2  }
0xb7: {  	s31 =	sshll.u32 s1, $0xD;
	s1 =	sshrl.u32 s1, $0x2  }
0xb8: {  	s3 =	sand.u32 $0x4000, s31;
	s1 =	sadd.s32 s1, s30  }
0xb9: {  	s0 =	sor.u32 s3, s0;
	s1 =	sshll.u32 s1, $0x11  }
0xba: {  	s0 =	sor.u32 s1, s0  }
0xbb: {  	s0 =	sadd.s32 $0x8F2B, s0  }
0xbc: {  	[sflag:s0] =	ssyncadd.remote.s32 $0x1  }
0xbd: {  	_ =	sfence.sel $0xFFFF  }
0xbe: {  	[dreg:$0x0] =	wrdreg $0xFFFFFFFF;
	(pc) =	sbr.abs _section_cstart, $3  }
0xbf: {  	[dreg:$0x1] =	wrdreg $0xFFFFFFFF  }
0xc0: {  	_ =	task.clear_ibuf [dreg:s6], $0x2FFFF;
	_ =	strace $0x9FFFFFFF  }
0xc1: {  	(tm) =	ssettm $0x7FFFFFFF  }
tec
execute0_lowered:
.L_overlay_start_1:
0x0: {  	(tag) =	ssettag $0x1  }
0x1: {  	s1 =	srdreg.scid  }
0x2: {  	s0 =	stileid.u32;
	s4 =	rddreg [dreg:$0x0];
	v45 =	vimm.s32 $0xD1;
	v46 =	vimm.s32 $0xD2;
	s2 =	simm.s32 $0x0;
	v47 =	vimm.s32 $0xD3  }
0x3: {  	v48 =	vimm.s32 $0xD4;
	v49 =	vimm.s32 $0xD5;
	v50 =	vimm.s32 $0xD6;
	s12 =	simm.s32 $0x1A0;
	s13 =	simm.s32 $0x10;
	s14 =	simm.s32 $0x21A0  }
0x4: {  	v51 =	vimm.s32 $0xD7;
	v52 =	vimm.s32 $0xD8;
	v53 =	vimm.s32 $0xE0;
	s15 =	simm.s32 $0x1;
	s16 =	simm.s32 $0x2;
	s17 =	simm.s32 $0x90  }
0x5: {  	v54 =	vimm.s32 $0xE1;
	v55 =	vimm.s32 $0xE2;
	v56 =	vimm.s32 $0xE3;
	s3 =	sand.u32 $0x1, s1;
	s5 =	sshll.u32 s0, $0x1;
	s1 =	rddreg [dreg:$0x1]  }
0x6: {  	v57 =	vimm.s32 $0xE4;
	v58 =	vimm.s32 $0xE5;
	v59 =	vimm.s32 $0xE6;
	s18 =	simm.s32 $0x25A0;
	[smem:$0x7FF] =	sst s2;
	s5 =	sor.u32 s3, s5  }
0x7: {  	v60 =	vimm.s32 $0xE7;
	v61 =	vimm.s32 $0xE8;
	_ =	strace $0x80000047;
	s9 =	ssub.s32 $0x2, s3;
	s3 =	sadd.s32 $0x187800, s4  }
0x8: {  	v62 =	vimm.s32 $0xF0;
	v63 =	vimm.s32 $0xF1;
	v0 =	vimm.s32 $0xF2;
	s6 =	sshll.u32 s5, $0x5;
	s7 =	sshll.u32 s5, $0x4;
	s8 =	sshll.u32 s5, $0x1  }
0x9: {  	v1 =	vimm.s32 $0xF3;
	v2 =	vimm.s32 $0xF4;
	v3 =	vimm.s32 $0xF5;
	s5 =	sshll.u32 s5, $0x7;
	s10 =	sshrl.u32 s9, $0x1;
	s6 =	sadd.s32 s6, s4  }
0xa: {  	v4 =	vimm.s32 $0xF6;
	v5 =	vimm.s32 $0xF7;
	v6 =	vimm.s32 $0xF8;
	s7 =	sadd.s32 s7, s4;
	s8 =	sadd.s32 s8, s4;
	s11 =	sadd.s32 s5, s4  }
0xb: {  	v7 =	vimm.s32 $0x100;
	v8 =	vimm.s32 $0x101;
	v9 =	vimm.s32 $0x102;
	s9 =	ssub.s32 s9, s10;
	s10 =	simm.s32 $0x80;
	s4 =	sadd.s32 $0xC00, s7  }
0xc: {  	v10 =	vimm.s32 $0x103;
	v11 =	vimm.s32 $0x104;
	v12 =	vimm.s32 $0x105;
	s5 =	sadd.s32 $0x600, s8;
	s6 =	sadd.s32 $0x800, s6;
	s7 =	sadd.s32 $0xE00, s11  }
0xd: {  	v13 =	vimm.s32 $0x106;
	v14 =	vimm.s32 $0x107;
	v15 =	vimm.s32 $0x108;
	s8 =	smax.u32 s9, $0x1;
	s9 =	simm.s32 $0x3;
	s11 =	simm.s32 $0xA0  }
.LBB2_1:
0xe: {  	[tilespmem:s2], [sflag:$0x3] =	stream.linear.gather [hbm4b:s4+s2], $0x80, $0x38;
	[tilespmem:$0x29A0] =	vst v63  }
0xf: {  	_ =	swait.ge [sflag:s9], $0x80  }
0x10: {  	[sflag:s9] =	ssyncset.done $0x0  }
0x11: {  	[sflag:s9] =	ssyncadd.s32 $0xFFFFFF80  }
0x12: {  	[tilespmem:s10], [sflag:$0x3] =	stream.linear.gather [hbm4b:s5+s2], $0x10, $0x38;
	[tilespmem:$0x29A0] =	vst v63  }
0x13: {  	_ =	swait.ge [sflag:s9], $0x10  }
0x14: {  	[sflag:s9] =	ssyncset.done $0x0  }
0x15: {  	[sflag:s9] =	ssyncadd.s32 $0xFFFFFFF0  }
0x16: {  	[tilespmem:s11], [sflag:$0x3] =	stream.linear.gather [hbm4b:s6+s2], $0x100, $0x38;
	[tilespmem:$0x29A0] =	vst v63  }
0x17: {  	_ =	swait.ge [sflag:s9], $0x100  }
0x18: {  	[sflag:s9] =	ssyncset.done $0x0  }
0x19: {  	[sflag:s9] =	ssyncadd.s32 $0xFFFFFF00  }
0x1a: {  	[tilespmem:s12], [sflag:$0x1] =	stream.indirect.gather [hbm4b:s3+s10], $0x40, s2, s10, $0xb8;
	[tilespmem:$0x29A0] =	vst v63  }
0x1b: {  	_ = 	snop  }
0x1c: {  	[tilespmem:s14], [sflag:$0x2] =	stream.indirect.gather [hbm4b:s3+s13], $0x40, s10, s13, $0xb8;
	[tilespmem:$0x29A0] =	vst v63  }
0x1d: {  	_ =	swait.ge [sflag:s15], $0x2000  }
0x1e: {  	v16 =	vimm.s32 $0x10;
	[sflag:s15] =	ssyncset.done $0x0  }
0x1f: {  	[sflag:s15] =	ssyncadd.s32 $0xFFFFE000  }
0x20: {  	_ =	swait.ge [sflag:s16], $0x400  }
0x21: {  	[sflag:s16] =	ssyncset.done $0x0  }
0x22: {  	[sflag:s16] =	ssyncadd.s32 $0xFFFFFC00  }
0x23: {  	v21 =	vimm.s32 $0x11;
	v16 =	vld.idx.msk [tilespmem:v16+s17+$0x0], $0xffff  }
0x24: {  	v17 =	vld [tilespmem:$0x21A0]  }
0x25: {  	v18 =	vld [tilespmem:$0x21B0]  }
0x26: {  	v19 =	vld [tilespmem:$0x21C0]  }
0x27: {  	v20 =	vld [tilespmem:$0x21D0]  }
0x28: {  	v26 =	vimm.s32 $0x12;
	v21 =	vld.idx.msk [tilespmem:v21+s17+$0x0], $0xffff  }
0x29: {  	v22 =	vld [tilespmem:$0x1A0]  }
0x2a: {  	v23 =	vld [tilespmem:$0x1B0]  }
0x2b: {  	v24 =	vld [tilespmem:$0x1C0]  }
0x2c: {  	v25 =	vld [tilespmem:$0x1D0]  }
0x2d: {  	v31 =	vimm.s32 $0x13;
	v26 =	vld.idx.msk [tilespmem:v26+s17+$0x0], $0xffff  }
0x2e: {  	v27 =	vld [tilespmem:$0x1E0]  }
0x2f: {  	v28 =	vld [tilespmem:$0x1F0]  }
0x30: {  	v29 =	vld [tilespmem:$0x200]  }
0x31: {  	v30 =	vld [tilespmem:$0x210]  }
0x32: {  	v36 =	vimm.s32 $0x14;
	v31 =	vld.idx.msk [tilespmem:v31+s17+$0x0], $0xffff  }
0x33: {  	v32 =	vld [tilespmem:$0x220]  }
0x34: {  	v33 =	vld [tilespmem:$0x230]  }
0x35: {  	v34 =	vld [tilespmem:$0x240]  }
0x36: {  	v35 =	vld [tilespmem:$0x250]  }
0x37: {  	v41 =	vimm.s32 $0x15;
	v36 =	vld.idx.msk [tilespmem:v36+s17+$0x0], $0xffff  }
0x38: {  	v37 =	vld [tilespmem:$0x260]  }
0x39: {  	v38 =	vld [tilespmem:$0x270]  }
0x3a: {  	v39 =	vld [tilespmem:$0x280]  }
0x3b: {  	v40 =	vld [tilespmem:$0x290]  }
0x3c: {  	v41 =	vld.idx.msk [tilespmem:v41+s17+$0x0], $0xffff;
	v17 =	vmul.f32 v17, v16  }
0x3d: {  	v42 =	vld [tilespmem:$0x2A0];
	v18 =	vmul.f32 v18, v16;
	v19 =	vmul.f32 v19, v16  }
0x3e: {  	v43 =	vld [tilespmem:$0x2B0];
	v22 =	vmul.f32 v22, v21;
	v16 =	vmul.f32 v20, v16  }
0x3f: {  	v44 =	vld [tilespmem:$0x2C0];
	v20 =	vmul.f32 v23, v21;
	v29 =	vmul.f32 v29, v26  }
0x40: {  	v23 =	vld [tilespmem:$0x2D0];
	v37 =	vmul.f32 v37, v36;
	v38 =	vmul.f32 v38, v36  }
0x41: {  	v39 =	vmul.f32 v39, v36;
	v40 =	vmul.f32 v40, v36;
	v36 =	vld [tilespmem:$0x350];
	v17 =	vadd.f32 v22, v17  }
0x42: {  	v22 =	vmul.f32 v24, v21;
	v18 =	vadd.f32 v20, v18;
	v20 =	vmul.f32 v27, v26;
	v27 =	vld [tilespmem:$0x2E0]  }
0x43: {  	v21 =	vmul.f32 v25, v21;
	v25 =	vmul.f32 v28, v26;
	v28 =	vld [tilespmem:$0x310]  }
0x44: {  	v24 =	vimm.s32 $0x16;
	v19 =	vadd.f32 v22, v19;
	v22 =	vld [tilespmem:$0x2F0];
	v17 =	vadd.f32 v20, v17  }
0x45: {  	v18 =	vadd.f32 v25, v18;
	v20 =	vmul.f32 v30, v26;
	v25 =	vld [tilespmem:$0x300];
	v26 =	vmul.f32 v33, v31  }
0x46: {  	v16 =	vadd.f32 v21, v16;
	v21 =	vmul.f32 v32, v31;
	v32 =	vld [tilespmem:$0x340]  }
0x47: {  	v33 =	vmul.f32 v34, v31;
	v18 =	vadd.f32 v26, v18;
	v26 =	vld [tilespmem:$0x320]  }
0x48: {  	v34 =	vmul.f32 v35, v31;
	v35 =	vimm.s32 $0x17;
	v19 =	vadd.f32 v29, v19;
	v29 =	vld [tilespmem:$0x330]  }
0x49: {  	v16 =	vadd.f32 v20, v16;
	v17 =	vadd.f32 v21, v17;
	v20 =	vld [tilespmem:$0x2210]  }
0x4a: {  	v24 =	vld.idx.msk [tilespmem:v24+s17+$0x0], $0xffff  }
0x4b: {  	v17 =	vadd.f32 v37, v17;
	v37 =	vmul.f32 v44, v41;
	v44 =	vld [tilespmem:$0x380]  }
0x4c: {  	v42 =	vmul.f32 v42, v41;
	v19 =	vadd.f32 v33, v19;
	v16 =	vadd.f32 v34, v16;
	v34 =	vld [tilespmem:$0x440]  }
0x4d: {  	v43 =	vmul.f32 v43, v41;
	v18 =	vadd.f32 v38, v18;
	v38 =	vimm.s32 $0x18;
	v30 =	vld.idx.msk [tilespmem:v35+s17+$0x0], $0xffff  }
0x4e: {  	v19 =	vadd.f32 v39, v19;
	v16 =	vadd.f32 v40, v16;
	v39 =	vmul.f32 v23, v41;
	v40 =	vld [tilespmem:$0x360]  }
0x4f: {  	v17 =	vadd.f32 v42, v17;
	v42 =	vld [tilespmem:$0x370];
	v41 =	vmul.f32 v27, v24;
	v22 =	vmul.f32 v22, v24  }
0x50: {  	v18 =	vadd.f32 v43, v18;
	v43 =	vmul.f32 v25, v24;
	v24 =	vmul.f32 v28, v24;
	v28 =	vld [tilespmem:$0x390]  }
0x51: {  	v25 =	vld [tilespmem:$0x3D0]  }
0x52: {  	v27 =	vld [tilespmem:$0x3E0]  }
0x53: {  	v16 =	vadd.f32 v39, v16;
	v31 =	vld.idx.msk [tilespmem:v38+s17+$0x0], $0xffff  }
0x54: {  	v18 =	vadd.f32 v22, v18;
	v22 =	vld [tilespmem:$0x3A0]  }
0x55: {  	v16 =	vadd.f32 v24, v16;
	v24 =	vld [tilespmem:$0x3C0]  }
0x56: {  	v19 =	vadd.f32 v37, v19;
	v26 =	vmul.f32 v26, v30;
	v33 =	vmul.f32 v29, v30;
	v29 =	vld [tilespmem:$0x400]  }
0x57: {  	v35 =	vmul.f32 v32, v30;
	v36 =	vmul.f32 v36, v30;
	v30 =	vld [tilespmem:$0x410]  }
0x58: {  	v17 =	vadd.f32 v41, v17;
	v19 =	vadd.f32 v43, v19;
	v32 =	vld [tilespmem:$0x420]  }
0x59: {  	v18 =	vadd.f32 v33, v18;
	v33 =	vld [tilespmem:$0x430]  }
0x5a: {  	v17 =	vadd.f32 v26, v17;
	v19 =	vadd.f32 v35, v19;
	v35 =	vld [tilespmem:$0x450];
	v23 =	vmul.f32 v40, v31  }
0x5b: {  	v37 =	vmul.f32 v42, v31;
	v39 =	vmul.f32 v28, v31;
	v28 =	vld [tilespmem:$0x3F0]  }
0x5c: {  	v38 =	vmul.f32 v44, v31;
	v17 =	vadd.f32 v23, v17;
	v23 =	vld [tilespmem:$0x3B0]  }
0x5d: {  	v16 =	vadd.f32 v36, v16;
	v18 =	vadd.f32 v37, v18;
	v37 =	vld [tilespmem:$0x460]  }
0x5e: {  	v40 =	vimm.s32 $0x21;
	v19 =	vadd.f32 v38, v19;
	v38 =	vld [tilespmem:$0x470]  }
0x5f: {  	v43 =	vimm.s32 $0x24;
	v16 =	vadd.f32 v39, v16;
	v39 =	vld [tilespmem:$0x480];
	[tilespmem:$0x25A0] =	vst v17  }
0x60: {  	[tilespmem:$0x25B0] =	vst v18;
	v17 =	vld [tilespmem:$0x21E0]  }
0x61: {  	[tilespmem:$0x25D0] =	vst v16;
	v16 =	vimm.s32 $0x20;
	v18 =	vld [tilespmem:$0x21F0]  }
0x62: {  	v41 =	vimm.s32 $0x22;
	[tilespmem:$0x25C0] =	vst v19;
	v19 =	vld [tilespmem:$0x2200]  }
0x63: {  	v42 =	vimm.s32 $0x23;
	v21 =	vld.idx.msk [tilespmem:v40+s17+$0x0], $0xffff  }
0x64: {  	v44 =	vimm.s32 $0x25;
	v36 =	vld.idx.msk [tilespmem:v43+s17+$0x0], $0xffff  }
0x65: {  	v40 =	vld [tilespmem:$0x490]  }
0x66: {  	v16 =	vld.idx.msk [tilespmem:v16+s17+$0x0], $0xffff  }
0x67: {  	v26 =	vld.idx.msk [tilespmem:v41+s17+$0x0], $0xffff  }
0x68: {  	v31 =	vld.idx.msk [tilespmem:v42+s17+$0x0], $0xffff  }
0x69: {  	v41 =	vld.idx.msk [tilespmem:v44+s17+$0x0], $0xffff;
	v22 =	vmul.f32 v22, v21;
	v37 =	vmul.f32 v37, v36  }
0x6a: {  	v42 =	vld [tilespmem:$0x4A0];
	v38 =	vmul.f32 v38, v36;
	v39 =	vmul.f32 v39, v36  }
0x6b: {  	v43 =	vld [tilespmem:$0x4B0];
	v40 =	vmul.f32 v40, v36;
	v17 =	vmul.f32 v17, v16  }
0x6c: {  	v44 =	vld [tilespmem:$0x4C0];
	v18 =	vmul.f32 v18, v16;
	v19 =	vmul.f32 v19, v16  }
0x6d: {  	v36 =	vld [tilespmem:$0x550];
	v16 =	vmul.f32 v20, v16;
	v20 =	vmul.f32 v23, v21  }
0x6e: {  	v29 =	vmul.f32 v29, v26;
	v23 =	vld [tilespmem:$0x4D0];
	v17 =	vadd.f32 v22, v17  }
0x6f: {  	v22 =	vmul.f32 v24, v21;
	v18 =	vadd.f32 v20, v18;
	v20 =	vmul.f32 v27, v26;
	v27 =	vld [tilespmem:$0x4E0]  }
0x70: {  	v21 =	vmul.f32 v25, v21;
	v25 =	vmul.f32 v28, v26;
	v28 =	vld [tilespmem:$0x510]  }
0x71: {  	v24 =	vimm.s32 $0x26;
	v19 =	vadd.f32 v22, v19;
	v22 =	vld [tilespmem:$0x4F0];
	v17 =	vadd.f32 v20, v17  }
0x72: {  	v18 =	vadd.f32 v25, v18;
	v20 =	vmul.f32 v30, v26;
	v25 =	vld [tilespmem:$0x500];
	v26 =	vmul.f32 v33, v31  }
0x73: {  	v16 =	vadd.f32 v21, v16;
	v21 =	vmul.f32 v32, v31;
	v32 =	vld [tilespmem:$0x540]  }
0x74: {  	v33 =	vmul.f32 v34, v31;
	v18 =	vadd.f32 v26, v18;
	v26 =	vld [tilespmem:$0x520]  }
0x75: {  	v34 =	vmul.f32 v35, v31;
	v35 =	vimm.s32 $0x27;
	v19 =	vadd.f32 v29, v19;
	v29 =	vld [tilespmem:$0x530]  }
0x76: {  	v16 =	vadd.f32 v20, v16;
	v17 =	vadd.f32 v21, v17;
	v20 =	vld [tilespmem:$0x2250]  }
0x77: {  	v24 =	vld.idx.msk [tilespmem:v24+s17+$0x0], $0xffff  }
0x78: {  	v17 =	vadd.f32 v37, v17;
	v37 =	vmul.f32 v44, v41;
	v44 =	vld [tilespmem:$0x580]  }
0x79: {  	v42 =	vmul.f32 v42, v41;
	v19 =	vadd.f32 v33, v19;
	v16 =	vadd.f32 v34, v16;
	v34 =	vld [tilespmem:$0x640]  }
0x7a: {  	v43 =	vmul.f32 v43, v41;
	v18 =	vadd.f32 v38, v18;
	v38 =	vimm.s32 $0x28;
	v30 =	vld.idx.msk [tilespmem:v35+s17+$0x0], $0xffff  }
0x7b: {  	v19 =	vadd.f32 v39, v19;
	v16 =	vadd.f32 v40, v16;
	v39 =	vmul.f32 v23, v41;
	v40 =	vld [tilespmem:$0x560]  }
0x7c: {  	v17 =	vadd.f32 v42, v17;
	v42 =	vld [tilespmem:$0x570];
	v41 =	vmul.f32 v27, v24;
	v22 =	vmul.f32 v22, v24  }
0x7d: {  	v18 =	vadd.f32 v43, v18;
	v43 =	vmul.f32 v25, v24;
	v24 =	vmul.f32 v28, v24;
	v28 =	vld [tilespmem:$0x590]  }
0x7e: {  	v25 =	vld [tilespmem:$0x5D0]  }
0x7f: {  	v27 =	vld [tilespmem:$0x5E0]  }
0x80: {  	v16 =	vadd.f32 v39, v16;
	v31 =	vld.idx.msk [tilespmem:v38+s17+$0x0], $0xffff  }
0x81: {  	v18 =	vadd.f32 v22, v18;
	v22 =	vld [tilespmem:$0x5A0]  }
0x82: {  	v16 =	vadd.f32 v24, v16;
	v24 =	vld [tilespmem:$0x5C0]  }
0x83: {  	v19 =	vadd.f32 v37, v19;
	v26 =	vmul.f32 v26, v30;
	v33 =	vmul.f32 v29, v30;
	v29 =	vld [tilespmem:$0x600]  }
0x84: {  	v35 =	vmul.f32 v32, v30;
	v36 =	vmul.f32 v36, v30;
	v30 =	vld [tilespmem:$0x610]  }
0x85: {  	v17 =	vadd.f32 v41, v17;
	v19 =	vadd.f32 v43, v19;
	v32 =	vld [tilespmem:$0x620]  }
0x86: {  	v18 =	vadd.f32 v33, v18;
	v33 =	vld [tilespmem:$0x630]  }
0x87: {  	v17 =	vadd.f32 v26, v17;
	v19 =	vadd.f32 v35, v19;
	v35 =	vld [tilespmem:$0x650];
	v23 =	vmul.f32 v40, v31  }
0x88: {  	v37 =	vmul.f32 v42, v31;
	v39 =	vmul.f32 v28, v31;
	v28 =	vld [tilespmem:$0x5F0]  }
0x89: {  	v38 =	vmul.f32 v44, v31;
	v17 =	vadd.f32 v23, v17;
	v23 =	vld [tilespmem:$0x5B0]  }
0x8a: {  	v16 =	vadd.f32 v36, v16;
	v18 =	vadd.f32 v37, v18;
	v37 =	vld [tilespmem:$0x660]  }
0x8b: {  	v40 =	vimm.s32 $0x31;
	v19 =	vadd.f32 v38, v19;
	v38 =	vld [tilespmem:$0x670]  }
0x8c: {  	v43 =	vimm.s32 $0x34;
	v16 =	vadd.f32 v39, v16;
	v39 =	vld [tilespmem:$0x680];
	[tilespmem:$0x25E0] =	vst v17  }
0x8d: {  	[tilespmem:$0x25F0] =	vst v18;
	v17 =	vld [tilespmem:$0x2220]  }
0x8e: {  	[tilespmem:$0x2610] =	vst v16;
	v16 =	vimm.s32 $0x30;
	v18 =	vld [tilespmem:$0x2230]  }
0x8f: {  	v41 =	vimm.s32 $0x32;
	[tilespmem:$0x2600] =	vst v19;
	v19 =	vld [tilespmem:$0x2240]  }
0x90: {  	v42 =	vimm.s32 $0x33;
	v21 =	vld.idx.msk [tilespmem:v40+s17+$0x0], $0xffff  }
0x91: {  	v44 =	vimm.s32 $0x35;
	v36 =	vld.idx.msk [tilespmem:v43+s17+$0x0], $0xffff  }
0x92: {  	v40 =	vld [tilespmem:$0x690]  }
0x93: {  	v16 =	vld.idx.msk [tilespmem:v16+s17+$0x0], $0xffff  }
0x94: {  	v26 =	vld.idx.msk [tilespmem:v41+s17+$0x0], $0xffff  }
0x95: {  	v31 =	vld.idx.msk [tilespmem:v42+s17+$0x0], $0xffff  }
0x96: {  	v41 =	vld.idx.msk [tilespmem:v44+s17+$0x0], $0xffff;
	v22 =	vmul.f32 v22, v21;
	v37 =	vmul.f32 v37, v36  }
0x97: {  	v42 =	vld [tilespmem:$0x6A0];
	v38 =	vmul.f32 v38, v36;
	v39 =	vmul.f32 v39, v36  }
0x98: {  	v43 =	vld [tilespmem:$0x6B0];
	v40 =	vmul.f32 v40, v36;
	v17 =	vmul.f32 v17, v16  }
0x99: {  	v44 =	vld [tilespmem:$0x6C0];
	v18 =	vmul.f32 v18, v16;
	v19 =	vmul.f32 v19, v16  }
0x9a: {  	v36 =	vld [tilespmem:$0x750];
	v16 =	vmul.f32 v20, v16;
	v20 =	vmul.f32 v23, v21  }
0x9b: {  	v29 =	vmul.f32 v29, v26;
	v23 =	vld [tilespmem:$0x6D0];
	v17 =	vadd.f32 v22, v17  }
0x9c: {  	v22 =	vmul.f32 v24, v21;
	v18 =	vadd.f32 v20, v18;
	v20 =	vmul.f32 v27, v26;
	v27 =	vld [tilespmem:$0x6E0]  }
0x9d: {  	v21 =	vmul.f32 v25, v21;
	v25 =	vmul.f32 v28, v26;
	v28 =	vld [tilespmem:$0x710]  }
0x9e: {  	v24 =	vimm.s32 $0x36;
	v19 =	vadd.f32 v22, v19;
	v22 =	vld [tilespmem:$0x6F0];
	v17 =	vadd.f32 v20, v17  }
0x9f: {  	v18 =	vadd.f32 v25, v18;
	v20 =	vmul.f32 v30, v26;
	v25 =	vld [tilespmem:$0x700];
	v26 =	vmul.f32 v33, v31  }
0xa0: {  	v16 =	vadd.f32 v21, v16;
	v21 =	vmul.f32 v32, v31;
	v32 =	vld [tilespmem:$0x740]  }
0xa1: {  	v33 =	vmul.f32 v34, v31;
	v18 =	vadd.f32 v26, v18;
	v26 =	vld [tilespmem:$0x720]  }
0xa2: {  	v34 =	vmul.f32 v35, v31;
	v35 =	vimm.s32 $0x37;
	v19 =	vadd.f32 v29, v19;
	v29 =	vld [tilespmem:$0x730]  }
0xa3: {  	v16 =	vadd.f32 v20, v16;
	v17 =	vadd.f32 v21, v17;
	v20 =	vld [tilespmem:$0x2290]  }
0xa4: {  	v24 =	vld.idx.msk [tilespmem:v24+s17+$0x0], $0xffff  }
0xa5: {  	v17 =	vadd.f32 v37, v17;
	v37 =	vmul.f32 v44, v41;
	v44 =	vld [tilespmem:$0x780]  }
0xa6: {  	v42 =	vmul.f32 v42, v41;
	v19 =	vadd.f32 v33, v19;
	v16 =	vadd.f32 v34, v16;
	v34 =	vld [tilespmem:$0x840]  }
0xa7: {  	v43 =	vmul.f32 v43, v41;
	v18 =	vadd.f32 v38, v18;
	v38 =	vimm.s32 $0x38;
	v30 =	vld.idx.msk [tilespmem:v35+s17+$0x0], $0xffff  }
0xa8: {  	v19 =	vadd.f32 v39, v19;
	v16 =	vadd.f32 v40, v16;
	v39 =	vmul.f32 v23, v41;
	v40 =	vld [tilespmem:$0x760]  }
0xa9: {  	v17 =	vadd.f32 v42, v17;
	v42 =	vld [tilespmem:$0x770];
	v41 =	vmul.f32 v27, v24;
	v22 =	vmul.f32 v22, v24  }
0xaa: {  	v18 =	vadd.f32 v43, v18;
	v43 =	vmul.f32 v25, v24;
	v24 =	vmul.f32 v28, v24;
	v28 =	vld [tilespmem:$0x790]  }
0xab: {  	v25 =	vld [tilespmem:$0x7D0]  }
0xac: {  	v27 =	vld [tilespmem:$0x7E0]  }
0xad: {  	v16 =	vadd.f32 v39, v16;
	v31 =	vld.idx.msk [tilespmem:v38+s17+$0x0], $0xffff  }
0xae: {  	v18 =	vadd.f32 v22, v18;
	v22 =	vld [tilespmem:$0x7A0]  }
0xaf: {  	v16 =	vadd.f32 v24, v16;
	v24 =	vld [tilespmem:$0x7C0]  }
0xb0: {  	v19 =	vadd.f32 v37, v19;
	v26 =	vmul.f32 v26, v30;
	v33 =	vmul.f32 v29, v30;
	v29 =	vld [tilespmem:$0x800]  }
0xb1: {  	v35 =	vmul.f32 v32, v30;
	v36 =	vmul.f32 v36, v30;
	v30 =	vld [tilespmem:$0x810]  }
0xb2: {  	v17 =	vadd.f32 v41, v17;
	v19 =	vadd.f32 v43, v19;
	v32 =	vld [tilespmem:$0x820]  }
0xb3: {  	v18 =	vadd.f32 v33, v18;
	v33 =	vld [tilespmem:$0x830]  }
0xb4: {  	v17 =	vadd.f32 v26, v17;
	v19 =	vadd.f32 v35, v19;
	v35 =	vld [tilespmem:$0x850];
	v23 =	vmul.f32 v40, v31  }
0xb5: {  	v37 =	vmul.f32 v42, v31;
	v39 =	vmul.f32 v28, v31;
	v28 =	vld [tilespmem:$0x7F0]  }
0xb6: {  	v38 =	vmul.f32 v44, v31;
	v17 =	vadd.f32 v23, v17;
	v23 =	vld [tilespmem:$0x7B0]  }
0xb7: {  	v16 =	vadd.f32 v36, v16;
	v18 =	vadd.f32 v37, v18;
	v37 =	vld [tilespmem:$0x860]  }
0xb8: {  	v40 =	vimm.s32 $0x41;
	v19 =	vadd.f32 v38, v19;
	v38 =	vld [tilespmem:$0x870]  }
0xb9: {  	v43 =	vimm.s32 $0x44;
	v16 =	vadd.f32 v39, v16;
	v39 =	vld [tilespmem:$0x880];
	[tilespmem:$0x2620] =	vst v17  }
0xba: {  	[tilespmem:$0x2630] =	vst v18;
	v17 =	vld [tilespmem:$0x2260]  }
0xbb: {  	[tilespmem:$0x2650] =	vst v16;
	v16 =	vimm.s32 $0x40;
	v18 =	vld [tilespmem:$0x2270]  }
0xbc: {  	v41 =	vimm.s32 $0x42;
	[tilespmem:$0x2640] =	vst v19;
	v19 =	vld [tilespmem:$0x2280]  }
0xbd: {  	v42 =	vimm.s32 $0x43;
	v21 =	vld.idx.msk [tilespmem:v40+s17+$0x0], $0xffff  }
0xbe: {  	v44 =	vimm.s32 $0x45;
	v36 =	vld.idx.msk [tilespmem:v43+s17+$0x0], $0xffff  }
0xbf: {  	v40 =	vld [tilespmem:$0x890]  }
0xc0: {  	v16 =	vld.idx.msk [tilespmem:v16+s17+$0x0], $0xffff  }
0xc1: {  	v26 =	vld.idx.msk [tilespmem:v41+s17+$0x0], $0xffff  }
0xc2: {  	v31 =	vld.idx.msk [tilespmem:v42+s17+$0x0], $0xffff  }
0xc3: {  	v41 =	vld.idx.msk [tilespmem:v44+s17+$0x0], $0xffff;
	v22 =	vmul.f32 v22, v21;
	v37 =	vmul.f32 v37, v36  }
0xc4: {  	v42 =	vld [tilespmem:$0x8A0];
	v38 =	vmul.f32 v38, v36;
	v39 =	vmul.f32 v39, v36  }
0xc5: {  	v43 =	vld [tilespmem:$0x8B0];
	v40 =	vmul.f32 v40, v36;
	v17 =	vmul.f32 v17, v16  }
0xc6: {  	v44 =	vld [tilespmem:$0x8C0];
	v18 =	vmul.f32 v18, v16;
	v19 =	vmul.f32 v19, v16  }
0xc7: {  	v36 =	vld [tilespmem:$0x950];
	v16 =	vmul.f32 v20, v16;
	v20 =	vmul.f32 v23, v21  }
0xc8: {  	v29 =	vmul.f32 v29, v26;
	v23 =	vld [tilespmem:$0x8D0];
	v17 =	vadd.f32 v22, v17  }
0xc9: {  	v22 =	vmul.f32 v24, v21;
	v18 =	vadd.f32 v20, v18;
	v20 =	vmul.f32 v27, v26;
	v27 =	vld [tilespmem:$0x8E0]  }
0xca: {  	v21 =	vmul.f32 v25, v21;
	v25 =	vmul.f32 v28, v26;
	v28 =	vld [tilespmem:$0x910]  }
0xcb: {  	v24 =	vimm.s32 $0x46;
	v19 =	vadd.f32 v22, v19;
	v22 =	vld [tilespmem:$0x8F0];
	v17 =	vadd.f32 v20, v17  }
0xcc: {  	v18 =	vadd.f32 v25, v18;
	v20 =	vmul.f32 v30, v26;
	v25 =	vld [tilespmem:$0x900];
	v26 =	vmul.f32 v33, v31  }
0xcd: {  	v16 =	vadd.f32 v21, v16;
	v21 =	vmul.f32 v32, v31;
	v32 =	vld [tilespmem:$0x940]  }
0xce: {  	v33 =	vmul.f32 v34, v31;
	v18 =	vadd.f32 v26, v18;
	v26 =	vld [tilespmem:$0x920]  }
0xcf: {  	v34 =	vmul.f32 v35, v31;
	v35 =	vimm.s32 $0x47;
	v19 =	vadd.f32 v29, v19;
	v29 =	vld [tilespmem:$0x930]  }
0xd0: {  	v16 =	vadd.f32 v20, v16;
	v17 =	vadd.f32 v21, v17;
	v20 =	vld [tilespmem:$0x22D0]  }
0xd1: {  	v24 =	vld.idx.msk [tilespmem:v24+s17+$0x0], $0xffff  }
0xd2: {  	v17 =	vadd.f32 v37, v17;
	v37 =	vmul.f32 v44, v41;
	v44 =	vld [tilespmem:$0x980]  }
0xd3: {  	v42 =	vmul.f32 v42, v41;
	v19 =	vadd.f32 v33, v19;
	v16 =	vadd.f32 v34, v16;
	v34 =	vld [tilespmem:$0xA40]  }
0xd4: {  	v43 =	vmul.f32 v43, v41;
	v18 =	vadd.f32 v38, v18;
	v38 =	vimm.s32 $0x48;
	v30 =	vld.idx.msk [tilespmem:v35+s17+$0x0], $0xffff  }
0xd5: {  	v19 =	vadd.f32 v39, v19;
	v16 =	vadd.f32 v40, v16;
	v39 =	vmul.f32 v23, v41;
	v40 =	vld [tilespmem:$0x960]  }
0xd6: {  	v17 =	vadd.f32 v42, v17;
	v42 =	vld [tilespmem:$0x970];
	v41 =	vmul.f32 v27, v24;
	v22 =	vmul.f32 v22, v24  }
0xd7: {  	v18 =	vadd.f32 v43, v18;
	v43 =	vmul.f32 v25, v24;
	v24 =	vmul.f32 v28, v24;
	v28 =	vld [tilespmem:$0x990]  }
0xd8: {  	v25 =	vld [tilespmem:$0x9D0]  }
0xd9: {  	v27 =	vld [tilespmem:$0x9E0]  }
0xda: {  	v16 =	vadd.f32 v39, v16;
	v31 =	vld.idx.msk [tilespmem:v38+s17+$0x0], $0xffff  }
0xdb: {  	v18 =	vadd.f32 v22, v18;
	v22 =	vld [tilespmem:$0x9A0]  }
0xdc: {  	v16 =	vadd.f32 v24, v16;
	v24 =	vld [tilespmem:$0x9C0]  }
0xdd: {  	v19 =	vadd.f32 v37, v19;
	v26 =	vmul.f32 v26, v30;
	v33 =	vmul.f32 v29, v30;
	v29 =	vld [tilespmem:$0xA00]  }
0xde: {  	v35 =	vmul.f32 v32, v30;
	v36 =	vmul.f32 v36, v30;
	v30 =	vld [tilespmem:$0xA10]  }
0xdf: {  	v17 =	vadd.f32 v41, v17;
	v19 =	vadd.f32 v43, v19;
	v32 =	vld [tilespmem:$0xA20]  }
0xe0: {  	v18 =	vadd.f32 v33, v18;
	v33 =	vld [tilespmem:$0xA30]  }
0xe1: {  	v17 =	vadd.f32 v26, v17;
	v19 =	vadd.f32 v35, v19;
	v35 =	vld [tilespmem:$0xA50];
	v23 =	vmul.f32 v40, v31  }
0xe2: {  	v37 =	vmul.f32 v42, v31;
	v39 =	vmul.f32 v28, v31;
	v28 =	vld [tilespmem:$0x9F0]  }
0xe3: {  	v38 =	vmul.f32 v44, v31;
	v17 =	vadd.f32 v23, v17;
	v23 =	vld [tilespmem:$0x9B0]  }
0xe4: {  	v16 =	vadd.f32 v36, v16;
	v18 =	vadd.f32 v37, v18;
	v37 =	vld [tilespmem:$0xA60]  }
0xe5: {  	v40 =	vimm.s32 $0x51;
	v19 =	vadd.f32 v38, v19;
	v38 =	vld [tilespmem:$0xA70]  }
0xe6: {  	v43 =	vimm.s32 $0x54;
	v16 =	vadd.f32 v39, v16;
	v39 =	vld [tilespmem:$0xA80];
	[tilespmem:$0x2660] =	vst v17  }
0xe7: {  	[tilespmem:$0x2670] =	vst v18;
	v17 =	vld [tilespmem:$0x22A0]  }
0xe8: {  	[tilespmem:$0x2690] =	vst v16;
	v16 =	vimm.s32 $0x50;
	v18 =	vld [tilespmem:$0x22B0]  }
0xe9: {  	v41 =	vimm.s32 $0x52;
	[tilespmem:$0x2680] =	vst v19;
	v19 =	vld [tilespmem:$0x22C0]  }
0xea: {  	v42 =	vimm.s32 $0x53;
	v21 =	vld.idx.msk [tilespmem:v40+s17+$0x0], $0xffff  }
0xeb: {  	v44 =	vimm.s32 $0x55;
	v36 =	vld.idx.msk [tilespmem:v43+s17+$0x0], $0xffff  }
0xec: {  	v40 =	vld [tilespmem:$0xA90]  }
0xed: {  	v16 =	vld.idx.msk [tilespmem:v16+s17+$0x0], $0xffff  }
0xee: {  	v26 =	vld.idx.msk [tilespmem:v41+s17+$0x0], $0xffff  }
0xef: {  	v31 =	vld.idx.msk [tilespmem:v42+s17+$0x0], $0xffff  }
0xf0: {  	v41 =	vld.idx.msk [tilespmem:v44+s17+$0x0], $0xffff;
	v22 =	vmul.f32 v22, v21;
	v37 =	vmul.f32 v37, v36  }
0xf1: {  	v42 =	vld [tilespmem:$0xAA0];
	v38 =	vmul.f32 v38, v36;
	v39 =	vmul.f32 v39, v36  }
0xf2: {  	v43 =	vld [tilespmem:$0xAB0];
	v40 =	vmul.f32 v40, v36;
	v17 =	vmul.f32 v17, v16  }
0xf3: {  	v44 =	vld [tilespmem:$0xAC0];
	v18 =	vmul.f32 v18, v16;
	v19 =	vmul.f32 v19, v16  }
0xf4: {  	v36 =	vld [tilespmem:$0xB50];
	v16 =	vmul.f32 v20, v16;
	v20 =	vmul.f32 v23, v21  }
0xf5: {  	v29 =	vmul.f32 v29, v26;
	v23 =	vld [tilespmem:$0xAD0];
	v17 =	vadd.f32 v22, v17  }
0xf6: {  	v22 =	vmul.f32 v24, v21;
	v18 =	vadd.f32 v20, v18;
	v20 =	vmul.f32 v27, v26;
	v27 =	vld [tilespmem:$0xAE0]  }
0xf7: {  	v21 =	vmul.f32 v25, v21;
	v25 =	vmul.f32 v28, v26;
	v28 =	vld [tilespmem:$0xB10]  }
0xf8: {  	v24 =	vimm.s32 $0x56;
	v19 =	vadd.f32 v22, v19;
	v22 =	vld [tilespmem:$0xAF0];
	v17 =	vadd.f32 v20, v17  }
0xf9: {  	v18 =	vadd.f32 v25, v18;
	v20 =	vmul.f32 v30, v26;
	v25 =	vld [tilespmem:$0xB00];
	v26 =	vmul.f32 v33, v31  }
0xfa: {  	v16 =	vadd.f32 v21, v16;
	v21 =	vmul.f32 v32, v31;
	v32 =	vld [tilespmem:$0xB40]  }
0xfb: {  	v33 =	vmul.f32 v34, v31;
	v18 =	vadd.f32 v26, v18;
	v26 =	vld [tilespmem:$0xB20]  }
0xfc: {  	v34 =	vmul.f32 v35, v31;
	v35 =	vimm.s32 $0x57;
	v19 =	vadd.f32 v29, v19;
	v29 =	vld [tilespmem:$0xB30]  }
0xfd: {  	v16 =	vadd.f32 v20, v16;
	v17 =	vadd.f32 v21, v17;
	v20 =	vld [tilespmem:$0x2310]  }
0xfe: {  	v24 =	vld.idx.msk [tilespmem:v24+s17+$0x0], $0xffff  }
0xff: {  	v17 =	vadd.f32 v37, v17;
	v37 =	vmul.f32 v44, v41;
	v44 =	vld [tilespmem:$0xB80]  }
0x100: {  	v42 =	vmul.f32 v42, v41;
	v19 =	vadd.f32 v33, v19;
	v16 =	vadd.f32 v34, v16;
	v34 =	vld [tilespmem:$0xC40]  }
0x101: {  	v43 =	vmul.f32 v43, v41;
	v18 =	vadd.f32 v38, v18;
	v38 =	vimm.s32 $0x58;
	v30 =	vld.idx.msk [tilespmem:v35+s17+$0x0], $0xffff  }
0x102: {  	v19 =	vadd.f32 v39, v19;
	v16 =	vadd.f32 v40, v16;
	v39 =	vmul.f32 v23, v41;
	v40 =	vld [tilespmem:$0xB60]  }
0x103: {  	v17 =	vadd.f32 v42, v17;
	v42 =	vld [tilespmem:$0xB70];
	v41 =	vmul.f32 v27, v24;
	v22 =	vmul.f32 v22, v24  }
0x104: {  	v18 =	vadd.f32 v43, v18;
	v43 =	vmul.f32 v25, v24;
	v24 =	vmul.f32 v28, v24;
	v28 =	vld [tilespmem:$0xB90]  }
0x105: {  	v25 =	vld [tilespmem:$0xBD0]  }
0x106: {  	v27 =	vld [tilespmem:$0xBE0]  }
0x107: {  	v16 =	vadd.f32 v39, v16;
	v31 =	vld.idx.msk [tilespmem:v38+s17+$0x0], $0xffff  }
0x108: {  	v18 =	vadd.f32 v22, v18;
	v22 =	vld [tilespmem:$0xBA0]  }
0x109: {  	v16 =	vadd.f32 v24, v16;
	v24 =	vld [tilespmem:$0xBC0]  }
0x10a: {  	v19 =	vadd.f32 v37, v19;
	v26 =	vmul.f32 v26, v30;
	v33 =	vmul.f32 v29, v30;
	v29 =	vld [tilespmem:$0xC00]  }
0x10b: {  	v35 =	vmul.f32 v32, v30;
	v36 =	vmul.f32 v36, v30;
	v30 =	vld [tilespmem:$0xC10]  }
0x10c: {  	v17 =	vadd.f32 v41, v17;
	v19 =	vadd.f32 v43, v19;
	v32 =	vld [tilespmem:$0xC20]  }
0x10d: {  	v18 =	vadd.f32 v33, v18;
	v33 =	vld [tilespmem:$0xC30]  }
0x10e: {  	v17 =	vadd.f32 v26, v17;
	v19 =	vadd.f32 v35, v19;
	v35 =	vld [tilespmem:$0xC50];
	v23 =	vmul.f32 v40, v31  }
0x10f: {  	v16 =	vadd.f32 v36, v16;
	v37 =	vmul.f32 v42, v31;
	v39 =	vmul.f32 v28, v31;
	v28 =	vld [tilespmem:$0xBF0]  }
0x110: {  	v38 =	vmul.f32 v44, v31;
	v17 =	vadd.f32 v23, v17;
	v23 =	vld [tilespmem:$0xBB0]  }
0x111: {  	v40 =	vimm.s32 $0x61;
	v18 =	vadd.f32 v37, v18;
	v16 =	vadd.f32 v39, v16;
	v37 =	vld [tilespmem:$0xC60]  }
0x112: {  	v43 =	vimm.s32 $0x64;
	v19 =	vadd.f32 v38, v19;
	v38 =	vld [tilespmem:$0xC70];
	[tilespmem:$0x26A0] =	vst v17  }
0x113: {  	v39 =	vld [tilespmem:$0xC80];
	[tilespmem:$0x26D0] =	vst v16;
	v16 =	vimm.s32 $0x60  }
0x114: {  	[tilespmem:$0x26B0] =	vst v18;
	v17 =	vld [tilespmem:$0x22E0]  }
0x115: {  	v41 =	vimm.s32 $0x62;
	[tilespmem:$0x26C0] =	vst v19;
	v18 =	vld [tilespmem:$0x22F0]  }
0x116: {  	v21 =	vld.idx.msk [tilespmem:v40+s17+$0x0], $0xffff  }
0x117: {  	v42 =	vimm.s32 $0x63;
	v36 =	vld.idx.msk [tilespmem:v43+s17+$0x0], $0xffff  }
0x118: {  	v44 =	vimm.s32 $0x65;
	v16 =	vld.idx.msk [tilespmem:v16+s17+$0x0], $0xffff  }
0x119: {  	v19 =	vld [tilespmem:$0x2300]  }
0x11a: {  	v26 =	vld.idx.msk [tilespmem:v41+s17+$0x0], $0xffff  }
0x11b: {  	v40 =	vld [tilespmem:$0xC90]  }
0x11c: {  	v31 =	vld.idx.msk [tilespmem:v42+s17+$0x0], $0xffff;
	v22 =	vmul.f32 v22, v21;
	v37 =	vmul.f32 v37, v36  }
0x11d: {  	v41 =	vld.idx.msk [tilespmem:v44+s17+$0x0], $0xffff;
	v38 =	vmul.f32 v38, v36;
	v17 =	vmul.f32 v17, v16  }
0x11e: {  	v42 =	vld [tilespmem:$0xCA0];
	v18 =	vmul.f32 v18, v16;
	v19 =	vmul.f32 v19, v16  }
0x11f: {  	v43 =	vld [tilespmem:$0xCB0];
	v16 =	vmul.f32 v20, v16;
	v20 =	vmul.f32 v23, v21  }
0x120: {  	v44 =	vld [tilespmem:$0xCC0];
	v39 =	vmul.f32 v39, v36;
	v40 =	vmul.f32 v40, v36;
	v17 =	vadd.f32 v22, v17  }
0x121: {  	v36 =	vld [tilespmem:$0xD50];
	v22 =	vmul.f32 v24, v21;
	v18 =	vadd.f32 v20, v18;
	v20 =	vmul.f32 v27, v26  }
0x122: {  	v23 =	vld [tilespmem:$0xCD0];
	v21 =	vmul.f32 v25, v21;
	v25 =	vmul.f32 v28, v26  }
0x123: {  	v29 =	vmul.f32 v29, v26;
	v24 =	vimm.s32 $0x66;
	v27 =	vld [tilespmem:$0xCE0];
	v17 =	vadd.f32 v20, v17  }
0x124: {  	v28 =	vld [tilespmem:$0xD10];
	v18 =	vadd.f32 v25, v18;
	v20 =	vmul.f32 v30, v26;
	v26 =	vmul.f32 v33, v31  }
0x125: {  	v19 =	vadd.f32 v22, v19;
	v16 =	vadd.f32 v21, v16;
	v22 =	vld [tilespmem:$0xCF0];
	v33 =	vmul.f32 v34, v31  }
0x126: {  	v25 =	vld [tilespmem:$0xD00];
	v34 =	vmul.f32 v35, v31;
	v35 =	vimm.s32 $0x67;
	v18 =	vadd.f32 v26, v18  }
0x127: {  	v21 =	vmul.f32 v32, v31;
	v32 =	vld [tilespmem:$0xD40]  }
0x128: {  	v16 =	vadd.f32 v20, v16;
	v26 =	vld [tilespmem:$0xD20];
	v18 =	vadd.f32 v38, v18;
	v38 =	vimm.s32 $0x68  }
0x129: {  	v19 =	vadd.f32 v29, v19;
	v29 =	vld [tilespmem:$0xD30]  }
0x12a: {  	v17 =	vadd.f32 v21, v17;
	v24 =	vld.idx.msk [tilespmem:v24+s17+$0x0], $0xffff;
	v16 =	vadd.f32 v34, v16  }
0x12b: {  	v19 =	vadd.f32 v33, v19;
	v30 =	vld.idx.msk [tilespmem:v35+s17+$0x0], $0xffff  }
0x12c: {  	v42 =	vmul.f32 v42, v41;
	v17 =	vadd.f32 v37, v17;
	v16 =	vadd.f32 v40, v16;
	v40 =	vld [tilespmem:$0xD60]  }
0x12d: {  	v43 =	vmul.f32 v43, v41;
	v37 =	vmul.f32 v44, v41;
	v31 =	vld.idx.msk [tilespmem:v38+s17+$0x0], $0xffff  }
0x12e: {  	v19 =	vadd.f32 v39, v19;
	v17 =	vadd.f32 v42, v17;
	v39 =	vmul.f32 v23, v41;
	v42 =	vld [tilespmem:$0xD70]  }
0x12f: {  	v41 =	vmul.f32 v27, v24;
	v22 =	vmul.f32 v22, v24;
	v44 =	vld [tilespmem:$0xD80]  }
0x130: {  	v18 =	vadd.f32 v43, v18;
	v43 =	vmul.f32 v25, v24;
	v24 =	vmul.f32 v28, v24;
	v28 =	vld [tilespmem:$0xD90]  }
0x131: {  	v20 =	vld [tilespmem:$0x2350]  }
0x132: {  	v25 =	vld [tilespmem:$0xDD0]  }
0x133: {  	v27 =	vld [tilespmem:$0xDE0]  }
0x134: {  	v16 =	vadd.f32 v39, v16;
	v34 =	vld [tilespmem:$0xE40]  }
0x135: {  	v18 =	vadd.f32 v22, v18;
	v22 =	vld [tilespmem:$0xDA0]  }
0x136: {  	v16 =	vadd.f32 v24, v16;
	v24 =	vld [tilespmem:$0xDC0]  }
0x137: {  	v19 =	vadd.f32 v37, v19;
	v26 =	vmul.f32 v26, v30;
	v33 =	vmul.f32 v29, v30;
	v29 =	vld [tilespmem:$0xE00]  }
0x138: {  	v35 =	vmul.f32 v32, v30;
	v36 =	vmul.f32 v36, v30;
	v30 =	vld [tilespmem:$0xE10]  }
0x139: {  	v17 =	vadd.f32 v41, v17;
	v19 =	vadd.f32 v43, v19;
	v32 =	vld [tilespmem:$0xE20]  }
0x13a: {  	v18 =	vadd.f32 v33, v18;
	v33 =	vld [tilespmem:$0xE30]  }
0x13b: {  	v17 =	vadd.f32 v26, v17;
	v19 =	vadd.f32 v35, v19;
	v35 =	vld [tilespmem:$0xE50];
	v23 =	vmul.f32 v40, v31  }
0x13c: {  	v37 =	vmul.f32 v42, v31;
	v39 =	vmul.f32 v28, v31;
	v28 =	vld [tilespmem:$0xDF0]  }
0x13d: {  	v38 =	vmul.f32 v44, v31;
	v17 =	vadd.f32 v23, v17;
	v23 =	vld [tilespmem:$0xDB0]  }
0x13e: {  	v16 =	vadd.f32 v36, v16;
	v18 =	vadd.f32 v37, v18;
	v37 =	vld [tilespmem:$0xE60]  }
0x13f: {  	v40 =	vimm.s32 $0x71;
	v19 =	vadd.f32 v38, v19;
	v38 =	vld [tilespmem:$0xE70]  }
0x140: {  	v43 =	vimm.s32 $0x74;
	v16 =	vadd.f32 v39, v16;
	v39 =	vld [tilespmem:$0xE80];
	[tilespmem:$0x26E0] =	vst v17  }
0x141: {  	[tilespmem:$0x26F0] =	vst v18;
	v17 =	vld [tilespmem:$0x2320]  }
0x142: {  	[tilespmem:$0x2710] =	vst v16;
	v16 =	vimm.s32 $0x70;
	v18 =	vld [tilespmem:$0x2330]  }
0x143: {  	v41 =	vimm.s32 $0x72;
	[tilespmem:$0x2700] =	vst v19;
	v19 =	vld [tilespmem:$0x2340]  }
0x144: {  	v42 =	vimm.s32 $0x73;
	v21 =	vld.idx.msk [tilespmem:v40+s17+$0x0], $0xffff  }
0x145: {  	v44 =	vimm.s32 $0x75;
	v36 =	vld.idx.msk [tilespmem:v43+s17+$0x0], $0xffff  }
0x146: {  	v40 =	vld [tilespmem:$0xE90]  }
0x147: {  	v16 =	vld.idx.msk [tilespmem:v16+s17+$0x0], $0xffff  }
0x148: {  	v26 =	vld.idx.msk [tilespmem:v41+s17+$0x0], $0xffff  }
0x149: {  	v31 =	vld.idx.msk [tilespmem:v42+s17+$0x0], $0xffff  }
0x14a: {  	v41 =	vld.idx.msk [tilespmem:v44+s17+$0x0], $0xffff;
	v22 =	vmul.f32 v22, v21;
	v37 =	vmul.f32 v37, v36  }
0x14b: {  	v42 =	vld [tilespmem:$0xEA0];
	v38 =	vmul.f32 v38, v36;
	v39 =	vmul.f32 v39, v36  }
0x14c: {  	v43 =	vld [tilespmem:$0xEB0];
	v40 =	vmul.f32 v40, v36;
	v17 =	vmul.f32 v17, v16  }
0x14d: {  	v44 =	vld [tilespmem:$0xEC0];
	v18 =	vmul.f32 v18, v16;
	v19 =	vmul.f32 v19, v16  }
0x14e: {  	v36 =	vld [tilespmem:$0xF50];
	v16 =	vmul.f32 v20, v16;
	v20 =	vmul.f32 v23, v21  }
0x14f: {  	v29 =	vmul.f32 v29, v26;
	v23 =	vld [tilespmem:$0xED0];
	v17 =	vadd.f32 v22, v17  }
0x150: {  	v22 =	vmul.f32 v24, v21;
	v18 =	vadd.f32 v20, v18;
	v20 =	vmul.f32 v27, v26;
	v27 =	vld [tilespmem:$0xEE0]  }
0x151: {  	v21 =	vmul.f32 v25, v21;
	v25 =	vmul.f32 v28, v26;
	v28 =	vld [tilespmem:$0xF10]  }
0x152: {  	v24 =	vimm.s32 $0x76;
	v19 =	vadd.f32 v22, v19;
	v22 =	vld [tilespmem:$0xEF0];
	v17 =	vadd.f32 v20, v17  }
0x153: {  	v18 =	vadd.f32 v25, v18;
	v20 =	vmul.f32 v30, v26;
	v25 =	vld [tilespmem:$0xF00];
	v26 =	vmul.f32 v33, v31  }
0x154: {  	v16 =	vadd.f32 v21, v16;
	v21 =	vmul.f32 v32, v31;
	v32 =	vld [tilespmem:$0xF40]  }
0x155: {  	v33 =	vmul.f32 v34, v31;
	v18 =	vadd.f32 v26, v18;
	v26 =	vld [tilespmem:$0xF20]  }
0x156: {  	v34 =	vmul.f32 v35, v31;
	v35 =	vimm.s32 $0x77;
	v19 =	vadd.f32 v29, v19;
	v29 =	vld [tilespmem:$0xF30]  }
0x157: {  	v16 =	vadd.f32 v20, v16;
	v17 =	vadd.f32 v21, v17;
	v20 =	vld [tilespmem:$0x2390]  }
0x158: {  	v24 =	vld.idx.msk [tilespmem:v24+s17+$0x0], $0xffff  }
0x159: {  	v17 =	vadd.f32 v37, v17;
	v37 =	vmul.f32 v44, v41;
	v44 =	vld [tilespmem:$0xF80]  }
0x15a: {  	v42 =	vmul.f32 v42, v41;
	v19 =	vadd.f32 v33, v19;
	v16 =	vadd.f32 v34, v16;
	v34 =	vld [tilespmem:$0x1040]  }
0x15b: {  	v43 =	vmul.f32 v43, v41;
	v18 =	vadd.f32 v38, v18;
	v38 =	vimm.s32 $0x78;
	v30 =	vld.idx.msk [tilespmem:v35+s17+$0x0], $0xffff  }
0x15c: {  	v19 =	vadd.f32 v39, v19;
	v16 =	vadd.f32 v40, v16;
	v39 =	vmul.f32 v23, v41;
	v40 =	vld [tilespmem:$0xF60]  }
0x15d: {  	v17 =	vadd.f32 v42, v17;
	v42 =	vld [tilespmem:$0xF70];
	v41 =	vmul.f32 v27, v24;
	v22 =	vmul.f32 v22, v24  }
0x15e: {  	v18 =	vadd.f32 v43, v18;
	v43 =	vmul.f32 v25, v24;
	v24 =	vmul.f32 v28, v24;
	v28 =	vld [tilespmem:$0xF90]  }
0x15f: {  	v25 =	vld [tilespmem:$0xFD0]  }
0x160: {  	v27 =	vld [tilespmem:$0xFE0]  }
0x161: {  	v16 =	vadd.f32 v39, v16;
	v31 =	vld.idx.msk [tilespmem:v38+s17+$0x0], $0xffff  }
0x162: {  	v18 =	vadd.f32 v22, v18;
	v22 =	vld [tilespmem:$0xFA0]  }
0x163: {  	v16 =	vadd.f32 v24, v16;
	v24 =	vld [tilespmem:$0xFC0]  }
0x164: {  	v19 =	vadd.f32 v37, v19;
	v26 =	vmul.f32 v26, v30;
	v33 =	vmul.f32 v29, v30;
	v29 =	vld [tilespmem:$0x1000]  }
0x165: {  	v35 =	vmul.f32 v32, v30;
	v36 =	vmul.f32 v36, v30;
	v30 =	vld [tilespmem:$0x1010]  }
0x166: {  	v17 =	vadd.f32 v41, v17;
	v19 =	vadd.f32 v43, v19;
	v32 =	vld [tilespmem:$0x1020]  }
0x167: {  	v18 =	vadd.f32 v33, v18;
	v33 =	vld [tilespmem:$0x1030]  }
0x168: {  	v17 =	vadd.f32 v26, v17;
	v19 =	vadd.f32 v35, v19;
	v35 =	vld [tilespmem:$0x1050];
	v23 =	vmul.f32 v40, v31  }
0x169: {  	v37 =	vmul.f32 v42, v31;
	v39 =	vmul.f32 v28, v31;
	v28 =	vld [tilespmem:$0xFF0]  }
0x16a: {  	v38 =	vmul.f32 v44, v31;
	v17 =	vadd.f32 v23, v17;
	v23 =	vld [tilespmem:$0xFB0]  }
0x16b: {  	v16 =	vadd.f32 v36, v16;
	v18 =	vadd.f32 v37, v18;
	v37 =	vld [tilespmem:$0x1060]  }
0x16c: {  	v40 =	vimm.s32 $0x81;
	v19 =	vadd.f32 v38, v19;
	v38 =	vld [tilespmem:$0x1070]  }
0x16d: {  	v43 =	vimm.s32 $0x84;
	v16 =	vadd.f32 v39, v16;
	v39 =	vld [tilespmem:$0x1080];
	[tilespmem:$0x2720] =	vst v17  }
0x16e: {  	[tilespmem:$0x2730] =	vst v18;
	v17 =	vld [tilespmem:$0x2360]  }
0x16f: {  	[tilespmem:$0x2750] =	vst v16;
	v16 =	vimm.s32 $0x80;
	v18 =	vld [tilespmem:$0x2370]  }
0x170: {  	v41 =	vimm.s32 $0x82;
	[tilespmem:$0x2740] =	vst v19;
	v19 =	vld [tilespmem:$0x2380]  }
0x171: {  	v42 =	vimm.s32 $0x83;
	v21 =	vld.idx.msk [tilespmem:v40+s17+$0x0], $0xffff  }
0x172: {  	v44 =	vimm.s32 $0x85;
	v36 =	vld.idx.msk [tilespmem:v43+s17+$0x0], $0xffff  }
0x173: {  	v40 =	vld [tilespmem:$0x1090]  }
0x174: {  	v16 =	vld.idx.msk [tilespmem:v16+s17+$0x0], $0xffff  }
0x175: {  	v26 =	vld.idx.msk [tilespmem:v41+s17+$0x0], $0xffff  }
0x176: {  	v31 =	vld.idx.msk [tilespmem:v42+s17+$0x0], $0xffff  }
0x177: {  	v41 =	vld.idx.msk [tilespmem:v44+s17+$0x0], $0xffff;
	v22 =	vmul.f32 v22, v21;
	v37 =	vmul.f32 v37, v36  }
0x178: {  	v42 =	vld [tilespmem:$0x10A0];
	v38 =	vmul.f32 v38, v36;
	v39 =	vmul.f32 v39, v36  }
0x179: {  	v43 =	vld [tilespmem:$0x10B0];
	v40 =	vmul.f32 v40, v36;
	v17 =	vmul.f32 v17, v16  }
0x17a: {  	v44 =	vld [tilespmem:$0x10C0];
	v18 =	vmul.f32 v18, v16;
	v19 =	vmul.f32 v19, v16  }
0x17b: {  	v36 =	vld [tilespmem:$0x1150];
	v16 =	vmul.f32 v20, v16;
	v20 =	vmul.f32 v23, v21  }
0x17c: {  	v29 =	vmul.f32 v29, v26;
	v23 =	vld [tilespmem:$0x10D0];
	v17 =	vadd.f32 v22, v17  }
0x17d: {  	v22 =	vmul.f32 v24, v21;
	v18 =	vadd.f32 v20, v18;
	v20 =	vmul.f32 v27, v26;
	v27 =	vld [tilespmem:$0x10E0]  }
0x17e: {  	v21 =	vmul.f32 v25, v21;
	v25 =	vmul.f32 v28, v26;
	v28 =	vld [tilespmem:$0x1110]  }
0x17f: {  	v24 =	vimm.s32 $0x86;
	v19 =	vadd.f32 v22, v19;
	v22 =	vld [tilespmem:$0x10F0];
	v17 =	vadd.f32 v20, v17  }
0x180: {  	v18 =	vadd.f32 v25, v18;
	v20 =	vmul.f32 v30, v26;
	v25 =	vld [tilespmem:$0x1100];
	v26 =	vmul.f32 v33, v31  }
0x181: {  	v16 =	vadd.f32 v21, v16;
	v21 =	vmul.f32 v32, v31;
	v32 =	vld [tilespmem:$0x1140]  }
0x182: {  	v33 =	vmul.f32 v34, v31;
	v18 =	vadd.f32 v26, v18;
	v26 =	vld [tilespmem:$0x1120]  }
0x183: {  	v34 =	vmul.f32 v35, v31;
	v35 =	vimm.s32 $0x87;
	v19 =	vadd.f32 v29, v19;
	v29 =	vld [tilespmem:$0x1130]  }
0x184: {  	v16 =	vadd.f32 v20, v16;
	v17 =	vadd.f32 v21, v17;
	v20 =	vld [tilespmem:$0x23D0]  }
0x185: {  	v24 =	vld.idx.msk [tilespmem:v24+s17+$0x0], $0xffff  }
0x186: {  	v17 =	vadd.f32 v37, v17;
	v37 =	vmul.f32 v44, v41;
	v44 =	vld [tilespmem:$0x1180]  }
0x187: {  	v42 =	vmul.f32 v42, v41;
	v19 =	vadd.f32 v33, v19;
	v16 =	vadd.f32 v34, v16;
	v34 =	vld [tilespmem:$0x1240]  }
0x188: {  	v43 =	vmul.f32 v43, v41;
	v18 =	vadd.f32 v38, v18;
	v38 =	vimm.s32 $0x88;
	v30 =	vld.idx.msk [tilespmem:v35+s17+$0x0], $0xffff  }
0x189: {  	v19 =	vadd.f32 v39, v19;
	v16 =	vadd.f32 v40, v16;
	v39 =	vmul.f32 v23, v41;
	v40 =	vld [tilespmem:$0x1160]  }
0x18a: {  	v17 =	vadd.f32 v42, v17;
	v42 =	vld [tilespmem:$0x1170];
	v41 =	vmul.f32 v27, v24;
	v22 =	vmul.f32 v22, v24  }
0x18b: {  	v18 =	vadd.f32 v43, v18;
	v43 =	vmul.f32 v25, v24;
	v24 =	vmul.f32 v28, v24;
	v28 =	vld [tilespmem:$0x1190]  }
0x18c: {  	v25 =	vld [tilespmem:$0x11D0]  }
0x18d: {  	v27 =	vld [tilespmem:$0x11E0]  }
0x18e: {  	v16 =	vadd.f32 v39, v16;
	v31 =	vld.idx.msk [tilespmem:v38+s17+$0x0], $0xffff  }
0x18f: {  	v18 =	vadd.f32 v22, v18;
	v22 =	vld [tilespmem:$0x11A0]  }
0x190: {  	v16 =	vadd.f32 v24, v16;
	v24 =	vld [tilespmem:$0x11C0]  }
0x191: {  	v19 =	vadd.f32 v37, v19;
	v26 =	vmul.f32 v26, v30;
	v33 =	vmul.f32 v29, v30;
	v29 =	vld [tilespmem:$0x1200]  }
0x192: {  	v35 =	vmul.f32 v32, v30;
	v36 =	vmul.f32 v36, v30;
	v30 =	vld [tilespmem:$0x1210]  }
0x193: {  	v17 =	vadd.f32 v41, v17;
	v19 =	vadd.f32 v43, v19;
	v32 =	vld [tilespmem:$0x1220]  }
0x194: {  	v18 =	vadd.f32 v33, v18;
	v33 =	vld [tilespmem:$0x1230]  }
0x195: {  	v17 =	vadd.f32 v26, v17;
	v19 =	vadd.f32 v35, v19;
	v35 =	vld [tilespmem:$0x1250];
	v23 =	vmul.f32 v40, v31  }
0x196: {  	v37 =	vmul.f32 v42, v31;
	v39 =	vmul.f32 v28, v31;
	v28 =	vld [tilespmem:$0x11F0]  }
0x197: {  	v38 =	vmul.f32 v44, v31;
	v17 =	vadd.f32 v23, v17;
	v23 =	vld [tilespmem:$0x11B0]  }
0x198: {  	v16 =	vadd.f32 v36, v16;
	v18 =	vadd.f32 v37, v18;
	v37 =	vld [tilespmem:$0x1260]  }
0x199: {  	v40 =	vimm.s32 $0x91;
	v19 =	vadd.f32 v38, v19;
	v38 =	vld [tilespmem:$0x1270]  }
0x19a: {  	v43 =	vimm.s32 $0x94;
	v16 =	vadd.f32 v39, v16;
	v39 =	vld [tilespmem:$0x1280];
	[tilespmem:$0x2760] =	vst v17  }
0x19b: {  	[tilespmem:$0x2770] =	vst v18;
	v17 =	vld [tilespmem:$0x23A0]  }
0x19c: {  	[tilespmem:$0x2790] =	vst v16;
	v16 =	vimm.s32 $0x90;
	v18 =	vld [tilespmem:$0x23B0]  }
0x19d: {  	v41 =	vimm.s32 $0x92;
	[tilespmem:$0x2780] =	vst v19;
	v19 =	vld [tilespmem:$0x23C0]  }
0x19e: {  	v42 =	vimm.s32 $0x93;
	v21 =	vld.idx.msk [tilespmem:v40+s17+$0x0], $0xffff  }
0x19f: {  	v44 =	vimm.s32 $0x95;
	v36 =	vld.idx.msk [tilespmem:v43+s17+$0x0], $0xffff  }
0x1a0: {  	v40 =	vld [tilespmem:$0x1290]  }
0x1a1: {  	v16 =	vld.idx.msk [tilespmem:v16+s17+$0x0], $0xffff  }
0x1a2: {  	v26 =	vld.idx.msk [tilespmem:v41+s17+$0x0], $0xffff  }
0x1a3: {  	v31 =	vld.idx.msk [tilespmem:v42+s17+$0x0], $0xffff  }
0x1a4: {  	v41 =	vld.idx.msk [tilespmem:v44+s17+$0x0], $0xffff;
	v22 =	vmul.f32 v22, v21;
	v37 =	vmul.f32 v37, v36  }
0x1a5: {  	v42 =	vld [tilespmem:$0x12A0];
	v38 =	vmul.f32 v38, v36;
	v39 =	vmul.f32 v39, v36  }
0x1a6: {  	v43 =	vld [tilespmem:$0x12B0];
	v40 =	vmul.f32 v40, v36;
	v17 =	vmul.f32 v17, v16  }
0x1a7: {  	v44 =	vld [tilespmem:$0x12C0];
	v18 =	vmul.f32 v18, v16;
	v19 =	vmul.f32 v19, v16  }
0x1a8: {  	v36 =	vld [tilespmem:$0x1350];
	v16 =	vmul.f32 v20, v16;
	v20 =	vmul.f32 v23, v21  }
0x1a9: {  	v29 =	vmul.f32 v29, v26;
	v23 =	vld [tilespmem:$0x12D0];
	v17 =	vadd.f32 v22, v17  }
0x1aa: {  	v22 =	vmul.f32 v24, v21;
	v18 =	vadd.f32 v20, v18;
	v20 =	vmul.f32 v27, v26;
	v27 =	vld [tilespmem:$0x12E0]  }
0x1ab: {  	v21 =	vmul.f32 v25, v21;
	v25 =	vmul.f32 v28, v26;
	v28 =	vld [tilespmem:$0x1310]  }
0x1ac: {  	v24 =	vimm.s32 $0x96;
	v19 =	vadd.f32 v22, v19;
	v22 =	vld [tilespmem:$0x12F0];
	v17 =	vadd.f32 v20, v17  }
0x1ad: {  	v18 =	vadd.f32 v25, v18;
	v20 =	vmul.f32 v30, v26;
	v25 =	vld [tilespmem:$0x1300];
	v26 =	vmul.f32 v33, v31  }
0x1ae: {  	v16 =	vadd.f32 v21, v16;
	v21 =	vmul.f32 v32, v31;
	v32 =	vld [tilespmem:$0x1340]  }
0x1af: {  	v33 =	vmul.f32 v34, v31;
	v18 =	vadd.f32 v26, v18;
	v26 =	vld [tilespmem:$0x1320]  }
0x1b0: {  	v34 =	vmul.f32 v35, v31;
	v35 =	vimm.s32 $0x97;
	v19 =	vadd.f32 v29, v19;
	v29 =	vld [tilespmem:$0x1330]  }
0x1b1: {  	v16 =	vadd.f32 v20, v16;
	v17 =	vadd.f32 v21, v17;
	v20 =	vld [tilespmem:$0x2410]  }
0x1b2: {  	v24 =	vld.idx.msk [tilespmem:v24+s17+$0x0], $0xffff  }
0x1b3: {  	v17 =	vadd.f32 v37, v17;
	v37 =	vmul.f32 v44, v41;
	v44 =	vld [tilespmem:$0x1380]  }
0x1b4: {  	v42 =	vmul.f32 v42, v41;
	v19 =	vadd.f32 v33, v19;
	v16 =	vadd.f32 v34, v16;
	v34 =	vld [tilespmem:$0x1440]  }
0x1b5: {  	v43 =	vmul.f32 v43, v41;
	v18 =	vadd.f32 v38, v18;
	v38 =	vimm.s32 $0x98;
	v30 =	vld.idx.msk [tilespmem:v35+s17+$0x0], $0xffff  }
0x1b6: {  	v19 =	vadd.f32 v39, v19;
	v16 =	vadd.f32 v40, v16;
	v39 =	vmul.f32 v23, v41;
	v40 =	vld [tilespmem:$0x1360]  }
0x1b7: {  	v17 =	vadd.f32 v42, v17;
	v42 =	vld [tilespmem:$0x1370];
	v41 =	vmul.f32 v27, v24;
	v22 =	vmul.f32 v22, v24  }
0x1b8: {  	v18 =	vadd.f32 v43, v18;
	v43 =	vmul.f32 v25, v24;
	v24 =	vmul.f32 v28, v24;
	v28 =	vld [tilespmem:$0x1390]  }
0x1b9: {  	v25 =	vld [tilespmem:$0x13D0]  }
0x1ba: {  	v27 =	vld [tilespmem:$0x13E0]  }
0x1bb: {  	v16 =	vadd.f32 v39, v16;
	v31 =	vld.idx.msk [tilespmem:v38+s17+$0x0], $0xffff  }
0x1bc: {  	v18 =	vadd.f32 v22, v18;
	v22 =	vld [tilespmem:$0x13A0]  }
0x1bd: {  	v16 =	vadd.f32 v24, v16;
	v24 =	vld [tilespmem:$0x13C0]  }
0x1be: {  	v19 =	vadd.f32 v37, v19;
	v26 =	vmul.f32 v26, v30;
	v33 =	vmul.f32 v29, v30;
	v29 =	vld [tilespmem:$0x1400]  }
0x1bf: {  	v35 =	vmul.f32 v32, v30;
	v36 =	vmul.f32 v36, v30;
	v30 =	vld [tilespmem:$0x1410]  }
0x1c0: {  	v17 =	vadd.f32 v41, v17;
	v19 =	vadd.f32 v43, v19;
	v32 =	vld [tilespmem:$0x1420]  }
0x1c1: {  	v18 =	vadd.f32 v33, v18;
	v33 =	vld [tilespmem:$0x1430]  }
0x1c2: {  	v17 =	vadd.f32 v26, v17;
	v19 =	vadd.f32 v35, v19;
	v35 =	vld [tilespmem:$0x1450];
	v23 =	vmul.f32 v40, v31  }
0x1c3: {  	v37 =	vmul.f32 v42, v31;
	v39 =	vmul.f32 v28, v31;
	v28 =	vld [tilespmem:$0x13F0]  }
0x1c4: {  	v38 =	vmul.f32 v44, v31;
	v17 =	vadd.f32 v23, v17;
	v23 =	vld [tilespmem:$0x13B0]  }
0x1c5: {  	v16 =	vadd.f32 v36, v16;
	v18 =	vadd.f32 v37, v18;
	v37 =	vld [tilespmem:$0x1460]  }
0x1c6: {  	v40 =	vimm.s32 $0xA1;
	v19 =	vadd.f32 v38, v19;
	v38 =	vld [tilespmem:$0x1470]  }
0x1c7: {  	v43 =	vimm.s32 $0xA4;
	v16 =	vadd.f32 v39, v16;
	v39 =	vld [tilespmem:$0x1480];
	[tilespmem:$0x27A0] =	vst v17  }
0x1c8: {  	[tilespmem:$0x27B0] =	vst v18;
	v17 =	vld [tilespmem:$0x23E0]  }
0x1c9: {  	[tilespmem:$0x27D0] =	vst v16;
	v16 =	vimm.s32 $0xA0;
	v18 =	vld [tilespmem:$0x23F0]  }
0x1ca: {  	v41 =	vimm.s32 $0xA2;
	[tilespmem:$0x27C0] =	vst v19;
	v19 =	vld [tilespmem:$0x2400]  }
0x1cb: {  	v42 =	vimm.s32 $0xA3;
	v21 =	vld.idx.msk [tilespmem:v40+s17+$0x0], $0xffff  }
0x1cc: {  	v44 =	vimm.s32 $0xA5;
	v36 =	vld.idx.msk [tilespmem:v43+s17+$0x0], $0xffff  }
0x1cd: {  	v40 =	vld [tilespmem:$0x1490]  }
0x1ce: {  	v16 =	vld.idx.msk [tilespmem:v16+s17+$0x0], $0xffff  }
0x1cf: {  	v26 =	vld.idx.msk [tilespmem:v41+s17+$0x0], $0xffff  }
0x1d0: {  	v31 =	vld.idx.msk [tilespmem:v42+s17+$0x0], $0xffff  }
0x1d1: {  	v41 =	vld.idx.msk [tilespmem:v44+s17+$0x0], $0xffff;
	v22 =	vmul.f32 v22, v21;
	v37 =	vmul.f32 v37, v36  }
0x1d2: {  	v42 =	vld [tilespmem:$0x14A0];
	v38 =	vmul.f32 v38, v36;
	v39 =	vmul.f32 v39, v36  }
0x1d3: {  	v43 =	vld [tilespmem:$0x14B0];
	v40 =	vmul.f32 v40, v36;
	v17 =	vmul.f32 v17, v16  }
0x1d4: {  	v44 =	vld [tilespmem:$0x14C0];
	v18 =	vmul.f32 v18, v16;
	v19 =	vmul.f32 v19, v16  }
0x1d5: {  	v36 =	vld [tilespmem:$0x1550];
	v16 =	vmul.f32 v20, v16;
	v20 =	vmul.f32 v23, v21  }
0x1d6: {  	v29 =	vmul.f32 v29, v26;
	v23 =	vld [tilespmem:$0x14D0];
	v17 =	vadd.f32 v22, v17  }
0x1d7: {  	v22 =	vmul.f32 v24, v21;
	v18 =	vadd.f32 v20, v18;
	v20 =	vmul.f32 v27, v26;
	v27 =	vld [tilespmem:$0x14E0]  }
0x1d8: {  	v21 =	vmul.f32 v25, v21;
	v25 =	vmul.f32 v28, v26;
	v28 =	vld [tilespmem:$0x1510]  }
0x1d9: {  	v24 =	vimm.s32 $0xA6;
	v19 =	vadd.f32 v22, v19;
	v22 =	vld [tilespmem:$0x14F0];
	v17 =	vadd.f32 v20, v17  }
0x1da: {  	v18 =	vadd.f32 v25, v18;
	v20 =	vmul.f32 v30, v26;
	v25 =	vld [tilespmem:$0x1500];
	v26 =	vmul.f32 v33, v31  }
0x1db: {  	v16 =	vadd.f32 v21, v16;
	v21 =	vmul.f32 v32, v31;
	v32 =	vld [tilespmem:$0x1540]  }
0x1dc: {  	v33 =	vmul.f32 v34, v31;
	v18 =	vadd.f32 v26, v18;
	v26 =	vld [tilespmem:$0x1520]  }
0x1dd: {  	v34 =	vmul.f32 v35, v31;
	v35 =	vimm.s32 $0xA7;
	v19 =	vadd.f32 v29, v19;
	v29 =	vld [tilespmem:$0x1530]  }
0x1de: {  	v16 =	vadd.f32 v20, v16;
	v17 =	vadd.f32 v21, v17;
	v20 =	vld [tilespmem:$0x2450]  }
0x1df: {  	v24 =	vld.idx.msk [tilespmem:v24+s17+$0x0], $0xffff  }
0x1e0: {  	v17 =	vadd.f32 v37, v17;
	v37 =	vmul.f32 v44, v41;
	v44 =	vld [tilespmem:$0x1580]  }
0x1e1: {  	v42 =	vmul.f32 v42, v41;
	v19 =	vadd.f32 v33, v19;
	v16 =	vadd.f32 v34, v16;
	v34 =	vld [tilespmem:$0x1640]  }
0x1e2: {  	v43 =	vmul.f32 v43, v41;
	v18 =	vadd.f32 v38, v18;
	v38 =	vimm.s32 $0xA8;
	v30 =	vld.idx.msk [tilespmem:v35+s17+$0x0], $0xffff  }
0x1e3: {  	v19 =	vadd.f32 v39, v19;
	v16 =	vadd.f32 v40, v16;
	v39 =	vmul.f32 v23, v41;
	v40 =	vld [tilespmem:$0x1560]  }
0x1e4: {  	v17 =	vadd.f32 v42, v17;
	v42 =	vld [tilespmem:$0x1570];
	v41 =	vmul.f32 v27, v24;
	v22 =	vmul.f32 v22, v24  }
0x1e5: {  	v18 =	vadd.f32 v43, v18;
	v43 =	vmul.f32 v25, v24;
	v24 =	vmul.f32 v28, v24;
	v28 =	vld [tilespmem:$0x1590]  }
0x1e6: {  	v25 =	vld [tilespmem:$0x15D0]  }
0x1e7: {  	v27 =	vld [tilespmem:$0x15E0]  }
0x1e8: {  	v16 =	vadd.f32 v39, v16;
	v31 =	vld.idx.msk [tilespmem:v38+s17+$0x0], $0xffff  }
0x1e9: {  	v18 =	vadd.f32 v22, v18;
	v22 =	vld [tilespmem:$0x15A0]  }
0x1ea: {  	v16 =	vadd.f32 v24, v16;
	v24 =	vld [tilespmem:$0x15C0]  }
0x1eb: {  	v19 =	vadd.f32 v37, v19;
	v26 =	vmul.f32 v26, v30;
	v33 =	vmul.f32 v29, v30;
	v29 =	vld [tilespmem:$0x1600]  }
0x1ec: {  	v35 =	vmul.f32 v32, v30;
	v36 =	vmul.f32 v36, v30;
	v30 =	vld [tilespmem:$0x1610]  }
0x1ed: {  	v17 =	vadd.f32 v41, v17;
	v19 =	vadd.f32 v43, v19;
	v32 =	vld [tilespmem:$0x1620]  }
0x1ee: {  	v18 =	vadd.f32 v33, v18;
	v33 =	vld [tilespmem:$0x1630]  }
0x1ef: {  	v17 =	vadd.f32 v26, v17;
	v19 =	vadd.f32 v35, v19;
	v35 =	vld [tilespmem:$0x1650];
	v23 =	vmul.f32 v40, v31  }
0x1f0: {  	v37 =	vmul.f32 v42, v31;
	v39 =	vmul.f32 v28, v31;
	v28 =	vld [tilespmem:$0x15F0]  }
0x1f1: {  	v38 =	vmul.f32 v44, v31;
	v17 =	vadd.f32 v23, v17;
	v23 =	vld [tilespmem:$0x15B0]  }
0x1f2: {  	v16 =	vadd.f32 v36, v16;
	v18 =	vadd.f32 v37, v18;
	v37 =	vld [tilespmem:$0x1660]  }
0x1f3: {  	v40 =	vimm.s32 $0xB1;
	v19 =	vadd.f32 v38, v19;
	v38 =	vld [tilespmem:$0x1670]  }
0x1f4: {  	v43 =	vimm.s32 $0xB4;
	v16 =	vadd.f32 v39, v16;
	v39 =	vld [tilespmem:$0x1680];
	[tilespmem:$0x27E0] =	vst v17  }
0x1f5: {  	[tilespmem:$0x27F0] =	vst v18;
	v17 =	vld [tilespmem:$0x2420]  }
0x1f6: {  	[tilespmem:$0x2810] =	vst v16;
	v16 =	vimm.s32 $0xB0;
	v18 =	vld [tilespmem:$0x2430]  }
0x1f7: {  	v41 =	vimm.s32 $0xB2;
	[tilespmem:$0x2800] =	vst v19;
	v19 =	vld [tilespmem:$0x2440]  }
0x1f8: {  	v42 =	vimm.s32 $0xB3;
	v21 =	vld.idx.msk [tilespmem:v40+s17+$0x0], $0xffff  }
0x1f9: {  	v44 =	vimm.s32 $0xB5;
	v36 =	vld.idx.msk [tilespmem:v43+s17+$0x0], $0xffff  }
0x1fa: {  	v40 =	vld [tilespmem:$0x1690]  }
0x1fb: {  	v16 =	vld.idx.msk [tilespmem:v16+s17+$0x0], $0xffff  }
0x1fc: {  	v26 =	vld.idx.msk [tilespmem:v41+s17+$0x0], $0xffff  }
0x1fd: {  	v31 =	vld.idx.msk [tilespmem:v42+s17+$0x0], $0xffff  }
0x1fe: {  	v41 =	vld.idx.msk [tilespmem:v44+s17+$0x0], $0xffff;
	v22 =	vmul.f32 v22, v21;
	v37 =	vmul.f32 v37, v36  }
0x1ff: {  	v42 =	vld [tilespmem:$0x16A0];
	v38 =	vmul.f32 v38, v36;
	v39 =	vmul.f32 v39, v36  }
0x200: {  	v43 =	vld [tilespmem:$0x16B0];
	v40 =	vmul.f32 v40, v36;
	v17 =	vmul.f32 v17, v16  }
0x201: {  	v44 =	vld [tilespmem:$0x16C0];
	v18 =	vmul.f32 v18, v16;
	v19 =	vmul.f32 v19, v16  }
0x202: {  	v36 =	vld [tilespmem:$0x1750];
	v16 =	vmul.f32 v20, v16;
	v20 =	vmul.f32 v23, v21  }
0x203: {  	v29 =	vmul.f32 v29, v26;
	v23 =	vld [tilespmem:$0x16D0];
	v17 =	vadd.f32 v22, v17  }
0x204: {  	v22 =	vmul.f32 v24, v21;
	v18 =	vadd.f32 v20, v18;
	v20 =	vmul.f32 v27, v26;
	v27 =	vld [tilespmem:$0x16E0]  }
0x205: {  	v21 =	vmul.f32 v25, v21;
	v25 =	vmul.f32 v28, v26;
	v28 =	vld [tilespmem:$0x1710]  }
0x206: {  	v24 =	vimm.s32 $0xB6;
	v19 =	vadd.f32 v22, v19;
	v22 =	vld [tilespmem:$0x16F0];
	v17 =	vadd.f32 v20, v17  }
0x207: {  	v18 =	vadd.f32 v25, v18;
	v20 =	vmul.f32 v30, v26;
	v25 =	vld [tilespmem:$0x1700];
	v26 =	vmul.f32 v33, v31  }
0x208: {  	v16 =	vadd.f32 v21, v16;
	v21 =	vmul.f32 v32, v31;
	v32 =	vld [tilespmem:$0x1740]  }
0x209: {  	v33 =	vmul.f32 v34, v31;
	v18 =	vadd.f32 v26, v18;
	v26 =	vld [tilespmem:$0x1720]  }
0x20a: {  	v34 =	vmul.f32 v35, v31;
	v35 =	vimm.s32 $0xB7;
	v19 =	vadd.f32 v29, v19;
	v29 =	vld [tilespmem:$0x1730]  }
0x20b: {  	v16 =	vadd.f32 v20, v16;
	v17 =	vadd.f32 v21, v17;
	v20 =	vld [tilespmem:$0x2490]  }
0x20c: {  	v24 =	vld.idx.msk [tilespmem:v24+s17+$0x0], $0xffff  }
0x20d: {  	v17 =	vadd.f32 v37, v17;
	v37 =	vmul.f32 v44, v41;
	v44 =	vld [tilespmem:$0x1780]  }
0x20e: {  	v42 =	vmul.f32 v42, v41;
	v19 =	vadd.f32 v33, v19;
	v16 =	vadd.f32 v34, v16;
	v34 =	vld [tilespmem:$0x1840]  }
0x20f: {  	v43 =	vmul.f32 v43, v41;
	v18 =	vadd.f32 v38, v18;
	v38 =	vimm.s32 $0xB8;
	v30 =	vld.idx.msk [tilespmem:v35+s17+$0x0], $0xffff  }
0x210: {  	v19 =	vadd.f32 v39, v19;
	v16 =	vadd.f32 v40, v16;
	v39 =	vmul.f32 v23, v41;
	v40 =	vld [tilespmem:$0x1760]  }
0x211: {  	v17 =	vadd.f32 v42, v17;
	v42 =	vld [tilespmem:$0x1770];
	v41 =	vmul.f32 v27, v24;
	v22 =	vmul.f32 v22, v24  }
0x212: {  	v18 =	vadd.f32 v43, v18;
	v43 =	vmul.f32 v25, v24;
	v24 =	vmul.f32 v28, v24;
	v28 =	vld [tilespmem:$0x1790]  }
0x213: {  	v25 =	vld [tilespmem:$0x17D0]  }
0x214: {  	v27 =	vld [tilespmem:$0x17E0]  }
0x215: {  	v16 =	vadd.f32 v39, v16;
	v31 =	vld.idx.msk [tilespmem:v38+s17+$0x0], $0xffff  }
0x216: {  	v18 =	vadd.f32 v22, v18;
	v22 =	vld [tilespmem:$0x17A0]  }
0x217: {  	v16 =	vadd.f32 v24, v16;
	v24 =	vld [tilespmem:$0x17C0]  }
0x218: {  	v19 =	vadd.f32 v37, v19;
	v26 =	vmul.f32 v26, v30;
	v33 =	vmul.f32 v29, v30;
	v29 =	vld [tilespmem:$0x1800]  }
0x219: {  	v35 =	vmul.f32 v32, v30;
	v36 =	vmul.f32 v36, v30;
	v30 =	vld [tilespmem:$0x1810]  }
0x21a: {  	v17 =	vadd.f32 v41, v17;
	v19 =	vadd.f32 v43, v19;
	v32 =	vld [tilespmem:$0x1820]  }
0x21b: {  	v18 =	vadd.f32 v33, v18;
	v33 =	vld [tilespmem:$0x1830]  }
0x21c: {  	v17 =	vadd.f32 v26, v17;
	v19 =	vadd.f32 v35, v19;
	v35 =	vld [tilespmem:$0x1850];
	v23 =	vmul.f32 v40, v31  }
0x21d: {  	v37 =	vmul.f32 v42, v31;
	v39 =	vmul.f32 v28, v31;
	v28 =	vld [tilespmem:$0x17F0]  }
0x21e: {  	v16 =	vadd.f32 v36, v16;
	v38 =	vmul.f32 v44, v31;
	v17 =	vadd.f32 v23, v17;
	v23 =	vld [tilespmem:$0x17B0]  }
0x21f: {  	v18 =	vadd.f32 v37, v18;
	v37 =	vld [tilespmem:$0x1860]  }
0x220: {  	v40 =	vimm.s32 $0xC1;
	v19 =	vadd.f32 v38, v19;
	v16 =	vadd.f32 v39, v16;
	v38 =	vld [tilespmem:$0x1870]  }
0x221: {  	v41 =	vimm.s32 $0xC2;
	v39 =	vld [tilespmem:$0x1880];
	[tilespmem:$0x2820] =	vst v17  }
0x222: {  	[tilespmem:$0x2850] =	vst v16;
	v16 =	vimm.s32 $0xC0;
	v17 =	vld [tilespmem:$0x2460]  }
0x223: {  	v42 =	vimm.s32 $0xC3;
	[tilespmem:$0x2830] =	vst v18;
	v18 =	vld [tilespmem:$0x2470]  }
0x224: {  	v43 =	vimm.s32 $0xC4;
	[tilespmem:$0x2840] =	vst v19;
	v19 =	vld [tilespmem:$0x2480]  }
0x225: {  	v21 =	vld.idx.msk [tilespmem:v40+s17+$0x0], $0xffff  }
0x226: {  	v44 =	vimm.s32 $0xC5;
	v26 =	vld.idx.msk [tilespmem:v41+s17+$0x0], $0xffff  }
0x227: {  	v16 =	vld.idx.msk [tilespmem:v16+s17+$0x0], $0xffff  }
0x228: {  	v31 =	vld.idx.msk [tilespmem:v42+s17+$0x0], $0xffff  }
0x229: {  	v36 =	vld.idx.msk [tilespmem:v43+s17+$0x0], $0xffff  }
0x22a: {  	v40 =	vld [tilespmem:$0x1890]  }
0x22b: {  	v41 =	vld.idx.msk [tilespmem:v44+s17+$0x0], $0xffff  }
0x22c: {  	v42 =	vld [tilespmem:$0x18A0];
	v22 =	vmul.f32 v22, v21;
	v17 =	vmul.f32 v17, v16  }
0x22d: {  	v43 =	vld [tilespmem:$0x18B0];
	v18 =	vmul.f32 v18, v16;
	v19 =	vmul.f32 v19, v16  }
0x22e: {  	v44 =	vld [tilespmem:$0x18C0];
	v16 =	vmul.f32 v20, v16;
	v20 =	vmul.f32 v23, v21  }
0x22f: {  	v23 =	vld [tilespmem:$0x18D0];
	v17 =	vadd.f32 v22, v17;
	v22 =	vmul.f32 v24, v21  }
0x230: {  	v21 =	vmul.f32 v25, v21;
	v18 =	vadd.f32 v20, v18;
	v20 =	vmul.f32 v27, v26;
	v27 =	vld [tilespmem:$0x18E0]  }
0x231: {  	v29 =	vmul.f32 v29, v26;
	v25 =	vmul.f32 v28, v26;
	v28 =	vld [tilespmem:$0x1910];
	v19 =	vadd.f32 v22, v19  }
0x232: {  	v24 =	vimm.s32 $0xC6;
	v16 =	vadd.f32 v21, v16;
	v22 =	vld [tilespmem:$0x18F0];
	v17 =	vadd.f32 v20, v17  }
0x233: {  	v18 =	vadd.f32 v25, v18;
	v20 =	vmul.f32 v30, v26;
	v25 =	vld [tilespmem:$0x1900];
	v26 =	vmul.f32 v33, v31  }
0x234: {  	v21 =	vmul.f32 v32, v31;
	v32 =	vld [tilespmem:$0x1940];
	v19 =	vadd.f32 v29, v19  }
0x235: {  	v16 =	vadd.f32 v20, v16;
	v20 =	vmul.f32 v34, v31;
	v18 =	vadd.f32 v26, v18;
	v26 =	vld [tilespmem:$0x1920]  }
0x236: {  	v33 =	vmul.f32 v35, v31;
	v29 =	vld [tilespmem:$0x1930]  }
0x237: {  	v34 =	vimm.s32 $0xC7;
	v24 =	vld.idx.msk [tilespmem:v24+s17+$0x0], $0xffff;
	v19 =	vadd.f32 v20, v19  }
0x238: {  	v16 =	vadd.f32 v33, v16;
	v20 =	vmul.f32 v38, v36;
	v38 =	vmul.f32 v40, v36;
	v33 =	vld [tilespmem:$0x1960]  }
0x239: {  	v35 =	vmul.f32 v37, v36;
	v37 =	vmul.f32 v39, v36;
	v36 =	vld [tilespmem:$0x1970]  }
0x23a: {  	v16 =	vadd.f32 v38, v16;
	v38 =	vld [tilespmem:$0x1980]  }
0x23b: {  	v40 =	vmul.f32 v43, v41;
	v43 =	vimm.s32 $0xC8;
	v18 =	vadd.f32 v20, v18;
	v20 =	vld [tilespmem:$0x24D0]  }
0x23c: {  	v17 =	vadd.f32 v21, v17;
	v30 =	vld.idx.msk [tilespmem:v34+s17+$0x0], $0xffff  }
0x23d: {  	v39 =	vmul.f32 v42, v41;
	v42 =	vmul.f32 v44, v41;
	v34 =	vld [tilespmem:$0x1950]  }
0x23e: {  	v44 =	vmul.f32 v23, v41;
	v17 =	vadd.f32 v35, v17;
	v18 =	vadd.f32 v40, v18;
	v40 =	vld [tilespmem:$0x1990]  }
0x23f: {  	v19 =	vadd.f32 v37, v19;
	v22 =	vmul.f32 v22, v24;
	v37 =	vmul.f32 v25, v24;
	v25 =	vld [tilespmem:$0x19D0]  }
0x240: {  	v35 =	vmul.f32 v27, v24;
	v16 =	vadd.f32 v44, v16;
	v24 =	vmul.f32 v28, v24;
	v31 =	vld.idx.msk [tilespmem:v43+s17+$0x0], $0xffff  }
0x241: {  	v17 =	vadd.f32 v39, v17;
	v18 =	vadd.f32 v22, v18;
	v22 =	vld [tilespmem:$0x19A0]  }
0x242: {  	v19 =	vadd.f32 v42, v19;
	v16 =	vadd.f32 v24, v16;
	v24 =	vld [tilespmem:$0x19C0]  }
0x243: {  	v17 =	vadd.f32 v35, v17;
	v35 =	vld [tilespmem:$0x1A50]  }
0x244: {  	v19 =	vadd.f32 v37, v19;
	v37 =	vld [tilespmem:$0x1A60]  }
0x245: {  	v39 =	vmul.f32 v26, v30;
	v41 =	vmul.f32 v29, v30;
	v29 =	vld [tilespmem:$0x1A00]  }
0x246: {  	v42 =	vmul.f32 v32, v30;
	v43 =	vmul.f32 v34, v30;
	v30 =	vld [tilespmem:$0x1A10]  }
0x247: {  	v32 =	vld [tilespmem:$0x1A20]  }
0x248: {  	v34 =	vld [tilespmem:$0x1A40]  }
0x249: {  	v23 =	vmul.f32 v33, v31;
	v33 =	vld [tilespmem:$0x1A30]  }
0x24a: {  	v27 =	vmul.f32 v38, v31;
	v38 =	vld [tilespmem:$0x1A70]  }
0x24b: {  	v17 =	vadd.f32 v39, v17;
	v39 =	vld [tilespmem:$0x1A80]  }
0x24c: {  	v16 =	vadd.f32 v43, v16;
	v28 =	vmul.f32 v40, v31;
	v40 =	vld [tilespmem:$0x1A90]  }
0x24d: {  	v19 =	vadd.f32 v42, v19;
	v42 =	vld [tilespmem:$0x1AA0]  }
0x24e: {  	v18 =	vadd.f32 v41, v18;
	v44 =	vmul.f32 v36, v31;
	v43 =	vld [tilespmem:$0x1AB0];
	v16 =	vadd.f32 v28, v16  }
0x24f: {  	v17 =	vadd.f32 v23, v17;
	v23 =	vld [tilespmem:$0x19B0]  }
0x250: {  	v18 =	vadd.f32 v44, v18;
	v19 =	vadd.f32 v27, v19;
	v27 =	vld [tilespmem:$0x19E0];
	[tilespmem:$0x2890] =	vst v16;
	v16 =	vimm.s32 $0xD0  }
0x251: {  	v28 =	vld [tilespmem:$0x19F0];
	[tilespmem:$0x2860] =	vst v17  }
0x252: {  	[tilespmem:$0x2870] =	vst v18;
	v17 =	vld [tilespmem:$0x24A0]  }
0x253: {  	[tilespmem:$0x2880] =	vst v19;
	v18 =	vld [tilespmem:$0x24B0]  }
0x254: {  	v21 =	vld.idx.msk [tilespmem:v45+s17+$0x0], $0xffff  }
0x255: {  	v16 =	vld.idx.msk [tilespmem:v16+s17+$0x0], $0xffff  }
0x256: {  	v19 =	vld [tilespmem:$0x24C0]  }
0x257: {  	v44 =	vld [tilespmem:$0x1AC0]  }
0x258: {  	v26 =	vld.idx.msk [tilespmem:v46+s17+$0x0], $0xffff  }
0x259: {  	v31 =	vld.idx.msk [tilespmem:v47+s17+$0x0], $0xffff  }
0x25a: {  	v36 =	vld.idx.msk [tilespmem:v48+s17+$0x0], $0xffff;
	v22 =	vmul.f32 v22, v21;
	v17 =	vmul.f32 v17, v16  }
0x25b: {  	v41 =	vld.idx.msk [tilespmem:v49+s17+$0x0], $0xffff;
	v18 =	vmul.f32 v18, v16;
	v19 =	vmul.f32 v19, v16  }
0x25c: {  	v16 =	vmul.f32 v20, v16;
	v20 =	vmul.f32 v23, v21;
	v23 =	vld [tilespmem:$0x1AD0]  }
0x25d: {  	v17 =	vadd.f32 v22, v17;
	v22 =	vmul.f32 v24, v21;
	v24 =	vld.idx.msk [tilespmem:v50+s17+$0x0], $0xffff  }
0x25e: {  	v18 =	vadd.f32 v20, v18;
	v20 =	vmul.f32 v27, v26;
	v27 =	vld [tilespmem:$0x1AE0]  }
0x25f: {  	v21 =	vmul.f32 v25, v21;
	v25 =	vmul.f32 v28, v26;
	v28 =	vld [tilespmem:$0x1B10]  }
0x260: {  	v29 =	vmul.f32 v29, v26;
	v19 =	vadd.f32 v22, v19;
	v22 =	vld [tilespmem:$0x1AF0]  }
0x261: {  	v17 =	vadd.f32 v20, v17;
	v18 =	vadd.f32 v25, v18;
	v20 =	vmul.f32 v30, v26;
	v25 =	vld [tilespmem:$0x1B00]  }
0x262: {  	v16 =	vadd.f32 v21, v16;
	v21 =	vmul.f32 v32, v31;
	v26 =	vmul.f32 v33, v31;
	v30 =	vld.idx.msk [tilespmem:v51+s17+$0x0], $0xffff  }
0x263: {  	v33 =	vmul.f32 v34, v31;
	v34 =	vmul.f32 v35, v31;
	v32 =	vld [tilespmem:$0x1B40]  }
0x264: {  	v35 =	vmul.f32 v37, v36;
	v37 =	vmul.f32 v38, v36;
	v31 =	vld.idx.msk [tilespmem:v52+s17+$0x0], $0xffff  }
0x265: {  	v38 =	vmul.f32 v39, v36;
	v39 =	vmul.f32 v40, v36;
	v36 =	vld [tilespmem:$0x1B70]  }
0x266: {  	v18 =	vadd.f32 v26, v18;
	v26 =	vld [tilespmem:$0x1B20]  }
0x267: {  	v19 =	vadd.f32 v29, v19;
	v16 =	vadd.f32 v20, v16;
	v29 =	vld [tilespmem:$0x1B30]  }
0x268: {  	v20 =	vld [tilespmem:$0x2510]  }
0x269: {  	v17 =	vadd.f32 v21, v17;
	v16 =	vadd.f32 v34, v16;
	v34 =	vld [tilespmem:$0x1B50]  }
0x26a: {  	v40 =	vmul.f32 v42, v41;
	v19 =	vadd.f32 v33, v19;
	v33 =	vld [tilespmem:$0x1B60]  }
0x26b: {  	v17 =	vadd.f32 v35, v17;
	v18 =	vadd.f32 v37, v18;
	v37 =	vmul.f32 v25, v24;
	v25 =	vld [tilespmem:$0x1BD0]  }
0x26c: {  	v42 =	vmul.f32 v43, v41;
	v19 =	vadd.f32 v38, v19;
	v38 =	vld [tilespmem:$0x1B80]  }
0x26d: {  	v43 =	vmul.f32 v44, v41;
	v44 =	vmul.f32 v23, v41;
	v17 =	vadd.f32 v40, v17;
	v40 =	vld [tilespmem:$0x1B90]  }
0x26e: {  	v22 =	vmul.f32 v22, v24;
	v18 =	vadd.f32 v42, v18;
	v42 =	vmul.f32 v32, v30;
	v32 =	vld [tilespmem:$0x1C20]  }
0x26f: {  	v35 =	vmul.f32 v27, v24;
	v41 =	vmul.f32 v29, v30;
	v29 =	vld [tilespmem:$0x1C00]  }
0x270: {  	v18 =	vadd.f32 v22, v18;
	v22 =	vld [tilespmem:$0x1BA0]  }
0x271: {  	v16 =	vadd.f32 v39, v16;
	v17 =	vadd.f32 v35, v17;
	v35 =	vld [tilespmem:$0x1C50]  }
0x272: {  	v39 =	vmul.f32 v26, v30;
	v19 =	vadd.f32 v43, v19;
	v43 =	vmul.f32 v34, v30;
	v30 =	vld [tilespmem:$0x1C10]  }
0x273: {  	v24 =	vmul.f32 v28, v24;
	v16 =	vadd.f32 v44, v16;
	v23 =	vmul.f32 v33, v31;
	v33 =	vld [tilespmem:$0x1C30]  }
0x274: {  	v34 =	vld [tilespmem:$0x1C40]  }
0x275: {  	v16 =	vadd.f32 v24, v16;
	v24 =	vld [tilespmem:$0x1BC0]  }
0x276: {  	v19 =	vadd.f32 v37, v19;
	v37 =	vld [tilespmem:$0x1C60]  }
0x277: {  	v17 =	vadd.f32 v39, v17;
	v39 =	vld [tilespmem:$0x1C80]  }
0x278: {  	v27 =	vmul.f32 v38, v31;
	v38 =	vld [tilespmem:$0x1C70]  }
0x279: {  	v28 =	vmul.f32 v40, v31;
	v40 =	vld [tilespmem:$0x1C90]  }
0x27a: {  	v17 =	vadd.f32 v23, v17;
	v23 =	vld [tilespmem:$0x1BB0]  }
0x27b: {  	v44 =	vmul.f32 v36, v31;
	v18 =	vadd.f32 v41, v18;
	v19 =	vadd.f32 v42, v19;
	v42 =	vld [tilespmem:$0x1CA0]  }
0x27c: {  	v16 =	vadd.f32 v43, v16;
	v43 =	vld [tilespmem:$0x1CB0]  }
0x27d: {  	v18 =	vadd.f32 v44, v18;
	v44 =	vld [tilespmem:$0x1CC0]  }
0x27e: {  	v19 =	vadd.f32 v27, v19;
	[tilespmem:$0x28A0] =	vst v17;
	v17 =	vld [tilespmem:$0x24E0]  }
0x27f: {  	v16 =	vadd.f32 v28, v16;
	[tilespmem:$0x28B0] =	vst v18;
	v18 =	vld [tilespmem:$0x24F0]  }
0x280: {  	v27 =	vld [tilespmem:$0x1BE0];
	[tilespmem:$0x28C0] =	vst v19  }
0x281: {  	[tilespmem:$0x28D0] =	vst v16;
	v19 =	vld [tilespmem:$0x2500]  }
0x282: {  	v16 =	vld.idx.msk [tilespmem:v53+s17+$0x0], $0xffff  }
0x283: {  	v21 =	vld.idx.msk [tilespmem:v54+s17+$0x0], $0xffff  }
0x284: {  	v28 =	vld [tilespmem:$0x1BF0]  }
0x285: {  	v26 =	vld.idx.msk [tilespmem:v55+s17+$0x0], $0xffff  }
0x286: {  	v31 =	vld.idx.msk [tilespmem:v56+s17+$0x0], $0xffff  }
0x287: {  	v36 =	vld.idx.msk [tilespmem:v57+s17+$0x0], $0xffff;
	v17 =	vmul.f32 v17, v16;
	v18 =	vmul.f32 v18, v16  }
0x288: {  	v41 =	vld.idx.msk [tilespmem:v58+s17+$0x0], $0xffff;
	v19 =	vmul.f32 v19, v16;
	v22 =	vmul.f32 v22, v21  }
0x289: {  	v16 =	vmul.f32 v20, v16;
	v20 =	vmul.f32 v23, v21;
	v23 =	vld [tilespmem:$0x1CD0]  }
0x28a: {  	v17 =	vadd.f32 v22, v17;
	v22 =	vmul.f32 v24, v21;
	v24 =	vld.idx.msk [tilespmem:v59+s17+$0x0], $0xffff  }
0x28b: {  	v18 =	vadd.f32 v20, v18;
	v20 =	vmul.f32 v27, v26;
	v27 =	vld [tilespmem:$0x1CE0]  }
0x28c: {  	v21 =	vmul.f32 v25, v21;
	v25 =	vmul.f32 v28, v26;
	v28 =	vld [tilespmem:$0x1D10]  }
0x28d: {  	v29 =	vmul.f32 v29, v26;
	v19 =	vadd.f32 v22, v19;
	v22 =	vld [tilespmem:$0x1CF0]  }
0x28e: {  	v17 =	vadd.f32 v20, v17;
	v18 =	vadd.f32 v25, v18;
	v20 =	vmul.f32 v30, v26;
	v25 =	vld [tilespmem:$0x1D00]  }
0x28f: {  	v16 =	vadd.f32 v21, v16;
	v21 =	vmul.f32 v32, v31;
	v26 =	vmul.f32 v33, v31;
	v30 =	vld.idx.msk [tilespmem:v60+s17+$0x0], $0xffff  }
0x290: {  	v33 =	vmul.f32 v34, v31;
	v34 =	vmul.f32 v35, v31;
	v32 =	vld [tilespmem:$0x1D40]  }
0x291: {  	v35 =	vmul.f32 v37, v36;
	v37 =	vmul.f32 v38, v36;
	v31 =	vld.idx.msk [tilespmem:v61+s17+$0x0], $0xffff  }
0x292: {  	v38 =	vmul.f32 v39, v36;
	v39 =	vmul.f32 v40, v36;
	v36 =	vld [tilespmem:$0x1D70]  }
0x293: {  	v18 =	vadd.f32 v26, v18;
	v26 =	vld [tilespmem:$0x1D20]  }
0x294: {  	v19 =	vadd.f32 v29, v19;
	v16 =	vadd.f32 v20, v16;
	v29 =	vld [tilespmem:$0x1D30]  }
0x295: {  	v20 =	vld [tilespmem:$0x2550]  }
0x296: {  	v17 =	vadd.f32 v21, v17;
	v16 =	vadd.f32 v34, v16;
	v34 =	vld [tilespmem:$0x1D50]  }
0x297: {  	v40 =	vmul.f32 v42, v41;
	v19 =	vadd.f32 v33, v19;
	v33 =	vld [tilespmem:$0x1D60]  }
0x298: {  	v17 =	vadd.f32 v35, v17;
	v18 =	vadd.f32 v37, v18;
	v37 =	vmul.f32 v25, v24;
	v25 =	vld [tilespmem:$0x1DD0]  }
0x299: {  	v42 =	vmul.f32 v43, v41;
	v19 =	vadd.f32 v38, v19;
	v38 =	vld [tilespmem:$0x1D80]  }
0x29a: {  	v43 =	vmul.f32 v44, v41;
	v44 =	vmul.f32 v23, v41;
	v17 =	vadd.f32 v40, v17;
	v40 =	vld [tilespmem:$0x1D90]  }
0x29b: {  	v22 =	vmul.f32 v22, v24;
	v18 =	vadd.f32 v42, v18;
	v42 =	vmul.f32 v32, v30;
	v32 =	vld [tilespmem:$0x1E20]  }
0x29c: {  	v35 =	vmul.f32 v27, v24;
	v41 =	vmul.f32 v29, v30;
	v29 =	vld [tilespmem:$0x1E00]  }
0x29d: {  	v18 =	vadd.f32 v22, v18;
	v22 =	vld [tilespmem:$0x1DA0]  }
0x29e: {  	v16 =	vadd.f32 v39, v16;
	v17 =	vadd.f32 v35, v17;
	v35 =	vld [tilespmem:$0x1E50]  }
0x29f: {  	v39 =	vmul.f32 v26, v30;
	v19 =	vadd.f32 v43, v19;
	v43 =	vmul.f32 v34, v30;
	v30 =	vld [tilespmem:$0x1E10]  }
0x2a0: {  	v24 =	vmul.f32 v28, v24;
	v16 =	vadd.f32 v44, v16;
	v23 =	vmul.f32 v33, v31;
	v33 =	vld [tilespmem:$0x1E30]  }
0x2a1: {  	v34 =	vld [tilespmem:$0x1E40]  }
0x2a2: {  	v16 =	vadd.f32 v24, v16;
	v24 =	vld [tilespmem:$0x1DC0]  }
0x2a3: {  	v19 =	vadd.f32 v37, v19;
	v37 =	vld [tilespmem:$0x1E60]  }
0x2a4: {  	v17 =	vadd.f32 v39, v17;
	v39 =	vld [tilespmem:$0x1E80]  }
0x2a5: {  	v27 =	vmul.f32 v38, v31;
	v38 =	vld [tilespmem:$0x1E70]  }
0x2a6: {  	v28 =	vmul.f32 v40, v31;
	v40 =	vld [tilespmem:$0x1E90]  }
0x2a7: {  	v17 =	vadd.f32 v23, v17;
	v23 =	vld [tilespmem:$0x1DB0]  }
0x2a8: {  	v44 =	vmul.f32 v36, v31;
	v18 =	vadd.f32 v41, v18;
	v19 =	vadd.f32 v42, v19;
	v42 =	vld [tilespmem:$0x1EA0]  }
0x2a9: {  	v16 =	vadd.f32 v43, v16;
	v43 =	vld [tilespmem:$0x1EB0]  }
0x2aa: {  	v18 =	vadd.f32 v44, v18;
	v44 =	vld [tilespmem:$0x1EC0]  }
0x2ab: {  	v19 =	vadd.f32 v27, v19;
	[tilespmem:$0x28E0] =	vst v17;
	v17 =	vld [tilespmem:$0x2520]  }
0x2ac: {  	v16 =	vadd.f32 v28, v16;
	[tilespmem:$0x28F0] =	vst v18;
	v18 =	vld [tilespmem:$0x2530]  }
0x2ad: {  	v27 =	vld [tilespmem:$0x1DE0];
	[tilespmem:$0x2900] =	vst v19  }
0x2ae: {  	[tilespmem:$0x2910] =	vst v16;
	v19 =	vld [tilespmem:$0x2540]  }
0x2af: {  	v16 =	vld.idx.msk [tilespmem:v62+s17+$0x0], $0xffff  }
0x2b0: {  	v21 =	vld.idx.msk [tilespmem:v63+s17+$0x0], $0xffff  }
0x2b1: {  	v28 =	vld [tilespmem:$0x1DF0]  }
0x2b2: {  	v26 =	vld.idx.msk [tilespmem:v0+s17+$0x0], $0xffff  }
0x2b3: {  	v31 =	vld.idx.msk [tilespmem:v1+s17+$0x0], $0xffff  }
0x2b4: {  	v36 =	vld.idx.msk [tilespmem:v2+s17+$0x0], $0xffff;
	v17 =	vmul.f32 v17, v16;
	v18 =	vmul.f32 v18, v16  }
0x2b5: {  	v41 =	vld.idx.msk [tilespmem:v3+s17+$0x0], $0xffff;
	v19 =	vmul.f32 v19, v16;
	v22 =	vmul.f32 v22, v21  }
0x2b6: {  	v16 =	vmul.f32 v20, v16;
	v20 =	vmul.f32 v23, v21;
	v23 =	vld [tilespmem:$0x1ED0]  }
0x2b7: {  	v17 =	vadd.f32 v22, v17;
	v22 =	vmul.f32 v24, v21;
	v24 =	vld.idx.msk [tilespmem:v4+s17+$0x0], $0xffff  }
0x2b8: {  	v18 =	vadd.f32 v20, v18;
	v20 =	vmul.f32 v27, v26;
	v27 =	vld [tilespmem:$0x1EE0]  }
0x2b9: {  	v21 =	vmul.f32 v25, v21;
	v25 =	vmul.f32 v28, v26;
	v28 =	vld [tilespmem:$0x1F10]  }
0x2ba: {  	v29 =	vmul.f32 v29, v26;
	v19 =	vadd.f32 v22, v19;
	v22 =	vld [tilespmem:$0x1EF0]  }
0x2bb: {  	v17 =	vadd.f32 v20, v17;
	v18 =	vadd.f32 v25, v18;
	v20 =	vmul.f32 v30, v26;
	v25 =	vld [tilespmem:$0x1F00]  }
0x2bc: {  	v16 =	vadd.f32 v21, v16;
	v21 =	vmul.f32 v32, v31;
	v26 =	vmul.f32 v33, v31;
	v30 =	vld.idx.msk [tilespmem:v5+s17+$0x0], $0xffff  }
0x2bd: {  	v33 =	vmul.f32 v34, v31;
	v34 =	vmul.f32 v35, v31;
	v32 =	vld [tilespmem:$0x1F40]  }
0x2be: {  	v35 =	vmul.f32 v37, v36;
	v37 =	vmul.f32 v38, v36;
	v31 =	vld.idx.msk [tilespmem:v6+s17+$0x0], $0xffff  }
0x2bf: {  	v38 =	vmul.f32 v39, v36;
	v39 =	vmul.f32 v40, v36;
	v36 =	vld [tilespmem:$0x1F70]  }
0x2c0: {  	v18 =	vadd.f32 v26, v18;
	v26 =	vld [tilespmem:$0x1F20]  }
0x2c1: {  	v19 =	vadd.f32 v29, v19;
	v16 =	vadd.f32 v20, v16;
	v29 =	vld [tilespmem:$0x1F30]  }
0x2c2: {  	v20 =	vld [tilespmem:$0x2590]  }
0x2c3: {  	v17 =	vadd.f32 v21, v17;
	v16 =	vadd.f32 v34, v16;
	v34 =	vld [tilespmem:$0x1F50]  }
0x2c4: {  	v40 =	vmul.f32 v42, v41;
	v19 =	vadd.f32 v33, v19;
	v33 =	vld [tilespmem:$0x1F60]  }
0x2c5: {  	v17 =	vadd.f32 v35, v17;
	v18 =	vadd.f32 v37, v18;
	v37 =	vmul.f32 v25, v24;
	v25 =	vld [tilespmem:$0x1FD0]  }
0x2c6: {  	v42 =	vmul.f32 v43, v41;
	v19 =	vadd.f32 v38, v19;
	v38 =	vld [tilespmem:$0x1F80]  }
0x2c7: {  	v43 =	vmul.f32 v44, v41;
	v44 =	vmul.f32 v23, v41;
	v17 =	vadd.f32 v40, v17;
	v40 =	vld [tilespmem:$0x1F90]  }
0x2c8: {  	v22 =	vmul.f32 v22, v24;
	v18 =	vadd.f32 v42, v18;
	v42 =	vmul.f32 v32, v30;
	v32 =	vld [tilespmem:$0x2020]  }
0x2c9: {  	v35 =	vmul.f32 v27, v24;
	v41 =	vmul.f32 v29, v30;
	v29 =	vld [tilespmem:$0x2000]  }
0x2ca: {  	v18 =	vadd.f32 v22, v18;
	v22 =	vld [tilespmem:$0x1FA0]  }
0x2cb: {  	v16 =	vadd.f32 v39, v16;
	v17 =	vadd.f32 v35, v17;
	v35 =	vld [tilespmem:$0x2050]  }
0x2cc: {  	v39 =	vmul.f32 v26, v30;
	v19 =	vadd.f32 v43, v19;
	v43 =	vmul.f32 v34, v30;
	v30 =	vld [tilespmem:$0x2010]  }
0x2cd: {  	v24 =	vmul.f32 v28, v24;
	v16 =	vadd.f32 v44, v16;
	v23 =	vmul.f32 v33, v31;
	v33 =	vld [tilespmem:$0x2030]  }
0x2ce: {  	v34 =	vld [tilespmem:$0x2040]  }
0x2cf: {  	v16 =	vadd.f32 v24, v16;
	v24 =	vld [tilespmem:$0x1FC0]  }
0x2d0: {  	v19 =	vadd.f32 v37, v19;
	v37 =	vld [tilespmem:$0x2060]  }
0x2d1: {  	v17 =	vadd.f32 v39, v17;
	v39 =	vld [tilespmem:$0x2080]  }
0x2d2: {  	v27 =	vmul.f32 v38, v31;
	v38 =	vld [tilespmem:$0x2070]  }
0x2d3: {  	v28 =	vmul.f32 v40, v31;
	v40 =	vld [tilespmem:$0x2090]  }
0x2d4: {  	v17 =	vadd.f32 v23, v17;
	v23 =	vld [tilespmem:$0x1FB0]  }
0x2d5: {  	v44 =	vmul.f32 v36, v31;
	v18 =	vadd.f32 v41, v18;
	v19 =	vadd.f32 v42, v19;
	v42 =	vld [tilespmem:$0x20A0]  }
0x2d6: {  	v16 =	vadd.f32 v43, v16;
	v43 =	vld [tilespmem:$0x20B0]  }
0x2d7: {  	v18 =	vadd.f32 v44, v18;
	v44 =	vld [tilespmem:$0x20C0]  }
0x2d8: {  	v19 =	vadd.f32 v27, v19;
	[tilespmem:$0x2920] =	vst v17;
	v17 =	vld [tilespmem:$0x2560]  }
0x2d9: {  	v16 =	vadd.f32 v28, v16;
	[tilespmem:$0x2930] =	vst v18;
	v18 =	vld [tilespmem:$0x2570]  }
0x2da: {  	v27 =	vld [tilespmem:$0x1FE0];
	[tilespmem:$0x2940] =	vst v19  }
0x2db: {  	[tilespmem:$0x2950] =	vst v16;
	v19 =	vld [tilespmem:$0x2580]  }
0x2dc: {  	v16 =	vld.idx.msk [tilespmem:v7+s17+$0x0], $0xffff  }
0x2dd: {  	v21 =	vld.idx.msk [tilespmem:v8+s17+$0x0], $0xffff  }
0x2de: {  	v28 =	vld [tilespmem:$0x1FF0]  }
0x2df: {  	v26 =	vld.idx.msk [tilespmem:v9+s17+$0x0], $0xffff  }
0x2e0: {  	v31 =	vld.idx.msk [tilespmem:v10+s17+$0x0], $0xffff  }
0x2e1: {  	v36 =	vld.idx.msk [tilespmem:v11+s17+$0x0], $0xffff;
	v17 =	vmul.f32 v17, v16;
	v18 =	vmul.f32 v18, v16  }
0x2e2: {  	v41 =	vld.idx.msk [tilespmem:v12+s17+$0x0], $0xffff;
	v19 =	vmul.f32 v19, v16;
	v22 =	vmul.f32 v22, v21  }
0x2e3: {  	v16 =	vmul.f32 v20, v16;
	v20 =	vmul.f32 v23, v21;
	v23 =	vld [tilespmem:$0x20D0]  }
0x2e4: {  	v29 =	vmul.f32 v29, v26;
	v17 =	vadd.f32 v22, v17;
	v22 =	vmul.f32 v24, v21;
	v24 =	vld.idx.msk [tilespmem:v13+s17+$0x0], $0xffff  }
0x2e5: {  	v21 =	vmul.f32 v25, v21;
	v18 =	vadd.f32 v20, v18;
	v20 =	vmul.f32 v27, v26;
	v27 =	vld [tilespmem:$0x20E0]  }
0x2e6: {  	v33 =	vmul.f32 v33, v31;
	v25 =	vmul.f32 v28, v26;
	v28 =	vld [tilespmem:$0x2110];
	v19 =	vadd.f32 v22, v19  }
0x2e7: {  	v34 =	vmul.f32 v34, v31;
	v16 =	vadd.f32 v21, v16;
	v22 =	vld [tilespmem:$0x20F0];
	v17 =	vadd.f32 v20, v17  }
0x2e8: {  	v18 =	vadd.f32 v25, v18;
	v20 =	vmul.f32 v30, v26;
	v25 =	vld [tilespmem:$0x2100];
	v21 =	vmul.f32 v32, v31  }
0x2e9: {  	v35 =	vmul.f32 v35, v31;
	v37 =	vmul.f32 v37, v36;
	v30 =	vld.idx.msk [tilespmem:v14+s17+$0x0], $0xffff;
	v19 =	vadd.f32 v29, v19  }
0x2ea: {  	v38 =	vmul.f32 v38, v36;
	v26 =	vld [tilespmem:$0x2120];
	v16 =	vadd.f32 v20, v16;
	v17 =	vadd.f32 v21, v17  }
0x2eb: {  	v31 =	vld.idx.msk [tilespmem:v15+s17+$0x0], $0xffff;
	v18 =	vadd.f32 v33, v18;
	v21 =	vmul.f32 v39, v36;
	v39 =	vmul.f32 v43, v41  }
0x2ec: {  	v29 =	vld [tilespmem:$0x2130];
	v19 =	vadd.f32 v34, v19;
	v17 =	vadd.f32 v37, v17;
	v37 =	vmul.f32 v40, v36  }
0x2ed: {  	v43 =	vld [tilespmem:$0x2160];
	v18 =	vadd.f32 v38, v18;
	v38 =	vmul.f32 v42, v41;
	v40 =	vmul.f32 v44, v41  }
0x2ee: {  	v32 =	vld [tilespmem:$0x2140];
	v16 =	vadd.f32 v35, v16;
	v42 =	vmul.f32 v23, v41;
	v44 =	vmul.f32 v27, v24  }
0x2ef: {  	v33 =	vld [tilespmem:$0x2170];
	v22 =	vmul.f32 v22, v24;
	v35 =	vmul.f32 v25, v24;
	v19 =	vadd.f32 v21, v19  }
0x2f0: {  	v34 =	vld [tilespmem:$0x2150];
	v24 =	vmul.f32 v28, v24;
	v16 =	vadd.f32 v37, v16;
	v17 =	vadd.f32 v38, v17  }
0x2f1: {  	v36 =	vld [tilespmem:$0x2180];
	v18 =	vadd.f32 v39, v18;
	v37 =	vmul.f32 v26, v30;
	v39 =	vmul.f32 v29, v30  }
0x2f2: {  	v38 =	vld [tilespmem:$0x2190];
	v23 =	vmul.f32 v43, v31;
	v19 =	vadd.f32 v40, v19;
	v17 =	vadd.f32 v44, v17  }
0x2f3: {  	v16 =	vadd.f32 v42, v16;
	v18 =	vadd.f32 v22, v18;
	v40 =	vmul.f32 v32, v30  }
0x2f4: {  	v42 =	vmul.f32 v33, v31;
	v19 =	vadd.f32 v35, v19;
	v17 =	vadd.f32 v37, v17  }
0x2f5: {  	v41 =	vmul.f32 v34, v30;
	v16 =	vadd.f32 v24, v16;
	v18 =	vadd.f32 v39, v18  }
0x2f6: {  	v43 =	vmul.f32 v36, v31;
	v19 =	vadd.f32 v40, v19;
	v17 =	vadd.f32 v23, v17  }
0x2f7: {  	v44 =	vmul.f32 v38, v31;
	v16 =	vadd.f32 v41, v16;
	v18 =	vadd.f32 v42, v18  }
0x2f8: {  	v19 =	vadd.f32 v43, v19;
	[tilespmem:$0x2960] =	vst v17  }
0x2f9: {  	v16 =	vadd.f32 v44, v16;
	[tilespmem:$0x2970] =	vst v18  }
0x2fa: {  	p0 =	sne.s32 s8, $0x1;
	[tilespmem:$0x2980] =	vst v19  }
.Ltmp0:
0x2fb: {  	[tilespmem:$0x2990] =	vst v16;
	(pc) =	sbr.rel @p0 .LBB2_1-.Ltmp0, $4  }
0x2fc: {  	[hbm4b:s7+s2] =	stream.linear.scatter [tilespmem:s18], [sflag:$0x3], $0x400, $0x38;
	[tilespmem:$0x29A0] =	vst v63  }
0x2fd: {  	_ =	swait.ge [sflag:s9], $0x400  }
0x2fe: {  	[sflag:s9] =	ssyncset.done $0x0  }
0x2ff: {  	s8 =	sadd.s32 $0xFFFFFFFF, s8;
	[sflag:s9] =	ssyncadd.s32 $0xFFFFFC00  }
0x300: {  	_ =	sfence.sel $0x180000  }
0x301: {  	[bflag:$0x0] =	sbarrier.arrive $0xFFFF  }
0x302: {  	p0 =	sne.s32 s0, $0x0;
	_ =	strace $0x90000047  }
0x303: {  	s0 =	sadd.s32 @!p0 $0x100000, s1;
	[bflag:$0x2] =	sbarrier.arrive $0xFFFF  }
0x304: {  	[sflag:s0] =	ssyncadd.tile.s32 @!p0 $0x1;
	_ =	shalt  }
.Lfunc_end2:
_tile_overlayer_lowered:
.L_overlay_start_2:
0x305: {  	(tag) =	ssettag $0x2  }
0x306: {  	s0 =	rddreg [dreg:$0x0];
	s2 =	stileid.u32  }
0x307: {  	s1 =	rddreg [dreg:$0x1];
	p0 =	sne.s32 s2, $0x0  }
0x308: {  	s3 =	rddreg [dreg:$0x2];
	[bflag:$0x3] =	sbarrier.arrive $0xFFFF;
	s2 =	simm.s32 @!p0 $0x1C03  }
0x309: {  	[timem:s3], [sflag:s2] =	dma.local @!p0 [hbm:s0], s1  }
0x30a: {  	s0 =	simm.s32 @!p0 $0x3  }
0x30b: {  	_ =	swait.ge @!p0 [sflag:s0], s1  }
0x30c: {  	s1 =	ssub.s32 @!p0 $0x0, s1;
	[sflag:s0] =	ssyncset.done @!p0 $0x0  }
0x30d: {  	[sflag:s0] =	ssyncadd.s32 @!p0 s1  }
0x30e: {  	[bflag:$0x3] =	sbarrier.arrive $0xFFFF  }
0x30f: {  	_ =	shalt  }

</sc_bundles>
